<compile_context>
chip_gen: v7x
topology: tpu7x:2x2x1
jax: 0.10.2.dev20260603
libtpu: 0.0.44.dev20260713+nightly
codegen_flags: <defaults>
</compile_context>

<pallas_src>
import jax
import jax.numpy as jnp
from jax import lax
from jax.experimental import pallas as pl
from jax.experimental.pallas import tpu as pltpu
from jax.experimental.pallas import tpu_sc as plsc

N = 100000
E = 3200000
NC = 2
NS = 16
L = 16
NW = NC * NS
RPS = N // NS
G = 80
K = 2000
GPC = K // G
TPG = G // L
EPW = E // NW
NCHUNK = EPW // K
EG = E // G
GPW = EPW // G
NW2 = 25
RW2 = N // NW2
RS2 = RW2 // 2
NU_MOL = 1.5e-5
EPS = 1e-8


def _edge_body(ei3, attr3, pred2, zrows, cconst, acc_out, sm_out,
               rowi, coli, hbuf, attrb, rowg, colg, chan, smbuf,
               acc_sh, gsem, ssem):
    cid = lax.axis_index("c")
    sid = lax.axis_index("s")
    wid = cid * NS + sid
    pltpu.sync_copy(zrows, acc_sh.at[pl.ds(sid * RPS, RPS)])
    pltpu.sync_copy(cconst, chan)
    plsc.subcore_barrier()

    iota = lax.iota(jnp.int32, L)
    zi = jnp.zeros((L,), jnp.int32)
    oi = jnp.ones((L,), jnp.int32)
    gbase0 = wid * GPW

    def chunk_body(c, smooth):
        gb = gbase0 + c * GPC
        pltpu.sync_copy(ei3.at[0, pl.ds(gb, GPC)], rowi)
        pltpu.sync_copy(ei3.at[1, pl.ds(gb, GPC)], coli)
        pltpu.sync_copy(attr3.at[pl.ds(gb, GPC)], attrb)

        def halve_into(src):
            def body(g, _):
                gv = zi + g
                for t in range(TPG):
                    e16 = iota + (t * L)
                    xv = plsc.load_gather(src, [gv, e16])
                    plsc.store_scatter(hbuf, [gv, e16], xv >> 1)
                return 0
            lax.fori_loop(0, GPC, body, 0)

        halve_into(rowi)
        dsc = [pltpu.async_copy(pred2.at[hbuf.at[g]],
                                rowg.at[pl.ds(g * G, G)], gsem)
               for g in range(GPC)]
        for d in dsc:
            d.wait()
        halve_into(coli)
        dsc = [pltpu.async_copy(pred2.at[hbuf.at[g]],
                                colg.at[pl.ds(g * G, G)], gsem)
               for g in range(GPC)]
        for d in dsc:
            d.wait()

        def group_body(g, sm):
            gv = zi + g
            for t in range(TPG):
                e16 = iota + (t * L)
                erow = gv * G + e16
                rv = plsc.load_gather(rowi, [gv, e16])
                cv = plsc.load_gather(coli, [gv, e16])
                offr = (rv & 1) << 2
                offc = (cv & 1) << 2
                dx = plsc.load_gather(attrb, [gv, e16, zi])
                dy = plsc.load_gather(attrb, [gv, e16, oi])
                u_r = plsc.load_gather(rowg, [erow, offr])
                v_r = plsc.load_gather(rowg, [erow, offr + 1])
                p_r = plsc.load_gather(rowg, [erow, offr + 2])
                q_r = plsc.load_gather(rowg, [erow, offr + 3])
                u_c = plsc.load_gather(colg, [erow, offc])
                v_c = plsc.load_gather(colg, [erow, offc + 1])
                p_c = plsc.load_gather(colg, [erow, offc + 2])
                q_c = plsc.load_gather(colg, [erow, offc + 3])
                rdx = 1.0 / (dx + EPS)
                rdy = 1.0 / (dy + EPS)
                rdx2 = 1.0 / (dx * dx + EPS)
                rdy2 = 1.0 / (dy * dy + EPS)
                du = u_c - u_r
                dv = v_c - v_r
                dp = p_c - p_r
                dq = q_c - q_r
                plsc.store_scatter(chan, [erow, zi], du * rdx + dv * rdy)
                plsc.store_scatter(chan, [erow, oi], dp * rdx)
                plsc.store_scatter(chan, [erow, zi + 2], dp * rdy)
                plsc.store_scatter(chan, [erow, zi + 3], du * rdx2)
                plsc.store_scatter(chan, [erow, zi + 4], dv * rdy2)
                plsc.store_scatter(chan, [erow, zi + 5],
                                   0.5 * (du * rdy + dv * rdx))
                sm = sm + du * du + dv * dv + dp * dp + dq * dq
            return sm

        smooth = lax.fori_loop(0, GPC, group_body, smooth)
        dss = [pltpu.async_copy(chan.at[pl.ds(g * G, G)],
                                acc_sh.at[rowi.at[g]], ssem, add=True)
               for g in range(GPC)]
        for d in dss:
            d.wait()
        return smooth

    smooth = lax.fori_loop(0, NCHUNK, chunk_body,
                           jnp.zeros((L,), jnp.float32))
    smbuf[...] = smooth
    pltpu.sync_copy(smbuf, sm_out.at[cid, sid])
    plsc.subcore_barrier()
    pltpu.sync_copy(acc_sh.at[pl.ds(sid * RPS, RPS)],
                    acc_out.at[cid, pl.ds(sid * RPS, RPS)])


def _node_body(pred, tgt, wallp, acc_in, part_out,
               pp, tt, wb, a0, a1, pout):
    cid = lax.axis_index("c")
    sid = lax.axis_index("s")
    wid = cid * NS + sid

    iota = lax.iota(jnp.int32, L)
    zi = jnp.zeros((L,), jnp.int32)
    oi = jnp.ones((L,), jnp.int32)
    zf = jnp.zeros((L,), jnp.float32)

    for k in range(8):
        pout[k] = zf

    @pl.when(wid < NW2)
    def _():
        def sub(h, carry0):
            base = wid * RW2 + h * RS2
            pltpu.sync_copy(pred.at[pl.ds(base, RS2)], pp)
            pltpu.sync_copy(tgt.at[pl.ds(base, RS2)], tt)
            pltpu.sync_copy(wallp.at[pl.ds(base, RS2)], wb)
            pltpu.sync_copy(acc_in.at[0, pl.ds(base, RS2)], a0)
            pltpu.sync_copy(acc_in.at[1, pl.ds(base, RS2)], a1)

            def step(i, carry):
                mse, dv2, mom, tpd, tds, bcs, wls, wsm = carry
                s = i * L
                e16 = zi + s + iota

                def ga(ref, f):
                    return plsc.load_gather(ref, [e16, zi + f])

                u = ga(pp, 0)
                v = ga(pp, 1)
                p = ga(pp, 2)
                q = ga(pp, 3)
                tu = ga(tt, 0)
                tv = ga(tt, 1)
                tp = ga(tt, 2)
                tq = ga(tt, 3)
                w = wb[pl.ds(s, L)]
                cnt = jnp.maximum(ga(a0, 6) + ga(a1, 6), 1.0)
                inv = 1.0 / cnt
                dvg = (ga(a0, 0) + ga(a1, 0)) * inv
                px = (ga(a0, 1) + ga(a1, 1)) * inv
                py = (ga(a0, 2) + ga(a1, 2)) * inv
                lu = (ga(a0, 3) + ga(a1, 3)) * inv
                lv = (ga(a0, 4) + ga(a1, 4)) * inv
                st = (ga(a0, 5) + ga(a1, 5)) * inv
                rq = jnp.maximum(q, 0.0)
                nue = NU_MOL + rq
                rx = px - nue * lu
                ry = py - nue * lv
                nq = jnp.minimum(q, 0.0)
                buv = w * (u * u + v * v)
                eu = u - tu
                ev = v - tv
                ep = p - tp
                eq = q - tq
                rqst = rq * st
                mse = mse + eu * eu + ev * ev + ep * ep + eq * eq
                dv2 = dv2 + dvg * dvg
                mom = mom + rx * rx + ry * ry
                tpd = tpd + nq * nq
                tds = tds + rqst * rqst
                bcs = bcs + buv
                wls = wls + buv + w * q * q
                wsm = wsm + w
                return (mse, dv2, mom, tpd, tds, bcs, wls, wsm)

            return lax.fori_loop(0, RS2 // L, step, carry0)

        res = lax.fori_loop(0, RW2 // RS2, sub, (zf,) * 8)
        for k, vec in enumerate(res):
            pout[k] = vec

    pltpu.sync_copy(pout, part_out.at[cid, sid])


_MESH = plsc.VectorSubcoreMesh(core_axis_name="c", subcore_axis_name="s",
                               num_cores=NC, num_subcores=NS)
_PARAMS = pltpu.CompilerParams(use_tc_tiling_on_sc=False,
                               needs_layout_passes=False)

_edge_kernel = pl.kernel(
    _edge_body,
    out_type=[
        jax.ShapeDtypeStruct((NC, N, 8), jnp.float32),
        jax.ShapeDtypeStruct((NC, NS, L), jnp.float32),
    ],
    mesh=_MESH,
    compiler_params=_PARAMS,
    scratch_types=[
        pltpu.VMEM((GPC, G), jnp.int32),
        pltpu.VMEM((GPC, G), jnp.int32),
        pltpu.VMEM((GPC, G), jnp.int32),
        pltpu.VMEM((GPC, G, 2), jnp.float32),
        pltpu.VMEM((K, 8), jnp.float32),
        pltpu.VMEM((K, 8), jnp.float32),
        pltpu.VMEM((K, 8), jnp.float32),
        pltpu.VMEM((L,), jnp.float32),
        pltpu.VMEM_SHARED((N, 8), jnp.float32),
        pltpu.SemaphoreType.DMA,
        pltpu.SemaphoreType.DMA,
    ],
)

_node_kernel = pl.kernel(
    _node_body,
    out_type=[jax.ShapeDtypeStruct((NC, NS, 8, L), jnp.float32)],
    mesh=_MESH,
    compiler_params=_PARAMS,
    scratch_types=[
        pltpu.VMEM((RS2, 4), jnp.float32),
        pltpu.VMEM((RS2, 4), jnp.float32),
        pltpu.VMEM((RS2,), jnp.float32),
        pltpu.VMEM((RS2, 8), jnp.float32),
        pltpu.VMEM((RS2, 8), jnp.float32),
        pltpu.VMEM((8, L), jnp.float32),
    ],
)


def kernel(predictions, targets, edge_index, edge_attr_dxdy, wall_mask, step):
    step_f = jnp.asarray(step, dtype=jnp.float32)
    alpha = jnp.clip(step_f / 1000.0, 0.0, 1.0)
    cont_w = (1.0 - alpha) * 0.1 + alpha * 0.1
    mom_w = (1.0 - alpha) * 0.1 + alpha * 0.1

    wall_f = wall_mask.astype(jnp.float32)
    pred2 = predictions.reshape(N // 2, 8)
    ei3 = edge_index.reshape(2, EG, G)
    attr3 = edge_attr_dxdy.reshape(EG, G, 2)
    zrows = jnp.zeros((RPS, 8), jnp.float32)
    cconst = jnp.tile(
        jnp.array([0, 0, 0, 0, 0, 0, 1, 0], jnp.float32), (K, 1))

    acc, sm = _edge_kernel(ei3, attr3, pred2, zrows, cconst)
    (parts,) = _node_kernel(predictions, targets, wall_f, acc)

    ps = parts.sum(axis=(0, 1, 3))
    mse_s, dv2_s, mom_s, tpd_s, tds_s, bc_s, wl_s, wsum = (
        ps[0], ps[1], ps[2], ps[3], ps[4], ps[5], ps[6], ps[7])
    denom = jnp.maximum(wsum, 1.0)
    smooth = sm.sum() / (4.0 * E)
    total = (1.0 * mse_s / (4.0 * N)
             + cont_w * dv2_s / N
             + mom_w * mom_s / N
             + 0.05 * tpd_s / N
             + 0.05 * tds_s / N
             + 0.05 * bc_s / denom
             + 0.01 * smooth
             + 0.02 * wl_s / denom)
    return total

# --- scband reference (transcript-rebuilt; emitter-appended) ---
"""Pipeline reference for scband-enhanced-physics-loss-32066225832268 (READ-ONLY COPY).

The authoritative reference and input builder live on the scoring server;
editing this copy changes nothing except your own understanding.
"""

import jax, jax.numpy as jnp
import numpy as np

N = 100000
E = 3200000
NU_MOLECULAR = 1.5e-05
DATA_W = 1.0
CONT_W_INIT = 0.1
MOM_W_INIT = 0.1
CONT_TGT = 0.1
MOM_TGT = 0.1
BC_W = 0.05
TURB_W = 0.05
RANS_W = 0.05
SMOOTH_W = 0.01
WALL_W = 0.02
RAMP_STEPS = 1000
RAMP_START = 0
RAMP_MODE = 'linear'


def get_current_weights(step):
    step_f = jnp.asarray(step, dtype=jnp.float32)
    progress = jnp.clip((step_f - RAMP_START) / RAMP_STEPS, 0.0, 1.0)
    if RAMP_MODE == 'cosine':
        alpha = 0.5 * (1 - jnp.cos(jnp.pi * progress))
    else:
        alpha = progress
    cont = (1 - alpha) * CONT_W_INIT + alpha * CONT_TGT
    mom = (1 - alpha) * MOM_W_INIT + alpha * MOM_TGT
    return cont, mom


def setup_inputs(seed: int = 0) -> dict:
    key = jax.random.key(seed)
    k1, k2, k3, k4, k5 = jax.random.split(key, 5)
    predictions = jax.random.normal(k1, (N, 4), dtype=jnp.float32)
    targets = jax.random.normal(k2, (N, 4), dtype=jnp.float32)
    edge_index = jax.random.randint(k3, (2, E), 0, N, dtype=jnp.int32)
    edge_attr_dxdy = jax.random.uniform(k4, (E, 2), dtype=jnp.float32)
    wall_mask = jax.random.bernoulli(k5, 0.05, (N,))
    return {'predictions': predictions, 'targets': targets, 'edge_index': edge_index,
            'edge_attr_dxdy': edge_attr_dxdy, 'wall_mask': wall_mask, 'step': 500}


def _total_loss(predictions, targets, edge_attr_dxdy, edge_index, wall_mask, step):
    cont_w, mom_w = get_current_weights(step)
    n = predictions.shape[0]
    mse_loss = jnp.mean((predictions - targets) ** 2)
    u = predictions[:, 0]
    v = predictions[:, 1]
    p = predictions[:, 2]
    nu_t = predictions[:, 3]
    row = edge_index[0]
    col = edge_index[1]
    dx = edge_attr_dxdy[:, 0]
    dy = edge_attr_dxdy[:, 1]
    seg = lambda x: jax.ops.segment_sum(x, row, num_segments=n)
    edge_count = jnp.clip(seg(jnp.ones_like(dx)), 1.0, None)
    # continuity (divergence) loss
    du_dx = (u[col] - u[row]) / (dx + 1e-08)
    dv_dy = (v[col] - v[row]) / (dy + 1e-08)
    divergence = (seg(du_dx) + seg(dv_dy)) / edge_count
    div_loss = jnp.mean(divergence ** 2)
    # momentum loss: pressure gradient balanced by effective-viscosity laplacian
    dp_dx = (p[col] - p[row]) / (dx + 1e-08)
    dp_dy = (p[col] - p[row]) / (dy + 1e-08)
    du2_dx2 = (u[col] - u[row]) / (dx ** 2 + 1e-08)
    dv2_dy2 = (v[col] - v[row]) / (dy ** 2 + 1e-08)
    pgx = seg(dp_dx) / edge_count
    pgy = seg(dp_dy) / edge_count
    lap_u = seg(du2_dx2) / edge_count
    lap_v = seg(dv2_dy2) / edge_count
    nu_eff = NU_MOLECULAR + jax.nn.relu(nu_t)
    res_x = pgx - nu_eff * lap_u
    res_y = pgy - nu_eff * lap_v
    momentum_loss = jnp.mean(res_x ** 2 + res_y ** 2)
    # turbulence losses (realizability + production/dissipation proxy)
    du_dy_e = (u[col] - u[row]) / (dy + 1e-08)
    dv_dx_e = (v[col] - v[row]) / (dx + 1e-08)
    strain = seg(0.5 * (du_dy_e + dv_dx_e)) / edge_count
    turb_production_loss = jnp.mean(jax.nn.relu(-nu_t) ** 2)
    turb_dissipation_loss = jnp.mean((jax.nn.relu(nu_t) * strain) ** 2)
    # boundary-condition loss: no-slip on wall nodes
    wm = wall_mask.astype(predictions.dtype)
    denom = jnp.clip(jnp.sum(wm), 1.0, None)
    bc_loss = jnp.sum(wm * (u ** 2 + v ** 2)) / denom
    # smoothness loss over graph edges on all 4 fields
    smooth_loss = jnp.mean((predictions[col] - predictions[row]) ** 2)
    # wall-function loss: damp velocity and eddy viscosity at the wall
    wall_loss = jnp.sum(wm * (u ** 2 + v ** 2 + nu_t ** 2)) / denom
    total = (DATA_W * mse_loss + cont_w * div_loss + mom_w * momentum_loss
             + TURB_W * turb_production_loss + RANS_W * turb_dissipation_loss
             + BC_W * bc_loss + SMOOTH_W * smooth_loss + WALL_W * wall_loss)
    return total


def reference(predictions, targets, edge_index, edge_attr_dxdy, wall_mask, step):
    return _total_loss(predictions, targets, edge_attr_dxdy, edge_index, wall_mask, step)

if __name__ == "__main__":
    import jax
    _d = setup_inputs()
    print(jax.jit(kernel)(*tuple(_d.values())))

</pallas_src>

<mosaic_0001>
#map = affine_map<(d0, d1) -> (0, 0, 0)>
#map1 = affine_map<(d0, d1) -> (0, 0)>
module attributes {stable_mosaic.version = 14 : i64} {
  func.func @_edge_body(%arg0: i32, %arg1: i32, %arg2: memref<2x40000x80xi32, #tpu.memory_space<hbm>>, %arg3: memref<40000x80x2xf32, #tpu.memory_space<hbm>>, %arg4: memref<50000x8xf32, #tpu.memory_space<hbm>>, %arg5: memref<6250x8xf32, #tpu.memory_space<hbm>>, %arg6: memref<2000x8xf32, #tpu.memory_space<hbm>>, %arg7: memref<2x100000x8xf32, #tpu.memory_space<hbm>>, %arg8: memref<2x16x16xf32, #tpu.memory_space<hbm>>, %arg9: memref<25x80xi32, #tpu.memory_space<vmem>>, %arg10: memref<25x80xi32, #tpu.memory_space<vmem>>, %arg11: memref<25x80xi32, #tpu.memory_space<vmem>>, %arg12: memref<25x80x2xf32, #tpu.memory_space<vmem>>, %arg13: memref<2000x8xf32, #tpu.memory_space<vmem>>, %arg14: memref<2000x8xf32, #tpu.memory_space<vmem>>, %arg15: memref<2000x8xf32, #tpu.memory_space<vmem>>, %arg16: memref<16xf32, #tpu.memory_space<vmem>>, %arg17: memref<100000x8xf32, #tpu.memory_space<vmem_shared>>, %arg18: memref<!tpu.dma_semaphore, #tpu.memory_space<semaphore_mem>>, %arg19: memref<!tpu.dma_semaphore, #tpu.memory_space<semaphore_mem>>) attributes {dimension_semantics = [#tpu.dimension_semantics<core_parallel>, #tpu.dimension_semantics<subcore_parallel>], iteration_bounds = array<i64: 2, 16>, scalar_prefetch = 0 : i64, scratch_operands = 11 : i64, tpu.core_type = #tpu.core_type<sc_vector_subcore>, window_params = [{transform_indices = #map}, {transform_indices = #map}, {transform_indices = #map1}, {transform_indices = #map1}, {transform_indices = #map1}, {transform_indices = #map}, {transform_indices = #map}]} {
    %mul3A = arith.constant 16 : i32
    %mul3A_0 = arith.muli %arg0, %mul3A : i32
    %add3A = arith.addi %mul3A_0, %arg1 : i32
    %mul3A_1 = arith.constant 6250 : i32
    %mul3A_2 = arith.muli %arg1, %mul3A_1 : i32
    "tpu.region"() ({
      %run_scoped3A = tpu.sem_alloc : memref<!tpu.dma_semaphore, #tpu.memory_space<semaphore_mem>>
      %dma_start3A = arith.constant 0 : i32
      %dma_start3A_21 = tpu.memref_slice %arg17[%mul3A_2, %dma_start3A] : memref<100000x8xf32, #tpu.memory_space<vmem_shared>> -> memref<6250x8xf32, #tpu.memory_space<vmem_shared>>
      tpu.enqueue_dma source(%arg5 : memref<6250x8xf32, #tpu.memory_space<hbm>>) target(%dma_start3A_21 : memref<6250x8xf32, #tpu.memory_space<vmem_shared>>) target_semaphore(%run_scoped3A : memref<!tpu.dma_semaphore, #tpu.memory_space<semaphore_mem>>)
      %dma_wait3A = arith.constant 0 : i32
      %dma_wait3A_22 = tpu.memref_slice %arg17[%mul3A_2, %dma_wait3A] : memref<100000x8xf32, #tpu.memory_space<vmem_shared>> -> memref<6250x8xf32, #tpu.memory_space<vmem_shared>>
      tpu.wait_dma2 semaphore(%run_scoped3A : memref<!tpu.dma_semaphore, #tpu.memory_space<semaphore_mem>>) src(%arg5 : memref<6250x8xf32, #tpu.memory_space<hbm>>) dst(%dma_wait3A_22 : memref<6250x8xf32, #tpu.memory_space<vmem_shared>>)
      tpu.yield
    }) : () -> ()
    "tpu.region"() ({
      %run_scoped3A = tpu.sem_alloc : memref<!tpu.dma_semaphore, #tpu.memory_space<semaphore_mem>>
      tpu.enqueue_dma source(%arg6 : memref<2000x8xf32, #tpu.memory_space<hbm>>) target(%arg15 : memref<2000x8xf32, #tpu.memory_space<vmem>>) target_semaphore(%run_scoped3A : memref<!tpu.dma_semaphore, #tpu.memory_space<semaphore_mem>>)
      tpu.wait_dma2 semaphore(%run_scoped3A : memref<!tpu.dma_semaphore, #tpu.memory_space<semaphore_mem>>) src(%arg6 : memref<2000x8xf32, #tpu.memory_space<hbm>>) dst(%arg15 : memref<2000x8xf32, #tpu.memory_space<vmem>>)
      tpu.yield
    }) : () -> ()
    %barrier3A = arith.constant 0 : index
    tpu.barrier barrier_id(%barrier3A)
    %iota3A = tpu.iota {dimensions = array<i32: 0>} : vector<16xi32>
    %broadcast_in_dim3A = arith.constant 0 : i32
    %broadcast_in_dim3A_3 = vector.broadcast %broadcast_in_dim3A : i32 to vector<16xi32>
    %broadcast_in_dim3A_4 = arith.constant 1 : i32
    %broadcast_in_dim3A_5 = vector.broadcast %broadcast_in_dim3A_4 : i32 to vector<16xi32>
    %mul3A_6 = arith.constant 1250 : i32
    %mul3A_7 = arith.muli %add3A, %mul3A_6 : i32
    %broadcast_in_dim3A_8 = arith.constant 0.000000e+00 : f32
    %broadcast_in_dim3A_9 = vector.broadcast %broadcast_in_dim3A_8 : f32 to vector<16xf32>
    %scan3A = arith.constant 0 : i32
    %scan3A_10 = arith.constant 50 : i32
    %scan3A_11 = arith.addi %scan3A, %scan3A_10 : i32
    %scan3A_12 = arith.constant 1 : i32
    %scan3A_13 = scf.for %scan3A_21 = %scan3A to %scan3A_11 step %scan3A_12 iter_args(%scan3A_22 = %broadcast_in_dim3A_9) -> (vector<16xf32>)  : i32 {
      %mul3A_23 = arith.constant 25 : i32
      %mul3A_24 = arith.muli %scan3A_21, %mul3A_23 : i32
      %add3A_25 = arith.addi %mul3A_7, %mul3A_24 : i32
      %run_scoped3A = arith.constant 0 : i32
      "tpu.region"() ({
        %run_scoped3A_1545 = tpu.sem_alloc : memref<!tpu.dma_semaphore, #tpu.memory_space<semaphore_mem>>
        %dma_start3A_1546 = arith.constant 0 : i32
        %dma_start3A_1547 = tpu.memref_slice %arg2[%run_scoped3A, %add3A_25, %dma_start3A_1546] : memref<2x40000x80xi32, #tpu.memory_space<hbm>> -> memref<1x25x80xi32, #tpu.memory_space<hbm>>
        %dma_start3A_1548 = tpu.memref_squeeze %dma_start3A_1547 : memref<1x25x80xi32, #tpu.memory_space<hbm>> -> memref<25x80xi32, #tpu.memory_space<hbm>>
        %dma_start3A_1549 = arith.constant 0 : i32
        %dma_start3A_1550 = tpu.memref_slice %arg2[%run_scoped3A, %add3A_25, %dma_start3A_1549] : memref<2x40000x80xi32, #tpu.memory_space<hbm>> -> memref<1x25x80xi32, #tpu.memory_space<hbm>>
        %dma_start3A_1551 = tpu.memref_squeeze %dma_start3A_1550 : memref<1x25x80xi32, #tpu.memory_space<hbm>> -> memref<25x80xi32, #tpu.memory_space<hbm>>
        tpu.enqueue_dma source(%dma_start3A_1551 : memref<25x80xi32, #tpu.memory_space<hbm>>) target(%arg9 : memref<25x80xi32, #tpu.memory_space<vmem>>) target_semaphore(%run_scoped3A_1545 : memref<!tpu.dma_semaphore, #tpu.memory_space<semaphore_mem>>)
        %dma_wait3A_1552 = arith.constant 0 : i32
        %dma_wait3A_1553 = tpu.memref_slice %arg2[%run_scoped3A, %add3A_25, %dma_wait3A_1552] : memref<2x40000x80xi32, #tpu.memory_space<hbm>> -> memref<1x25x80xi32, #tpu.memory_space<hbm>>
        %dma_wait3A_1554 = tpu.memref_squeeze %dma_wait3A_1553 : memref<1x25x80xi32, #tpu.memory_space<hbm>> -> memref<25x80xi32, #tpu.memory_space<hbm>>
        %dma_wait3A_1555 = arith.constant 0 : i32
        %dma_wait3A_1556 = tpu.memref_slice %arg2[%run_scoped3A, %add3A_25, %dma_wait3A_1555] : memref<2x40000x80xi32, #tpu.memory_space<hbm>> -> memref<1x25x80xi32, #tpu.memory_space<hbm>>
        %dma_wait3A_1557 = tpu.memref_squeeze %dma_wait3A_1556 : memref<1x25x80xi32, #tpu.memory_space<hbm>> -> memref<25x80xi32, #tpu.memory_space<hbm>>
        tpu.wait_dma2 semaphore(%run_scoped3A_1545 : memref<!tpu.dma_semaphore, #tpu.memory_space<semaphore_mem>>) src(%dma_wait3A_1557 : memref<25x80xi32, #tpu.memory_space<hbm>>) dst(%arg9 : memref<25x80xi32, #tpu.memory_space<vmem>>)
        tpu.yield
      }) : () -> ()
      %run_scoped3A_26 = arith.constant 1 : i32
      "tpu.region"() ({
        %run_scoped3A_1545 = tpu.sem_alloc : memref<!tpu.dma_semaphore, #tpu.memory_space<semaphore_mem>>
        %dma_start3A_1546 = arith.constant 0 : i32
        %dma_start3A_1547 = tpu.memref_slice %arg2[%run_scoped3A_26, %add3A_25, %dma_start3A_1546] : memref<2x40000x80xi32, #tpu.memory_space<hbm>> -> memref<1x25x80xi32, #tpu.memory_space<hbm>>
        %dma_start3A_1548 = tpu.memref_squeeze %dma_start3A_1547 : memref<1x25x80xi32, #tpu.memory_space<hbm>> -> memref<25x80xi32, #tpu.memory_space<hbm>>
        %dma_start3A_1549 = arith.constant 0 : i32
        %dma_start3A_1550 = tpu.memref_slice %arg2[%run_scoped3A_26, %add3A_25, %dma_start3A_1549] : memref<2x40000x80xi32, #tpu.memory_space<hbm>> -> memref<1x25x80xi32, #tpu.memory_space<hbm>>
        %dma_start3A_1551 = tpu.memref_squeeze %dma_start3A_1550 : memref<1x25x80xi32, #tpu.memory_space<hbm>> -> memref<25x80xi32, #tpu.memory_space<hbm>>
        tpu.enqueue_dma source(%dma_start3A_1551 : memref<25x80xi32, #tpu.memory_space<hbm>>) target(%arg10 : memref<25x80xi32, #tpu.memory_space<vmem>>) target_semaphore(%run_scoped3A_1545 : memref<!tpu.dma_semaphore, #tpu.memory_space<semaphore_mem>>)
        %dma_wait3A_1552 = arith.constant 0 : i32
        %dma_wait3A_1553 = tpu.memref_slice %arg2[%run_scoped3A_26, %add3A_25, %dma_wait3A_1552] : memref<2x40000x80xi32, #tpu.memory_space<hbm>> -> memref<1x25x80xi32, #tpu.memory_space<hbm>>
        %dma_wait3A_1554 = tpu.memref_squeeze %dma_wait3A_1553 : memref<1x25x80xi32, #tpu.memory_space<hbm>> -> memref<25x80xi32, #tpu.memory_space<hbm>>
        %dma_wait3A_1555 = arith.constant 0 : i32
        %dma_wait3A_1556 = tpu.memref_slice %arg2[%run_scoped3A_26, %add3A_25, %dma_wait3A_1555] : memref<2x40000x80xi32, #tpu.memory_space<hbm>> -> memref<1x25x80xi32, #tpu.memory_space<hbm>>
        %dma_wait3A_1557 = tpu.memref_squeeze %dma_wait3A_1556 : memref<1x25x80xi32, #tpu.memory_space<hbm>> -> memref<25x80xi32, #tpu.memory_space<hbm>>
        tpu.wait_dma2 semaphore(%run_scoped3A_1545 : memref<!tpu.dma_semaphore, #tpu.memory_space<semaphore_mem>>) src(%dma_wait3A_1557 : memref<25x80xi32, #tpu.memory_space<hbm>>) dst(%arg10 : memref<25x80xi32, #tpu.memory_space<vmem>>)
        tpu.yield
      }) : () -> ()
      "tpu.region"() ({
        %run_scoped3A_1545 = tpu.sem_alloc : memref<!tpu.dma_semaphore, #tpu.memory_space<semaphore_mem>>
        %dma_start3A_1546 = arith.constant 0 : i32
        %dma_start3A_1547 = arith.constant 0 : i32
        %dma_start3A_1548 = tpu.memref_slice %arg3[%add3A_25, %dma_start3A_1546, %dma_start3A_1547] : memref<40000x80x2xf32, #tpu.memory_space<hbm>> -> memref<25x80x2xf32, #tpu.memory_space<hbm>>
        %dma_start3A_1549 = arith.constant 0 : i32
        %dma_start3A_1550 = arith.constant 0 : i32
        %dma_start3A_1551 = tpu.memref_slice %arg3[%add3A_25, %dma_start3A_1549, %dma_start3A_1550] : memref<40000x80x2xf32, #tpu.memory_space<hbm>> -> memref<25x80x2xf32, #tpu.memory_space<hbm>>
        tpu.enqueue_dma source(%dma_start3A_1551 : memref<25x80x2xf32, #tpu.memory_space<hbm>>) target(%arg12 : memref<25x80x2xf32, #tpu.memory_space<vmem>>) target_semaphore(%run_scoped3A_1545 : memref<!tpu.dma_semaphore, #tpu.memory_space<semaphore_mem>>)
        %dma_wait3A_1552 = arith.constant 0 : i32
        %dma_wait3A_1553 = arith.constant 0 : i32
        %dma_wait3A_1554 = tpu.memref_slice %arg3[%add3A_25, %dma_wait3A_1552, %dma_wait3A_1553] : memref<40000x80x2xf32, #tpu.memory_space<hbm>> -> memref<25x80x2xf32, #tpu.memory_space<hbm>>
        %dma_wait3A_1555 = arith.constant 0 : i32
        %dma_wait3A_1556 = arith.constant 0 : i32
        %dma_wait3A_1557 = tpu.memref_slice %arg3[%add3A_25, %dma_wait3A_1555, %dma_wait3A_1556] : memref<40000x80x2xf32, #tpu.memory_space<hbm>> -> memref<25x80x2xf32, #tpu.memory_space<hbm>>
        tpu.wait_dma2 semaphore(%run_scoped3A_1545 : memref<!tpu.dma_semaphore, #tpu.memory_space<semaphore_mem>>) src(%dma_wait3A_1557 : memref<25x80x2xf32, #tpu.memory_space<hbm>>) dst(%arg12 : memref<25x80x2xf32, #tpu.memory_space<vmem>>)
        tpu.yield
      }) : () -> ()
      %scan3A_27 = arith.constant 0 : i32
      %scan3A_28 = arith.constant 0 : i32
      %scan3A_29 = arith.constant 25 : i32
      %scan3A_30 = arith.addi %scan3A_28, %scan3A_29 : i32
      %scan3A_31 = arith.constant 1 : i32
      %scan3A_32 = scf.for %scan3A_1545 = %scan3A_28 to %scan3A_30 step %scan3A_31 iter_args(%scan3A_1546 = %scan3A_27) -> (i32)  : i32 {
        %add3A_1547 = vector.broadcast %scan3A_1545 : i32 to vector<16xi32>
        %add3A_1548 = arith.addi %broadcast_in_dim3A_3, %add3A_1547 : vector<16xi32>
        %add3A_1549 = arith.constant 0 : i32
        %add3A_1550 = vector.broadcast %add3A_1549 : i32 to vector<16xi32>
        %add3A_1551 = arith.addi %iota3A, %add3A_1550 : vector<16xi32>
        %gather3A = tpu.vector_load_idx %arg9[%add3A_1548, %add3A_1551] : memref<25x80xi32, #tpu.memory_space<vmem>>[vector<16xi32>, vector<16xi32>], vector<16xi32>,
        %shift_right_arithmetic3A = arith.constant 1 : i32
        %shift_right_arithmetic3A_1552 = vector.broadcast %shift_right_arithmetic3A : i32 to vector<16xi32>
        %shift_right_arithmetic3A_1553 = arith.shrsi %gather3A, %shift_right_arithmetic3A_1552 : vector<16xi32>
        tpu.vector_store_idx %arg11[%add3A_1548, %add3A_1551], %shift_right_arithmetic3A_1553 : memref<25x80xi32, #tpu.memory_space<vmem>>[vector<16xi32>, vector<16xi32>], vector<16xi32>,
        %add3A_1554 = arith.constant 16 : i32
        %add3A_1555 = vector.broadcast %add3A_1554 : i32 to vector<16xi32>
        %add3A_1556 = arith.addi %iota3A, %add3A_1555 : vector<16xi32>
        %gather3A_1557 = tpu.vector_load_idx %arg9[%add3A_1548, %add3A_1556] : memref<25x80xi32, #tpu.memory_space<vmem>>[vector<16xi32>, vector<16xi32>], vector<16xi32>,
        %shift_right_arithmetic3A_1558 = arith.constant 1 : i32
        %shift_right_arithmetic3A_1559 = vector.broadcast %shift_right_arithmetic3A_1558 : i32 to vector<16xi32>
        %shift_right_arithmetic3A_1560 = arith.shrsi %gather3A_1557, %shift_right_arithmetic3A_1559 : vector<16xi32>
        tpu.vector_store_idx %arg11[%add3A_1548, %add3A_1556], %shift_right_arithmetic3A_1560 : memref<25x80xi32, #tpu.memory_space<vmem>>[vector<16xi32>, vector<16xi32>], vector<16xi32>,
        %add3A_1561 = arith.constant 32 : i32
        %add3A_1562 = vector.broadcast %add3A_1561 : i32 to vector<16xi32>
        %add3A_1563 = arith.addi %iota3A, %add3A_1562 : vector<16xi32>
        %gather3A_1564 = tpu.vector_load_idx %arg9[%add3A_1548, %add3A_1563] : memref<25x80xi32, #tpu.memory_space<vmem>>[vector<16xi32>, vector<16xi32>], vector<16xi32>,
        %shift_right_arithmetic3A_1565 = arith.constant 1 : i32
        %shift_right_arithmetic3A_1566 = vector.broadcast %shift_right_arithmetic3A_1565 : i32 to vector<16xi32>
        %shift_right_arithmetic3A_1567 = arith.shrsi %gather3A_1564, %shift_right_arithmetic3A_1566 : vector<16xi32>
        tpu.vector_store_idx %arg11[%add3A_1548, %add3A_1563], %shift_right_arithmetic3A_1567 : memref<25x80xi32, #tpu.memory_space<vmem>>[vector<16xi32>, vector<16xi32>], vector<16xi32>,
        %add3A_1568 = arith.constant 48 : i32
        %add3A_1569 = vector.broadcast %add3A_1568 : i32 to vector<16xi32>
        %add3A_1570 = arith.addi %iota3A, %add3A_1569 : vector<16xi32>
        %gather3A_1571 = tpu.vector_load_idx %arg9[%add3A_1548, %add3A_1570] : memref<25x80xi32, #tpu.memory_space<vmem>>[vector<16xi32>, vector<16xi32>], vector<16xi32>,
        %shift_right_arithmetic3A_1572 = arith.constant 1 : i32
        %shift_right_arithmetic3A_1573 = vector.broadcast %shift_right_arithmetic3A_1572 : i32 to vector<16xi32>
        %shift_right_arithmetic3A_1574 = arith.shrsi %gather3A_1571, %shift_right_arithmetic3A_1573 : vector<16xi32>
        tpu.vector_store_idx %arg11[%add3A_1548, %add3A_1570], %shift_right_arithmetic3A_1574 : memref<25x80xi32, #tpu.memory_space<vmem>>[vector<16xi32>, vector<16xi32>], vector<16xi32>,
        %add3A_1575 = arith.constant 64 : i32
        %add3A_1576 = vector.broadcast %add3A_1575 : i32 to vector<16xi32>
        %add3A_1577 = arith.addi %iota3A, %add3A_1576 : vector<16xi32>
        %gather3A_1578 = tpu.vector_load_idx %arg9[%add3A_1548, %add3A_1577] : memref<25x80xi32, #tpu.memory_space<vmem>>[vector<16xi32>, vector<16xi32>], vector<16xi32>,
        %shift_right_arithmetic3A_1579 = arith.constant 1 : i32
        %shift_right_arithmetic3A_1580 = vector.broadcast %shift_right_arithmetic3A_1579 : i32 to vector<16xi32>
        %shift_right_arithmetic3A_1581 = arith.shrsi %gather3A_1578, %shift_right_arithmetic3A_1580 : vector<16xi32>
        tpu.vector_store_idx %arg11[%add3A_1548, %add3A_1577], %shift_right_arithmetic3A_1581 : memref<25x80xi32, #tpu.memory_space<vmem>>[vector<16xi32>, vector<16xi32>], vector<16xi32>,
        %scan3A_1582 = arith.constant 0 : i32
        scf.yield %scan3A_1582 : i32
      }
      %scan3A_33 = arith.constant 25 : i32
      %dma_start3A = arith.constant 0 : i32
      %dma_start3A_34 = arith.constant 0 : i32
      %dma_start3A_35 = arith.constant 0 : i32
      %dma_start3A_36 = tpu.memref_slice %arg13[%dma_start3A_34, %dma_start3A_35] : memref<2000x8xf32, #tpu.memory_space<vmem>> -> memref<80x8xf32, #tpu.memory_space<vmem>>
      %dma_start3A_37 = arith.constant 0 : i32
      %dma_start3A_38 = tpu.memref_slice %arg11[%dma_start3A, %dma_start3A_37] : memref<25x80xi32, #tpu.memory_space<vmem>> -> memref<1x80xi32, #tpu.memory_space<vmem>>
      %dma_start3A_39 = tpu.memref_squeeze %dma_start3A_38 : memref<1x80xi32, #tpu.memory_space<vmem>> -> memref<80xi32, #tpu.memory_space<vmem>>
      %dma_start3A_40 = arith.constant 0 : i32
      %dma_start3A_41 = arith.constant 0 : i32
      %dma_start3A_42 = tpu.memref_slice %arg4[%dma_start3A_40, %dma_start3A_41] : memref<50000x8xf32, #tpu.memory_space<hbm>> -> memref<50000x8xf32, #tpu.memory_space<hbm>>
      tpu.enqueue_indirect_dma source(%dma_start3A_42 : memref<50000x8xf32, #tpu.memory_space<hbm>>) target(%dma_start3A_36 : memref<80x8xf32, #tpu.memory_space<vmem>>) offsets(%dma_start3A_39 : memref<80xi32, #tpu.memory_space<vmem>>) semaphore(%arg18 : memref<!tpu.dma_semaphore, #tpu.memory_space<semaphore_mem>>)
      %dma_start3A_43 = arith.constant 1 : i32
      %dma_start3A_44 = arith.constant 80 : i32
      %dma_start3A_45 = arith.constant 0 : i32
      %dma_start3A_46 = tpu.memref_slice %arg13[%dma_start3A_44, %dma_start3A_45] : memref<2000x8xf32, #tpu.memory_space<vmem>> -> memref<80x8xf32, #tpu.memory_space<vmem>>
      %dma_start3A_47 = arith.constant 0 : i32
      %dma_start3A_48 = tpu.memref_slice %arg11[%dma_start3A_43, %dma_start3A_47] : memref<25x80xi32, #tpu.memory_space<vmem>> -> memref<1x80xi32, #tpu.memory_space<vmem>>
      %dma_start3A_49 = tpu.memref_squeeze %dma_start3A_48 : memref<1x80xi32, #tpu.memory_space<vmem>> -> memref<80xi32, #tpu.memory_space<vmem>>
      %dma_start3A_50 = arith.constant 0 : i32
      %dma_start3A_51 = arith.constant 0 : i32
      %dma_start3A_52 = tpu.memref_slice %arg4[%dma_start3A_50, %dma_start3A_51] : memref<50000x8xf32, #tpu.memory_space<hbm>> -> memref<50000x8xf32, #tpu.memory_space<hbm>>
      tpu.enqueue_indirect_dma source(%dma_start3A_52 : memref<50000x8xf32, #tpu.memory_space<hbm>>) target(%dma_start3A_46 : memref<80x8xf32, #tpu.memory_space<vmem>>) offsets(%dma_start3A_49 : memref<80xi32, #tpu.memory_space<vmem>>) semaphore(%arg18 : memref<!tpu.dma_semaphore, #tpu.memory_space<semaphore_mem>>)
      %dma_start3A_53 = arith.constant 2 : i32
      %dma_start3A_54 = arith.constant 160 : i32
      %dma_start3A_55 = arith.constant 0 : i32
      %dma_start3A_56 = tpu.memref_slice %arg13[%dma_start3A_54, %dma_start3A_55] : memref<2000x8xf32, #tpu.memory_space<vmem>> -> memref<80x8xf32, #tpu.memory_space<vmem>>
      %dma_start3A_57 = arith.constant 0 : i32
      %dma_start3A_58 = tpu.memref_slice %arg11[%dma_start3A_53, %dma_start3A_57] : memref<25x80xi32, #tpu.memory_space<vmem>> -> memref<1x80xi32, #tpu.memory_space<vmem>>
      %dma_start3A_59 = tpu.memref_squeeze %dma_start3A_58 : memref<1x80xi32, #tpu.memory_space<vmem>> -> memref<80xi32, #tpu.memory_space<vmem>>
      %dma_start3A_60 = arith.constant 0 : i32
      %dma_start3A_61 = arith.constant 0 : i32
      %dma_start3A_62 = tpu.memref_slice %arg4[%dma_start3A_60, %dma_start3A_61] : memref<50000x8xf32, #tpu.memory_space<hbm>> -> memref<50000x8xf32, #tpu.memory_space<hbm>>
      tpu.enqueue_indirect_dma source(%dma_start3A_62 : memref<50000x8xf32, #tpu.memory_space<hbm>>) target(%dma_start3A_56 : memref<80x8xf32, #tpu.memory_space<vmem>>) offsets(%dma_start3A_59 : memref<80xi32, #tpu.memory_space<vmem>>) semaphore(%arg18 : memref<!tpu.dma_semaphore, #tpu.memory_space<semaphore_mem>>)
      %dma_start3A_63 = arith.constant 3 : i32
      %dma_start3A_64 = arith.constant 240 : i32
      %dma_start3A_65 = arith.constant 0 : i32
      %dma_start3A_66 = tpu.memref_slice %arg13[%dma_start3A_64, %dma_start3A_65] : memref<2000x8xf32, #tpu.memory_space<vmem>> -> memref<80x8xf32, #tpu.memory_space<vmem>>
      %dma_start3A_67 = arith.constant 0 : i32
      %dma_start3A_68 = tpu.memref_slice %arg11[%dma_start3A_63, %dma_start3A_67] : memref<25x80xi32, #tpu.memory_space<vmem>> -> memref<1x80xi32, #tpu.memory_space<vmem>>
      %dma_start3A_69 = tpu.memref_squeeze %dma_start3A_68 : memref<1x80xi32, #tpu.memory_space<vmem>> -> memref<80xi32, #tpu.memory_space<vmem>>
      %dma_start3A_70 = arith.constant 0 : i32
      %dma_start3A_71 = arith.constant 0 : i32
      %dma_start3A_72 = tpu.memref_slice %arg4[%dma_start3A_70, %dma_start3A_71] : memref<50000x8xf32, #tpu.memory_space<hbm>> -> memref<50000x8xf32, #tpu.memory_space<hbm>>
      tpu.enqueue_indirect_dma source(%dma_start3A_72 : memref<50000x8xf32, #tpu.memory_space<hbm>>) target(%dma_start3A_66 : memref<80x8xf32, #tpu.memory_space<vmem>>) offsets(%dma_start3A_69 : memref<80xi32, #tpu.memory_space<vmem>>) semaphore(%arg18 : memref<!tpu.dma_semaphore, #tpu.memory_space<semaphore_mem>>)
      %dma_start3A_73 = arith.constant 4 : i32
      %dma_start3A_74 = arith.constant 320 : i32
      %dma_start3A_75 = arith.constant 0 : i32
      %dma_start3A_76 = tpu.memref_slice %arg13[%dma_start3A_74, %dma_start3A_75] : memref<2000x8xf32, #tpu.memory_space<vmem>> -> memref<80x8xf32, #tpu.memory_space<vmem>>
      %dma_start3A_77 = arith.constant 0 : i32
      %dma_start3A_78 = tpu.memref_slice %arg11[%dma_start3A_73, %dma_start3A_77] : memref<25x80xi32, #tpu.memory_space<vmem>> -> memref<1x80xi32, #tpu.memory_space<vmem>>
      %dma_start3A_79 = tpu.memref_squeeze %dma_start3A_78 : memref<1x80xi32, #tpu.memory_space<vmem>> -> memref<80xi32, #tpu.memory_space<vmem>>
      %dma_start3A_80 = arith.constant 0 : i32
      %dma_start3A_81 = arith.constant 0 : i32
      %dma_start3A_82 = tpu.memref_slice %arg4[%dma_start3A_80, %dma_start3A_81] : memref<50000x8xf32, #tpu.memory_space<hbm>> -> memref<50000x8xf32, #tpu.memory_space<hbm>>
      tpu.enqueue_indirect_dma source(%dma_start3A_82 : memref<50000x8xf32, #tpu.memory_space<hbm>>) target(%dma_start3A_76 : memref<80x8xf32, #tpu.memory_space<vmem>>) offsets(%dma_start3A_79 : memref<80xi32, #tpu.memory_space<vmem>>) semaphore(%arg18 : memref<!tpu.dma_semaphore, #tpu.memory_space<semaphore_mem>>)
      %dma_start3A_83 = arith.constant 5 : i32
      %dma_start3A_84 = arith.constant 400 : i32
      %dma_start3A_85 = arith.constant 0 : i32
      %dma_start3A_86 = tpu.memref_slice %arg13[%dma_start3A_84, %dma_start3A_85] : memref<2000x8xf32, #tpu.memory_space<vmem>> -> memref<80x8xf32, #tpu.memory_space<vmem>>
      %dma_start3A_87 = arith.constant 0 : i32
      %dma_start3A_88 = tpu.memref_slice %arg11[%dma_start3A_83, %dma_start3A_87] : memref<25x80xi32, #tpu.memory_space<vmem>> -> memref<1x80xi32, #tpu.memory_space<vmem>>
      %dma_start3A_89 = tpu.memref_squeeze %dma_start3A_88 : memref<1x80xi32, #tpu.memory_space<vmem>> -> memref<80xi32, #tpu.memory_space<vmem>>
      %dma_start3A_90 = arith.constant 0 : i32
      %dma_start3A_91 = arith.constant 0 : i32
      %dma_start3A_92 = tpu.memref_slice %arg4[%dma_start3A_90, %dma_start3A_91] : memref<50000x8xf32, #tpu.memory_space<hbm>> -> memref<50000x8xf32, #tpu.memory_space<hbm>>
      tpu.enqueue_indirect_dma source(%dma_start3A_92 : memref<50000x8xf32, #tpu.memory_space<hbm>>) target(%dma_start3A_86 : memref<80x8xf32, #tpu.memory_space<vmem>>) offsets(%dma_start3A_89 : memref<80xi32, #tpu.memory_space<vmem>>) semaphore(%arg18 : memref<!tpu.dma_semaphore, #tpu.memory_space<semaphore_mem>>)
      %dma_start3A_93 = arith.constant 6 : i32
      %dma_start3A_94 = arith.constant 480 : i32
      %dma_start3A_95 = arith.constant 0 : i32
      %dma_start3A_96 = tpu.memref_slice %arg13[%dma_start3A_94, %dma_start3A_95] : memref<2000x8xf32, #tpu.memory_space<vmem>> -> memref<80x8xf32, #tpu.memory_space<vmem>>
      %dma_start3A_97 = arith.constant 0 : i32
      %dma_start3A_98 = tpu.memref_slice %arg11[%dma_start3A_93, %dma_start3A_97] : memref<25x80xi32, #tpu.memory_space<vmem>> -> memref<1x80xi32, #tpu.memory_space<vmem>>
      %dma_start3A_99 = tpu.memref_squeeze %dma_start3A_98 : memref<1x80xi32, #tpu.memory_space<vmem>> -> memref<80xi32, #tpu.memory_space<vmem>>
      %dma_start3A_100 = arith.constant 0 : i32
      %dma_start3A_101 = arith.constant 0 : i32
      %dma_start3A_102 = tpu.memref_slice %arg4[%dma_start3A_100, %dma_start3A_101] : memref<50000x8xf32, #tpu.memory_space<hbm>> -> memref<50000x8xf32, #tpu.memory_space<hbm>>
      tpu.enqueue_indirect_dma source(%dma_start3A_102 : memref<50000x8xf32, #tpu.memory_space<hbm>>) target(%dma_start3A_96 : memref<80x8xf32, #tpu.memory_space<vmem>>) offsets(%dma_start3A_99 : memref<80xi32, #tpu.memory_space<vmem>>) semaphore(%arg18 : memref<!tpu.dma_semaphore, #tpu.memory_space<semaphore_mem>>)
      %dma_start3A_103 = arith.constant 7 : i32
      %dma_start3A_104 = arith.constant 560 : i32
      %dma_start3A_105 = arith.constant 0 : i32
      %dma_start3A_106 = tpu.memref_slice %arg13[%dma_start3A_104, %dma_start3A_105] : memref<2000x8xf32, #tpu.memory_space<vmem>> -> memref<80x8xf32, #tpu.memory_space<vmem>>
      %dma_start3A_107 = arith.constant 0 : i32
      %dma_start3A_108 = tpu.memref_slice %arg11[%dma_start3A_103, %dma_start3A_107] : memref<25x80xi32, #tpu.memory_space<vmem>> -> memref<1x80xi32, #tpu.memory_space<vmem>>
      %dma_start3A_109 = tpu.memref_squeeze %dma_start3A_108 : memref<1x80xi32, #tpu.memory_space<vmem>> -> memref<80xi32, #tpu.memory_space<vmem>>
      %dma_start3A_110 = arith.constant 0 : i32
      %dma_start3A_111 = arith.constant 0 : i32
      %dma_start3A_112 = tpu.memref_slice %arg4[%dma_start3A_110, %dma_start3A_111] : memref<50000x8xf32, #tpu.memory_space<hbm>> -> memref<50000x8xf32, #tpu.memory_space<hbm>>
      tpu.enqueue_indirect_dma source(%dma_start3A_112 : memref<50000x8xf32, #tpu.memory_space<hbm>>) target(%dma_start3A_106 : memref<80x8xf32, #tpu.memory_space<vmem>>) offsets(%dma_start3A_109 : memref<80xi32, #tpu.memory_space<vmem>>) semaphore(%arg18 : memref<!tpu.dma_semaphore, #tpu.memory_space<semaphore_mem>>)
      %dma_start3A_113 = arith.constant 8 : i32
      %dma_start3A_114 = arith.constant 640 : i32
      %dma_start3A_115 = arith.constant 0 : i32
      %dma_start3A_116 = tpu.memref_slice %arg13[%dma_start3A_114, %dma_start3A_115] : memref<2000x8xf32, #tpu.memory_space<vmem>> -> memref<80x8xf32, #tpu.memory_space<vmem>>
      %dma_start3A_117 = arith.constant 0 : i32
      %dma_start3A_118 = tpu.memref_slice %arg11[%dma_start3A_113, %dma_start3A_117] : memref<25x80xi32, #tpu.memory_space<vmem>> -> memref<1x80xi32, #tpu.memory_space<vmem>>
      %dma_start3A_119 = tpu.memref_squeeze %dma_start3A_118 : memref<1x80xi32, #tpu.memory_space<vmem>> -> memref<80xi32, #tpu.memory_space<vmem>>
      %dma_start3A_120 = arith.constant 0 : i32
      %dma_start3A_121 = arith.constant 0 : i32
      %dma_start3A_122 = tpu.memref_slice %arg4[%dma_start3A_120, %dma_start3A_121] : memref<50000x8xf32, #tpu.memory_space<hbm>> -> memref<50000x8xf32, #tpu.memory_space<hbm>>
      tpu.enqueue_indirect_dma source(%dma_start3A_122 : memref<50000x8xf32, #tpu.memory_space<hbm>>) target(%dma_start3A_116 : memref<80x8xf32, #tpu.memory_space<vmem>>) offsets(%dma_start3A_119 : memref<80xi32, #tpu.memory_space<vmem>>) semaphore(%arg18 : memref<!tpu.dma_semaphore, #tpu.memory_space<semaphore_mem>>)
      %dma_start3A_123 = arith.constant 9 : i32
      %dma_start3A_124 = arith.constant 720 : i32
      %dma_start3A_125 = arith.constant 0 : i32
      %dma_start3A_126 = tpu.memref_slice %arg13[%dma_start3A_124, %dma_start3A_125] : memref<2000x8xf32, #tpu.memory_space<vmem>> -> memref<80x8xf32, #tpu.memory_space<vmem>>
      %dma_start3A_127 = arith.constant 0 : i32
      %dma_start3A_128 = tpu.memref_slice %arg11[%dma_start3A_123, %dma_start3A_127] : memref<25x80xi32, #tpu.memory_space<vmem>> -> memref<1x80xi32, #tpu.memory_space<vmem>>
      %dma_start3A_129 = tpu.memref_squeeze %dma_start3A_128 : memref<1x80xi32, #tpu.memory_space<vmem>> -> memref<80xi32, #tpu.memory_space<vmem>>
      %dma_start3A_130 = arith.constant 0 : i32
      %dma_start3A_131 = arith.constant 0 : i32
      %dma_start3A_132 = tpu.memref_slice %arg4[%dma_start3A_130, %dma_start3A_131] : memref<50000x8xf32, #tpu.memory_space<hbm>> -> memref<50000x8xf32, #tpu.memory_space<hbm>>
      tpu.enqueue_indirect_dma source(%dma_start3A_132 : memref<50000x8xf32, #tpu.memory_space<hbm>>) target(%dma_start3A_126 : memref<80x8xf32, #tpu.memory_space<vmem>>) offsets(%dma_start3A_129 : memref<80xi32, #tpu.memory_space<vmem>>) semaphore(%arg18 : memref<!tpu.dma_semaphore, #tpu.memory_space<semaphore_mem>>)
      %dma_start3A_133 = arith.constant 10 : i32
      %dma_start3A_134 = arith.constant 800 : i32
      %dma_start3A_135 = arith.constant 0 : i32
      %dma_start3A_136 = tpu.memref_slice %arg13[%dma_start3A_134, %dma_start3A_135] : memref<2000x8xf32, #tpu.memory_space<vmem>> -> memref<80x8xf32, #tpu.memory_space<vmem>>
      %dma_start3A_137 = arith.constant 0 : i32
      %dma_start3A_138 = tpu.memref_slice %arg11[%dma_start3A_133, %dma_start3A_137] : memref<25x80xi32, #tpu.memory_space<vmem>> -> memref<1x80xi32, #tpu.memory_space<vmem>>
      %dma_start3A_139 = tpu.memref_squeeze %dma_start3A_138 : memref<1x80xi32, #tpu.memory_space<vmem>> -> memref<80xi32, #tpu.memory_space<vmem>>
      %dma_start3A_140 = arith.constant 0 : i32
      %dma_start3A_141 = arith.constant 0 : i32
      %dma_start3A_142 = tpu.memref_slice %arg4[%dma_start3A_140, %dma_start3A_141] : memref<50000x8xf32, #tpu.memory_space<hbm>> -> memref<50000x8xf32, #tpu.memory_space<hbm>>
      tpu.enqueue_indirect_dma source(%dma_start3A_142 : memref<50000x8xf32, #tpu.memory_space<hbm>>) target(%dma_start3A_136 : memref<80x8xf32, #tpu.memory_space<vmem>>) offsets(%dma_start3A_139 : memref<80xi32, #tpu.memory_space<vmem>>) semaphore(%arg18 : memref<!tpu.dma_semaphore, #tpu.memory_space<semaphore_mem>>)
      %dma_start3A_143 = arith.constant 11 : i32
      %dma_start3A_144 = arith.constant 880 : i32
      %dma_start3A_145 = arith.constant 0 : i32
      %dma_start3A_146 = tpu.memref_slice %arg13[%dma_start3A_144, %dma_start3A_145] : memref<2000x8xf32, #tpu.memory_space<vmem>> -> memref<80x8xf32, #tpu.memory_space<vmem>>
      %dma_start3A_147 = arith.constant 0 : i32
      %dma_start3A_148 = tpu.memref_slice %arg11[%dma_start3A_143, %dma_start3A_147] : memref<25x80xi32, #tpu.memory_space<vmem>> -> memref<1x80xi32, #tpu.memory_space<vmem>>
      %dma_start3A_149 = tpu.memref_squeeze %dma_start3A_148 : memref<1x80xi32, #tpu.memory_space<vmem>> -> memref<80xi32, #tpu.memory_space<vmem>>
      %dma_start3A_150 = arith.constant 0 : i32
      %dma_start3A_151 = arith.constant 0 : i32
      %dma_start3A_152 = tpu.memref_slice %arg4[%dma_start3A_150, %dma_start3A_151] : memref<50000x8xf32, #tpu.memory_space<hbm>> -> memref<50000x8xf32, #tpu.memory_space<hbm>>
      tpu.enqueue_indirect_dma source(%dma_start3A_152 : memref<50000x8xf32, #tpu.memory_space<hbm>>) target(%dma_start3A_146 : memref<80x8xf32, #tpu.memory_space<vmem>>) offsets(%dma_start3A_149 : memref<80xi32, #tpu.memory_space<vmem>>) semaphore(%arg18 : memref<!tpu.dma_semaphore, #tpu.memory_space<semaphore_mem>>)
      %dma_start3A_153 = arith.constant 12 : i32
      %dma_start3A_154 = arith.constant 960 : i32
      %dma_start3A_155 = arith.constant 0 : i32
      %dma_start3A_156 = tpu.memref_slice %arg13[%dma_start3A_154, %dma_start3A_155] : memref<2000x8xf32, #tpu.memory_space<vmem>> -> memref<80x8xf32, #tpu.memory_space<vmem>>
      %dma_start3A_157 = arith.constant 0 : i32
      %dma_start3A_158 = tpu.memref_slice %arg11[%dma_start3A_153, %dma_start3A_157] : memref<25x80xi32, #tpu.memory_space<vmem>> -> memref<1x80xi32, #tpu.memory_space<vmem>>
      %dma_start3A_159 = tpu.memref_squeeze %dma_start3A_158 : memref<1x80xi32, #tpu.memory_space<vmem>> -> memref<80xi32, #tpu.memory_space<vmem>>
      %dma_start3A_160 = arith.constant 0 : i32
      %dma_start3A_161 = arith.constant 0 : i32
      %dma_start3A_162 = tpu.memref_slice %arg4[%dma_start3A_160, %dma_start3A_161] : memref<50000x8xf32, #tpu.memory_space<hbm>> -> memref<50000x8xf32, #tpu.memory_space<hbm>>
      tpu.enqueue_indirect_dma source(%dma_start3A_162 : memref<50000x8xf32, #tpu.memory_space<hbm>>) target(%dma_start3A_156 : memref<80x8xf32, #tpu.memory_space<vmem>>) offsets(%dma_start3A_159 : memref<80xi32, #tpu.memory_space<vmem>>) semaphore(%arg18 : memref<!tpu.dma_semaphore, #tpu.memory_space<semaphore_mem>>)
      %dma_start3A_163 = arith.constant 13 : i32
      %dma_start3A_164 = arith.constant 1040 : i32
      %dma_start3A_165 = arith.constant 0 : i32
      %dma_start3A_166 = tpu.memref_slice %arg13[%dma_start3A_164, %dma_start3A_165] : memref<2000x8xf32, #tpu.memory_space<vmem>> -> memref<80x8xf32, #tpu.memory_space<vmem>>
      %dma_start3A_167 = arith.constant 0 : i32
      %dma_start3A_168 = tpu.memref_slice %arg11[%dma_start3A_163, %dma_start3A_167] : memref<25x80xi32, #tpu.memory_space<vmem>> -> memref<1x80xi32, #tpu.memory_space<vmem>>
      %dma_start3A_169 = tpu.memref_squeeze %dma_start3A_168 : memref<1x80xi32, #tpu.memory_space<vmem>> -> memref<80xi32, #tpu.memory_space<vmem>>
      %dma_start3A_170 = arith.constant 0 : i32
      %dma_start3A_171 = arith.constant 0 : i32
      %dma_start3A_172 = tpu.memref_slice %arg4[%dma_start3A_170, %dma_start3A_171] : memref<50000x8xf32, #tpu.memory_space<hbm>> -> memref<50000x8xf32, #tpu.memory_space<hbm>>
      tpu.enqueue_indirect_dma source(%dma_start3A_172 : memref<50000x8xf32, #tpu.memory_space<hbm>>) target(%dma_start3A_166 : memref<80x8xf32, #tpu.memory_space<vmem>>) offsets(%dma_start3A_169 : memref<80xi32, #tpu.memory_space<vmem>>) semaphore(%arg18 : memref<!tpu.dma_semaphore, #tpu.memory_space<semaphore_mem>>)
      %dma_start3A_173 = arith.constant 14 : i32
      %dma_start3A_174 = arith.constant 1120 : i32
      %dma_start3A_175 = arith.constant 0 : i32
      %dma_start3A_176 = tpu.memref_slice %arg13[%dma_start3A_174, %dma_start3A_175] : memref<2000x8xf32, #tpu.memory_space<vmem>> -> memref<80x8xf32, #tpu.memory_space<vmem>>
      %dma_start3A_177 = arith.constant 0 : i32
      %dma_start3A_178 = tpu.memref_slice %arg11[%dma_start3A_173, %dma_start3A_177] : memref<25x80xi32, #tpu.memory_space<vmem>> -> memref<1x80xi32, #tpu.memory_space<vmem>>
      %dma_start3A_179 = tpu.memref_squeeze %dma_start3A_178 : memref<1x80xi32, #tpu.memory_space<vmem>> -> memref<80xi32, #tpu.memory_space<vmem>>
      %dma_start3A_180 = arith.constant 0 : i32
      %dma_start3A_181 = arith.constant 0 : i32
      %dma_start3A_182 = tpu.memref_slice %arg4[%dma_start3A_180, %dma_start3A_181] : memref<50000x8xf32, #tpu.memory_space<hbm>> -> memref<50000x8xf32, #tpu.memory_space<hbm>>
      tpu.enqueue_indirect_dma source(%dma_start3A_182 : memref<50000x8xf32, #tpu.memory_space<hbm>>) target(%dma_start3A_176 : memref<80x8xf32, #tpu.memory_space<vmem>>) offsets(%dma_start3A_179 : memref<80xi32, #tpu.memory_space<vmem>>) semaphore(%arg18 : memref<!tpu.dma_semaphore, #tpu.memory_space<semaphore_mem>>)
      %dma_start3A_183 = arith.constant 15 : i32
      %dma_start3A_184 = arith.constant 1200 : i32
      %dma_start3A_185 = arith.constant 0 : i32
      %dma_start3A_186 = tpu.memref_slice %arg13[%dma_start3A_184, %dma_start3A_185] : memref<2000x8xf32, #tpu.memory_space<vmem>> -> memref<80x8xf32, #tpu.memory_space<vmem>>
      %dma_start3A_187 = arith.constant 0 : i32
      %dma_start3A_188 = tpu.memref_slice %arg11[%dma_start3A_183, %dma_start3A_187] : memref<25x80xi32, #tpu.memory_space<vmem>> -> memref<1x80xi32, #tpu.memory_space<vmem>>
      %dma_start3A_189 = tpu.memref_squeeze %dma_start3A_188 : memref<1x80xi32, #tpu.memory_space<vmem>> -> memref<80xi32, #tpu.memory_space<vmem>>
      %dma_start3A_190 = arith.constant 0 : i32
      %dma_start3A_191 = arith.constant 0 : i32
      %dma_start3A_192 = tpu.memref_slice %arg4[%dma_start3A_190, %dma_start3A_191] : memref<50000x8xf32, #tpu.memory_space<hbm>> -> memref<50000x8xf32, #tpu.memory_space<hbm>>
      tpu.enqueue_indirect_dma source(%dma_start3A_192 : memref<50000x8xf32, #tpu.memory_space<hbm>>) target(%dma_start3A_186 : memref<80x8xf32, #tpu.memory_space<vmem>>) offsets(%dma_start3A_189 : memref<80xi32, #tpu.memory_space<vmem>>) semaphore(%arg18 : memref<!tpu.dma_semaphore, #tpu.memory_space<semaphore_mem>>)
      %dma_start3A_193 = arith.constant 16 : i32
      %dma_start3A_194 = arith.constant 1280 : i32
      %dma_start3A_195 = arith.constant 0 : i32
      %dma_start3A_196 = tpu.memref_slice %arg13[%dma_start3A_194, %dma_start3A_195] : memref<2000x8xf32, #tpu.memory_space<vmem>> -> memref<80x8xf32, #tpu.memory_space<vmem>>
      %dma_start3A_197 = arith.constant 0 : i32
      %dma_start3A_198 = tpu.memref_slice %arg11[%dma_start3A_193, %dma_start3A_197] : memref<25x80xi32, #tpu.memory_space<vmem>> -> memref<1x80xi32, #tpu.memory_space<vmem>>
      %dma_start3A_199 = tpu.memref_squeeze %dma_start3A_198 : memref<1x80xi32, #tpu.memory_space<vmem>> -> memref<80xi32, #tpu.memory_space<vmem>>
      %dma_start3A_200 = arith.constant 0 : i32
      %dma_start3A_201 = arith.constant 0 : i32
      %dma_start3A_202 = tpu.memref_slice %arg4[%dma_start3A_200, %dma_start3A_201] : memref<50000x8xf32, #tpu.memory_space<hbm>> -> memref<50000x8xf32, #tpu.memory_space<hbm>>
      tpu.enqueue_indirect_dma source(%dma_start3A_202 : memref<50000x8xf32, #tpu.memory_space<hbm>>) target(%dma_start3A_196 : memref<80x8xf32, #tpu.memory_space<vmem>>) offsets(%dma_start3A_199 : memref<80xi32, #tpu.memory_space<vmem>>) semaphore(%arg18 : memref<!tpu.dma_semaphore, #tpu.memory_space<semaphore_mem>>)
      %dma_start3A_203 = arith.constant 17 : i32
      %dma_start3A_204 = arith.constant 1360 : i32
      %dma_start3A_205 = arith.constant 0 : i32
      %dma_start3A_206 = tpu.memref_slice %arg13[%dma_start3A_204, %dma_start3A_205] : memref<2000x8xf32, #tpu.memory_space<vmem>> -> memref<80x8xf32, #tpu.memory_space<vmem>>
      %dma_start3A_207 = arith.constant 0 : i32
      %dma_start3A_208 = tpu.memref_slice %arg11[%dma_start3A_203, %dma_start3A_207] : memref<25x80xi32, #tpu.memory_space<vmem>> -> memref<1x80xi32, #tpu.memory_space<vmem>>
      %dma_start3A_209 = tpu.memref_squeeze %dma_start3A_208 : memref<1x80xi32, #tpu.memory_space<vmem>> -> memref<80xi32, #tpu.memory_space<vmem>>
      %dma_start3A_210 = arith.constant 0 : i32
      %dma_start3A_211 = arith.constant 0 : i32
      %dma_start3A_212 = tpu.memref_slice %arg4[%dma_start3A_210, %dma_start3A_211] : memref<50000x8xf32, #tpu.memory_space<hbm>> -> memref<50000x8xf32, #tpu.memory_space<hbm>>
      tpu.enqueue_indirect_dma source(%dma_start3A_212 : memref<50000x8xf32, #tpu.memory_space<hbm>>) target(%dma_start3A_206 : memref<80x8xf32, #tpu.memory_space<vmem>>) offsets(%dma_start3A_209 : memref<80xi32, #tpu.memory_space<vmem>>) semaphore(%arg18 : memref<!tpu.dma_semaphore, #tpu.memory_space<semaphore_mem>>)
      %dma_start3A_213 = arith.constant 18 : i32
      %dma_start3A_214 = arith.constant 1440 : i32
      %dma_start3A_215 = arith.constant 0 : i32
      %dma_start3A_216 = tpu.memref_slice %arg13[%dma_start3A_214, %dma_start3A_215] : memref<2000x8xf32, #tpu.memory_space<vmem>> -> memref<80x8xf32, #tpu.memory_space<vmem>>
      %dma_start3A_217 = arith.constant 0 : i32
      %dma_start3A_218 = tpu.memref_slice %arg11[%dma_start3A_213, %dma_start3A_217] : memref<25x80xi32, #tpu.memory_space<vmem>> -> memref<1x80xi32, #tpu.memory_space<vmem>>
      %dma_start3A_219 = tpu.memref_squeeze %dma_start3A_218 : memref<1x80xi32, #tpu.memory_space<vmem>> -> memref<80xi32, #tpu.memory_space<vmem>>
      %dma_start3A_220 = arith.constant 0 : i32
      %dma_start3A_221 = arith.constant 0 : i32
      %dma_start3A_222 = tpu.memref_slice %arg4[%dma_start3A_220, %dma_start3A_221] : memref<50000x8xf32, #tpu.memory_space<hbm>> -> memref<50000x8xf32, #tpu.memory_space<hbm>>
      tpu.enqueue_indirect_dma source(%dma_start3A_222 : memref<50000x8xf32, #tpu.memory_space<hbm>>) target(%dma_start3A_216 : memref<80x8xf32, #tpu.memory_space<vmem>>) offsets(%dma_start3A_219 : memref<80xi32, #tpu.memory_space<vmem>>) semaphore(%arg18 : memref<!tpu.dma_semaphore, #tpu.memory_space<semaphore_mem>>)
      %dma_start3A_223 = arith.constant 19 : i32
      %dma_start3A_224 = arith.constant 1520 : i32
      %dma_start3A_225 = arith.constant 0 : i32
      %dma_start3A_226 = tpu.memref_slice %arg13[%dma_start3A_224, %dma_start3A_225] : memref<2000x8xf32, #tpu.memory_space<vmem>> -> memref<80x8xf32, #tpu.memory_space<vmem>>
      %dma_start3A_227 = arith.constant 0 : i32
      %dma_start3A_228 = tpu.memref_slice %arg11[%dma_start3A_223, %dma_start3A_227] : memref<25x80xi32, #tpu.memory_space<vmem>> -> memref<1x80xi32, #tpu.memory_space<vmem>>
      %dma_start3A_229 = tpu.memref_squeeze %dma_start3A_228 : memref<1x80xi32, #tpu.memory_space<vmem>> -> memref<80xi32, #tpu.memory_space<vmem>>
      %dma_start3A_230 = arith.constant 0 : i32
      %dma_start3A_231 = arith.constant 0 : i32
      %dma_start3A_232 = tpu.memref_slice %arg4[%dma_start3A_230, %dma_start3A_231] : memref<50000x8xf32, #tpu.memory_space<hbm>> -> memref<50000x8xf32, #tpu.memory_space<hbm>>
      tpu.enqueue_indirect_dma source(%dma_start3A_232 : memref<50000x8xf32, #tpu.memory_space<hbm>>) target(%dma_start3A_226 : memref<80x8xf32, #tpu.memory_space<vmem>>) offsets(%dma_start3A_229 : memref<80xi32, #tpu.memory_space<vmem>>) semaphore(%arg18 : memref<!tpu.dma_semaphore, #tpu.memory_space<semaphore_mem>>)
      %dma_start3A_233 = arith.constant 20 : i32
      %dma_start3A_234 = arith.constant 1600 : i32
      %dma_start3A_235 = arith.constant 0 : i32
      %dma_start3A_236 = tpu.memref_slice %arg13[%dma_start3A_234, %dma_start3A_235] : memref<2000x8xf32, #tpu.memory_space<vmem>> -> memref<80x8xf32, #tpu.memory_space<vmem>>
      %dma_start3A_237 = arith.constant 0 : i32
      %dma_start3A_238 = tpu.memref_slice %arg11[%dma_start3A_233, %dma_start3A_237] : memref<25x80xi32, #tpu.memory_space<vmem>> -> memref<1x80xi32, #tpu.memory_space<vmem>>
      %dma_start3A_239 = tpu.memref_squeeze %dma_start3A_238 : memref<1x80xi32, #tpu.memory_space<vmem>> -> memref<80xi32, #tpu.memory_space<vmem>>
      %dma_start3A_240 = arith.constant 0 : i32
      %dma_start3A_241 = arith.constant 0 : i32
      %dma_start3A_242 = tpu.memref_slice %arg4[%dma_start3A_240, %dma_start3A_241] : memref<50000x8xf32, #tpu.memory_space<hbm>> -> memref<50000x8xf32, #tpu.memory_space<hbm>>
      tpu.enqueue_indirect_dma source(%dma_start3A_242 : memref<50000x8xf32, #tpu.memory_space<hbm>>) target(%dma_start3A_236 : memref<80x8xf32, #tpu.memory_space<vmem>>) offsets(%dma_start3A_239 : memref<80xi32, #tpu.memory_space<vmem>>) semaphore(%arg18 : memref<!tpu.dma_semaphore, #tpu.memory_space<semaphore_mem>>)
      %dma_start3A_243 = arith.constant 21 : i32
      %dma_start3A_244 = arith.constant 1680 : i32
      %dma_start3A_245 = arith.constant 0 : i32
      %dma_start3A_246 = tpu.memref_slice %arg13[%dma_start3A_244, %dma_start3A_245] : memref<2000x8xf32, #tpu.memory_space<vmem>> -> memref<80x8xf32, #tpu.memory_space<vmem>>
      %dma_start3A_247 = arith.constant 0 : i32
      %dma_start3A_248 = tpu.memref_slice %arg11[%dma_start3A_243, %dma_start3A_247] : memref<25x80xi32, #tpu.memory_space<vmem>> -> memref<1x80xi32, #tpu.memory_space<vmem>>
      %dma_start3A_249 = tpu.memref_squeeze %dma_start3A_248 : memref<1x80xi32, #tpu.memory_space<vmem>> -> memref<80xi32, #tpu.memory_space<vmem>>
      %dma_start3A_250 = arith.constant 0 : i32
      %dma_start3A_251 = arith.constant 0 : i32
      %dma_start3A_252 = tpu.memref_slice %arg4[%dma_start3A_250, %dma_start3A_251] : memref<50000x8xf32, #tpu.memory_space<hbm>> -> memref<50000x8xf32, #tpu.memory_space<hbm>>
      tpu.enqueue_indirect_dma source(%dma_start3A_252 : memref<50000x8xf32, #tpu.memory_space<hbm>>) target(%dma_start3A_246 : memref<80x8xf32, #tpu.memory_space<vmem>>) offsets(%dma_start3A_249 : memref<80xi32, #tpu.memory_space<vmem>>) semaphore(%arg18 : memref<!tpu.dma_semaphore, #tpu.memory_space<semaphore_mem>>)
      %dma_start3A_253 = arith.constant 22 : i32
      %dma_start3A_254 = arith.constant 1760 : i32
      %dma_start3A_255 = arith.constant 0 : i32
      %dma_start3A_256 = tpu.memref_slice %arg13[%dma_start3A_254, %dma_start3A_255] : memref<2000x8xf32, #tpu.memory_space<vmem>> -> memref<80x8xf32, #tpu.memory_space<vmem>>
      %dma_start3A_257 = arith.constant 0 : i32
      %dma_start3A_258 = tpu.memref_slice %arg11[%dma_start3A_253, %dma_start3A_257] : memref<25x80xi32, #tpu.memory_space<vmem>> -> memref<1x80xi32, #tpu.memory_space<vmem>>
      %dma_start3A_259 = tpu.memref_squeeze %dma_start3A_258 : memref<1x80xi32, #tpu.memory_space<vmem>> -> memref<80xi32, #tpu.memory_space<vmem>>
      %dma_start3A_260 = arith.constant 0 : i32
      %dma_start3A_261 = arith.constant 0 : i32
      %dma_start3A_262 = tpu.memref_slice %arg4[%dma_start3A_260, %dma_start3A_261] : memref<50000x8xf32, #tpu.memory_space<hbm>> -> memref<50000x8xf32, #tpu.memory_space<hbm>>
      tpu.enqueue_indirect_dma source(%dma_start3A_262 : memref<50000x8xf32, #tpu.memory_space<hbm>>) target(%dma_start3A_256 : memref<80x8xf32, #tpu.memory_space<vmem>>) offsets(%dma_start3A_259 : memref<80xi32, #tpu.memory_space<vmem>>) semaphore(%arg18 : memref<!tpu.dma_semaphore, #tpu.memory_space<semaphore_mem>>)
      %dma_start3A_263 = arith.constant 23 : i32
      %dma_start3A_264 = arith.constant 1840 : i32
      %dma_start3A_265 = arith.constant 0 : i32
      %dma_start3A_266 = tpu.memref_slice %arg13[%dma_start3A_264, %dma_start3A_265] : memref<2000x8xf32, #tpu.memory_space<vmem>> -> memref<80x8xf32, #tpu.memory_space<vmem>>
      %dma_start3A_267 = arith.constant 0 : i32
      %dma_start3A_268 = tpu.memref_slice %arg11[%dma_start3A_263, %dma_start3A_267] : memref<25x80xi32, #tpu.memory_space<vmem>> -> memref<1x80xi32, #tpu.memory_space<vmem>>
      %dma_start3A_269 = tpu.memref_squeeze %dma_start3A_268 : memref<1x80xi32, #tpu.memory_space<vmem>> -> memref<80xi32, #tpu.memory_space<vmem>>
      %dma_start3A_270 = arith.constant 0 : i32
      %dma_start3A_271 = arith.constant 0 : i32
      %dma_start3A_272 = tpu.memref_slice %arg4[%dma_start3A_270, %dma_start3A_271] : memref<50000x8xf32, #tpu.memory_space<hbm>> -> memref<50000x8xf32, #tpu.memory_space<hbm>>
      tpu.enqueue_indirect_dma source(%dma_start3A_272 : memref<50000x8xf32, #tpu.memory_space<hbm>>) target(%dma_start3A_266 : memref<80x8xf32, #tpu.memory_space<vmem>>) offsets(%dma_start3A_269 : memref<80xi32, #tpu.memory_space<vmem>>) semaphore(%arg18 : memref<!tpu.dma_semaphore, #tpu.memory_space<semaphore_mem>>)
      %dma_start3A_273 = arith.constant 24 : i32
      %dma_start3A_274 = arith.constant 1920 : i32
      %dma_start3A_275 = arith.constant 0 : i32
      %dma_start3A_276 = tpu.memref_slice %arg13[%dma_start3A_274, %dma_start3A_275] : memref<2000x8xf32, #tpu.memory_space<vmem>> -> memref<80x8xf32, #tpu.memory_space<vmem>>
      %dma_start3A_277 = arith.constant 0 : i32
      %dma_start3A_278 = tpu.memref_slice %arg11[%dma_start3A_273, %dma_start3A_277] : memref<25x80xi32, #tpu.memory_space<vmem>> -> memref<1x80xi32, #tpu.memory_space<vmem>>
      %dma_start3A_279 = tpu.memref_squeeze %dma_start3A_278 : memref<1x80xi32, #tpu.memory_space<vmem>> -> memref<80xi32, #tpu.memory_space<vmem>>
      %dma_start3A_280 = arith.constant 0 : i32
      %dma_start3A_281 = arith.constant 0 : i32
      %dma_start3A_282 = tpu.memref_slice %arg4[%dma_start3A_280, %dma_start3A_281] : memref<50000x8xf32, #tpu.memory_space<hbm>> -> memref<50000x8xf32, #tpu.memory_space<hbm>>
      tpu.enqueue_indirect_dma source(%dma_start3A_282 : memref<50000x8xf32, #tpu.memory_space<hbm>>) target(%dma_start3A_276 : memref<80x8xf32, #tpu.memory_space<vmem>>) offsets(%dma_start3A_279 : memref<80xi32, #tpu.memory_space<vmem>>) semaphore(%arg18 : memref<!tpu.dma_semaphore, #tpu.memory_space<semaphore_mem>>)
      %dma_wait3A = arith.constant 0 : i32
      %dma_wait3A_283 = arith.constant 0 : i32
      %dma_wait3A_284 = arith.constant 0 : i32
      %dma_wait3A_285 = tpu.memref_slice %arg13[%dma_wait3A_283, %dma_wait3A_284] : memref<2000x8xf32, #tpu.memory_space<vmem>> -> memref<80x8xf32, #tpu.memory_space<vmem>>
      %dma_wait3A_286 = arith.constant 0 : i32
      %dma_wait3A_287 = tpu.memref_slice %arg11[%dma_wait3A, %dma_wait3A_286] : memref<25x80xi32, #tpu.memory_space<vmem>> -> memref<1x80xi32, #tpu.memory_space<vmem>>
      %dma_wait3A_288 = tpu.memref_squeeze %dma_wait3A_287 : memref<1x80xi32, #tpu.memory_space<vmem>> -> memref<80xi32, #tpu.memory_space<vmem>>
      %dma_wait3A_289 = arith.constant 0 : i32
      %dma_wait3A_290 = arith.constant 0 : i32
      %dma_wait3A_291 = tpu.memref_slice %arg4[%dma_wait3A_289, %dma_wait3A_290] : memref<50000x8xf32, #tpu.memory_space<hbm>> -> memref<50000x8xf32, #tpu.memory_space<hbm>>
      tpu.wait_indirect_dma semaphore(%arg18 : memref<!tpu.dma_semaphore, #tpu.memory_space<semaphore_mem>>) src(%dma_wait3A_291 : memref<50000x8xf32, #tpu.memory_space<hbm>>) dst(%dma_wait3A_285 : memref<80x8xf32, #tpu.memory_space<vmem>>)
      %dma_wait3A_292 = arith.constant 1 : i32
      %dma_wait3A_293 = arith.constant 80 : i32
      %dma_wait3A_294 = arith.constant 0 : i32
      %dma_wait3A_295 = tpu.memref_slice %arg13[%dma_wait3A_293, %dma_wait3A_294] : memref<2000x8xf32, #tpu.memory_space<vmem>> -> memref<80x8xf32, #tpu.memory_space<vmem>>
      %dma_wait3A_296 = arith.constant 0 : i32
      %dma_wait3A_297 = tpu.memref_slice %arg11[%dma_wait3A_292, %dma_wait3A_296] : memref<25x80xi32, #tpu.memory_space<vmem>> -> memref<1x80xi32, #tpu.memory_space<vmem>>
      %dma_wait3A_298 = tpu.memref_squeeze %dma_wait3A_297 : memref<1x80xi32, #tpu.memory_space<vmem>> -> memref<80xi32, #tpu.memory_space<vmem>>
      %dma_wait3A_299 = arith.constant 0 : i32
      %dma_wait3A_300 = arith.constant 0 : i32
      %dma_wait3A_301 = tpu.memref_slice %arg4[%dma_wait3A_299, %dma_wait3A_300] : memref<50000x8xf32, #tpu.memory_space<hbm>> -> memref<50000x8xf32, #tpu.memory_space<hbm>>
      tpu.wait_indirect_dma semaphore(%arg18 : memref<!tpu.dma_semaphore, #tpu.memory_space<semaphore_mem>>) src(%dma_wait3A_301 : memref<50000x8xf32, #tpu.memory_space<hbm>>) dst(%dma_wait3A_295 : memref<80x8xf32, #tpu.memory_space<vmem>>)
      %dma_wait3A_302 = arith.constant 2 : i32
      %dma_wait3A_303 = arith.constant 160 : i32
      %dma_wait3A_304 = arith.constant 0 : i32
      %dma_wait3A_305 = tpu.memref_slice %arg13[%dma_wait3A_303, %dma_wait3A_304] : memref<2000x8xf32, #tpu.memory_space<vmem>> -> memref<80x8xf32, #tpu.memory_space<vmem>>
      %dma_wait3A_306 = arith.constant 0 : i32
      %dma_wait3A_307 = tpu.memref_slice %arg11[%dma_wait3A_302, %dma_wait3A_306] : memref<25x80xi32, #tpu.memory_space<vmem>> -> memref<1x80xi32, #tpu.memory_space<vmem>>
      %dma_wait3A_308 = tpu.memref_squeeze %dma_wait3A_307 : memref<1x80xi32, #tpu.memory_space<vmem>> -> memref<80xi32, #tpu.memory_space<vmem>>
      %dma_wait3A_309 = arith.constant 0 : i32
      %dma_wait3A_310 = arith.constant 0 : i32
      %dma_wait3A_311 = tpu.memref_slice %arg4[%dma_wait3A_309, %dma_wait3A_310] : memref<50000x8xf32, #tpu.memory_space<hbm>> -> memref<50000x8xf32, #tpu.memory_space<hbm>>
      tpu.wait_indirect_dma semaphore(%arg18 : memref<!tpu.dma_semaphore, #tpu.memory_space<semaphore_mem>>) src(%dma_wait3A_311 : memref<50000x8xf32, #tpu.memory_space<hbm>>) dst(%dma_wait3A_305 : memref<80x8xf32, #tpu.memory_space<vmem>>)
      %dma_wait3A_312 = arith.constant 3 : i32
      %dma_wait3A_313 = arith.constant 240 : i32
      %dma_wait3A_314 = arith.constant 0 : i32
      %dma_wait3A_315 = tpu.memref_slice %arg13[%dma_wait3A_313, %dma_wait3A_314] : memref<2000x8xf32, #tpu.memory_space<vmem>> -> memref<80x8xf32, #tpu.memory_space<vmem>>
      %dma_wait3A_316 = arith.constant 0 : i32
      %dma_wait3A_317 = tpu.memref_slice %arg11[%dma_wait3A_312, %dma_wait3A_316] : memref<25x80xi32, #tpu.memory_space<vmem>> -> memref<1x80xi32, #tpu.memory_space<vmem>>
      %dma_wait3A_318 = tpu.memref_squeeze %dma_wait3A_317 : memref<1x80xi32, #tpu.memory_space<vmem>> -> memref<80xi32, #tpu.memory_space<vmem>>
      %dma_wait3A_319 = arith.constant 0 : i32
      %dma_wait3A_320 = arith.constant 0 : i32
      %dma_wait3A_321 = tpu.memref_slice %arg4[%dma_wait3A_319, %dma_wait3A_320] : memref<50000x8xf32, #tpu.memory_space<hbm>> -> memref<50000x8xf32, #tpu.memory_space<hbm>>
      tpu.wait_indirect_dma semaphore(%arg18 : memref<!tpu.dma_semaphore, #tpu.memory_space<semaphore_mem>>) src(%dma_wait3A_321 : memref<50000x8xf32, #tpu.memory_space<hbm>>) dst(%dma_wait3A_315 : memref<80x8xf32, #tpu.memory_space<vmem>>)
      %dma_wait3A_322 = arith.constant 4 : i32
      %dma_wait3A_323 = arith.constant 320 : i32
      %dma_wait3A_324 = arith.constant 0 : i32
      %dma_wait3A_325 = tpu.memref_slice %arg13[%dma_wait3A_323, %dma_wait3A_324] : memref<2000x8xf32, #tpu.memory_space<vmem>> -> memref<80x8xf32, #tpu.memory_space<vmem>>
      %dma_wait3A_326 = arith.constant 0 : i32
      %dma_wait3A_327 = tpu.memref_slice %arg11[%dma_wait3A_322, %dma_wait3A_326] : memref<25x80xi32, #tpu.memory_space<vmem>> -> memref<1x80xi32, #tpu.memory_space<vmem>>
      %dma_wait3A_328 = tpu.memref_squeeze %dma_wait3A_327 : memref<1x80xi32, #tpu.memory_space<vmem>> -> memref<80xi32, #tpu.memory_space<vmem>>
      %dma_wait3A_329 = arith.constant 0 : i32
      %dma_wait3A_330 = arith.constant 0 : i32
      %dma_wait3A_331 = tpu.memref_slice %arg4[%dma_wait3A_329, %dma_wait3A_330] : memref<50000x8xf32, #tpu.memory_space<hbm>> -> memref<50000x8xf32, #tpu.memory_space<hbm>>
      tpu.wait_indirect_dma semaphore(%arg18 : memref<!tpu.dma_semaphore, #tpu.memory_space<semaphore_mem>>) src(%dma_wait3A_331 : memref<50000x8xf32, #tpu.memory_space<hbm>>) dst(%dma_wait3A_325 : memref<80x8xf32, #tpu.memory_space<vmem>>)
      %dma_wait3A_332 = arith.constant 5 : i32
      %dma_wait3A_333 = arith.constant 400 : i32
      %dma_wait3A_334 = arith.constant 0 : i32
      %dma_wait3A_335 = tpu.memref_slice %arg13[%dma_wait3A_333, %dma_wait3A_334] : memref<2000x8xf32, #tpu.memory_space<vmem>> -> memref<80x8xf32, #tpu.memory_space<vmem>>
      %dma_wait3A_336 = arith.constant 0 : i32
      %dma_wait3A_337 = tpu.memref_slice %arg11[%dma_wait3A_332, %dma_wait3A_336] : memref<25x80xi32, #tpu.memory_space<vmem>> -> memref<1x80xi32, #tpu.memory_space<vmem>>
      %dma_wait3A_338 = tpu.memref_squeeze %dma_wait3A_337 : memref<1x80xi32, #tpu.memory_space<vmem>> -> memref<80xi32, #tpu.memory_space<vmem>>
      %dma_wait3A_339 = arith.constant 0 : i32
      %dma_wait3A_340 = arith.constant 0 : i32
      %dma_wait3A_341 = tpu.memref_slice %arg4[%dma_wait3A_339, %dma_wait3A_340] : memref<50000x8xf32, #tpu.memory_space<hbm>> -> memref<50000x8xf32, #tpu.memory_space<hbm>>
      tpu.wait_indirect_dma semaphore(%arg18 : memref<!tpu.dma_semaphore, #tpu.memory_space<semaphore_mem>>) src(%dma_wait3A_341 : memref<50000x8xf32, #tpu.memory_space<hbm>>) dst(%dma_wait3A_335 : memref<80x8xf32, #tpu.memory_space<vmem>>)
      %dma_wait3A_342 = arith.constant 6 : i32
      %dma_wait3A_343 = arith.constant 480 : i32
      %dma_wait3A_344 = arith.constant 0 : i32
      %dma_wait3A_345 = tpu.memref_slice %arg13[%dma_wait3A_343, %dma_wait3A_344] : memref<2000x8xf32, #tpu.memory_space<vmem>> -> memref<80x8xf32, #tpu.memory_space<vmem>>
      %dma_wait3A_346 = arith.constant 0 : i32
      %dma_wait3A_347 = tpu.memref_slice %arg11[%dma_wait3A_342, %dma_wait3A_346] : memref<25x80xi32, #tpu.memory_space<vmem>> -> memref<1x80xi32, #tpu.memory_space<vmem>>
      %dma_wait3A_348 = tpu.memref_squeeze %dma_wait3A_347 : memref<1x80xi32, #tpu.memory_space<vmem>> -> memref<80xi32, #tpu.memory_space<vmem>>
      %dma_wait3A_349 = arith.constant 0 : i32
      %dma_wait3A_350 = arith.constant 0 : i32
      %dma_wait3A_351 = tpu.memref_slice %arg4[%dma_wait3A_349, %dma_wait3A_350] : memref<50000x8xf32, #tpu.memory_space<hbm>> -> memref<50000x8xf32, #tpu.memory_space<hbm>>
      tpu.wait_indirect_dma semaphore(%arg18 : memref<!tpu.dma_semaphore, #tpu.memory_space<semaphore_mem>>) src(%dma_wait3A_351 : memref<50000x8xf32, #tpu.memory_space<hbm>>) dst(%dma_wait3A_345 : memref<80x8xf32, #tpu.memory_space<vmem>>)
      %dma_wait3A_352 = arith.constant 7 : i32
      %dma_wait3A_353 = arith.constant 560 : i32
      %dma_wait3A_354 = arith.constant 0 : i32
      %dma_wait3A_355 = tpu.memref_slice %arg13[%dma_wait3A_353, %dma_wait3A_354] : memref<2000x8xf32, #tpu.memory_space<vmem>> -> memref<80x8xf32, #tpu.memory_space<vmem>>
      %dma_wait3A_356 = arith.constant 0 : i32
      %dma_wait3A_357 = tpu.memref_slice %arg11[%dma_wait3A_352, %dma_wait3A_356] : memref<25x80xi32, #tpu.memory_space<vmem>> -> memref<1x80xi32, #tpu.memory_space<vmem>>
      %dma_wait3A_358 = tpu.memref_squeeze %dma_wait3A_357 : memref<1x80xi32, #tpu.memory_space<vmem>> -> memref<80xi32, #tpu.memory_space<vmem>>
      %dma_wait3A_359 = arith.constant 0 : i32
      %dma_wait3A_360 = arith.constant 0 : i32
      %dma_wait3A_361 = tpu.memref_slice %arg4[%dma_wait3A_359, %dma_wait3A_360] : memref<50000x8xf32, #tpu.memory_space<hbm>> -> memref<50000x8xf32, #tpu.memory_space<hbm>>
      tpu.wait_indirect_dma semaphore(%arg18 : memref<!tpu.dma_semaphore, #tpu.memory_space<semaphore_mem>>) src(%dma_wait3A_361 : memref<50000x8xf32, #tpu.memory_space<hbm>>) dst(%dma_wait3A_355 : memref<80x8xf32, #tpu.memory_space<vmem>>)
      %dma_wait3A_362 = arith.constant 8 : i32
      %dma_wait3A_363 = arith.constant 640 : i32
      %dma_wait3A_364 = arith.constant 0 : i32
      %dma_wait3A_365 = tpu.memref_slice %arg13[%dma_wait3A_363, %dma_wait3A_364] : memref<2000x8xf32, #tpu.memory_space<vmem>> -> memref<80x8xf32, #tpu.memory_space<vmem>>
      %dma_wait3A_366 = arith.constant 0 : i32
      %dma_wait3A_367 = tpu.memref_slice %arg11[%dma_wait3A_362, %dma_wait3A_366] : memref<25x80xi32, #tpu.memory_space<vmem>> -> memref<1x80xi32, #tpu.memory_space<vmem>>
      %dma_wait3A_368 = tpu.memref_squeeze %dma_wait3A_367 : memref<1x80xi32, #tpu.memory_space<vmem>> -> memref<80xi32, #tpu.memory_space<vmem>>
      %dma_wait3A_369 = arith.constant 0 : i32
      %dma_wait3A_370 = arith.constant 0 : i32
      %dma_wait3A_371 = tpu.memref_slice %arg4[%dma_wait3A_369, %dma_wait3A_370] : memref<50000x8xf32, #tpu.memory_space<hbm>> -> memref<50000x8xf32, #tpu.memory_space<hbm>>
      tpu.wait_indirect_dma semaphore(%arg18 : memref<!tpu.dma_semaphore, #tpu.memory_space<semaphore_mem>>) src(%dma_wait3A_371 : memref<50000x8xf32, #tpu.memory_space<hbm>>) dst(%dma_wait3A_365 : memref<80x8xf32, #tpu.memory_space<vmem>>)
      %dma_wait3A_372 = arith.constant 9 : i32
      %dma_wait3A_373 = arith.constant 720 : i32
      %dma_wait3A_374 = arith.constant 0 : i32
      %dma_wait3A_375 = tpu.memref_slice %arg13[%dma_wait3A_373, %dma_wait3A_374] : memref<2000x8xf32, #tpu.memory_space<vmem>> -> memref<80x8xf32, #tpu.memory_space<vmem>>
      %dma_wait3A_376 = arith.constant 0 : i32
      %dma_wait3A_377 = tpu.memref_slice %arg11[%dma_wait3A_372, %dma_wait3A_376] : memref<25x80xi32, #tpu.memory_space<vmem>> -> memref<1x80xi32, #tpu.memory_space<vmem>>
      %dma_wait3A_378 = tpu.memref_squeeze %dma_wait3A_377 : memref<1x80xi32, #tpu.memory_space<vmem>> -> memref<80xi32, #tpu.memory_space<vmem>>
      %dma_wait3A_379 = arith.constant 0 : i32
      %dma_wait3A_380 = arith.constant 0 : i32
      %dma_wait3A_381 = tpu.memref_slice %arg4[%dma_wait3A_379, %dma_wait3A_380] : memref<50000x8xf32, #tpu.memory_space<hbm>> -> memref<50000x8xf32, #tpu.memory_space<hbm>>
      tpu.wait_indirect_dma semaphore(%arg18 : memref<!tpu.dma_semaphore, #tpu.memory_space<semaphore_mem>>) src(%dma_wait3A_381 : memref<50000x8xf32, #tpu.memory_space<hbm>>) dst(%dma_wait3A_375 : memref<80x8xf32, #tpu.memory_space<vmem>>)
      %dma_wait3A_382 = arith.constant 10 : i32
      %dma_wait3A_383 = arith.constant 800 : i32
      %dma_wait3A_384 = arith.constant 0 : i32
      %dma_wait3A_385 = tpu.memref_slice %arg13[%dma_wait3A_383, %dma_wait3A_384] : memref<2000x8xf32, #tpu.memory_space<vmem>> -> memref<80x8xf32, #tpu.memory_space<vmem>>
      %dma_wait3A_386 = arith.constant 0 : i32
      %dma_wait3A_387 = tpu.memref_slice %arg11[%dma_wait3A_382, %dma_wait3A_386] : memref<25x80xi32, #tpu.memory_space<vmem>> -> memref<1x80xi32, #tpu.memory_space<vmem>>
      %dma_wait3A_388 = tpu.memref_squeeze %dma_wait3A_387 : memref<1x80xi32, #tpu.memory_space<vmem>> -> memref<80xi32, #tpu.memory_space<vmem>>
      %dma_wait3A_389 = arith.constant 0 : i32
      %dma_wait3A_390 = arith.constant 0 : i32
      %dma_wait3A_391 = tpu.memref_slice %arg4[%dma_wait3A_389, %dma_wait3A_390] : memref<50000x8xf32, #tpu.memory_space<hbm>> -> memref<50000x8xf32, #tpu.memory_space<hbm>>
      tpu.wait_indirect_dma semaphore(%arg18 : memref<!tpu.dma_semaphore, #tpu.memory_space<semaphore_mem>>) src(%dma_wait3A_391 : memref<50000x8xf32, #tpu.memory_space<hbm>>) dst(%dma_wait3A_385 : memref<80x8xf32, #tpu.memory_space<vmem>>)
      %dma_wait3A_392 = arith.constant 11 : i32
      %dma_wait3A_393 = arith.constant 880 : i32
      %dma_wait3A_394 = arith.constant 0 : i32
      %dma_wait3A_395 = tpu.memref_slice %arg13[%dma_wait3A_393, %dma_wait3A_394] : memref<2000x8xf32, #tpu.memory_space<vmem>> -> memref<80x8xf32, #tpu.memory_space<vmem>>
      %dma_wait3A_396 = arith.constant 0 : i32
      %dma_wait3A_397 = tpu.memref_slice %arg11[%dma_wait3A_392, %dma_wait3A_396] : memref<25x80xi32, #tpu.memory_space<vmem>> -> memref<1x80xi32, #tpu.memory_space<vmem>>
      %dma_wait3A_398 = tpu.memref_squeeze %dma_wait3A_397 : memref<1x80xi32, #tpu.memory_space<vmem>> -> memref<80xi32, #tpu.memory_space<vmem>>
      %dma_wait3A_399 = arith.constant 0 : i32
      %dma_wait3A_400 = arith.constant 0 : i32
      %dma_wait3A_401 = tpu.memref_slice %arg4[%dma_wait3A_399, %dma_wait3A_400] : memref<50000x8xf32, #tpu.memory_space<hbm>> -> memref<50000x8xf32, #tpu.memory_space<hbm>>
      tpu.wait_indirect_dma semaphore(%arg18 : memref<!tpu.dma_semaphore, #tpu.memory_space<semaphore_mem>>) src(%dma_wait3A_401 : memref<50000x8xf32, #tpu.memory_space<hbm>>) dst(%dma_wait3A_395 : memref<80x8xf32, #tpu.memory_space<vmem>>)
      %dma_wait3A_402 = arith.constant 12 : i32
      %dma_wait3A_403 = arith.constant 960 : i32
      %dma_wait3A_404 = arith.constant 0 : i32
      %dma_wait3A_405 = tpu.memref_slice %arg13[%dma_wait3A_403, %dma_wait3A_404] : memref<2000x8xf32, #tpu.memory_space<vmem>> -> memref<80x8xf32, #tpu.memory_space<vmem>>
      %dma_wait3A_406 = arith.constant 0 : i32
      %dma_wait3A_407 = tpu.memref_slice %arg11[%dma_wait3A_402, %dma_wait3A_406] : memref<25x80xi32, #tpu.memory_space<vmem>> -> memref<1x80xi32, #tpu.memory_space<vmem>>
      %dma_wait3A_408 = tpu.memref_squeeze %dma_wait3A_407 : memref<1x80xi32, #tpu.memory_space<vmem>> -> memref<80xi32, #tpu.memory_space<vmem>>
      %dma_wait3A_409 = arith.constant 0 : i32
      %dma_wait3A_410 = arith.constant 0 : i32
      %dma_wait3A_411 = tpu.memref_slice %arg4[%dma_wait3A_409, %dma_wait3A_410] : memref<50000x8xf32, #tpu.memory_space<hbm>> -> memref<50000x8xf32, #tpu.memory_space<hbm>>
      tpu.wait_indirect_dma semaphore(%arg18 : memref<!tpu.dma_semaphore, #tpu.memory_space<semaphore_mem>>) src(%dma_wait3A_411 : memref<50000x8xf32, #tpu.memory_space<hbm>>) dst(%dma_wait3A_405 : memref<80x8xf32, #tpu.memory_space<vmem>>)
      %dma_wait3A_412 = arith.constant 13 : i32
      %dma_wait3A_413 = arith.constant 1040 : i32
      %dma_wait3A_414 = arith.constant 0 : i32
      %dma_wait3A_415 = tpu.memref_slice %arg13[%dma_wait3A_413, %dma_wait3A_414] : memref<2000x8xf32, #tpu.memory_space<vmem>> -> memref<80x8xf32, #tpu.memory_space<vmem>>
      %dma_wait3A_416 = arith.constant 0 : i32
      %dma_wait3A_417 = tpu.memref_slice %arg11[%dma_wait3A_412, %dma_wait3A_416] : memref<25x80xi32, #tpu.memory_space<vmem>> -> memref<1x80xi32, #tpu.memory_space<vmem>>
      %dma_wait3A_418 = tpu.memref_squeeze %dma_wait3A_417 : memref<1x80xi32, #tpu.memory_space<vmem>> -> memref<80xi32, #tpu.memory_space<vmem>>
      %dma_wait3A_419 = arith.constant 0 : i32
      %dma_wait3A_420 = arith.constant 0 : i32
      %dma_wait3A_421 = tpu.memref_slice %arg4[%dma_wait3A_419, %dma_wait3A_420] : memref<50000x8xf32, #tpu.memory_space<hbm>> -> memref<50000x8xf32, #tpu.memory_space<hbm>>
      tpu.wait_indirect_dma semaphore(%arg18 : memref<!tpu.dma_semaphore, #tpu.memory_space<semaphore_mem>>) src(%dma_wait3A_421 : memref<50000x8xf32, #tpu.memory_space<hbm>>) dst(%dma_wait3A_415 : memref<80x8xf32, #tpu.memory_space<vmem>>)
      %dma_wait3A_422 = arith.constant 14 : i32
      %dma_wait3A_423 = arith.constant 1120 : i32
      %dma_wait3A_424 = arith.constant 0 : i32
      %dma_wait3A_425 = tpu.memref_slice %arg13[%dma_wait3A_423, %dma_wait3A_424] : memref<2000x8xf32, #tpu.memory_space<vmem>> -> memref<80x8xf32, #tpu.memory_space<vmem>>
      %dma_wait3A_426 = arith.constant 0 : i32
      %dma_wait3A_427 = tpu.memref_slice %arg11[%dma_wait3A_422, %dma_wait3A_426] : memref<25x80xi32, #tpu.memory_space<vmem>> -> memref<1x80xi32, #tpu.memory_space<vmem>>
      %dma_wait3A_428 = tpu.memref_squeeze %dma_wait3A_427 : memref<1x80xi32, #tpu.memory_space<vmem>> -> memref<80xi32, #tpu.memory_space<vmem>>
      %dma_wait3A_429 = arith.constant 0 : i32
      %dma_wait3A_430 = arith.constant 0 : i32
      %dma_wait3A_431 = tpu.memref_slice %arg4[%dma_wait3A_429, %dma_wait3A_430] : memref<50000x8xf32, #tpu.memory_space<hbm>> -> memref<50000x8xf32, #tpu.memory_space<hbm>>
      tpu.wait_indirect_dma semaphore(%arg18 : memref<!tpu.dma_semaphore, #tpu.memory_space<semaphore_mem>>) src(%dma_wait3A_431 : memref<50000x8xf32, #tpu.memory_space<hbm>>) dst(%dma_wait3A_425 : memref<80x8xf32, #tpu.memory_space<vmem>>)
      %dma_wait3A_432 = arith.constant 15 : i32
      %dma_wait3A_433 = arith.constant 1200 : i32
      %dma_wait3A_434 = arith.constant 0 : i32
      %dma_wait3A_435 = tpu.memref_slice %arg13[%dma_wait3A_433, %dma_wait3A_434] : memref<2000x8xf32, #tpu.memory_space<vmem>> -> memref<80x8xf32, #tpu.memory_space<vmem>>
      %dma_wait3A_436 = arith.constant 0 : i32
      %dma_wait3A_437 = tpu.memref_slice %arg11[%dma_wait3A_432, %dma_wait3A_436] : memref<25x80xi32, #tpu.memory_space<vmem>> -> memref<1x80xi32, #tpu.memory_space<vmem>>
      %dma_wait3A_438 = tpu.memref_squeeze %dma_wait3A_437 : memref<1x80xi32, #tpu.memory_space<vmem>> -> memref<80xi32, #tpu.memory_space<vmem>>
      %dma_wait3A_439 = arith.constant 0 : i32
      %dma_wait3A_440 = arith.constant 0 : i32
      %dma_wait3A_441 = tpu.memref_slice %arg4[%dma_wait3A_439, %dma_wait3A_440] : memref<50000x8xf32, #tpu.memory_space<hbm>> -> memref<50000x8xf32, #tpu.memory_space<hbm>>
      tpu.wait_indirect_dma semaphore(%arg18 : memref<!tpu.dma_semaphore, #tpu.memory_space<semaphore_mem>>) src(%dma_wait3A_441 : memref<50000x8xf32, #tpu.memory_space<hbm>>) dst(%dma_wait3A_435 : memref<80x8xf32, #tpu.memory_space<vmem>>)
      %dma_wait3A_442 = arith.constant 16 : i32
      %dma_wait3A_443 = arith.constant 1280 : i32
      %dma_wait3A_444 = arith.constant 0 : i32
      %dma_wait3A_445 = tpu.memref_slice %arg13[%dma_wait3A_443, %dma_wait3A_444] : memref<2000x8xf32, #tpu.memory_space<vmem>> -> memref<80x8xf32, #tpu.memory_space<vmem>>
      %dma_wait3A_446 = arith.constant 0 : i32
      %dma_wait3A_447 = tpu.memref_slice %arg11[%dma_wait3A_442, %dma_wait3A_446] : memref<25x80xi32, #tpu.memory_space<vmem>> -> memref<1x80xi32, #tpu.memory_space<vmem>>
      %dma_wait3A_448 = tpu.memref_squeeze %dma_wait3A_447 : memref<1x80xi32, #tpu.memory_space<vmem>> -> memref<80xi32, #tpu.memory_space<vmem>>
      %dma_wait3A_449 = arith.constant 0 : i32
      %dma_wait3A_450 = arith.constant 0 : i32
      %dma_wait3A_451 = tpu.memref_slice %arg4[%dma_wait3A_449, %dma_wait3A_450] : memref<50000x8xf32, #tpu.memory_space<hbm>> -> memref<50000x8xf32, #tpu.memory_space<hbm>>
      tpu.wait_indirect_dma semaphore(%arg18 : memref<!tpu.dma_semaphore, #tpu.memory_space<semaphore_mem>>) src(%dma_wait3A_451 : memref<50000x8xf32, #tpu.memory_space<hbm>>) dst(%dma_wait3A_445 : memref<80x8xf32, #tpu.memory_space<vmem>>)
      %dma_wait3A_452 = arith.constant 17 : i32
      %dma_wait3A_453 = arith.constant 1360 : i32
      %dma_wait3A_454 = arith.constant 0 : i32
      %dma_wait3A_455 = tpu.memref_slice %arg13[%dma_wait3A_453, %dma_wait3A_454] : memref<2000x8xf32, #tpu.memory_space<vmem>> -> memref<80x8xf32, #tpu.memory_space<vmem>>
      %dma_wait3A_456 = arith.constant 0 : i32
      %dma_wait3A_457 = tpu.memref_slice %arg11[%dma_wait3A_452, %dma_wait3A_456] : memref<25x80xi32, #tpu.memory_space<vmem>> -> memref<1x80xi32, #tpu.memory_space<vmem>>
      %dma_wait3A_458 = tpu.memref_squeeze %dma_wait3A_457 : memref<1x80xi32, #tpu.memory_space<vmem>> -> memref<80xi32, #tpu.memory_space<vmem>>
      %dma_wait3A_459 = arith.constant 0 : i32
      %dma_wait3A_460 = arith.constant 0 : i32
      %dma_wait3A_461 = tpu.memref_slice %arg4[%dma_wait3A_459, %dma_wait3A_460] : memref<50000x8xf32, #tpu.memory_space<hbm>> -> memref<50000x8xf32, #tpu.memory_space<hbm>>
      tpu.wait_indirect_dma semaphore(%arg18 : memref<!tpu.dma_semaphore, #tpu.memory_space<semaphore_mem>>) src(%dma_wait3A_461 : memref<50000x8xf32, #tpu.memory_space<hbm>>) dst(%dma_wait3A_455 : memref<80x8xf32, #tpu.memory_space<vmem>>)
      %dma_wait3A_462 = arith.constant 18 : i32
      %dma_wait3A_463 = arith.constant 1440 : i32
      %dma_wait3A_464 = arith.constant 0 : i32
      %dma_wait3A_465 = tpu.memref_slice %arg13[%dma_wait3A_463, %dma_wait3A_464] : memref<2000x8xf32, #tpu.memory_space<vmem>> -> memref<80x8xf32, #tpu.memory_space<vmem>>
      %dma_wait3A_466 = arith.constant 0 : i32
      %dma_wait3A_467 = tpu.memref_slice %arg11[%dma_wait3A_462, %dma_wait3A_466] : memref<25x80xi32, #tpu.memory_space<vmem>> -> memref<1x80xi32, #tpu.memory_space<vmem>>
      %dma_wait3A_468 = tpu.memref_squeeze %dma_wait3A_467 : memref<1x80xi32, #tpu.memory_space<vmem>> -> memref<80xi32, #tpu.memory_space<vmem>>
      %dma_wait3A_469 = arith.constant 0 : i32
      %dma_wait3A_470 = arith.constant 0 : i32
      %dma_wait3A_471 = tpu.memref_slice %arg4[%dma_wait3A_469, %dma_wait3A_470] : memref<50000x8xf32, #tpu.memory_space<hbm>> -> memref<50000x8xf32, #tpu.memory_space<hbm>>
      tpu.wait_indirect_dma semaphore(%arg18 : memref<!tpu.dma_semaphore, #tpu.memory_space<semaphore_mem>>) src(%dma_wait3A_471 : memref<50000x8xf32, #tpu.memory_space<hbm>>) dst(%dma_wait3A_465 : memref<80x8xf32, #tpu.memory_space<vmem>>)
      %dma_wait3A_472 = arith.constant 19 : i32
      %dma_wait3A_473 = arith.constant 1520 : i32
      %dma_wait3A_474 = arith.constant 0 : i32
      %dma_wait3A_475 = tpu.memref_slice %arg13[%dma_wait3A_473, %dma_wait3A_474] : memref<2000x8xf32, #tpu.memory_space<vmem>> -> memref<80x8xf32, #tpu.memory_space<vmem>>
      %dma_wait3A_476 = arith.constant 0 : i32
      %dma_wait3A_477 = tpu.memref_slice %arg11[%dma_wait3A_472, %dma_wait3A_476] : memref<25x80xi32, #tpu.memory_space<vmem>> -> memref<1x80xi32, #tpu.memory_space<vmem>>
      %dma_wait3A_478 = tpu.memref_squeeze %dma_wait3A_477 : memref<1x80xi32, #tpu.memory_space<vmem>> -> memref<80xi32, #tpu.memory_space<vmem>>
      %dma_wait3A_479 = arith.constant 0 : i32
      %dma_wait3A_480 = arith.constant 0 : i32
      %dma_wait3A_481 = tpu.memref_slice %arg4[%dma_wait3A_479, %dma_wait3A_480] : memref<50000x8xf32, #tpu.memory_space<hbm>> -> memref<50000x8xf32, #tpu.memory_space<hbm>>
      tpu.wait_indirect_dma semaphore(%arg18 : memref<!tpu.dma_semaphore, #tpu.memory_space<semaphore_mem>>) src(%dma_wait3A_481 : memref<50000x8xf32, #tpu.memory_space<hbm>>) dst(%dma_wait3A_475 : memref<80x8xf32, #tpu.memory_space<vmem>>)
      %dma_wait3A_482 = arith.constant 20 : i32
      %dma_wait3A_483 = arith.constant 1600 : i32
      %dma_wait3A_484 = arith.constant 0 : i32
      %dma_wait3A_485 = tpu.memref_slice %arg13[%dma_wait3A_483, %dma_wait3A_484] : memref<2000x8xf32, #tpu.memory_space<vmem>> -> memref<80x8xf32, #tpu.memory_space<vmem>>
      %dma_wait3A_486 = arith.constant 0 : i32
      %dma_wait3A_487 = tpu.memref_slice %arg11[%dma_wait3A_482, %dma_wait3A_486] : memref<25x80xi32, #tpu.memory_space<vmem>> -> memref<1x80xi32, #tpu.memory_space<vmem>>
      %dma_wait3A_488 = tpu.memref_squeeze %dma_wait3A_487 : memref<1x80xi32, #tpu.memory_space<vmem>> -> memref<80xi32, #tpu.memory_space<vmem>>
      %dma_wait3A_489 = arith.constant 0 : i32
      %dma_wait3A_490 = arith.constant 0 : i32
      %dma_wait3A_491 = tpu.memref_slice %arg4[%dma_wait3A_489, %dma_wait3A_490] : memref<50000x8xf32, #tpu.memory_space<hbm>> -> memref<50000x8xf32, #tpu.memory_space<hbm>>
      tpu.wait_indirect_dma semaphore(%arg18 : memref<!tpu.dma_semaphore, #tpu.memory_space<semaphore_mem>>) src(%dma_wait3A_491 : memref<50000x8xf32, #tpu.memory_space<hbm>>) dst(%dma_wait3A_485 : memref<80x8xf32, #tpu.memory_space<vmem>>)
      %dma_wait3A_492 = arith.constant 21 : i32
      %dma_wait3A_493 = arith.constant 1680 : i32
      %dma_wait3A_494 = arith.constant 0 : i32
      %dma_wait3A_495 = tpu.memref_slice %arg13[%dma_wait3A_493, %dma_wait3A_494] : memref<2000x8xf32, #tpu.memory_space<vmem>> -> memref<80x8xf32, #tpu.memory_space<vmem>>
      %dma_wait3A_496 = arith.constant 0 : i32
      %dma_wait3A_497 = tpu.memref_slice %arg11[%dma_wait3A_492, %dma_wait3A_496] : memref<25x80xi32, #tpu.memory_space<vmem>> -> memref<1x80xi32, #tpu.memory_space<vmem>>
      %dma_wait3A_498 = tpu.memref_squeeze %dma_wait3A_497 : memref<1x80xi32, #tpu.memory_space<vmem>> -> memref<80xi32, #tpu.memory_space<vmem>>
      %dma_wait3A_499 = arith.constant 0 : i32
      %dma_wait3A_500 = arith.constant 0 : i32
      %dma_wait3A_501 = tpu.memref_slice %arg4[%dma_wait3A_499, %dma_wait3A_500] : memref<50000x8xf32, #tpu.memory_space<hbm>> -> memref<50000x8xf32, #tpu.memory_space<hbm>>
      tpu.wait_indirect_dma semaphore(%arg18 : memref<!tpu.dma_semaphore, #tpu.memory_space<semaphore_mem>>) src(%dma_wait3A_501 : memref<50000x8xf32, #tpu.memory_space<hbm>>) dst(%dma_wait3A_495 : memref<80x8xf32, #tpu.memory_space<vmem>>)
      %dma_wait3A_502 = arith.constant 22 : i32
      %dma_wait3A_503 = arith.constant 1760 : i32
      %dma_wait3A_504 = arith.constant 0 : i32
      %dma_wait3A_505 = tpu.memref_slice %arg13[%dma_wait3A_503, %dma_wait3A_504] : memref<2000x8xf32, #tpu.memory_space<vmem>> -> memref<80x8xf32, #tpu.memory_space<vmem>>
      %dma_wait3A_506 = arith.constant 0 : i32
      %dma_wait3A_507 = tpu.memref_slice %arg11[%dma_wait3A_502, %dma_wait3A_506] : memref<25x80xi32, #tpu.memory_space<vmem>> -> memref<1x80xi32, #tpu.memory_space<vmem>>
      %dma_wait3A_508 = tpu.memref_squeeze %dma_wait3A_507 : memref<1x80xi32, #tpu.memory_space<vmem>> -> memref<80xi32, #tpu.memory_space<vmem>>
      %dma_wait3A_509 = arith.constant 0 : i32
      %dma_wait3A_510 = arith.constant 0 : i32
      %dma_wait3A_511 = tpu.memref_slice %arg4[%dma_wait3A_509, %dma_wait3A_510] : memref<50000x8xf32, #tpu.memory_space<hbm>> -> memref<50000x8xf32, #tpu.memory_space<hbm>>
      tpu.wait_indirect_dma semaphore(%arg18 : memref<!tpu.dma_semaphore, #tpu.memory_space<semaphore_mem>>) src(%dma_wait3A_511 : memref<50000x8xf32, #tpu.memory_space<hbm>>) dst(%dma_wait3A_505 : memref<80x8xf32, #tpu.memory_space<vmem>>)
      %dma_wait3A_512 = arith.constant 23 : i32
      %dma_wait3A_513 = arith.constant 1840 : i32
      %dma_wait3A_514 = arith.constant 0 : i32
      %dma_wait3A_515 = tpu.memref_slice %arg13[%dma_wait3A_513, %dma_wait3A_514] : memref<2000x8xf32, #tpu.memory_space<vmem>> -> memref<80x8xf32, #tpu.memory_space<vmem>>
      %dma_wait3A_516 = arith.constant 0 : i32
      %dma_wait3A_517 = tpu.memref_slice %arg11[%dma_wait3A_512, %dma_wait3A_516] : memref<25x80xi32, #tpu.memory_space<vmem>> -> memref<1x80xi32, #tpu.memory_space<vmem>>
      %dma_wait3A_518 = tpu.memref_squeeze %dma_wait3A_517 : memref<1x80xi32, #tpu.memory_space<vmem>> -> memref<80xi32, #tpu.memory_space<vmem>>
      %dma_wait3A_519 = arith.constant 0 : i32
      %dma_wait3A_520 = arith.constant 0 : i32
      %dma_wait3A_521 = tpu.memref_slice %arg4[%dma_wait3A_519, %dma_wait3A_520] : memref<50000x8xf32, #tpu.memory_space<hbm>> -> memref<50000x8xf32, #tpu.memory_space<hbm>>
      tpu.wait_indirect_dma semaphore(%arg18 : memref<!tpu.dma_semaphore, #tpu.memory_space<semaphore_mem>>) src(%dma_wait3A_521 : memref<50000x8xf32, #tpu.memory_space<hbm>>) dst(%dma_wait3A_515 : memref<80x8xf32, #tpu.memory_space<vmem>>)
      %dma_wait3A_522 = arith.constant 24 : i32
      %dma_wait3A_523 = arith.constant 1920 : i32
      %dma_wait3A_524 = arith.constant 0 : i32
      %dma_wait3A_525 = tpu.memref_slice %arg13[%dma_wait3A_523, %dma_wait3A_524] : memref<2000x8xf32, #tpu.memory_space<vmem>> -> memref<80x8xf32, #tpu.memory_space<vmem>>
      %dma_wait3A_526 = arith.constant 0 : i32
      %dma_wait3A_527 = tpu.memref_slice %arg11[%dma_wait3A_522, %dma_wait3A_526] : memref<25x80xi32, #tpu.memory_space<vmem>> -> memref<1x80xi32, #tpu.memory_space<vmem>>
      %dma_wait3A_528 = tpu.memref_squeeze %dma_wait3A_527 : memref<1x80xi32, #tpu.memory_space<vmem>> -> memref<80xi32, #tpu.memory_space<vmem>>
      %dma_wait3A_529 = arith.constant 0 : i32
      %dma_wait3A_530 = arith.constant 0 : i32
      %dma_wait3A_531 = tpu.memref_slice %arg4[%dma_wait3A_529, %dma_wait3A_530] : memref<50000x8xf32, #tpu.memory_space<hbm>> -> memref<50000x8xf32, #tpu.memory_space<hbm>>
      tpu.wait_indirect_dma semaphore(%arg18 : memref<!tpu.dma_semaphore, #tpu.memory_space<semaphore_mem>>) src(%dma_wait3A_531 : memref<50000x8xf32, #tpu.memory_space<hbm>>) dst(%dma_wait3A_525 : memref<80x8xf32, #tpu.memory_space<vmem>>)
      %scan3A_532 = arith.constant 0 : i32
      %scan3A_533 = arith.constant 0 : i32
      %scan3A_534 = arith.constant 25 : i32
      %scan3A_535 = arith.addi %scan3A_533, %scan3A_534 : i32
      %scan3A_536 = arith.constant 1 : i32
      %scan3A_537 = scf.for %scan3A_1545 = %scan3A_533 to %scan3A_535 step %scan3A_536 iter_args(%scan3A_1546 = %scan3A_532) -> (i32)  : i32 {
        %add3A_1547 = vector.broadcast %scan3A_1545 : i32 to vector<16xi32>
        %add3A_1548 = arith.addi %broadcast_in_dim3A_3, %add3A_1547 : vector<16xi32>
        %add3A_1549 = arith.constant 0 : i32
        %add3A_1550 = vector.broadcast %add3A_1549 : i32 to vector<16xi32>
        %add3A_1551 = arith.addi %iota3A, %add3A_1550 : vector<16xi32>
        %gather3A = tpu.vector_load_idx %arg10[%add3A_1548, %add3A_1551] : memref<25x80xi32, #tpu.memory_space<vmem>>[vector<16xi32>, vector<16xi32>], vector<16xi32>,
        %shift_right_arithmetic3A = arith.constant 1 : i32
        %shift_right_arithmetic3A_1552 = vector.broadcast %shift_right_arithmetic3A : i32 to vector<16xi32>
        %shift_right_arithmetic3A_1553 = arith.shrsi %gather3A, %shift_right_arithmetic3A_1552 : vector<16xi32>
        tpu.vector_store_idx %arg11[%add3A_1548, %add3A_1551], %shift_right_arithmetic3A_1553 : memref<25x80xi32, #tpu.memory_space<vmem>>[vector<16xi32>, vector<16xi32>], vector<16xi32>,
        %add3A_1554 = arith.constant 16 : i32
        %add3A_1555 = vector.broadcast %add3A_1554 : i32 to vector<16xi32>
        %add3A_1556 = arith.addi %iota3A, %add3A_1555 : vector<16xi32>
        %gather3A_1557 = tpu.vector_load_idx %arg10[%add3A_1548, %add3A_1556] : memref<25x80xi32, #tpu.memory_space<vmem>>[vector<16xi32>, vector<16xi32>], vector<16xi32>,
        %shift_right_arithmetic3A_1558 = arith.constant 1 : i32
        %shift_right_arithmetic3A_1559 = vector.broadcast %shift_right_arithmetic3A_1558 : i32 to vector<16xi32>
        %shift_right_arithmetic3A_1560 = arith.shrsi %gather3A_1557, %shift_right_arithmetic3A_1559 : vector<16xi32>
        tpu.vector_store_idx %arg11[%add3A_1548, %add3A_1556], %shift_right_arithmetic3A_1560 : memref<25x80xi32, #tpu.memory_space<vmem>>[vector<16xi32>, vector<16xi32>], vector<16xi32>,
        %add3A_1561 = arith.constant 32 : i32
        %add3A_1562 = vector.broadcast %add3A_1561 : i32 to vector<16xi32>
        %add3A_1563 = arith.addi %iota3A, %add3A_1562 : vector<16xi32>
        %gather3A_1564 = tpu.vector_load_idx %arg10[%add3A_1548, %add3A_1563] : memref<25x80xi32, #tpu.memory_space<vmem>>[vector<16xi32>, vector<16xi32>], vector<16xi32>,
        %shift_right_arithmetic3A_1565 = arith.constant 1 : i32
        %shift_right_arithmetic3A_1566 = vector.broadcast %shift_right_arithmetic3A_1565 : i32 to vector<16xi32>
        %shift_right_arithmetic3A_1567 = arith.shrsi %gather3A_1564, %shift_right_arithmetic3A_1566 : vector<16xi32>
        tpu.vector_store_idx %arg11[%add3A_1548, %add3A_1563], %shift_right_arithmetic3A_1567 : memref<25x80xi32, #tpu.memory_space<vmem>>[vector<16xi32>, vector<16xi32>], vector<16xi32>,
        %add3A_1568 = arith.constant 48 : i32
        %add3A_1569 = vector.broadcast %add3A_1568 : i32 to vector<16xi32>
        %add3A_1570 = arith.addi %iota3A, %add3A_1569 : vector<16xi32>
        %gather3A_1571 = tpu.vector_load_idx %arg10[%add3A_1548, %add3A_1570] : memref<25x80xi32, #tpu.memory_space<vmem>>[vector<16xi32>, vector<16xi32>], vector<16xi32>,
        %shift_right_arithmetic3A_1572 = arith.constant 1 : i32
        %shift_right_arithmetic3A_1573 = vector.broadcast %shift_right_arithmetic3A_1572 : i32 to vector<16xi32>
        %shift_right_arithmetic3A_1574 = arith.shrsi %gather3A_1571, %shift_right_arithmetic3A_1573 : vector<16xi32>
        tpu.vector_store_idx %arg11[%add3A_1548, %add3A_1570], %shift_right_arithmetic3A_1574 : memref<25x80xi32, #tpu.memory_space<vmem>>[vector<16xi32>, vector<16xi32>], vector<16xi32>,
        %add3A_1575 = arith.constant 64 : i32
        %add3A_1576 = vector.broadcast %add3A_1575 : i32 to vector<16xi32>
        %add3A_1577 = arith.addi %iota3A, %add3A_1576 : vector<16xi32>
        %gather3A_1578 = tpu.vector_load_idx %arg10[%add3A_1548, %add3A_1577] : memref<25x80xi32, #tpu.memory_space<vmem>>[vector<16xi32>, vector<16xi32>], vector<16xi32>,
        %shift_right_arithmetic3A_1579 = arith.constant 1 : i32
        %shift_right_arithmetic3A_1580 = vector.broadcast %shift_right_arithmetic3A_1579 : i32 to vector<16xi32>
        %shift_right_arithmetic3A_1581 = arith.shrsi %gather3A_1578, %shift_right_arithmetic3A_1580 : vector<16xi32>
        tpu.vector_store_idx %arg11[%add3A_1548, %add3A_1577], %shift_right_arithmetic3A_1581 : memref<25x80xi32, #tpu.memory_space<vmem>>[vector<16xi32>, vector<16xi32>], vector<16xi32>,
        %scan3A_1582 = arith.constant 0 : i32
        scf.yield %scan3A_1582 : i32
      }
      %scan3A_538 = arith.constant 25 : i32
      %dma_start3A_539 = arith.constant 0 : i32
      %dma_start3A_540 = arith.constant 0 : i32
      %dma_start3A_541 = arith.constant 0 : i32
      %dma_start3A_542 = tpu.memref_slice %arg14[%dma_start3A_540, %dma_start3A_541] : memref<2000x8xf32, #tpu.memory_space<vmem>> -> memref<80x8xf32, #tpu.memory_space<vmem>>
      %dma_start3A_543 = arith.constant 0 : i32
      %dma_start3A_544 = tpu.memref_slice %arg11[%dma_start3A_539, %dma_start3A_543] : memref<25x80xi32, #tpu.memory_space<vmem>> -> memref<1x80xi32, #tpu.memory_space<vmem>>
      %dma_start3A_545 = tpu.memref_squeeze %dma_start3A_544 : memref<1x80xi32, #tpu.memory_space<vmem>> -> memref<80xi32, #tpu.memory_space<vmem>>
      %dma_start3A_546 = arith.constant 0 : i32
      %dma_start3A_547 = arith.constant 0 : i32
      %dma_start3A_548 = tpu.memref_slice %arg4[%dma_start3A_546, %dma_start3A_547] : memref<50000x8xf32, #tpu.memory_space<hbm>> -> memref<50000x8xf32, #tpu.memory_space<hbm>>
      tpu.enqueue_indirect_dma source(%dma_start3A_548 : memref<50000x8xf32, #tpu.memory_space<hbm>>) target(%dma_start3A_542 : memref<80x8xf32, #tpu.memory_space<vmem>>) offsets(%dma_start3A_545 : memref<80xi32, #tpu.memory_space<vmem>>) semaphore(%arg18 : memref<!tpu.dma_semaphore, #tpu.memory_space<semaphore_mem>>)
      %dma_start3A_549 = arith.constant 1 : i32
      %dma_start3A_550 = arith.constant 80 : i32
      %dma_start3A_551 = arith.constant 0 : i32
      %dma_start3A_552 = tpu.memref_slice %arg14[%dma_start3A_550, %dma_start3A_551] : memref<2000x8xf32, #tpu.memory_space<vmem>> -> memref<80x8xf32, #tpu.memory_space<vmem>>
      %dma_start3A_553 = arith.constant 0 : i32
      %dma_start3A_554 = tpu.memref_slice %arg11[%dma_start3A_549, %dma_start3A_553] : memref<25x80xi32, #tpu.memory_space<vmem>> -> memref<1x80xi32, #tpu.memory_space<vmem>>
      %dma_start3A_555 = tpu.memref_squeeze %dma_start3A_554 : memref<1x80xi32, #tpu.memory_space<vmem>> -> memref<80xi32, #tpu.memory_space<vmem>>
      %dma_start3A_556 = arith.constant 0 : i32
      %dma_start3A_557 = arith.constant 0 : i32
      %dma_start3A_558 = tpu.memref_slice %arg4[%dma_start3A_556, %dma_start3A_557] : memref<50000x8xf32, #tpu.memory_space<hbm>> -> memref<50000x8xf32, #tpu.memory_space<hbm>>
      tpu.enqueue_indirect_dma source(%dma_start3A_558 : memref<50000x8xf32, #tpu.memory_space<hbm>>) target(%dma_start3A_552 : memref<80x8xf32, #tpu.memory_space<vmem>>) offsets(%dma_start3A_555 : memref<80xi32, #tpu.memory_space<vmem>>) semaphore(%arg18 : memref<!tpu.dma_semaphore, #tpu.memory_space<semaphore_mem>>)
      %dma_start3A_559 = arith.constant 2 : i32
      %dma_start3A_560 = arith.constant 160 : i32
      %dma_start3A_561 = arith.constant 0 : i32
      %dma_start3A_562 = tpu.memref_slice %arg14[%dma_start3A_560, %dma_start3A_561] : memref<2000x8xf32, #tpu.memory_space<vmem>> -> memref<80x8xf32, #tpu.memory_space<vmem>>
      %dma_start3A_563 = arith.constant 0 : i32
      %dma_start3A_564 = tpu.memref_slice %arg11[%dma_start3A_559, %dma_start3A_563] : memref<25x80xi32, #tpu.memory_space<vmem>> -> memref<1x80xi32, #tpu.memory_space<vmem>>
      %dma_start3A_565 = tpu.memref_squeeze %dma_start3A_564 : memref<1x80xi32, #tpu.memory_space<vmem>> -> memref<80xi32, #tpu.memory_space<vmem>>
      %dma_start3A_566 = arith.constant 0 : i32
      %dma_start3A_567 = arith.constant 0 : i32
      %dma_start3A_568 = tpu.memref_slice %arg4[%dma_start3A_566, %dma_start3A_567] : memref<50000x8xf32, #tpu.memory_space<hbm>> -> memref<50000x8xf32, #tpu.memory_space<hbm>>
      tpu.enqueue_indirect_dma source(%dma_start3A_568 : memref<50000x8xf32, #tpu.memory_space<hbm>>) target(%dma_start3A_562 : memref<80x8xf32, #tpu.memory_space<vmem>>) offsets(%dma_start3A_565 : memref<80xi32, #tpu.memory_space<vmem>>) semaphore(%arg18 : memref<!tpu.dma_semaphore, #tpu.memory_space<semaphore_mem>>)
      %dma_start3A_569 = arith.constant 3 : i32
      %dma_start3A_570 = arith.constant 240 : i32
      %dma_start3A_571 = arith.constant 0 : i32
      %dma_start3A_572 = tpu.memref_slice %arg14[%dma_start3A_570, %dma_start3A_571] : memref<2000x8xf32, #tpu.memory_space<vmem>> -> memref<80x8xf32, #tpu.memory_space<vmem>>
      %dma_start3A_573 = arith.constant 0 : i32
      %dma_start3A_574 = tpu.memref_slice %arg11[%dma_start3A_569, %dma_start3A_573] : memref<25x80xi32, #tpu.memory_space<vmem>> -> memref<1x80xi32, #tpu.memory_space<vmem>>
      %dma_start3A_575 = tpu.memref_squeeze %dma_start3A_574 : memref<1x80xi32, #tpu.memory_space<vmem>> -> memref<80xi32, #tpu.memory_space<vmem>>
      %dma_start3A_576 = arith.constant 0 : i32
      %dma_start3A_577 = arith.constant 0 : i32
      %dma_start3A_578 = tpu.memref_slice %arg4[%dma_start3A_576, %dma_start3A_577] : memref<50000x8xf32, #tpu.memory_space<hbm>> -> memref<50000x8xf32, #tpu.memory_space<hbm>>
      tpu.enqueue_indirect_dma source(%dma_start3A_578 : memref<50000x8xf32, #tpu.memory_space<hbm>>) target(%dma_start3A_572 : memref<80x8xf32, #tpu.memory_space<vmem>>) offsets(%dma_start3A_575 : memref<80xi32, #tpu.memory_space<vmem>>) semaphore(%arg18 : memref<!tpu.dma_semaphore, #tpu.memory_space<semaphore_mem>>)
      %dma_start3A_579 = arith.constant 4 : i32
      %dma_start3A_580 = arith.constant 320 : i32
      %dma_start3A_581 = arith.constant 0 : i32
      %dma_start3A_582 = tpu.memref_slice %arg14[%dma_start3A_580, %dma_start3A_581] : memref<2000x8xf32, #tpu.memory_space<vmem>> -> memref<80x8xf32, #tpu.memory_space<vmem>>
      %dma_start3A_583 = arith.constant 0 : i32
      %dma_start3A_584 = tpu.memref_slice %arg11[%dma_start3A_579, %dma_start3A_583] : memref<25x80xi32, #tpu.memory_space<vmem>> -> memref<1x80xi32, #tpu.memory_space<vmem>>
      %dma_start3A_585 = tpu.memref_squeeze %dma_start3A_584 : memref<1x80xi32, #tpu.memory_space<vmem>> -> memref<80xi32, #tpu.memory_space<vmem>>
      %dma_start3A_586 = arith.constant 0 : i32
      %dma_start3A_587 = arith.constant 0 : i32
      %dma_start3A_588 = tpu.memref_slice %arg4[%dma_start3A_586, %dma_start3A_587] : memref<50000x8xf32, #tpu.memory_space<hbm>> -> memref<50000x8xf32, #tpu.memory_space<hbm>>
      tpu.enqueue_indirect_dma source(%dma_start3A_588 : memref<50000x8xf32, #tpu.memory_space<hbm>>) target(%dma_start3A_582 : memref<80x8xf32, #tpu.memory_space<vmem>>) offsets(%dma_start3A_585 : memref<80xi32, #tpu.memory_space<vmem>>) semaphore(%arg18 : memref<!tpu.dma_semaphore, #tpu.memory_space<semaphore_mem>>)
      %dma_start3A_589 = arith.constant 5 : i32
      %dma_start3A_590 = arith.constant 400 : i32
      %dma_start3A_591 = arith.constant 0 : i32
      %dma_start3A_592 = tpu.memref_slice %arg14[%dma_start3A_590, %dma_start3A_591] : memref<2000x8xf32, #tpu.memory_space<vmem>> -> memref<80x8xf32, #tpu.memory_space<vmem>>
      %dma_start3A_593 = arith.constant 0 : i32
      %dma_start3A_594 = tpu.memref_slice %arg11[%dma_start3A_589, %dma_start3A_593] : memref<25x80xi32, #tpu.memory_space<vmem>> -> memref<1x80xi32, #tpu.memory_space<vmem>>
      %dma_start3A_595 = tpu.memref_squeeze %dma_start3A_594 : memref<1x80xi32, #tpu.memory_space<vmem>> -> memref<80xi32, #tpu.memory_space<vmem>>
      %dma_start3A_596 = arith.constant 0 : i32
      %dma_start3A_597 = arith.constant 0 : i32
      %dma_start3A_598 = tpu.memref_slice %arg4[%dma_start3A_596, %dma_start3A_597] : memref<50000x8xf32, #tpu.memory_space<hbm>> -> memref<50000x8xf32, #tpu.memory_space<hbm>>
      tpu.enqueue_indirect_dma source(%dma_start3A_598 : memref<50000x8xf32, #tpu.memory_space<hbm>>) target(%dma_start3A_592 : memref<80x8xf32, #tpu.memory_space<vmem>>) offsets(%dma_start3A_595 : memref<80xi32, #tpu.memory_space<vmem>>) semaphore(%arg18 : memref<!tpu.dma_semaphore, #tpu.memory_space<semaphore_mem>>)
      %dma_start3A_599 = arith.constant 6 : i32
      %dma_start3A_600 = arith.constant 480 : i32
      %dma_start3A_601 = arith.constant 0 : i32
      %dma_start3A_602 = tpu.memref_slice %arg14[%dma_start3A_600, %dma_start3A_601] : memref<2000x8xf32, #tpu.memory_space<vmem>> -> memref<80x8xf32, #tpu.memory_space<vmem>>
      %dma_start3A_603 = arith.constant 0 : i32
      %dma_start3A_604 = tpu.memref_slice %arg11[%dma_start3A_599, %dma_start3A_603] : memref<25x80xi32, #tpu.memory_space<vmem>> -> memref<1x80xi32, #tpu.memory_space<vmem>>
      %dma_start3A_605 = tpu.memref_squeeze %dma_start3A_604 : memref<1x80xi32, #tpu.memory_space<vmem>> -> memref<80xi32, #tpu.memory_space<vmem>>
      %dma_start3A_606 = arith.constant 0 : i32
      %dma_start3A_607 = arith.constant 0 : i32
      %dma_start3A_608 = tpu.memref_slice %arg4[%dma_start3A_606, %dma_start3A_607] : memref<50000x8xf32, #tpu.memory_space<hbm>> -> memref<50000x8xf32, #tpu.memory_space<hbm>>
      tpu.enqueue_indirect_dma source(%dma_start3A_608 : memref<50000x8xf32, #tpu.memory_space<hbm>>) target(%dma_start3A_602 : memref<80x8xf32, #tpu.memory_space<vmem>>) offsets(%dma_start3A_605 : memref<80xi32, #tpu.memory_space<vmem>>) semaphore(%arg18 : memref<!tpu.dma_semaphore, #tpu.memory_space<semaphore_mem>>)
      %dma_start3A_609 = arith.constant 7 : i32
      %dma_start3A_610 = arith.constant 560 : i32
      %dma_start3A_611 = arith.constant 0 : i32
      %dma_start3A_612 = tpu.memref_slice %arg14[%dma_start3A_610, %dma_start3A_611] : memref<2000x8xf32, #tpu.memory_space<vmem>> -> memref<80x8xf32, #tpu.memory_space<vmem>>
      %dma_start3A_613 = arith.constant 0 : i32
      %dma_start3A_614 = tpu.memref_slice %arg11[%dma_start3A_609, %dma_start3A_613] : memref<25x80xi32, #tpu.memory_space<vmem>> -> memref<1x80xi32, #tpu.memory_space<vmem>>
      %dma_start3A_615 = tpu.memref_squeeze %dma_start3A_614 : memref<1x80xi32, #tpu.memory_space<vmem>> -> memref<80xi32, #tpu.memory_space<vmem>>
      %dma_start3A_616 = arith.constant 0 : i32
      %dma_start3A_617 = arith.constant 0 : i32
      %dma_start3A_618 = tpu.memref_slice %arg4[%dma_start3A_616, %dma_start3A_617] : memref<50000x8xf32, #tpu.memory_space<hbm>> -> memref<50000x8xf32, #tpu.memory_space<hbm>>
      tpu.enqueue_indirect_dma source(%dma_start3A_618 : memref<50000x8xf32, #tpu.memory_space<hbm>>) target(%dma_start3A_612 : memref<80x8xf32, #tpu.memory_space<vmem>>) offsets(%dma_start3A_615 : memref<80xi32, #tpu.memory_space<vmem>>) semaphore(%arg18 : memref<!tpu.dma_semaphore, #tpu.memory_space<semaphore_mem>>)
      %dma_start3A_619 = arith.constant 8 : i32
      %dma_start3A_620 = arith.constant 640 : i32
      %dma_start3A_621 = arith.constant 0 : i32
      %dma_start3A_622 = tpu.memref_slice %arg14[%dma_start3A_620, %dma_start3A_621] : memref<2000x8xf32, #tpu.memory_space<vmem>> -> memref<80x8xf32, #tpu.memory_space<vmem>>
      %dma_start3A_623 = arith.constant 0 : i32
      %dma_start3A_624 = tpu.memref_slice %arg11[%dma_start3A_619, %dma_start3A_623] : memref<25x80xi32, #tpu.memory_space<vmem>> -> memref<1x80xi32, #tpu.memory_space<vmem>>
      %dma_start3A_625 = tpu.memref_squeeze %dma_start3A_624 : memref<1x80xi32, #tpu.memory_space<vmem>> -> memref<80xi32, #tpu.memory_space<vmem>>
      %dma_start3A_626 = arith.constant 0 : i32
      %dma_start3A_627 = arith.constant 0 : i32
      %dma_start3A_628 = tpu.memref_slice %arg4[%dma_start3A_626, %dma_start3A_627] : memref<50000x8xf32, #tpu.memory_space<hbm>> -> memref<50000x8xf32, #tpu.memory_space<hbm>>
      tpu.enqueue_indirect_dma source(%dma_start3A_628 : memref<50000x8xf32, #tpu.memory_space<hbm>>) target(%dma_start3A_622 : memref<80x8xf32, #tpu.memory_space<vmem>>) offsets(%dma_start3A_625 : memref<80xi32, #tpu.memory_space<vmem>>) semaphore(%arg18 : memref<!tpu.dma_semaphore, #tpu.memory_space<semaphore_mem>>)
      %dma_start3A_629 = arith.constant 9 : i32
      %dma_start3A_630 = arith.constant 720 : i32
      %dma_start3A_631 = arith.constant 0 : i32
      %dma_start3A_632 = tpu.memref_slice %arg14[%dma_start3A_630, %dma_start3A_631] : memref<2000x8xf32, #tpu.memory_space<vmem>> -> memref<80x8xf32, #tpu.memory_space<vmem>>
      %dma_start3A_633 = arith.constant 0 : i32
      %dma_start3A_634 = tpu.memref_slice %arg11[%dma_start3A_629, %dma_start3A_633] : memref<25x80xi32, #tpu.memory_space<vmem>> -> memref<1x80xi32, #tpu.memory_space<vmem>>
      %dma_start3A_635 = tpu.memref_squeeze %dma_start3A_634 : memref<1x80xi32, #tpu.memory_space<vmem>> -> memref<80xi32, #tpu.memory_space<vmem>>
      %dma_start3A_636 = arith.constant 0 : i32
      %dma_start3A_637 = arith.constant 0 : i32
      %dma_start3A_638 = tpu.memref_slice %arg4[%dma_start3A_636, %dma_start3A_637] : memref<50000x8xf32, #tpu.memory_space<hbm>> -> memref<50000x8xf32, #tpu.memory_space<hbm>>
      tpu.enqueue_indirect_dma source(%dma_start3A_638 : memref<50000x8xf32, #tpu.memory_space<hbm>>) target(%dma_start3A_632 : memref<80x8xf32, #tpu.memory_space<vmem>>) offsets(%dma_start3A_635 : memref<80xi32, #tpu.memory_space<vmem>>) semaphore(%arg18 : memref<!tpu.dma_semaphore, #tpu.memory_space<semaphore_mem>>)
      %dma_start3A_639 = arith.constant 10 : i32
      %dma_start3A_640 = arith.constant 800 : i32
      %dma_start3A_641 = arith.constant 0 : i32
      %dma_start3A_642 = tpu.memref_slice %arg14[%dma_start3A_640, %dma_start3A_641] : memref<2000x8xf32, #tpu.memory_space<vmem>> -> memref<80x8xf32, #tpu.memory_space<vmem>>
      %dma_start3A_643 = arith.constant 0 : i32
      %dma_start3A_644 = tpu.memref_slice %arg11[%dma_start3A_639, %dma_start3A_643] : memref<25x80xi32, #tpu.memory_space<vmem>> -> memref<1x80xi32, #tpu.memory_space<vmem>>
      %dma_start3A_645 = tpu.memref_squeeze %dma_start3A_644 : memref<1x80xi32, #tpu.memory_space<vmem>> -> memref<80xi32, #tpu.memory_space<vmem>>
      %dma_start3A_646 = arith.constant 0 : i32
      %dma_start3A_647 = arith.constant 0 : i32
      %dma_start3A_648 = tpu.memref_slice %arg4[%dma_start3A_646, %dma_start3A_647] : memref<50000x8xf32, #tpu.memory_space<hbm>> -> memref<50000x8xf32, #tpu.memory_space<hbm>>
      tpu.enqueue_indirect_dma source(%dma_start3A_648 : memref<50000x8xf32, #tpu.memory_space<hbm>>) target(%dma_start3A_642 : memref<80x8xf32, #tpu.memory_space<vmem>>) offsets(%dma_start3A_645 : memref<80xi32, #tpu.memory_space<vmem>>) semaphore(%arg18 : memref<!tpu.dma_semaphore, #tpu.memory_space<semaphore_mem>>)
      %dma_start3A_649 = arith.constant 11 : i32
      %dma_start3A_650 = arith.constant 880 : i32
      %dma_start3A_651 = arith.constant 0 : i32
      %dma_start3A_652 = tpu.memref_slice %arg14[%dma_start3A_650, %dma_start3A_651] : memref<2000x8xf32, #tpu.memory_space<vmem>> -> memref<80x8xf32, #tpu.memory_space<vmem>>
      %dma_start3A_653 = arith.constant 0 : i32
      %dma_start3A_654 = tpu.memref_slice %arg11[%dma_start3A_649, %dma_start3A_653] : memref<25x80xi32, #tpu.memory_space<vmem>> -> memref<1x80xi32, #tpu.memory_space<vmem>>
      %dma_start3A_655 = tpu.memref_squeeze %dma_start3A_654 : memref<1x80xi32, #tpu.memory_space<vmem>> -> memref<80xi32, #tpu.memory_space<vmem>>
      %dma_start3A_656 = arith.constant 0 : i32
      %dma_start3A_657 = arith.constant 0 : i32
      %dma_start3A_658 = tpu.memref_slice %arg4[%dma_start3A_656, %dma_start3A_657] : memref<50000x8xf32, #tpu.memory_space<hbm>> -> memref<50000x8xf32, #tpu.memory_space<hbm>>
      tpu.enqueue_indirect_dma source(%dma_start3A_658 : memref<50000x8xf32, #tpu.memory_space<hbm>>) target(%dma_start3A_652 : memref<80x8xf32, #tpu.memory_space<vmem>>) offsets(%dma_start3A_655 : memref<80xi32, #tpu.memory_space<vmem>>) semaphore(%arg18 : memref<!tpu.dma_semaphore, #tpu.memory_space<semaphore_mem>>)
      %dma_start3A_659 = arith.constant 12 : i32
      %dma_start3A_660 = arith.constant 960 : i32
      %dma_start3A_661 = arith.constant 0 : i32
      %dma_start3A_662 = tpu.memref_slice %arg14[%dma_start3A_660, %dma_start3A_661] : memref<2000x8xf32, #tpu.memory_space<vmem>> -> memref<80x8xf32, #tpu.memory_space<vmem>>
      %dma_start3A_663 = arith.constant 0 : i32
      %dma_start3A_664 = tpu.memref_slice %arg11[%dma_start3A_659, %dma_start3A_663] : memref<25x80xi32, #tpu.memory_space<vmem>> -> memref<1x80xi32, #tpu.memory_space<vmem>>
      %dma_start3A_665 = tpu.memref_squeeze %dma_start3A_664 : memref<1x80xi32, #tpu.memory_space<vmem>> -> memref<80xi32, #tpu.memory_space<vmem>>
      %dma_start3A_666 = arith.constant 0 : i32
      %dma_start3A_667 = arith.constant 0 : i32
      %dma_start3A_668 = tpu.memref_slice %arg4[%dma_start3A_666, %dma_start3A_667] : memref<50000x8xf32, #tpu.memory_space<hbm>> -> memref<50000x8xf32, #tpu.memory_space<hbm>>
      tpu.enqueue_indirect_dma source(%dma_start3A_668 : memref<50000x8xf32, #tpu.memory_space<hbm>>) target(%dma_start3A_662 : memref<80x8xf32, #tpu.memory_space<vmem>>) offsets(%dma_start3A_665 : memref<80xi32, #tpu.memory_space<vmem>>) semaphore(%arg18 : memref<!tpu.dma_semaphore, #tpu.memory_space<semaphore_mem>>)
      %dma_start3A_669 = arith.constant 13 : i32
      %dma_start3A_670 = arith.constant 1040 : i32
      %dma_start3A_671 = arith.constant 0 : i32
      %dma_start3A_672 = tpu.memref_slice %arg14[%dma_start3A_670, %dma_start3A_671] : memref<2000x8xf32, #tpu.memory_space<vmem>> -> memref<80x8xf32, #tpu.memory_space<vmem>>
      %dma_start3A_673 = arith.constant 0 : i32
      %dma_start3A_674 = tpu.memref_slice %arg11[%dma_start3A_669, %dma_start3A_673] : memref<25x80xi32, #tpu.memory_space<vmem>> -> memref<1x80xi32, #tpu.memory_space<vmem>>
      %dma_start3A_675 = tpu.memref_squeeze %dma_start3A_674 : memref<1x80xi32, #tpu.memory_space<vmem>> -> memref<80xi32, #tpu.memory_space<vmem>>
      %dma_start3A_676 = arith.constant 0 : i32
      %dma_start3A_677 = arith.constant 0 : i32
      %dma_start3A_678 = tpu.memref_slice %arg4[%dma_start3A_676, %dma_start3A_677] : memref<50000x8xf32, #tpu.memory_space<hbm>> -> memref<50000x8xf32, #tpu.memory_space<hbm>>
      tpu.enqueue_indirect_dma source(%dma_start3A_678 : memref<50000x8xf32, #tpu.memory_space<hbm>>) target(%dma_start3A_672 : memref<80x8xf32, #tpu.memory_space<vmem>>) offsets(%dma_start3A_675 : memref<80xi32, #tpu.memory_space<vmem>>) semaphore(%arg18 : memref<!tpu.dma_semaphore, #tpu.memory_space<semaphore_mem>>)
      %dma_start3A_679 = arith.constant 14 : i32
      %dma_start3A_680 = arith.constant 1120 : i32
      %dma_start3A_681 = arith.constant 0 : i32
      %dma_start3A_682 = tpu.memref_slice %arg14[%dma_start3A_680, %dma_start3A_681] : memref<2000x8xf32, #tpu.memory_space<vmem>> -> memref<80x8xf32, #tpu.memory_space<vmem>>
      %dma_start3A_683 = arith.constant 0 : i32
      %dma_start3A_684 = tpu.memref_slice %arg11[%dma_start3A_679, %dma_start3A_683] : memref<25x80xi32, #tpu.memory_space<vmem>> -> memref<1x80xi32, #tpu.memory_space<vmem>>
      %dma_start3A_685 = tpu.memref_squeeze %dma_start3A_684 : memref<1x80xi32, #tpu.memory_space<vmem>> -> memref<80xi32, #tpu.memory_space<vmem>>
      %dma_start3A_686 = arith.constant 0 : i32
      %dma_start3A_687 = arith.constant 0 : i32
      %dma_start3A_688 = tpu.memref_slice %arg4[%dma_start3A_686, %dma_start3A_687] : memref<50000x8xf32, #tpu.memory_space<hbm>> -> memref<50000x8xf32, #tpu.memory_space<hbm>>
      tpu.enqueue_indirect_dma source(%dma_start3A_688 : memref<50000x8xf32, #tpu.memory_space<hbm>>) target(%dma_start3A_682 : memref<80x8xf32, #tpu.memory_space<vmem>>) offsets(%dma_start3A_685 : memref<80xi32, #tpu.memory_space<vmem>>) semaphore(%arg18 : memref<!tpu.dma_semaphore, #tpu.memory_space<semaphore_mem>>)
      %dma_start3A_689 = arith.constant 15 : i32
      %dma_start3A_690 = arith.constant 1200 : i32
      %dma_start3A_691 = arith.constant 0 : i32
      %dma_start3A_692 = tpu.memref_slice %arg14[%dma_start3A_690, %dma_start3A_691] : memref<2000x8xf32, #tpu.memory_space<vmem>> -> memref<80x8xf32, #tpu.memory_space<vmem>>
      %dma_start3A_693 = arith.constant 0 : i32
      %dma_start3A_694 = tpu.memref_slice %arg11[%dma_start3A_689, %dma_start3A_693] : memref<25x80xi32, #tpu.memory_space<vmem>> -> memref<1x80xi32, #tpu.memory_space<vmem>>
      %dma_start3A_695 = tpu.memref_squeeze %dma_start3A_694 : memref<1x80xi32, #tpu.memory_space<vmem>> -> memref<80xi32, #tpu.memory_space<vmem>>
      %dma_start3A_696 = arith.constant 0 : i32
      %dma_start3A_697 = arith.constant 0 : i32
      %dma_start3A_698 = tpu.memref_slice %arg4[%dma_start3A_696, %dma_start3A_697] : memref<50000x8xf32, #tpu.memory_space<hbm>> -> memref<50000x8xf32, #tpu.memory_space<hbm>>
      tpu.enqueue_indirect_dma source(%dma_start3A_698 : memref<50000x8xf32, #tpu.memory_space<hbm>>) target(%dma_start3A_692 : memref<80x8xf32, #tpu.memory_space<vmem>>) offsets(%dma_start3A_695 : memref<80xi32, #tpu.memory_space<vmem>>) semaphore(%arg18 : memref<!tpu.dma_semaphore, #tpu.memory_space<semaphore_mem>>)
      %dma_start3A_699 = arith.constant 16 : i32
      %dma_start3A_700 = arith.constant 1280 : i32
      %dma_start3A_701 = arith.constant 0 : i32
      %dma_start3A_702 = tpu.memref_slice %arg14[%dma_start3A_700, %dma_start3A_701] : memref<2000x8xf32, #tpu.memory_space<vmem>> -> memref<80x8xf32, #tpu.memory_space<vmem>>
      %dma_start3A_703 = arith.constant 0 : i32
      %dma_start3A_704 = tpu.memref_slice %arg11[%dma_start3A_699, %dma_start3A_703] : memref<25x80xi32, #tpu.memory_space<vmem>> -> memref<1x80xi32, #tpu.memory_space<vmem>>
      %dma_start3A_705 = tpu.memref_squeeze %dma_start3A_704 : memref<1x80xi32, #tpu.memory_space<vmem>> -> memref<80xi32, #tpu.memory_space<vmem>>
      %dma_start3A_706 = arith.constant 0 : i32
      %dma_start3A_707 = arith.constant 0 : i32
      %dma_start3A_708 = tpu.memref_slice %arg4[%dma_start3A_706, %dma_start3A_707] : memref<50000x8xf32, #tpu.memory_space<hbm>> -> memref<50000x8xf32, #tpu.memory_space<hbm>>
      tpu.enqueue_indirect_dma source(%dma_start3A_708 : memref<50000x8xf32, #tpu.memory_space<hbm>>) target(%dma_start3A_702 : memref<80x8xf32, #tpu.memory_space<vmem>>) offsets(%dma_start3A_705 : memref<80xi32, #tpu.memory_space<vmem>>) semaphore(%arg18 : memref<!tpu.dma_semaphore, #tpu.memory_space<semaphore_mem>>)
      %dma_start3A_709 = arith.constant 17 : i32
      %dma_start3A_710 = arith.constant 1360 : i32
      %dma_start3A_711 = arith.constant 0 : i32
      %dma_start3A_712 = tpu.memref_slice %arg14[%dma_start3A_710, %dma_start3A_711] : memref<2000x8xf32, #tpu.memory_space<vmem>> -> memref<80x8xf32, #tpu.memory_space<vmem>>
      %dma_start3A_713 = arith.constant 0 : i32
      %dma_start3A_714 = tpu.memref_slice %arg11[%dma_start3A_709, %dma_start3A_713] : memref<25x80xi32, #tpu.memory_space<vmem>> -> memref<1x80xi32, #tpu.memory_space<vmem>>
      %dma_start3A_715 = tpu.memref_squeeze %dma_start3A_714 : memref<1x80xi32, #tpu.memory_space<vmem>> -> memref<80xi32, #tpu.memory_space<vmem>>
      %dma_start3A_716 = arith.constant 0 : i32
      %dma_start3A_717 = arith.constant 0 : i32
      %dma_start3A_718 = tpu.memref_slice %arg4[%dma_start3A_716, %dma_start3A_717] : memref<50000x8xf32, #tpu.memory_space<hbm>> -> memref<50000x8xf32, #tpu.memory_space<hbm>>
      tpu.enqueue_indirect_dma source(%dma_start3A_718 : memref<50000x8xf32, #tpu.memory_space<hbm>>) target(%dma_start3A_712 : memref<80x8xf32, #tpu.memory_space<vmem>>) offsets(%dma_start3A_715 : memref<80xi32, #tpu.memory_space<vmem>>) semaphore(%arg18 : memref<!tpu.dma_semaphore, #tpu.memory_space<semaphore_mem>>)
      %dma_start3A_719 = arith.constant 18 : i32
      %dma_start3A_720 = arith.constant 1440 : i32
      %dma_start3A_721 = arith.constant 0 : i32
      %dma_start3A_722 = tpu.memref_slice %arg14[%dma_start3A_720, %dma_start3A_721] : memref<2000x8xf32, #tpu.memory_space<vmem>> -> memref<80x8xf32, #tpu.memory_space<vmem>>
      %dma_start3A_723 = arith.constant 0 : i32
      %dma_start3A_724 = tpu.memref_slice %arg11[%dma_start3A_719, %dma_start3A_723] : memref<25x80xi32, #tpu.memory_space<vmem>> -> memref<1x80xi32, #tpu.memory_space<vmem>>
      %dma_start3A_725 = tpu.memref_squeeze %dma_start3A_724 : memref<1x80xi32, #tpu.memory_space<vmem>> -> memref<80xi32, #tpu.memory_space<vmem>>
      %dma_start3A_726 = arith.constant 0 : i32
      %dma_start3A_727 = arith.constant 0 : i32
      %dma_start3A_728 = tpu.memref_slice %arg4[%dma_start3A_726, %dma_start3A_727] : memref<50000x8xf32, #tpu.memory_space<hbm>> -> memref<50000x8xf32, #tpu.memory_space<hbm>>
      tpu.enqueue_indirect_dma source(%dma_start3A_728 : memref<50000x8xf32, #tpu.memory_space<hbm>>) target(%dma_start3A_722 : memref<80x8xf32, #tpu.memory_space<vmem>>) offsets(%dma_start3A_725 : memref<80xi32, #tpu.memory_space<vmem>>) semaphore(%arg18 : memref<!tpu.dma_semaphore, #tpu.memory_space<semaphore_mem>>)
      %dma_start3A_729 = arith.constant 19 : i32
      %dma_start3A_730 = arith.constant 1520 : i32
      %dma_start3A_731 = arith.constant 0 : i32
      %dma_start3A_732 = tpu.memref_slice %arg14[%dma_start3A_730, %dma_start3A_731] : memref<2000x8xf32, #tpu.memory_space<vmem>> -> memref<80x8xf32, #tpu.memory_space<vmem>>
      %dma_start3A_733 = arith.constant 0 : i32
      %dma_start3A_734 = tpu.memref_slice %arg11[%dma_start3A_729, %dma_start3A_733] : memref<25x80xi32, #tpu.memory_space<vmem>> -> memref<1x80xi32, #tpu.memory_space<vmem>>
      %dma_start3A_735 = tpu.memref_squeeze %dma_start3A_734 : memref<1x80xi32, #tpu.memory_space<vmem>> -> memref<80xi32, #tpu.memory_space<vmem>>
      %dma_start3A_736 = arith.constant 0 : i32
      %dma_start3A_737 = arith.constant 0 : i32
      %dma_start3A_738 = tpu.memref_slice %arg4[%dma_start3A_736, %dma_start3A_737] : memref<50000x8xf32, #tpu.memory_space<hbm>> -> memref<50000x8xf32, #tpu.memory_space<hbm>>
      tpu.enqueue_indirect_dma source(%dma_start3A_738 : memref<50000x8xf32, #tpu.memory_space<hbm>>) target(%dma_start3A_732 : memref<80x8xf32, #tpu.memory_space<vmem>>) offsets(%dma_start3A_735 : memref<80xi32, #tpu.memory_space<vmem>>) semaphore(%arg18 : memref<!tpu.dma_semaphore, #tpu.memory_space<semaphore_mem>>)
      %dma_start3A_739 = arith.constant 20 : i32
      %dma_start3A_740 = arith.constant 1600 : i32
      %dma_start3A_741 = arith.constant 0 : i32
      %dma_start3A_742 = tpu.memref_slice %arg14[%dma_start3A_740, %dma_start3A_741] : memref<2000x8xf32, #tpu.memory_space<vmem>> -> memref<80x8xf32, #tpu.memory_space<vmem>>
      %dma_start3A_743 = arith.constant 0 : i32
      %dma_start3A_744 = tpu.memref_slice %arg11[%dma_start3A_739, %dma_start3A_743] : memref<25x80xi32, #tpu.memory_space<vmem>> -> memref<1x80xi32, #tpu.memory_space<vmem>>
      %dma_start3A_745 = tpu.memref_squeeze %dma_start3A_744 : memref<1x80xi32, #tpu.memory_space<vmem>> -> memref<80xi32, #tpu.memory_space<vmem>>
      %dma_start3A_746 = arith.constant 0 : i32
      %dma_start3A_747 = arith.constant 0 : i32
      %dma_start3A_748 = tpu.memref_slice %arg4[%dma_start3A_746, %dma_start3A_747] : memref<50000x8xf32, #tpu.memory_space<hbm>> -> memref<50000x8xf32, #tpu.memory_space<hbm>>
      tpu.enqueue_indirect_dma source(%dma_start3A_748 : memref<50000x8xf32, #tpu.memory_space<hbm>>) target(%dma_start3A_742 : memref<80x8xf32, #tpu.memory_space<vmem>>) offsets(%dma_start3A_745 : memref<80xi32, #tpu.memory_space<vmem>>) semaphore(%arg18 : memref<!tpu.dma_semaphore, #tpu.memory_space<semaphore_mem>>)
      %dma_start3A_749 = arith.constant 21 : i32
      %dma_start3A_750 = arith.constant 1680 : i32
      %dma_start3A_751 = arith.constant 0 : i32
      %dma_start3A_752 = tpu.memref_slice %arg14[%dma_start3A_750, %dma_start3A_751] : memref<2000x8xf32, #tpu.memory_space<vmem>> -> memref<80x8xf32, #tpu.memory_space<vmem>>
      %dma_start3A_753 = arith.constant 0 : i32
      %dma_start3A_754 = tpu.memref_slice %arg11[%dma_start3A_749, %dma_start3A_753] : memref<25x80xi32, #tpu.memory_space<vmem>> -> memref<1x80xi32, #tpu.memory_space<vmem>>
      %dma_start3A_755 = tpu.memref_squeeze %dma_start3A_754 : memref<1x80xi32, #tpu.memory_space<vmem>> -> memref<80xi32, #tpu.memory_space<vmem>>
      %dma_start3A_756 = arith.constant 0 : i32
      %dma_start3A_757 = arith.constant 0 : i32
      %dma_start3A_758 = tpu.memref_slice %arg4[%dma_start3A_756, %dma_start3A_757] : memref<50000x8xf32, #tpu.memory_space<hbm>> -> memref<50000x8xf32, #tpu.memory_space<hbm>>
      tpu.enqueue_indirect_dma source(%dma_start3A_758 : memref<50000x8xf32, #tpu.memory_space<hbm>>) target(%dma_start3A_752 : memref<80x8xf32, #tpu.memory_space<vmem>>) offsets(%dma_start3A_755 : memref<80xi32, #tpu.memory_space<vmem>>) semaphore(%arg18 : memref<!tpu.dma_semaphore, #tpu.memory_space<semaphore_mem>>)
      %dma_start3A_759 = arith.constant 22 : i32
      %dma_start3A_760 = arith.constant 1760 : i32
      %dma_start3A_761 = arith.constant 0 : i32
      %dma_start3A_762 = tpu.memref_slice %arg14[%dma_start3A_760, %dma_start3A_761] : memref<2000x8xf32, #tpu.memory_space<vmem>> -> memref<80x8xf32, #tpu.memory_space<vmem>>
      %dma_start3A_763 = arith.constant 0 : i32
      %dma_start3A_764 = tpu.memref_slice %arg11[%dma_start3A_759, %dma_start3A_763] : memref<25x80xi32, #tpu.memory_space<vmem>> -> memref<1x80xi32, #tpu.memory_space<vmem>>
      %dma_start3A_765 = tpu.memref_squeeze %dma_start3A_764 : memref<1x80xi32, #tpu.memory_space<vmem>> -> memref<80xi32, #tpu.memory_space<vmem>>
      %dma_start3A_766 = arith.constant 0 : i32
      %dma_start3A_767 = arith.constant 0 : i32
      %dma_start3A_768 = tpu.memref_slice %arg4[%dma_start3A_766, %dma_start3A_767] : memref<50000x8xf32, #tpu.memory_space<hbm>> -> memref<50000x8xf32, #tpu.memory_space<hbm>>
      tpu.enqueue_indirect_dma source(%dma_start3A_768 : memref<50000x8xf32, #tpu.memory_space<hbm>>) target(%dma_start3A_762 : memref<80x8xf32, #tpu.memory_space<vmem>>) offsets(%dma_start3A_765 : memref<80xi32, #tpu.memory_space<vmem>>) semaphore(%arg18 : memref<!tpu.dma_semaphore, #tpu.memory_space<semaphore_mem>>)
      %dma_start3A_769 = arith.constant 23 : i32
      %dma_start3A_770 = arith.constant 1840 : i32
      %dma_start3A_771 = arith.constant 0 : i32
      %dma_start3A_772 = tpu.memref_slice %arg14[%dma_start3A_770, %dma_start3A_771] : memref<2000x8xf32, #tpu.memory_space<vmem>> -> memref<80x8xf32, #tpu.memory_space<vmem>>
      %dma_start3A_773 = arith.constant 0 : i32
      %dma_start3A_774 = tpu.memref_slice %arg11[%dma_start3A_769, %dma_start3A_773] : memref<25x80xi32, #tpu.memory_space<vmem>> -> memref<1x80xi32, #tpu.memory_space<vmem>>
      %dma_start3A_775 = tpu.memref_squeeze %dma_start3A_774 : memref<1x80xi32, #tpu.memory_space<vmem>> -> memref<80xi32, #tpu.memory_space<vmem>>
      %dma_start3A_776 = arith.constant 0 : i32
      %dma_start3A_777 = arith.constant 0 : i32
      %dma_start3A_778 = tpu.memref_slice %arg4[%dma_start3A_776, %dma_start3A_777] : memref<50000x8xf32, #tpu.memory_space<hbm>> -> memref<50000x8xf32, #tpu.memory_space<hbm>>
      tpu.enqueue_indirect_dma source(%dma_start3A_778 : memref<50000x8xf32, #tpu.memory_space<hbm>>) target(%dma_start3A_772 : memref<80x8xf32, #tpu.memory_space<vmem>>) offsets(%dma_start3A_775 : memref<80xi32, #tpu.memory_space<vmem>>) semaphore(%arg18 : memref<!tpu.dma_semaphore, #tpu.memory_space<semaphore_mem>>)
      %dma_start3A_779 = arith.constant 24 : i32
      %dma_start3A_780 = arith.constant 1920 : i32
      %dma_start3A_781 = arith.constant 0 : i32
      %dma_start3A_782 = tpu.memref_slice %arg14[%dma_start3A_780, %dma_start3A_781] : memref<2000x8xf32, #tpu.memory_space<vmem>> -> memref<80x8xf32, #tpu.memory_space<vmem>>
      %dma_start3A_783 = arith.constant 0 : i32
      %dma_start3A_784 = tpu.memref_slice %arg11[%dma_start3A_779, %dma_start3A_783] : memref<25x80xi32, #tpu.memory_space<vmem>> -> memref<1x80xi32, #tpu.memory_space<vmem>>
      %dma_start3A_785 = tpu.memref_squeeze %dma_start3A_784 : memref<1x80xi32, #tpu.memory_space<vmem>> -> memref<80xi32, #tpu.memory_space<vmem>>
      %dma_start3A_786 = arith.constant 0 : i32
      %dma_start3A_787 = arith.constant 0 : i32
      %dma_start3A_788 = tpu.memref_slice %arg4[%dma_start3A_786, %dma_start3A_787] : memref<50000x8xf32, #tpu.memory_space<hbm>> -> memref<50000x8xf32, #tpu.memory_space<hbm>>
      tpu.enqueue_indirect_dma source(%dma_start3A_788 : memref<50000x8xf32, #tpu.memory_space<hbm>>) target(%dma_start3A_782 : memref<80x8xf32, #tpu.memory_space<vmem>>) offsets(%dma_start3A_785 : memref<80xi32, #tpu.memory_space<vmem>>) semaphore(%arg18 : memref<!tpu.dma_semaphore, #tpu.memory_space<semaphore_mem>>)
      %dma_wait3A_789 = arith.constant 0 : i32
      %dma_wait3A_790 = arith.constant 0 : i32
      %dma_wait3A_791 = arith.constant 0 : i32
      %dma_wait3A_792 = tpu.memref_slice %arg14[%dma_wait3A_790, %dma_wait3A_791] : memref<2000x8xf32, #tpu.memory_space<vmem>> -> memref<80x8xf32, #tpu.memory_space<vmem>>
      %dma_wait3A_793 = arith.constant 0 : i32
      %dma_wait3A_794 = tpu.memref_slice %arg11[%dma_wait3A_789, %dma_wait3A_793] : memref<25x80xi32, #tpu.memory_space<vmem>> -> memref<1x80xi32, #tpu.memory_space<vmem>>
      %dma_wait3A_795 = tpu.memref_squeeze %dma_wait3A_794 : memref<1x80xi32, #tpu.memory_space<vmem>> -> memref<80xi32, #tpu.memory_space<vmem>>
      %dma_wait3A_796 = arith.constant 0 : i32
      %dma_wait3A_797 = arith.constant 0 : i32
      %dma_wait3A_798 = tpu.memref_slice %arg4[%dma_wait3A_796, %dma_wait3A_797] : memref<50000x8xf32, #tpu.memory_space<hbm>> -> memref<50000x8xf32, #tpu.memory_space<hbm>>
      tpu.wait_indirect_dma semaphore(%arg18 : memref<!tpu.dma_semaphore, #tpu.memory_space<semaphore_mem>>) src(%dma_wait3A_798 : memref<50000x8xf32, #tpu.memory_space<hbm>>) dst(%dma_wait3A_792 : memref<80x8xf32, #tpu.memory_space<vmem>>)
      %dma_wait3A_799 = arith.constant 1 : i32
      %dma_wait3A_800 = arith.constant 80 : i32
      %dma_wait3A_801 = arith.constant 0 : i32
      %dma_wait3A_802 = tpu.memref_slice %arg14[%dma_wait3A_800, %dma_wait3A_801] : memref<2000x8xf32, #tpu.memory_space<vmem>> -> memref<80x8xf32, #tpu.memory_space<vmem>>
      %dma_wait3A_803 = arith.constant 0 : i32
      %dma_wait3A_804 = tpu.memref_slice %arg11[%dma_wait3A_799, %dma_wait3A_803] : memref<25x80xi32, #tpu.memory_space<vmem>> -> memref<1x80xi32, #tpu.memory_space<vmem>>
      %dma_wait3A_805 = tpu.memref_squeeze %dma_wait3A_804 : memref<1x80xi32, #tpu.memory_space<vmem>> -> memref<80xi32, #tpu.memory_space<vmem>>
      %dma_wait3A_806 = arith.constant 0 : i32
      %dma_wait3A_807 = arith.constant 0 : i32
      %dma_wait3A_808 = tpu.memref_slice %arg4[%dma_wait3A_806, %dma_wait3A_807] : memref<50000x8xf32, #tpu.memory_space<hbm>> -> memref<50000x8xf32, #tpu.memory_space<hbm>>
      tpu.wait_indirect_dma semaphore(%arg18 : memref<!tpu.dma_semaphore, #tpu.memory_space<semaphore_mem>>) src(%dma_wait3A_808 : memref<50000x8xf32, #tpu.memory_space<hbm>>) dst(%dma_wait3A_802 : memref<80x8xf32, #tpu.memory_space<vmem>>)
      %dma_wait3A_809 = arith.constant 2 : i32
      %dma_wait3A_810 = arith.constant 160 : i32
      %dma_wait3A_811 = arith.constant 0 : i32
      %dma_wait3A_812 = tpu.memref_slice %arg14[%dma_wait3A_810, %dma_wait3A_811] : memref<2000x8xf32, #tpu.memory_space<vmem>> -> memref<80x8xf32, #tpu.memory_space<vmem>>
      %dma_wait3A_813 = arith.constant 0 : i32
      %dma_wait3A_814 = tpu.memref_slice %arg11[%dma_wait3A_809, %dma_wait3A_813] : memref<25x80xi32, #tpu.memory_space<vmem>> -> memref<1x80xi32, #tpu.memory_space<vmem>>
      %dma_wait3A_815 = tpu.memref_squeeze %dma_wait3A_814 : memref<1x80xi32, #tpu.memory_space<vmem>> -> memref<80xi32, #tpu.memory_space<vmem>>
      %dma_wait3A_816 = arith.constant 0 : i32
      %dma_wait3A_817 = arith.constant 0 : i32
      %dma_wait3A_818 = tpu.memref_slice %arg4[%dma_wait3A_816, %dma_wait3A_817] : memref<50000x8xf32, #tpu.memory_space<hbm>> -> memref<50000x8xf32, #tpu.memory_space<hbm>>
      tpu.wait_indirect_dma semaphore(%arg18 : memref<!tpu.dma_semaphore, #tpu.memory_space<semaphore_mem>>) src(%dma_wait3A_818 : memref<50000x8xf32, #tpu.memory_space<hbm>>) dst(%dma_wait3A_812 : memref<80x8xf32, #tpu.memory_space<vmem>>)
      %dma_wait3A_819 = arith.constant 3 : i32
      %dma_wait3A_820 = arith.constant 240 : i32
      %dma_wait3A_821 = arith.constant 0 : i32
      %dma_wait3A_822 = tpu.memref_slice %arg14[%dma_wait3A_820, %dma_wait3A_821] : memref<2000x8xf32, #tpu.memory_space<vmem>> -> memref<80x8xf32, #tpu.memory_space<vmem>>
      %dma_wait3A_823 = arith.constant 0 : i32
      %dma_wait3A_824 = tpu.memref_slice %arg11[%dma_wait3A_819, %dma_wait3A_823] : memref<25x80xi32, #tpu.memory_space<vmem>> -> memref<1x80xi32, #tpu.memory_space<vmem>>
      %dma_wait3A_825 = tpu.memref_squeeze %dma_wait3A_824 : memref<1x80xi32, #tpu.memory_space<vmem>> -> memref<80xi32, #tpu.memory_space<vmem>>
      %dma_wait3A_826 = arith.constant 0 : i32
      %dma_wait3A_827 = arith.constant 0 : i32
      %dma_wait3A_828 = tpu.memref_slice %arg4[%dma_wait3A_826, %dma_wait3A_827] : memref<50000x8xf32, #tpu.memory_space<hbm>> -> memref<50000x8xf32, #tpu.memory_space<hbm>>
      tpu.wait_indirect_dma semaphore(%arg18 : memref<!tpu.dma_semaphore, #tpu.memory_space<semaphore_mem>>) src(%dma_wait3A_828 : memref<50000x8xf32, #tpu.memory_space<hbm>>) dst(%dma_wait3A_822 : memref<80x8xf32, #tpu.memory_space<vmem>>)
      %dma_wait3A_829 = arith.constant 4 : i32
      %dma_wait3A_830 = arith.constant 320 : i32
      %dma_wait3A_831 = arith.constant 0 : i32
      %dma_wait3A_832 = tpu.memref_slice %arg14[%dma_wait3A_830, %dma_wait3A_831] : memref<2000x8xf32, #tpu.memory_space<vmem>> -> memref<80x8xf32, #tpu.memory_space<vmem>>
      %dma_wait3A_833 = arith.constant 0 : i32
      %dma_wait3A_834 = tpu.memref_slice %arg11[%dma_wait3A_829, %dma_wait3A_833] : memref<25x80xi32, #tpu.memory_space<vmem>> -> memref<1x80xi32, #tpu.memory_space<vmem>>
      %dma_wait3A_835 = tpu.memref_squeeze %dma_wait3A_834 : memref<1x80xi32, #tpu.memory_space<vmem>> -> memref<80xi32, #tpu.memory_space<vmem>>
      %dma_wait3A_836 = arith.constant 0 : i32
      %dma_wait3A_837 = arith.constant 0 : i32
      %dma_wait3A_838 = tpu.memref_slice %arg4[%dma_wait3A_836, %dma_wait3A_837] : memref<50000x8xf32, #tpu.memory_space<hbm>> -> memref<50000x8xf32, #tpu.memory_space<hbm>>
      tpu.wait_indirect_dma semaphore(%arg18 : memref<!tpu.dma_semaphore, #tpu.memory_space<semaphore_mem>>) src(%dma_wait3A_838 : memref<50000x8xf32, #tpu.memory_space<hbm>>) dst(%dma_wait3A_832 : memref<80x8xf32, #tpu.memory_space<vmem>>)
      %dma_wait3A_839 = arith.constant 5 : i32
      %dma_wait3A_840 = arith.constant 400 : i32
      %dma_wait3A_841 = arith.constant 0 : i32
      %dma_wait3A_842 = tpu.memref_slice %arg14[%dma_wait3A_840, %dma_wait3A_841] : memref<2000x8xf32, #tpu.memory_space<vmem>> -> memref<80x8xf32, #tpu.memory_space<vmem>>
      %dma_wait3A_843 = arith.constant 0 : i32
      %dma_wait3A_844 = tpu.memref_slice %arg11[%dma_wait3A_839, %dma_wait3A_843] : memref<25x80xi32, #tpu.memory_space<vmem>> -> memref<1x80xi32, #tpu.memory_space<vmem>>
      %dma_wait3A_845 = tpu.memref_squeeze %dma_wait3A_844 : memref<1x80xi32, #tpu.memory_space<vmem>> -> memref<80xi32, #tpu.memory_space<vmem>>
      %dma_wait3A_846 = arith.constant 0 : i32
      %dma_wait3A_847 = arith.constant 0 : i32
      %dma_wait3A_848 = tpu.memref_slice %arg4[%dma_wait3A_846, %dma_wait3A_847] : memref<50000x8xf32, #tpu.memory_space<hbm>> -> memref<50000x8xf32, #tpu.memory_space<hbm>>
      tpu.wait_indirect_dma semaphore(%arg18 : memref<!tpu.dma_semaphore, #tpu.memory_space<semaphore_mem>>) src(%dma_wait3A_848 : memref<50000x8xf32, #tpu.memory_space<hbm>>) dst(%dma_wait3A_842 : memref<80x8xf32, #tpu.memory_space<vmem>>)
      %dma_wait3A_849 = arith.constant 6 : i32
      %dma_wait3A_850 = arith.constant 480 : i32
      %dma_wait3A_851 = arith.constant 0 : i32
      %dma_wait3A_852 = tpu.memref_slice %arg14[%dma_wait3A_850, %dma_wait3A_851] : memref<2000x8xf32, #tpu.memory_space<vmem>> -> memref<80x8xf32, #tpu.memory_space<vmem>>
      %dma_wait3A_853 = arith.constant 0 : i32
      %dma_wait3A_854 = tpu.memref_slice %arg11[%dma_wait3A_849, %dma_wait3A_853] : memref<25x80xi32, #tpu.memory_space<vmem>> -> memref<1x80xi32, #tpu.memory_space<vmem>>
      %dma_wait3A_855 = tpu.memref_squeeze %dma_wait3A_854 : memref<1x80xi32, #tpu.memory_space<vmem>> -> memref<80xi32, #tpu.memory_space<vmem>>
      %dma_wait3A_856 = arith.constant 0 : i32
      %dma_wait3A_857 = arith.constant 0 : i32
      %dma_wait3A_858 = tpu.memref_slice %arg4[%dma_wait3A_856, %dma_wait3A_857] : memref<50000x8xf32, #tpu.memory_space<hbm>> -> memref<50000x8xf32, #tpu.memory_space<hbm>>
      tpu.wait_indirect_dma semaphore(%arg18 : memref<!tpu.dma_semaphore, #tpu.memory_space<semaphore_mem>>) src(%dma_wait3A_858 : memref<50000x8xf32, #tpu.memory_space<hbm>>) dst(%dma_wait3A_852 : memref<80x8xf32, #tpu.memory_space<vmem>>)
      %dma_wait3A_859 = arith.constant 7 : i32
      %dma_wait3A_860 = arith.constant 560 : i32
      %dma_wait3A_861 = arith.constant 0 : i32
      %dma_wait3A_862 = tpu.memref_slice %arg14[%dma_wait3A_860, %dma_wait3A_861] : memref<2000x8xf32, #tpu.memory_space<vmem>> -> memref<80x8xf32, #tpu.memory_space<vmem>>
      %dma_wait3A_863 = arith.constant 0 : i32
      %dma_wait3A_864 = tpu.memref_slice %arg11[%dma_wait3A_859, %dma_wait3A_863] : memref<25x80xi32, #tpu.memory_space<vmem>> -> memref<1x80xi32, #tpu.memory_space<vmem>>
      %dma_wait3A_865 = tpu.memref_squeeze %dma_wait3A_864 : memref<1x80xi32, #tpu.memory_space<vmem>> -> memref<80xi32, #tpu.memory_space<vmem>>
      %dma_wait3A_866 = arith.constant 0 : i32
      %dma_wait3A_867 = arith.constant 0 : i32
      %dma_wait3A_868 = tpu.memref_slice %arg4[%dma_wait3A_866, %dma_wait3A_867] : memref<50000x8xf32, #tpu.memory_space<hbm>> -> memref<50000x8xf32, #tpu.memory_space<hbm>>
      tpu.wait_indirect_dma semaphore(%arg18 : memref<!tpu.dma_semaphore, #tpu.memory_space<semaphore_mem>>) src(%dma_wait3A_868 : memref<50000x8xf32, #tpu.memory_space<hbm>>) dst(%dma_wait3A_862 : memref<80x8xf32, #tpu.memory_space<vmem>>)
      %dma_wait3A_869 = arith.constant 8 : i32
      %dma_wait3A_870 = arith.constant 640 : i32
      %dma_wait3A_871 = arith.constant 0 : i32
      %dma_wait3A_872 = tpu.memref_slice %arg14[%dma_wait3A_870, %dma_wait3A_871] : memref<2000x8xf32, #tpu.memory_space<vmem>> -> memref<80x8xf32, #tpu.memory_space<vmem>>
      %dma_wait3A_873 = arith.constant 0 : i32
      %dma_wait3A_874 = tpu.memref_slice %arg11[%dma_wait3A_869, %dma_wait3A_873] : memref<25x80xi32, #tpu.memory_space<vmem>> -> memref<1x80xi32, #tpu.memory_space<vmem>>
      %dma_wait3A_875 = tpu.memref_squeeze %dma_wait3A_874 : memref<1x80xi32, #tpu.memory_space<vmem>> -> memref<80xi32, #tpu.memory_space<vmem>>
      %dma_wait3A_876 = arith.constant 0 : i32
      %dma_wait3A_877 = arith.constant 0 : i32
      %dma_wait3A_878 = tpu.memref_slice %arg4[%dma_wait3A_876, %dma_wait3A_877] : memref<50000x8xf32, #tpu.memory_space<hbm>> -> memref<50000x8xf32, #tpu.memory_space<hbm>>
      tpu.wait_indirect_dma semaphore(%arg18 : memref<!tpu.dma_semaphore, #tpu.memory_space<semaphore_mem>>) src(%dma_wait3A_878 : memref<50000x8xf32, #tpu.memory_space<hbm>>) dst(%dma_wait3A_872 : memref<80x8xf32, #tpu.memory_space<vmem>>)
      %dma_wait3A_879 = arith.constant 9 : i32
      %dma_wait3A_880 = arith.constant 720 : i32
      %dma_wait3A_881 = arith.constant 0 : i32
      %dma_wait3A_882 = tpu.memref_slice %arg14[%dma_wait3A_880, %dma_wait3A_881] : memref<2000x8xf32, #tpu.memory_space<vmem>> -> memref<80x8xf32, #tpu.memory_space<vmem>>
      %dma_wait3A_883 = arith.constant 0 : i32
      %dma_wait3A_884 = tpu.memref_slice %arg11[%dma_wait3A_879, %dma_wait3A_883] : memref<25x80xi32, #tpu.memory_space<vmem>> -> memref<1x80xi32, #tpu.memory_space<vmem>>
      %dma_wait3A_885 = tpu.memref_squeeze %dma_wait3A_884 : memref<1x80xi32, #tpu.memory_space<vmem>> -> memref<80xi32, #tpu.memory_space<vmem>>
      %dma_wait3A_886 = arith.constant 0 : i32
      %dma_wait3A_887 = arith.constant 0 : i32
      %dma_wait3A_888 = tpu.memref_slice %arg4[%dma_wait3A_886, %dma_wait3A_887] : memref<50000x8xf32, #tpu.memory_space<hbm>> -> memref<50000x8xf32, #tpu.memory_space<hbm>>
      tpu.wait_indirect_dma semaphore(%arg18 : memref<!tpu.dma_semaphore, #tpu.memory_space<semaphore_mem>>) src(%dma_wait3A_888 : memref<50000x8xf32, #tpu.memory_space<hbm>>) dst(%dma_wait3A_882 : memref<80x8xf32, #tpu.memory_space<vmem>>)
      %dma_wait3A_889 = arith.constant 10 : i32
      %dma_wait3A_890 = arith.constant 800 : i32
      %dma_wait3A_891 = arith.constant 0 : i32
      %dma_wait3A_892 = tpu.memref_slice %arg14[%dma_wait3A_890, %dma_wait3A_891] : memref<2000x8xf32, #tpu.memory_space<vmem>> -> memref<80x8xf32, #tpu.memory_space<vmem>>
      %dma_wait3A_893 = arith.constant 0 : i32
      %dma_wait3A_894 = tpu.memref_slice %arg11[%dma_wait3A_889, %dma_wait3A_893] : memref<25x80xi32, #tpu.memory_space<vmem>> -> memref<1x80xi32, #tpu.memory_space<vmem>>
      %dma_wait3A_895 = tpu.memref_squeeze %dma_wait3A_894 : memref<1x80xi32, #tpu.memory_space<vmem>> -> memref<80xi32, #tpu.memory_space<vmem>>
      %dma_wait3A_896 = arith.constant 0 : i32
      %dma_wait3A_897 = arith.constant 0 : i32
      %dma_wait3A_898 = tpu.memref_slice %arg4[%dma_wait3A_896, %dma_wait3A_897] : memref<50000x8xf32, #tpu.memory_space<hbm>> -> memref<50000x8xf32, #tpu.memory_space<hbm>>
      tpu.wait_indirect_dma semaphore(%arg18 : memref<!tpu.dma_semaphore, #tpu.memory_space<semaphore_mem>>) src(%dma_wait3A_898 : memref<50000x8xf32, #tpu.memory_space<hbm>>) dst(%dma_wait3A_892 : memref<80x8xf32, #tpu.memory_space<vmem>>)
      %dma_wait3A_899 = arith.constant 11 : i32
      %dma_wait3A_900 = arith.constant 880 : i32
      %dma_wait3A_901 = arith.constant 0 : i32
      %dma_wait3A_902 = tpu.memref_slice %arg14[%dma_wait3A_900, %dma_wait3A_901] : memref<2000x8xf32, #tpu.memory_space<vmem>> -> memref<80x8xf32, #tpu.memory_space<vmem>>
      %dma_wait3A_903 = arith.constant 0 : i32
      %dma_wait3A_904 = tpu.memref_slice %arg11[%dma_wait3A_899, %dma_wait3A_903] : memref<25x80xi32, #tpu.memory_space<vmem>> -> memref<1x80xi32, #tpu.memory_space<vmem>>
      %dma_wait3A_905 = tpu.memref_squeeze %dma_wait3A_904 : memref<1x80xi32, #tpu.memory_space<vmem>> -> memref<80xi32, #tpu.memory_space<vmem>>
      %dma_wait3A_906 = arith.constant 0 : i32
      %dma_wait3A_907 = arith.constant 0 : i32
      %dma_wait3A_908 = tpu.memref_slice %arg4[%dma_wait3A_906, %dma_wait3A_907] : memref<50000x8xf32, #tpu.memory_space<hbm>> -> memref<50000x8xf32, #tpu.memory_space<hbm>>
      tpu.wait_indirect_dma semaphore(%arg18 : memref<!tpu.dma_semaphore, #tpu.memory_space<semaphore_mem>>) src(%dma_wait3A_908 : memref<50000x8xf32, #tpu.memory_space<hbm>>) dst(%dma_wait3A_902 : memref<80x8xf32, #tpu.memory_space<vmem>>)
      %dma_wait3A_909 = arith.constant 12 : i32
      %dma_wait3A_910 = arith.constant 960 : i32
      %dma_wait3A_911 = arith.constant 0 : i32
      %dma_wait3A_912 = tpu.memref_slice %arg14[%dma_wait3A_910, %dma_wait3A_911] : memref<2000x8xf32, #tpu.memory_space<vmem>> -> memref<80x8xf32, #tpu.memory_space<vmem>>
      %dma_wait3A_913 = arith.constant 0 : i32
      %dma_wait3A_914 = tpu.memref_slice %arg11[%dma_wait3A_909, %dma_wait3A_913] : memref<25x80xi32, #tpu.memory_space<vmem>> -> memref<1x80xi32, #tpu.memory_space<vmem>>
      %dma_wait3A_915 = tpu.memref_squeeze %dma_wait3A_914 : memref<1x80xi32, #tpu.memory_space<vmem>> -> memref<80xi32, #tpu.memory_space<vmem>>
      %dma_wait3A_916 = arith.constant 0 : i32
      %dma_wait3A_917 = arith.constant 0 : i32
      %dma_wait3A_918 = tpu.memref_slice %arg4[%dma_wait3A_916, %dma_wait3A_917] : memref<50000x8xf32, #tpu.memory_space<hbm>> -> memref<50000x8xf32, #tpu.memory_space<hbm>>
      tpu.wait_indirect_dma semaphore(%arg18 : memref<!tpu.dma_semaphore, #tpu.memory_space<semaphore_mem>>) src(%dma_wait3A_918 : memref<50000x8xf32, #tpu.memory_space<hbm>>) dst(%dma_wait3A_912 : memref<80x8xf32, #tpu.memory_space<vmem>>)
      %dma_wait3A_919 = arith.constant 13 : i32
      %dma_wait3A_920 = arith.constant 1040 : i32
      %dma_wait3A_921 = arith.constant 0 : i32
      %dma_wait3A_922 = tpu.memref_slice %arg14[%dma_wait3A_920, %dma_wait3A_921] : memref<2000x8xf32, #tpu.memory_space<vmem>> -> memref<80x8xf32, #tpu.memory_space<vmem>>
      %dma_wait3A_923 = arith.constant 0 : i32
      %dma_wait3A_924 = tpu.memref_slice %arg11[%dma_wait3A_919, %dma_wait3A_923] : memref<25x80xi32, #tpu.memory_space<vmem>> -> memref<1x80xi32, #tpu.memory_space<vmem>>
      %dma_wait3A_925 = tpu.memref_squeeze %dma_wait3A_924 : memref<1x80xi32, #tpu.memory_space<vmem>> -> memref<80xi32, #tpu.memory_space<vmem>>
      %dma_wait3A_926 = arith.constant 0 : i32
      %dma_wait3A_927 = arith.constant 0 : i32
      %dma_wait3A_928 = tpu.memref_slice %arg4[%dma_wait3A_926, %dma_wait3A_927] : memref<50000x8xf32, #tpu.memory_space<hbm>> -> memref<50000x8xf32, #tpu.memory_space<hbm>>
      tpu.wait_indirect_dma semaphore(%arg18 : memref<!tpu.dma_semaphore, #tpu.memory_space<semaphore_mem>>) src(%dma_wait3A_928 : memref<50000x8xf32, #tpu.memory_space<hbm>>) dst(%dma_wait3A_922 : memref<80x8xf32, #tpu.memory_space<vmem>>)
      %dma_wait3A_929 = arith.constant 14 : i32
      %dma_wait3A_930 = arith.constant 1120 : i32
      %dma_wait3A_931 = arith.constant 0 : i32
      %dma_wait3A_932 = tpu.memref_slice %arg14[%dma_wait3A_930, %dma_wait3A_931] : memref<2000x8xf32, #tpu.memory_space<vmem>> -> memref<80x8xf32, #tpu.memory_space<vmem>>
      %dma_wait3A_933 = arith.constant 0 : i32
      %dma_wait3A_934 = tpu.memref_slice %arg11[%dma_wait3A_929, %dma_wait3A_933] : memref<25x80xi32, #tpu.memory_space<vmem>> -> memref<1x80xi32, #tpu.memory_space<vmem>>
      %dma_wait3A_935 = tpu.memref_squeeze %dma_wait3A_934 : memref<1x80xi32, #tpu.memory_space<vmem>> -> memref<80xi32, #tpu.memory_space<vmem>>
      %dma_wait3A_936 = arith.constant 0 : i32
      %dma_wait3A_937 = arith.constant 0 : i32
      %dma_wait3A_938 = tpu.memref_slice %arg4[%dma_wait3A_936, %dma_wait3A_937] : memref<50000x8xf32, #tpu.memory_space<hbm>> -> memref<50000x8xf32, #tpu.memory_space<hbm>>
      tpu.wait_indirect_dma semaphore(%arg18 : memref<!tpu.dma_semaphore, #tpu.memory_space<semaphore_mem>>) src(%dma_wait3A_938 : memref<50000x8xf32, #tpu.memory_space<hbm>>) dst(%dma_wait3A_932 : memref<80x8xf32, #tpu.memory_space<vmem>>)
      %dma_wait3A_939 = arith.constant 15 : i32
      %dma_wait3A_940 = arith.constant 1200 : i32
      %dma_wait3A_941 = arith.constant 0 : i32
      %dma_wait3A_942 = tpu.memref_slice %arg14[%dma_wait3A_940, %dma_wait3A_941] : memref<2000x8xf32, #tpu.memory_space<vmem>> -> memref<80x8xf32, #tpu.memory_space<vmem>>
      %dma_wait3A_943 = arith.constant 0 : i32
      %dma_wait3A_944 = tpu.memref_slice %arg11[%dma_wait3A_939, %dma_wait3A_943] : memref<25x80xi32, #tpu.memory_space<vmem>> -> memref<1x80xi32, #tpu.memory_space<vmem>>
      %dma_wait3A_945 = tpu.memref_squeeze %dma_wait3A_944 : memref<1x80xi32, #tpu.memory_space<vmem>> -> memref<80xi32, #tpu.memory_space<vmem>>
      %dma_wait3A_946 = arith.constant 0 : i32
      %dma_wait3A_947 = arith.constant 0 : i32
      %dma_wait3A_948 = tpu.memref_slice %arg4[%dma_wait3A_946, %dma_wait3A_947] : memref<50000x8xf32, #tpu.memory_space<hbm>> -> memref<50000x8xf32, #tpu.memory_space<hbm>>
      tpu.wait_indirect_dma semaphore(%arg18 : memref<!tpu.dma_semaphore, #tpu.memory_space<semaphore_mem>>) src(%dma_wait3A_948 : memref<50000x8xf32, #tpu.memory_space<hbm>>) dst(%dma_wait3A_942 : memref<80x8xf32, #tpu.memory_space<vmem>>)
      %dma_wait3A_949 = arith.constant 16 : i32
      %dma_wait3A_950 = arith.constant 1280 : i32
      %dma_wait3A_951 = arith.constant 0 : i32
      %dma_wait3A_952 = tpu.memref_slice %arg14[%dma_wait3A_950, %dma_wait3A_951] : memref<2000x8xf32, #tpu.memory_space<vmem>> -> memref<80x8xf32, #tpu.memory_space<vmem>>
      %dma_wait3A_953 = arith.constant 0 : i32
      %dma_wait3A_954 = tpu.memref_slice %arg11[%dma_wait3A_949, %dma_wait3A_953] : memref<25x80xi32, #tpu.memory_space<vmem>> -> memref<1x80xi32, #tpu.memory_space<vmem>>
      %dma_wait3A_955 = tpu.memref_squeeze %dma_wait3A_954 : memref<1x80xi32, #tpu.memory_space<vmem>> -> memref<80xi32, #tpu.memory_space<vmem>>
      %dma_wait3A_956 = arith.constant 0 : i32
      %dma_wait3A_957 = arith.constant 0 : i32
      %dma_wait3A_958 = tpu.memref_slice %arg4[%dma_wait3A_956, %dma_wait3A_957] : memref<50000x8xf32, #tpu.memory_space<hbm>> -> memref<50000x8xf32, #tpu.memory_space<hbm>>
      tpu.wait_indirect_dma semaphore(%arg18 : memref<!tpu.dma_semaphore, #tpu.memory_space<semaphore_mem>>) src(%dma_wait3A_958 : memref<50000x8xf32, #tpu.memory_space<hbm>>) dst(%dma_wait3A_952 : memref<80x8xf32, #tpu.memory_space<vmem>>)
      %dma_wait3A_959 = arith.constant 17 : i32
      %dma_wait3A_960 = arith.constant 1360 : i32
      %dma_wait3A_961 = arith.constant 0 : i32
      %dma_wait3A_962 = tpu.memref_slice %arg14[%dma_wait3A_960, %dma_wait3A_961] : memref<2000x8xf32, #tpu.memory_space<vmem>> -> memref<80x8xf32, #tpu.memory_space<vmem>>
      %dma_wait3A_963 = arith.constant 0 : i32
      %dma_wait3A_964 = tpu.memref_slice %arg11[%dma_wait3A_959, %dma_wait3A_963] : memref<25x80xi32, #tpu.memory_space<vmem>> -> memref<1x80xi32, #tpu.memory_space<vmem>>
      %dma_wait3A_965 = tpu.memref_squeeze %dma_wait3A_964 : memref<1x80xi32, #tpu.memory_space<vmem>> -> memref<80xi32, #tpu.memory_space<vmem>>
      %dma_wait3A_966 = arith.constant 0 : i32
      %dma_wait3A_967 = arith.constant 0 : i32
      %dma_wait3A_968 = tpu.memref_slice %arg4[%dma_wait3A_966, %dma_wait3A_967] : memref<50000x8xf32, #tpu.memory_space<hbm>> -> memref<50000x8xf32, #tpu.memory_space<hbm>>
      tpu.wait_indirect_dma semaphore(%arg18 : memref<!tpu.dma_semaphore, #tpu.memory_space<semaphore_mem>>) src(%dma_wait3A_968 : memref<50000x8xf32, #tpu.memory_space<hbm>>) dst(%dma_wait3A_962 : memref<80x8xf32, #tpu.memory_space<vmem>>)
      %dma_wait3A_969 = arith.constant 18 : i32
      %dma_wait3A_970 = arith.constant 1440 : i32
      %dma_wait3A_971 = arith.constant 0 : i32
      %dma_wait3A_972 = tpu.memref_slice %arg14[%dma_wait3A_970, %dma_wait3A_971] : memref<2000x8xf32, #tpu.memory_space<vmem>> -> memref<80x8xf32, #tpu.memory_space<vmem>>
      %dma_wait3A_973 = arith.constant 0 : i32
      %dma_wait3A_974 = tpu.memref_slice %arg11[%dma_wait3A_969, %dma_wait3A_973] : memref<25x80xi32, #tpu.memory_space<vmem>> -> memref<1x80xi32, #tpu.memory_space<vmem>>
      %dma_wait3A_975 = tpu.memref_squeeze %dma_wait3A_974 : memref<1x80xi32, #tpu.memory_space<vmem>> -> memref<80xi32, #tpu.memory_space<vmem>>
      %dma_wait3A_976 = arith.constant 0 : i32
      %dma_wait3A_977 = arith.constant 0 : i32
      %dma_wait3A_978 = tpu.memref_slice %arg4[%dma_wait3A_976, %dma_wait3A_977] : memref<50000x8xf32, #tpu.memory_space<hbm>> -> memref<50000x8xf32, #tpu.memory_space<hbm>>
      tpu.wait_indirect_dma semaphore(%arg18 : memref<!tpu.dma_semaphore, #tpu.memory_space<semaphore_mem>>) src(%dma_wait3A_978 : memref<50000x8xf32, #tpu.memory_space<hbm>>) dst(%dma_wait3A_972 : memref<80x8xf32, #tpu.memory_space<vmem>>)
      %dma_wait3A_979 = arith.constant 19 : i32
      %dma_wait3A_980 = arith.constant 1520 : i32
      %dma_wait3A_981 = arith.constant 0 : i32
      %dma_wait3A_982 = tpu.memref_slice %arg14[%dma_wait3A_980, %dma_wait3A_981] : memref<2000x8xf32, #tpu.memory_space<vmem>> -> memref<80x8xf32, #tpu.memory_space<vmem>>
      %dma_wait3A_983 = arith.constant 0 : i32
      %dma_wait3A_984 = tpu.memref_slice %arg11[%dma_wait3A_979, %dma_wait3A_983] : memref<25x80xi32, #tpu.memory_space<vmem>> -> memref<1x80xi32, #tpu.memory_space<vmem>>
      %dma_wait3A_985 = tpu.memref_squeeze %dma_wait3A_984 : memref<1x80xi32, #tpu.memory_space<vmem>> -> memref<80xi32, #tpu.memory_space<vmem>>
      %dma_wait3A_986 = arith.constant 0 : i32
      %dma_wait3A_987 = arith.constant 0 : i32
      %dma_wait3A_988 = tpu.memref_slice %arg4[%dma_wait3A_986, %dma_wait3A_987] : memref<50000x8xf32, #tpu.memory_space<hbm>> -> memref<50000x8xf32, #tpu.memory_space<hbm>>
      tpu.wait_indirect_dma semaphore(%arg18 : memref<!tpu.dma_semaphore, #tpu.memory_space<semaphore_mem>>) src(%dma_wait3A_988 : memref<50000x8xf32, #tpu.memory_space<hbm>>) dst(%dma_wait3A_982 : memref<80x8xf32, #tpu.memory_space<vmem>>)
      %dma_wait3A_989 = arith.constant 20 : i32
      %dma_wait3A_990 = arith.constant 1600 : i32
      %dma_wait3A_991 = arith.constant 0 : i32
      %dma_wait3A_992 = tpu.memref_slice %arg14[%dma_wait3A_990, %dma_wait3A_991] : memref<2000x8xf32, #tpu.memory_space<vmem>> -> memref<80x8xf32, #tpu.memory_space<vmem>>
      %dma_wait3A_993 = arith.constant 0 : i32
      %dma_wait3A_994 = tpu.memref_slice %arg11[%dma_wait3A_989, %dma_wait3A_993] : memref<25x80xi32, #tpu.memory_space<vmem>> -> memref<1x80xi32, #tpu.memory_space<vmem>>
      %dma_wait3A_995 = tpu.memref_squeeze %dma_wait3A_994 : memref<1x80xi32, #tpu.memory_space<vmem>> -> memref<80xi32, #tpu.memory_space<vmem>>
      %dma_wait3A_996 = arith.constant 0 : i32
      %dma_wait3A_997 = arith.constant 0 : i32
      %dma_wait3A_998 = tpu.memref_slice %arg4[%dma_wait3A_996, %dma_wait3A_997] : memref<50000x8xf32, #tpu.memory_space<hbm>> -> memref<50000x8xf32, #tpu.memory_space<hbm>>
      tpu.wait_indirect_dma semaphore(%arg18 : memref<!tpu.dma_semaphore, #tpu.memory_space<semaphore_mem>>) src(%dma_wait3A_998 : memref<50000x8xf32, #tpu.memory_space<hbm>>) dst(%dma_wait3A_992 : memref<80x8xf32, #tpu.memory_space<vmem>>)
      %dma_wait3A_999 = arith.constant 21 : i32
      %dma_wait3A_1000 = arith.constant 1680 : i32
      %dma_wait3A_1001 = arith.constant 0 : i32
      %dma_wait3A_1002 = tpu.memref_slice %arg14[%dma_wait3A_1000, %dma_wait3A_1001] : memref<2000x8xf32, #tpu.memory_space<vmem>> -> memref<80x8xf32, #tpu.memory_space<vmem>>
      %dma_wait3A_1003 = arith.constant 0 : i32
      %dma_wait3A_1004 = tpu.memref_slice %arg11[%dma_wait3A_999, %dma_wait3A_1003] : memref<25x80xi32, #tpu.memory_space<vmem>> -> memref<1x80xi32, #tpu.memory_space<vmem>>
      %dma_wait3A_1005 = tpu.memref_squeeze %dma_wait3A_1004 : memref<1x80xi32, #tpu.memory_space<vmem>> -> memref<80xi32, #tpu.memory_space<vmem>>
      %dma_wait3A_1006 = arith.constant 0 : i32
      %dma_wait3A_1007 = arith.constant 0 : i32
      %dma_wait3A_1008 = tpu.memref_slice %arg4[%dma_wait3A_1006, %dma_wait3A_1007] : memref<50000x8xf32, #tpu.memory_space<hbm>> -> memref<50000x8xf32, #tpu.memory_space<hbm>>
      tpu.wait_indirect_dma semaphore(%arg18 : memref<!tpu.dma_semaphore, #tpu.memory_space<semaphore_mem>>) src(%dma_wait3A_1008 : memref<50000x8xf32, #tpu.memory_space<hbm>>) dst(%dma_wait3A_1002 : memref<80x8xf32, #tpu.memory_space<vmem>>)
      %dma_wait3A_1009 = arith.constant 22 : i32
      %dma_wait3A_1010 = arith.constant 1760 : i32
      %dma_wait3A_1011 = arith.constant 0 : i32
      %dma_wait3A_1012 = tpu.memref_slice %arg14[%dma_wait3A_1010, %dma_wait3A_1011] : memref<2000x8xf32, #tpu.memory_space<vmem>> -> memref<80x8xf32, #tpu.memory_space<vmem>>
      %dma_wait3A_1013 = arith.constant 0 : i32
      %dma_wait3A_1014 = tpu.memref_slice %arg11[%dma_wait3A_1009, %dma_wait3A_1013] : memref<25x80xi32, #tpu.memory_space<vmem>> -> memref<1x80xi32, #tpu.memory_space<vmem>>
      %dma_wait3A_1015 = tpu.memref_squeeze %dma_wait3A_1014 : memref<1x80xi32, #tpu.memory_space<vmem>> -> memref<80xi32, #tpu.memory_space<vmem>>
      %dma_wait3A_1016 = arith.constant 0 : i32
      %dma_wait3A_1017 = arith.constant 0 : i32
      %dma_wait3A_1018 = tpu.memref_slice %arg4[%dma_wait3A_1016, %dma_wait3A_1017] : memref<50000x8xf32, #tpu.memory_space<hbm>> -> memref<50000x8xf32, #tpu.memory_space<hbm>>
      tpu.wait_indirect_dma semaphore(%arg18 : memref<!tpu.dma_semaphore, #tpu.memory_space<semaphore_mem>>) src(%dma_wait3A_1018 : memref<50000x8xf32, #tpu.memory_space<hbm>>) dst(%dma_wait3A_1012 : memref<80x8xf32, #tpu.memory_space<vmem>>)
      %dma_wait3A_1019 = arith.constant 23 : i32
      %dma_wait3A_1020 = arith.constant 1840 : i32
      %dma_wait3A_1021 = arith.constant 0 : i32
      %dma_wait3A_1022 = tpu.memref_slice %arg14[%dma_wait3A_1020, %dma_wait3A_1021] : memref<2000x8xf32, #tpu.memory_space<vmem>> -> memref<80x8xf32, #tpu.memory_space<vmem>>
      %dma_wait3A_1023 = arith.constant 0 : i32
      %dma_wait3A_1024 = tpu.memref_slice %arg11[%dma_wait3A_1019, %dma_wait3A_1023] : memref<25x80xi32, #tpu.memory_space<vmem>> -> memref<1x80xi32, #tpu.memory_space<vmem>>
      %dma_wait3A_1025 = tpu.memref_squeeze %dma_wait3A_1024 : memref<1x80xi32, #tpu.memory_space<vmem>> -> memref<80xi32, #tpu.memory_space<vmem>>
      %dma_wait3A_1026 = arith.constant 0 : i32
      %dma_wait3A_1027 = arith.constant 0 : i32
      %dma_wait3A_1028 = tpu.memref_slice %arg4[%dma_wait3A_1026, %dma_wait3A_1027] : memref<50000x8xf32, #tpu.memory_space<hbm>> -> memref<50000x8xf32, #tpu.memory_space<hbm>>
      tpu.wait_indirect_dma semaphore(%arg18 : memref<!tpu.dma_semaphore, #tpu.memory_space<semaphore_mem>>) src(%dma_wait3A_1028 : memref<50000x8xf32, #tpu.memory_space<hbm>>) dst(%dma_wait3A_1022 : memref<80x8xf32, #tpu.memory_space<vmem>>)
      %dma_wait3A_1029 = arith.constant 24 : i32
      %dma_wait3A_1030 = arith.constant 1920 : i32
      %dma_wait3A_1031 = arith.constant 0 : i32
      %dma_wait3A_1032 = tpu.memref_slice %arg14[%dma_wait3A_1030, %dma_wait3A_1031] : memref<2000x8xf32, #tpu.memory_space<vmem>> -> memref<80x8xf32, #tpu.memory_space<vmem>>
      %dma_wait3A_1033 = arith.constant 0 : i32
      %dma_wait3A_1034 = tpu.memref_slice %arg11[%dma_wait3A_1029, %dma_wait3A_1033] : memref<25x80xi32, #tpu.memory_space<vmem>> -> memref<1x80xi32, #tpu.memory_space<vmem>>
      %dma_wait3A_1035 = tpu.memref_squeeze %dma_wait3A_1034 : memref<1x80xi32, #tpu.memory_space<vmem>> -> memref<80xi32, #tpu.memory_space<vmem>>
      %dma_wait3A_1036 = arith.constant 0 : i32
      %dma_wait3A_1037 = arith.constant 0 : i32
      %dma_wait3A_1038 = tpu.memref_slice %arg4[%dma_wait3A_1036, %dma_wait3A_1037] : memref<50000x8xf32, #tpu.memory_space<hbm>> -> memref<50000x8xf32, #tpu.memory_space<hbm>>
      tpu.wait_indirect_dma semaphore(%arg18 : memref<!tpu.dma_semaphore, #tpu.memory_space<semaphore_mem>>) src(%dma_wait3A_1038 : memref<50000x8xf32, #tpu.memory_space<hbm>>) dst(%dma_wait3A_1032 : memref<80x8xf32, #tpu.memory_space<vmem>>)
      %scan3A_1039 = arith.constant 0 : i32
      %scan3A_1040 = arith.constant 25 : i32
      %scan3A_1041 = arith.addi %scan3A_1039, %scan3A_1040 : i32
      %scan3A_1042 = arith.constant 1 : i32
      %scan3A_1043 = scf.for %scan3A_1545 = %scan3A_1039 to %scan3A_1041 step %scan3A_1042 iter_args(%scan3A_1546 = %scan3A_22) -> (vector<16xf32>)  : i32 {
        %add3A_1547 = vector.broadcast %scan3A_1545 : i32 to vector<16xi32>
        %add3A_1548 = arith.addi %broadcast_in_dim3A_3, %add3A_1547 : vector<16xi32>
        %add3A_1549 = arith.constant 0 : i32
        %add3A_1550 = vector.broadcast %add3A_1549 : i32 to vector<16xi32>
        %add3A_1551 = arith.addi %iota3A, %add3A_1550 : vector<16xi32>
        %mul3A_1552 = arith.constant 80 : i32
        %mul3A_1553 = vector.broadcast %mul3A_1552 : i32 to vector<16xi32>
        %mul3A_1554 = arith.muli %add3A_1548, %mul3A_1553 : vector<16xi32>
        %add3A_1555 = arith.addi %mul3A_1554, %add3A_1551 : vector<16xi32>
        %gather3A = tpu.vector_load_idx %arg9[%add3A_1548, %add3A_1551] : memref<25x80xi32, #tpu.memory_space<vmem>>[vector<16xi32>, vector<16xi32>], vector<16xi32>,
        %gather3A_1556 = tpu.vector_load_idx %arg10[%add3A_1548, %add3A_1551] : memref<25x80xi32, #tpu.memory_space<vmem>>[vector<16xi32>, vector<16xi32>], vector<16xi32>,
        %and3A = arith.constant 1 : i32
        %and3A_1557 = vector.broadcast %and3A : i32 to vector<16xi32>
        %and3A_1558 = arith.andi %gather3A, %and3A_1557 : vector<16xi32>
        %shift_left3A = arith.constant 2 : i32
        %shift_left3A_1559 = vector.broadcast %shift_left3A : i32 to vector<16xi32>
        %shift_left3A_1560 = arith.shli %and3A_1558, %shift_left3A_1559 : vector<16xi32>
        %and3A_1561 = arith.constant 1 : i32
        %and3A_1562 = vector.broadcast %and3A_1561 : i32 to vector<16xi32>
        %and3A_1563 = arith.andi %gather3A_1556, %and3A_1562 : vector<16xi32>
        %shift_left3A_1564 = arith.constant 2 : i32
        %shift_left3A_1565 = vector.broadcast %shift_left3A_1564 : i32 to vector<16xi32>
        %shift_left3A_1566 = arith.shli %and3A_1563, %shift_left3A_1565 : vector<16xi32>
        %gather3A_1567 = tpu.vector_load_idx %arg12[%add3A_1548, %add3A_1551, %broadcast_in_dim3A_3] : memref<25x80x2xf32, #tpu.memory_space<vmem>>[vector<16xi32>, vector<16xi32>, vector<16xi32>], vector<16xf32>,
        %gather3A_1568 = tpu.vector_load_idx %arg12[%add3A_1548, %add3A_1551, %broadcast_in_dim3A_5] : memref<25x80x2xf32, #tpu.memory_space<vmem>>[vector<16xi32>, vector<16xi32>, vector<16xi32>], vector<16xf32>,
        %gather3A_1569 = tpu.vector_load_idx %arg13[%add3A_1555, %shift_left3A_1560] : memref<2000x8xf32, #tpu.memory_space<vmem>>[vector<16xi32>, vector<16xi32>], vector<16xf32>,
        %add3A_1570 = arith.constant 1 : i32
        %add3A_1571 = vector.broadcast %add3A_1570 : i32 to vector<16xi32>
        %add3A_1572 = arith.addi %shift_left3A_1560, %add3A_1571 : vector<16xi32>
        %gather3A_1573 = tpu.vector_load_idx %arg13[%add3A_1555, %add3A_1572] : memref<2000x8xf32, #tpu.memory_space<vmem>>[vector<16xi32>, vector<16xi32>], vector<16xf32>,
        %add3A_1574 = arith.constant 2 : i32
        %add3A_1575 = vector.broadcast %add3A_1574 : i32 to vector<16xi32>
        %add3A_1576 = arith.addi %shift_left3A_1560, %add3A_1575 : vector<16xi32>
        %gather3A_1577 = tpu.vector_load_idx %arg13[%add3A_1555, %add3A_1576] : memref<2000x8xf32, #tpu.memory_space<vmem>>[vector<16xi32>, vector<16xi32>], vector<16xf32>,
        %add3A_1578 = arith.constant 3 : i32
        %add3A_1579 = vector.broadcast %add3A_1578 : i32 to vector<16xi32>
        %add3A_1580 = arith.addi %shift_left3A_1560, %add3A_1579 : vector<16xi32>
        %gather3A_1581 = tpu.vector_load_idx %arg13[%add3A_1555, %add3A_1580] : memref<2000x8xf32, #tpu.memory_space<vmem>>[vector<16xi32>, vector<16xi32>], vector<16xf32>,
        %gather3A_1582 = tpu.vector_load_idx %arg14[%add3A_1555, %shift_left3A_1566] : memref<2000x8xf32, #tpu.memory_space<vmem>>[vector<16xi32>, vector<16xi32>], vector<16xf32>,
        %add3A_1583 = arith.constant 1 : i32
        %add3A_1584 = vector.broadcast %add3A_1583 : i32 to vector<16xi32>
        %add3A_1585 = arith.addi %shift_left3A_1566, %add3A_1584 : vector<16xi32>
        %gather3A_1586 = tpu.vector_load_idx %arg14[%add3A_1555, %add3A_1585] : memref<2000x8xf32, #tpu.memory_space<vmem>>[vector<16xi32>, vector<16xi32>], vector<16xf32>,
        %add3A_1587 = arith.constant 2 : i32
        %add3A_1588 = vector.broadcast %add3A_1587 : i32 to vector<16xi32>
        %add3A_1589 = arith.addi %shift_left3A_1566, %add3A_1588 : vector<16xi32>
        %gather3A_1590 = tpu.vector_load_idx %arg14[%add3A_1555, %add3A_1589] : memref<2000x8xf32, #tpu.memory_space<vmem>>[vector<16xi32>, vector<16xi32>], vector<16xf32>,
        %add3A_1591 = arith.constant 3 : i32
        %add3A_1592 = vector.broadcast %add3A_1591 : i32 to vector<16xi32>
        %add3A_1593 = arith.addi %shift_left3A_1566, %add3A_1592 : vector<16xi32>
        %gather3A_1594 = tpu.vector_load_idx %arg14[%add3A_1555, %add3A_1593] : memref<2000x8xf32, #tpu.memory_space<vmem>>[vector<16xi32>, vector<16xi32>], vector<16xf32>,
        %add3A_1595 = arith.constant 9.99999993E-9 : f32
        %add3A_1596 = vector.broadcast %add3A_1595 : f32 to vector<16xf32>
        %add3A_1597 = arith.addf %gather3A_1567, %add3A_1596 : vector<16xf32>
        %div3A = arith.constant 1.000000e+00 : f32
        %div3A_1598 = vector.broadcast %div3A : f32 to vector<16xf32>
        %div3A_1599 = arith.divf %div3A_1598, %add3A_1597 : vector<16xf32>
        %add3A_1600 = arith.constant 9.99999993E-9 : f32
        %add3A_1601 = vector.broadcast %add3A_1600 : f32 to vector<16xf32>
        %add3A_1602 = arith.addf %gather3A_1568, %add3A_1601 : vector<16xf32>
        %div3A_1603 = arith.constant 1.000000e+00 : f32
        %div3A_1604 = vector.broadcast %div3A_1603 : f32 to vector<16xf32>
        %div3A_1605 = arith.divf %div3A_1604, %add3A_1602 : vector<16xf32>
        %mul3A_1606 = arith.mulf %gather3A_1567, %gather3A_1567 : vector<16xf32>
        %add3A_1607 = arith.constant 9.99999993E-9 : f32
        %add3A_1608 = vector.broadcast %add3A_1607 : f32 to vector<16xf32>
        %add3A_1609 = arith.addf %mul3A_1606, %add3A_1608 : vector<16xf32>
        %div3A_1610 = arith.constant 1.000000e+00 : f32
        %div3A_1611 = vector.broadcast %div3A_1610 : f32 to vector<16xf32>
        %div3A_1612 = arith.divf %div3A_1611, %add3A_1609 : vector<16xf32>
        %mul3A_1613 = arith.mulf %gather3A_1568, %gather3A_1568 : vector<16xf32>
        %add3A_1614 = arith.constant 9.99999993E-9 : f32
        %add3A_1615 = vector.broadcast %add3A_1614 : f32 to vector<16xf32>
        %add3A_1616 = arith.addf %mul3A_1613, %add3A_1615 : vector<16xf32>
        %div3A_1617 = arith.constant 1.000000e+00 : f32
        %div3A_1618 = vector.broadcast %div3A_1617 : f32 to vector<16xf32>
        %div3A_1619 = arith.divf %div3A_1618, %add3A_1616 : vector<16xf32>
        %sub3A = arith.subf %gather3A_1582, %gather3A_1569 : vector<16xf32>
        %sub3A_1620 = arith.subf %gather3A_1586, %gather3A_1573 : vector<16xf32>
        %sub3A_1621 = arith.subf %gather3A_1590, %gather3A_1577 : vector<16xf32>
        %sub3A_1622 = arith.subf %gather3A_1594, %gather3A_1581 : vector<16xf32>
        %mul3A_1623 = arith.mulf %sub3A, %div3A_1599 : vector<16xf32>
        %mul3A_1624 = arith.mulf %sub3A_1620, %div3A_1605 : vector<16xf32>
        %add3A_1625 = arith.addf %mul3A_1623, %mul3A_1624 : vector<16xf32>
        tpu.vector_store_idx %arg15[%add3A_1555, %broadcast_in_dim3A_3], %add3A_1625 : memref<2000x8xf32, #tpu.memory_space<vmem>>[vector<16xi32>, vector<16xi32>], vector<16xf32>,
        %mul3A_1626 = arith.mulf %sub3A_1621, %div3A_1599 : vector<16xf32>
        tpu.vector_store_idx %arg15[%add3A_1555, %broadcast_in_dim3A_5], %mul3A_1626 : memref<2000x8xf32, #tpu.memory_space<vmem>>[vector<16xi32>, vector<16xi32>], vector<16xf32>,
        %add3A_1627 = arith.constant 2 : i32
        %add3A_1628 = vector.broadcast %add3A_1627 : i32 to vector<16xi32>
        %add3A_1629 = arith.addi %broadcast_in_dim3A_3, %add3A_1628 : vector<16xi32>
        %mul3A_1630 = arith.mulf %sub3A_1621, %div3A_1605 : vector<16xf32>
        tpu.vector_store_idx %arg15[%add3A_1555, %add3A_1629], %mul3A_1630 : memref<2000x8xf32, #tpu.memory_space<vmem>>[vector<16xi32>, vector<16xi32>], vector<16xf32>,
        %add3A_1631 = arith.constant 3 : i32
        %add3A_1632 = vector.broadcast %add3A_1631 : i32 to vector<16xi32>
        %add3A_1633 = arith.addi %broadcast_in_dim3A_3, %add3A_1632 : vector<16xi32>
        %mul3A_1634 = arith.mulf %sub3A, %div3A_1612 : vector<16xf32>
        tpu.vector_store_idx %arg15[%add3A_1555, %add3A_1633], %mul3A_1634 : memref<2000x8xf32, #tpu.memory_space<vmem>>[vector<16xi32>, vector<16xi32>], vector<16xf32>,
        %add3A_1635 = arith.constant 4 : i32
        %add3A_1636 = vector.broadcast %add3A_1635 : i32 to vector<16xi32>
        %add3A_1637 = arith.addi %broadcast_in_dim3A_3, %add3A_1636 : vector<16xi32>
        %mul3A_1638 = arith.mulf %sub3A_1620, %div3A_1619 : vector<16xf32>
        tpu.vector_store_idx %arg15[%add3A_1555, %add3A_1637], %mul3A_1638 : memref<2000x8xf32, #tpu.memory_space<vmem>>[vector<16xi32>, vector<16xi32>], vector<16xf32>,
        %add3A_1639 = arith.constant 5 : i32
        %add3A_1640 = vector.broadcast %add3A_1639 : i32 to vector<16xi32>
        %add3A_1641 = arith.addi %broadcast_in_dim3A_3, %add3A_1640 : vector<16xi32>
        %mul3A_1642 = arith.mulf %sub3A, %div3A_1605 : vector<16xf32>
        %mul3A_1643 = arith.mulf %sub3A_1620, %div3A_1599 : vector<16xf32>
        %add3A_1644 = arith.addf %mul3A_1642, %mul3A_1643 : vector<16xf32>
        %mul3A_1645 = arith.constant 5.000000e-01 : f32
        %mul3A_1646 = vector.broadcast %mul3A_1645 : f32 to vector<16xf32>
        %mul3A_1647 = arith.mulf %mul3A_1646, %add3A_1644 : vector<16xf32>
        tpu.vector_store_idx %arg15[%add3A_1555, %add3A_1641], %mul3A_1647 : memref<2000x8xf32, #tpu.memory_space<vmem>>[vector<16xi32>, vector<16xi32>], vector<16xf32>,
        %mul3A_1648 = arith.mulf %sub3A, %sub3A : vector<16xf32>
        %add3A_1649 = arith.addf %scan3A_1546, %mul3A_1648 : vector<16xf32>
        %mul3A_1650 = arith.mulf %sub3A_1620, %sub3A_1620 : vector<16xf32>
        %add3A_1651 = arith.addf %add3A_1649, %mul3A_1650 : vector<16xf32>
        %mul3A_1652 = arith.mulf %sub3A_1621, %sub3A_1621 : vector<16xf32>
        %add3A_1653 = arith.addf %add3A_1651, %mul3A_1652 : vector<16xf32>
        %mul3A_1654 = arith.mulf %sub3A_1622, %sub3A_1622 : vector<16xf32>
        %add3A_1655 = arith.addf %add3A_1653, %mul3A_1654 : vector<16xf32>
        %add3A_1656 = arith.constant 16 : i32
        %add3A_1657 = vector.broadcast %add3A_1656 : i32 to vector<16xi32>
        %add3A_1658 = arith.addi %iota3A, %add3A_1657 : vector<16xi32>
        %mul3A_1659 = arith.constant 80 : i32
        %mul3A_1660 = vector.broadcast %mul3A_1659 : i32 to vector<16xi32>
        %mul3A_1661 = arith.muli %add3A_1548, %mul3A_1660 : vector<16xi32>
        %add3A_1662 = arith.addi %mul3A_1661, %add3A_1658 : vector<16xi32>
        %gather3A_1663 = tpu.vector_load_idx %arg9[%add3A_1548, %add3A_1658] : memref<25x80xi32, #tpu.memory_space<vmem>>[vector<16xi32>, vector<16xi32>], vector<16xi32>,
        %gather3A_1664 = tpu.vector_load_idx %arg10[%add3A_1548, %add3A_1658] : memref<25x80xi32, #tpu.memory_space<vmem>>[vector<16xi32>, vector<16xi32>], vector<16xi32>,
        %and3A_1665 = arith.constant 1 : i32
        %and3A_1666 = vector.broadcast %and3A_1665 : i32 to vector<16xi32>
        %and3A_1667 = arith.andi %gather3A_1663, %and3A_1666 : vector<16xi32>
        %shift_left3A_1668 = arith.constant 2 : i32
        %shift_left3A_1669 = vector.broadcast %shift_left3A_1668 : i32 to vector<16xi32>
        %shift_left3A_1670 = arith.shli %and3A_1667, %shift_left3A_1669 : vector<16xi32>
        %and3A_1671 = arith.constant 1 : i32
        %and3A_1672 = vector.broadcast %and3A_1671 : i32 to vector<16xi32>
        %and3A_1673 = arith.andi %gather3A_1664, %and3A_1672 : vector<16xi32>
        %shift_left3A_1674 = arith.constant 2 : i32
        %shift_left3A_1675 = vector.broadcast %shift_left3A_1674 : i32 to vector<16xi32>
        %shift_left3A_1676 = arith.shli %and3A_1673, %shift_left3A_1675 : vector<16xi32>
        %gather3A_1677 = tpu.vector_load_idx %arg12[%add3A_1548, %add3A_1658, %broadcast_in_dim3A_3] : memref<25x80x2xf32, #tpu.memory_space<vmem>>[vector<16xi32>, vector<16xi32>, vector<16xi32>], vector<16xf32>,
        %gather3A_1678 = tpu.vector_load_idx %arg12[%add3A_1548, %add3A_1658, %broadcast_in_dim3A_5] : memref<25x80x2xf32, #tpu.memory_space<vmem>>[vector<16xi32>, vector<16xi32>, vector<16xi32>], vector<16xf32>,
        %gather3A_1679 = tpu.vector_load_idx %arg13[%add3A_1662, %shift_left3A_1670] : memref<2000x8xf32, #tpu.memory_space<vmem>>[vector<16xi32>, vector<16xi32>], vector<16xf32>,
        %add3A_1680 = arith.constant 1 : i32
        %add3A_1681 = vector.broadcast %add3A_1680 : i32 to vector<16xi32>
        %add3A_1682 = arith.addi %shift_left3A_1670, %add3A_1681 : vector<16xi32>
        %gather3A_1683 = tpu.vector_load_idx %arg13[%add3A_1662, %add3A_1682] : memref<2000x8xf32, #tpu.memory_space<vmem>>[vector<16xi32>, vector<16xi32>], vector<16xf32>,
        %add3A_1684 = arith.constant 2 : i32
        %add3A_1685 = vector.broadcast %add3A_1684 : i32 to vector<16xi32>
        %add3A_1686 = arith.addi %shift_left3A_1670, %add3A_1685 : vector<16xi32>
        %gather3A_1687 = tpu.vector_load_idx %arg13[%add3A_1662, %add3A_1686] : memref<2000x8xf32, #tpu.memory_space<vmem>>[vector<16xi32>, vector<16xi32>], vector<16xf32>,
        %add3A_1688 = arith.constant 3 : i32
        %add3A_1689 = vector.broadcast %add3A_1688 : i32 to vector<16xi32>
        %add3A_1690 = arith.addi %shift_left3A_1670, %add3A_1689 : vector<16xi32>
        %gather3A_1691 = tpu.vector_load_idx %arg13[%add3A_1662, %add3A_1690] : memref<2000x8xf32, #tpu.memory_space<vmem>>[vector<16xi32>, vector<16xi32>], vector<16xf32>,
        %gather3A_1692 = tpu.vector_load_idx %arg14[%add3A_1662, %shift_left3A_1676] : memref<2000x8xf32, #tpu.memory_space<vmem>>[vector<16xi32>, vector<16xi32>], vector<16xf32>,
        %add3A_1693 = arith.constant 1 : i32
        %add3A_1694 = vector.broadcast %add3A_1693 : i32 to vector<16xi32>
        %add3A_1695 = arith.addi %shift_left3A_1676, %add3A_1694 : vector<16xi32>
        %gather3A_1696 = tpu.vector_load_idx %arg14[%add3A_1662, %add3A_1695] : memref<2000x8xf32, #tpu.memory_space<vmem>>[vector<16xi32>, vector<16xi32>], vector<16xf32>,
        %add3A_1697 = arith.constant 2 : i32
        %add3A_1698 = vector.broadcast %add3A_1697 : i32 to vector<16xi32>
        %add3A_1699 = arith.addi %shift_left3A_1676, %add3A_1698 : vector<16xi32>
        %gather3A_1700 = tpu.vector_load_idx %arg14[%add3A_1662, %add3A_1699] : memref<2000x8xf32, #tpu.memory_space<vmem>>[vector<16xi32>, vector<16xi32>], vector<16xf32>,
        %add3A_1701 = arith.constant 3 : i32
        %add3A_1702 = vector.broadcast %add3A_1701 : i32 to vector<16xi32>
        %add3A_1703 = arith.addi %shift_left3A_1676, %add3A_1702 : vector<16xi32>
        %gather3A_1704 = tpu.vector_load_idx %arg14[%add3A_1662, %add3A_1703] : memref<2000x8xf32, #tpu.memory_space<vmem>>[vector<16xi32>, vector<16xi32>], vector<16xf32>,
        %add3A_1705 = arith.constant 9.99999993E-9 : f32
        %add3A_1706 = vector.broadcast %add3A_1705 : f32 to vector<16xf32>
        %add3A_1707 = arith.addf %gather3A_1677, %add3A_1706 : vector<16xf32>
        %div3A_1708 = arith.constant 1.000000e+00 : f32
        %div3A_1709 = vector.broadcast %div3A_1708 : f32 to vector<16xf32>
        %div3A_1710 = arith.divf %div3A_1709, %add3A_1707 : vector<16xf32>
        %add3A_1711 = arith.constant 9.99999993E-9 : f32
        %add3A_1712 = vector.broadcast %add3A_1711 : f32 to vector<16xf32>
        %add3A_1713 = arith.addf %gather3A_1678, %add3A_1712 : vector<16xf32>
        %div3A_1714 = arith.constant 1.000000e+00 : f32
        %div3A_1715 = vector.broadcast %div3A_1714 : f32 to vector<16xf32>
        %div3A_1716 = arith.divf %div3A_1715, %add3A_1713 : vector<16xf32>
        %mul3A_1717 = arith.mulf %gather3A_1677, %gather3A_1677 : vector<16xf32>
        %add3A_1718 = arith.constant 9.99999993E-9 : f32
        %add3A_1719 = vector.broadcast %add3A_1718 : f32 to vector<16xf32>
        %add3A_1720 = arith.addf %mul3A_1717, %add3A_1719 : vector<16xf32>
        %div3A_1721 = arith.constant 1.000000e+00 : f32
        %div3A_1722 = vector.broadcast %div3A_1721 : f32 to vector<16xf32>
        %div3A_1723 = arith.divf %div3A_1722, %add3A_1720 : vector<16xf32>
        %mul3A_1724 = arith.mulf %gather3A_1678, %gather3A_1678 : vector<16xf32>
        %add3A_1725 = arith.constant 9.99999993E-9 : f32
        %add3A_1726 = vector.broadcast %add3A_1725 : f32 to vector<16xf32>
        %add3A_1727 = arith.addf %mul3A_1724, %add3A_1726 : vector<16xf32>
        %div3A_1728 = arith.constant 1.000000e+00 : f32
        %div3A_1729 = vector.broadcast %div3A_1728 : f32 to vector<16xf32>
        %div3A_1730 = arith.divf %div3A_1729, %add3A_1727 : vector<16xf32>
        %sub3A_1731 = arith.subf %gather3A_1692, %gather3A_1679 : vector<16xf32>
        %sub3A_1732 = arith.subf %gather3A_1696, %gather3A_1683 : vector<16xf32>
        %sub3A_1733 = arith.subf %gather3A_1700, %gather3A_1687 : vector<16xf32>
        %sub3A_1734 = arith.subf %gather3A_1704, %gather3A_1691 : vector<16xf32>
        %mul3A_1735 = arith.mulf %sub3A_1731, %div3A_1710 : vector<16xf32>
        %mul3A_1736 = arith.mulf %sub3A_1732, %div3A_1716 : vector<16xf32>
        %add3A_1737 = arith.addf %mul3A_1735, %mul3A_1736 : vector<16xf32>
        tpu.vector_store_idx %arg15[%add3A_1662, %broadcast_in_dim3A_3], %add3A_1737 : memref<2000x8xf32, #tpu.memory_space<vmem>>[vector<16xi32>, vector<16xi32>], vector<16xf32>,
        %mul3A_1738 = arith.mulf %sub3A_1733, %div3A_1710 : vector<16xf32>
        tpu.vector_store_idx %arg15[%add3A_1662, %broadcast_in_dim3A_5], %mul3A_1738 : memref<2000x8xf32, #tpu.memory_space<vmem>>[vector<16xi32>, vector<16xi32>], vector<16xf32>,
        %add3A_1739 = arith.constant 2 : i32
        %add3A_1740 = vector.broadcast %add3A_1739 : i32 to vector<16xi32>
        %add3A_1741 = arith.addi %broadcast_in_dim3A_3, %add3A_1740 : vector<16xi32>
        %mul3A_1742 = arith.mulf %sub3A_1733, %div3A_1716 : vector<16xf32>
        tpu.vector_store_idx %arg15[%add3A_1662, %add3A_1741], %mul3A_1742 : memref<2000x8xf32, #tpu.memory_space<vmem>>[vector<16xi32>, vector<16xi32>], vector<16xf32>,
        %add3A_1743 = arith.constant 3 : i32
        %add3A_1744 = vector.broadcast %add3A_1743 : i32 to vector<16xi32>
        %add3A_1745 = arith.addi %broadcast_in_dim3A_3, %add3A_1744 : vector<16xi32>
        %mul3A_1746 = arith.mulf %sub3A_1731, %div3A_1723 : vector<16xf32>
        tpu.vector_store_idx %arg15[%add3A_1662, %add3A_1745], %mul3A_1746 : memref<2000x8xf32, #tpu.memory_space<vmem>>[vector<16xi32>, vector<16xi32>], vector<16xf32>,
        %add3A_1747 = arith.constant 4 : i32
        %add3A_1748 = vector.broadcast %add3A_1747 : i32 to vector<16xi32>
        %add3A_1749 = arith.addi %broadcast_in_dim3A_3, %add3A_1748 : vector<16xi32>
        %mul3A_1750 = arith.mulf %sub3A_1732, %div3A_1730 : vector<16xf32>
        tpu.vector_store_idx %arg15[%add3A_1662, %add3A_1749], %mul3A_1750 : memref<2000x8xf32, #tpu.memory_space<vmem>>[vector<16xi32>, vector<16xi32>], vector<16xf32>,
        %add3A_1751 = arith.constant 5 : i32
        %add3A_1752 = vector.broadcast %add3A_1751 : i32 to vector<16xi32>
        %add3A_1753 = arith.addi %broadcast_in_dim3A_3, %add3A_1752 : vector<16xi32>
        %mul3A_1754 = arith.mulf %sub3A_1731, %div3A_1716 : vector<16xf32>
        %mul3A_1755 = arith.mulf %sub3A_1732, %div3A_1710 : vector<16xf32>
        %add3A_1756 = arith.addf %mul3A_1754, %mul3A_1755 : vector<16xf32>
        %mul3A_1757 = arith.constant 5.000000e-01 : f32
        %mul3A_1758 = vector.broadcast %mul3A_1757 : f32 to vector<16xf32>
        %mul3A_1759 = arith.mulf %mul3A_1758, %add3A_1756 : vector<16xf32>
        tpu.vector_store_idx %arg15[%add3A_1662, %add3A_1753], %mul3A_1759 : memref<2000x8xf32, #tpu.memory_space<vmem>>[vector<16xi32>, vector<16xi32>], vector<16xf32>,
        %mul3A_1760 = arith.mulf %sub3A_1731, %sub3A_1731 : vector<16xf32>
        %add3A_1761 = arith.addf %add3A_1655, %mul3A_1760 : vector<16xf32>
        %mul3A_1762 = arith.mulf %sub3A_1732, %sub3A_1732 : vector<16xf32>
        %add3A_1763 = arith.addf %add3A_1761, %mul3A_1762 : vector<16xf32>
        %mul3A_1764 = arith.mulf %sub3A_1733, %sub3A_1733 : vector<16xf32>
        %add3A_1765 = arith.addf %add3A_1763, %mul3A_1764 : vector<16xf32>
        %mul3A_1766 = arith.mulf %sub3A_1734, %sub3A_1734 : vector<16xf32>
        %add3A_1767 = arith.addf %add3A_1765, %mul3A_1766 : vector<16xf32>
        %add3A_1768 = arith.constant 32 : i32
        %add3A_1769 = vector.broadcast %add3A_1768 : i32 to vector<16xi32>
        %add3A_1770 = arith.addi %iota3A, %add3A_1769 : vector<16xi32>
        %mul3A_1771 = arith.constant 80 : i32
        %mul3A_1772 = vector.broadcast %mul3A_1771 : i32 to vector<16xi32>
        %mul3A_1773 = arith.muli %add3A_1548, %mul3A_1772 : vector<16xi32>
        %add3A_1774 = arith.addi %mul3A_1773, %add3A_1770 : vector<16xi32>
        %gather3A_1775 = tpu.vector_load_idx %arg9[%add3A_1548, %add3A_1770] : memref<25x80xi32, #tpu.memory_space<vmem>>[vector<16xi32>, vector<16xi32>], vector<16xi32>,
        %gather3A_1776 = tpu.vector_load_idx %arg10[%add3A_1548, %add3A_1770] : memref<25x80xi32, #tpu.memory_space<vmem>>[vector<16xi32>, vector<16xi32>], vector<16xi32>,
        %and3A_1777 = arith.constant 1 : i32
        %and3A_1778 = vector.broadcast %and3A_1777 : i32 to vector<16xi32>
        %and3A_1779 = arith.andi %gather3A_1775, %and3A_1778 : vector<16xi32>
        %shift_left3A_1780 = arith.constant 2 : i32
        %shift_left3A_1781 = vector.broadcast %shift_left3A_1780 : i32 to vector<16xi32>
        %shift_left3A_1782 = arith.shli %and3A_1779, %shift_left3A_1781 : vector<16xi32>
        %and3A_1783 = arith.constant 1 : i32
        %and3A_1784 = vector.broadcast %and3A_1783 : i32 to vector<16xi32>
        %and3A_1785 = arith.andi %gather3A_1776, %and3A_1784 : vector<16xi32>
        %shift_left3A_1786 = arith.constant 2 : i32
        %shift_left3A_1787 = vector.broadcast %shift_left3A_1786 : i32 to vector<16xi32>
        %shift_left3A_1788 = arith.shli %and3A_1785, %shift_left3A_1787 : vector<16xi32>
        %gather3A_1789 = tpu.vector_load_idx %arg12[%add3A_1548, %add3A_1770, %broadcast_in_dim3A_3] : memref<25x80x2xf32, #tpu.memory_space<vmem>>[vector<16xi32>, vector<16xi32>, vector<16xi32>], vector<16xf32>,
        %gather3A_1790 = tpu.vector_load_idx %arg12[%add3A_1548, %add3A_1770, %broadcast_in_dim3A_5] : memref<25x80x2xf32, #tpu.memory_space<vmem>>[vector<16xi32>, vector<16xi32>, vector<16xi32>], vector<16xf32>,
        %gather3A_1791 = tpu.vector_load_idx %arg13[%add3A_1774, %shift_left3A_1782] : memref<2000x8xf32, #tpu.memory_space<vmem>>[vector<16xi32>, vector<16xi32>], vector<16xf32>,
        %add3A_1792 = arith.constant 1 : i32
        %add3A_1793 = vector.broadcast %add3A_1792 : i32 to vector<16xi32>
        %add3A_1794 = arith.addi %shift_left3A_1782, %add3A_1793 : vector<16xi32>
        %gather3A_1795 = tpu.vector_load_idx %arg13[%add3A_1774, %add3A_1794] : memref<2000x8xf32, #tpu.memory_space<vmem>>[vector<16xi32>, vector<16xi32>], vector<16xf32>,
        %add3A_1796 = arith.constant 2 : i32
        %add3A_1797 = vector.broadcast %add3A_1796 : i32 to vector<16xi32>
        %add3A_1798 = arith.addi %shift_left3A_1782, %add3A_1797 : vector<16xi32>
        %gather3A_1799 = tpu.vector_load_idx %arg13[%add3A_1774, %add3A_1798] : memref<2000x8xf32, #tpu.memory_space<vmem>>[vector<16xi32>, vector<16xi32>], vector<16xf32>,
        %add3A_1800 = arith.constant 3 : i32
        %add3A_1801 = vector.broadcast %add3A_1800 : i32 to vector<16xi32>
        %add3A_1802 = arith.addi %shift_left3A_1782, %add3A_1801 : vector<16xi32>
        %gather3A_1803 = tpu.vector_load_idx %arg13[%add3A_1774, %add3A_1802] : memref<2000x8xf32, #tpu.memory_space<vmem>>[vector<16xi32>, vector<16xi32>], vector<16xf32>,
        %gather3A_1804 = tpu.vector_load_idx %arg14[%add3A_1774, %shift_left3A_1788] : memref<2000x8xf32, #tpu.memory_space<vmem>>[vector<16xi32>, vector<16xi32>], vector<16xf32>,
        %add3A_1805 = arith.constant 1 : i32
        %add3A_1806 = vector.broadcast %add3A_1805 : i32 to vector<16xi32>
        %add3A_1807 = arith.addi %shift_left3A_1788, %add3A_1806 : vector<16xi32>
        %gather3A_1808 = tpu.vector_load_idx %arg14[%add3A_1774, %add3A_1807] : memref<2000x8xf32, #tpu.memory_space<vmem>>[vector<16xi32>, vector<16xi32>], vector<16xf32>,
        %add3A_1809 = arith.constant 2 : i32
        %add3A_1810 = vector.broadcast %add3A_1809 : i32 to vector<16xi32>
        %add3A_1811 = arith.addi %shift_left3A_1788, %add3A_1810 : vector<16xi32>
        %gather3A_1812 = tpu.vector_load_idx %arg14[%add3A_1774, %add3A_1811] : memref<2000x8xf32, #tpu.memory_space<vmem>>[vector<16xi32>, vector<16xi32>], vector<16xf32>,
        %add3A_1813 = arith.constant 3 : i32
        %add3A_1814 = vector.broadcast %add3A_1813 : i32 to vector<16xi32>
        %add3A_1815 = arith.addi %shift_left3A_1788, %add3A_1814 : vector<16xi32>
        %gather3A_1816 = tpu.vector_load_idx %arg14[%add3A_1774, %add3A_1815] : memref<2000x8xf32, #tpu.memory_space<vmem>>[vector<16xi32>, vector<16xi32>], vector<16xf32>,
        %add3A_1817 = arith.constant 9.99999993E-9 : f32
        %add3A_1818 = vector.broadcast %add3A_1817 : f32 to vector<16xf32>
        %add3A_1819 = arith.addf %gather3A_1789, %add3A_1818 : vector<16xf32>
        %div3A_1820 = arith.constant 1.000000e+00 : f32
        %div3A_1821 = vector.broadcast %div3A_1820 : f32 to vector<16xf32>
        %div3A_1822 = arith.divf %div3A_1821, %add3A_1819 : vector<16xf32>
        %add3A_1823 = arith.constant 9.99999993E-9 : f32
        %add3A_1824 = vector.broadcast %add3A_1823 : f32 to vector<16xf32>
        %add3A_1825 = arith.addf %gather3A_1790, %add3A_1824 : vector<16xf32>
        %div3A_1826 = arith.constant 1.000000e+00 : f32
        %div3A_1827 = vector.broadcast %div3A_1826 : f32 to vector<16xf32>
        %div3A_1828 = arith.divf %div3A_1827, %add3A_1825 : vector<16xf32>
        %mul3A_1829 = arith.mulf %gather3A_1789, %gather3A_1789 : vector<16xf32>
        %add3A_1830 = arith.constant 9.99999993E-9 : f32
        %add3A_1831 = vector.broadcast %add3A_1830 : f32 to vector<16xf32>
        %add3A_1832 = arith.addf %mul3A_1829, %add3A_1831 : vector<16xf32>
        %div3A_1833 = arith.constant 1.000000e+00 : f32
        %div3A_1834 = vector.broadcast %div3A_1833 : f32 to vector<16xf32>
        %div3A_1835 = arith.divf %div3A_1834, %add3A_1832 : vector<16xf32>
        %mul3A_1836 = arith.mulf %gather3A_1790, %gather3A_1790 : vector<16xf32>
        %add3A_1837 = arith.constant 9.99999993E-9 : f32
        %add3A_1838 = vector.broadcast %add3A_1837 : f32 to vector<16xf32>
        %add3A_1839 = arith.addf %mul3A_1836, %add3A_1838 : vector<16xf32>
        %div3A_1840 = arith.constant 1.000000e+00 : f32
        %div3A_1841 = vector.broadcast %div3A_1840 : f32 to vector<16xf32>
        %div3A_1842 = arith.divf %div3A_1841, %add3A_1839 : vector<16xf32>
        %sub3A_1843 = arith.subf %gather3A_1804, %gather3A_1791 : vector<16xf32>
        %sub3A_1844 = arith.subf %gather3A_1808, %gather3A_1795 : vector<16xf32>
        %sub3A_1845 = arith.subf %gather3A_1812, %gather3A_1799 : vector<16xf32>
        %sub3A_1846 = arith.subf %gather3A_1816, %gather3A_1803 : vector<16xf32>
        %mul3A_1847 = arith.mulf %sub3A_1843, %div3A_1822 : vector<16xf32>
        %mul3A_1848 = arith.mulf %sub3A_1844, %div3A_1828 : vector<16xf32>
        %add3A_1849 = arith.addf %mul3A_1847, %mul3A_1848 : vector<16xf32>
        tpu.vector_store_idx %arg15[%add3A_1774, %broadcast_in_dim3A_3], %add3A_1849 : memref<2000x8xf32, #tpu.memory_space<vmem>>[vector<16xi32>, vector<16xi32>], vector<16xf32>,
        %mul3A_1850 = arith.mulf %sub3A_1845, %div3A_1822 : vector<16xf32>
        tpu.vector_store_idx %arg15[%add3A_1774, %broadcast_in_dim3A_5], %mul3A_1850 : memref<2000x8xf32, #tpu.memory_space<vmem>>[vector<16xi32>, vector<16xi32>], vector<16xf32>,
        %add3A_1851 = arith.constant 2 : i32
        %add3A_1852 = vector.broadcast %add3A_1851 : i32 to vector<16xi32>
        %add3A_1853 = arith.addi %broadcast_in_dim3A_3, %add3A_1852 : vector<16xi32>
        %mul3A_1854 = arith.mulf %sub3A_1845, %div3A_1828 : vector<16xf32>
        tpu.vector_store_idx %arg15[%add3A_1774, %add3A_1853], %mul3A_1854 : memref<2000x8xf32, #tpu.memory_space<vmem>>[vector<16xi32>, vector<16xi32>], vector<16xf32>,
        %add3A_1855 = arith.constant 3 : i32
        %add3A_1856 = vector.broadcast %add3A_1855 : i32 to vector<16xi32>
        %add3A_1857 = arith.addi %broadcast_in_dim3A_3, %add3A_1856 : vector<16xi32>
        %mul3A_1858 = arith.mulf %sub3A_1843, %div3A_1835 : vector<16xf32>
        tpu.vector_store_idx %arg15[%add3A_1774, %add3A_1857], %mul3A_1858 : memref<2000x8xf32, #tpu.memory_space<vmem>>[vector<16xi32>, vector<16xi32>], vector<16xf32>,
        %add3A_1859 = arith.constant 4 : i32
        %add3A_1860 = vector.broadcast %add3A_1859 : i32 to vector<16xi32>
        %add3A_1861 = arith.addi %broadcast_in_dim3A_3, %add3A_1860 : vector<16xi32>
        %mul3A_1862 = arith.mulf %sub3A_1844, %div3A_1842 : vector<16xf32>
        tpu.vector_store_idx %arg15[%add3A_1774, %add3A_1861], %mul3A_1862 : memref<2000x8xf32, #tpu.memory_space<vmem>>[vector<16xi32>, vector<16xi32>], vector<16xf32>,
        %add3A_1863 = arith.constant 5 : i32
        %add3A_1864 = vector.broadcast %add3A_1863 : i32 to vector<16xi32>
        %add3A_1865 = arith.addi %broadcast_in_dim3A_3, %add3A_1864 : vector<16xi32>
        %mul3A_1866 = arith.mulf %sub3A_1843, %div3A_1828 : vector<16xf32>
        %mul3A_1867 = arith.mulf %sub3A_1844, %div3A_1822 : vector<16xf32>
        %add3A_1868 = arith.addf %mul3A_1866, %mul3A_1867 : vector<16xf32>
        %mul3A_1869 = arith.constant 5.000000e-01 : f32
        %mul3A_1870 = vector.broadcast %mul3A_1869 : f32 to vector<16xf32>
        %mul3A_1871 = arith.mulf %mul3A_1870, %add3A_1868 : vector<16xf32>
        tpu.vector_store_idx %arg15[%add3A_1774, %add3A_1865], %mul3A_1871 : memref<2000x8xf32, #tpu.memory_space<vmem>>[vector<16xi32>, vector<16xi32>], vector<16xf32>,
        %mul3A_1872 = arith.mulf %sub3A_1843, %sub3A_1843 : vector<16xf32>
        %add3A_1873 = arith.addf %add3A_1767, %mul3A_1872 : vector<16xf32>
        %mul3A_1874 = arith.mulf %sub3A_1844, %sub3A_1844 : vector<16xf32>
        %add3A_1875 = arith.addf %add3A_1873, %mul3A_1874 : vector<16xf32>
        %mul3A_1876 = arith.mulf %sub3A_1845, %sub3A_1845 : vector<16xf32>
        %add3A_1877 = arith.addf %add3A_1875, %mul3A_1876 : vector<16xf32>
        %mul3A_1878 = arith.mulf %sub3A_1846, %sub3A_1846 : vector<16xf32>
        %add3A_1879 = arith.addf %add3A_1877, %mul3A_1878 : vector<16xf32>
        %add3A_1880 = arith.constant 48 : i32
        %add3A_1881 = vector.broadcast %add3A_1880 : i32 to vector<16xi32>
        %add3A_1882 = arith.addi %iota3A, %add3A_1881 : vector<16xi32>
        %mul3A_1883 = arith.constant 80 : i32
        %mul3A_1884 = vector.broadcast %mul3A_1883 : i32 to vector<16xi32>
        %mul3A_1885 = arith.muli %add3A_1548, %mul3A_1884 : vector<16xi32>
        %add3A_1886 = arith.addi %mul3A_1885, %add3A_1882 : vector<16xi32>
        %gather3A_1887 = tpu.vector_load_idx %arg9[%add3A_1548, %add3A_1882] : memref<25x80xi32, #tpu.memory_space<vmem>>[vector<16xi32>, vector<16xi32>], vector<16xi32>,
        %gather3A_1888 = tpu.vector_load_idx %arg10[%add3A_1548, %add3A_1882] : memref<25x80xi32, #tpu.memory_space<vmem>>[vector<16xi32>, vector<16xi32>], vector<16xi32>,
        %and3A_1889 = arith.constant 1 : i32
        %and3A_1890 = vector.broadcast %and3A_1889 : i32 to vector<16xi32>
        %and3A_1891 = arith.andi %gather3A_1887, %and3A_1890 : vector<16xi32>
        %shift_left3A_1892 = arith.constant 2 : i32
        %shift_left3A_1893 = vector.broadcast %shift_left3A_1892 : i32 to vector<16xi32>
        %shift_left3A_1894 = arith.shli %and3A_1891, %shift_left3A_1893 : vector<16xi32>
        %and3A_1895 = arith.constant 1 : i32
        %and3A_1896 = vector.broadcast %and3A_1895 : i32 to vector<16xi32>
        %and3A_1897 = arith.andi %gather3A_1888, %and3A_1896 : vector<16xi32>
        %shift_left3A_1898 = arith.constant 2 : i32
        %shift_left3A_1899 = vector.broadcast %shift_left3A_1898 : i32 to vector<16xi32>
        %shift_left3A_1900 = arith.shli %and3A_1897, %shift_left3A_1899 : vector<16xi32>
        %gather3A_1901 = tpu.vector_load_idx %arg12[%add3A_1548, %add3A_1882, %broadcast_in_dim3A_3] : memref<25x80x2xf32, #tpu.memory_space<vmem>>[vector<16xi32>, vector<16xi32>, vector<16xi32>], vector<16xf32>,
        %gather3A_1902 = tpu.vector_load_idx %arg12[%add3A_1548, %add3A_1882, %broadcast_in_dim3A_5] : memref<25x80x2xf32, #tpu.memory_space<vmem>>[vector<16xi32>, vector<16xi32>, vector<16xi32>], vector<16xf32>,
        %gather3A_1903 = tpu.vector_load_idx %arg13[%add3A_1886, %shift_left3A_1894] : memref<2000x8xf32, #tpu.memory_space<vmem>>[vector<16xi32>, vector<16xi32>], vector<16xf32>,
        %add3A_1904 = arith.constant 1 : i32
        %add3A_1905 = vector.broadcast %add3A_1904 : i32 to vector<16xi32>
        %add3A_1906 = arith.addi %shift_left3A_1894, %add3A_1905 : vector<16xi32>
        %gather3A_1907 = tpu.vector_load_idx %arg13[%add3A_1886, %add3A_1906] : memref<2000x8xf32, #tpu.memory_space<vmem>>[vector<16xi32>, vector<16xi32>], vector<16xf32>,
        %add3A_1908 = arith.constant 2 : i32
        %add3A_1909 = vector.broadcast %add3A_1908 : i32 to vector<16xi32>
        %add3A_1910 = arith.addi %shift_left3A_1894, %add3A_1909 : vector<16xi32>
        %gather3A_1911 = tpu.vector_load_idx %arg13[%add3A_1886, %add3A_1910] : memref<2000x8xf32, #tpu.memory_space<vmem>>[vector<16xi32>, vector<16xi32>], vector<16xf32>,
        %add3A_1912 = arith.constant 3 : i32
        %add3A_1913 = vector.broadcast %add3A_1912 : i32 to vector<16xi32>
        %add3A_1914 = arith.addi %shift_left3A_1894, %add3A_1913 : vector<16xi32>
        %gather3A_1915 = tpu.vector_load_idx %arg13[%add3A_1886, %add3A_1914] : memref<2000x8xf32, #tpu.memory_space<vmem>>[vector<16xi32>, vector<16xi32>], vector<16xf32>,
        %gather3A_1916 = tpu.vector_load_idx %arg14[%add3A_1886, %shift_left3A_1900] : memref<2000x8xf32, #tpu.memory_space<vmem>>[vector<16xi32>, vector<16xi32>], vector<16xf32>,
        %add3A_1917 = arith.constant 1 : i32
        %add3A_1918 = vector.broadcast %add3A_1917 : i32 to vector<16xi32>
        %add3A_1919 = arith.addi %shift_left3A_1900, %add3A_1918 : vector<16xi32>
        %gather3A_1920 = tpu.vector_load_idx %arg14[%add3A_1886, %add3A_1919] : memref<2000x8xf32, #tpu.memory_space<vmem>>[vector<16xi32>, vector<16xi32>], vector<16xf32>,
        %add3A_1921 = arith.constant 2 : i32
        %add3A_1922 = vector.broadcast %add3A_1921 : i32 to vector<16xi32>
        %add3A_1923 = arith.addi %shift_left3A_1900, %add3A_1922 : vector<16xi32>
        %gather3A_1924 = tpu.vector_load_idx %arg14[%add3A_1886, %add3A_1923] : memref<2000x8xf32, #tpu.memory_space<vmem>>[vector<16xi32>, vector<16xi32>], vector<16xf32>,
        %add3A_1925 = arith.constant 3 : i32
        %add3A_1926 = vector.broadcast %add3A_1925 : i32 to vector<16xi32>
        %add3A_1927 = arith.addi %shift_left3A_1900, %add3A_1926 : vector<16xi32>
        %gather3A_1928 = tpu.vector_load_idx %arg14[%add3A_1886, %add3A_1927] : memref<2000x8xf32, #tpu.memory_space<vmem>>[vector<16xi32>, vector<16xi32>], vector<16xf32>,
        %add3A_1929 = arith.constant 9.99999993E-9 : f32
        %add3A_1930 = vector.broadcast %add3A_1929 : f32 to vector<16xf32>
        %add3A_1931 = arith.addf %gather3A_1901, %add3A_1930 : vector<16xf32>
        %div3A_1932 = arith.constant 1.000000e+00 : f32
        %div3A_1933 = vector.broadcast %div3A_1932 : f32 to vector<16xf32>
        %div3A_1934 = arith.divf %div3A_1933, %add3A_1931 : vector<16xf32>
        %add3A_1935 = arith.constant 9.99999993E-9 : f32
        %add3A_1936 = vector.broadcast %add3A_1935 : f32 to vector<16xf32>
        %add3A_1937 = arith.addf %gather3A_1902, %add3A_1936 : vector<16xf32>
        %div3A_1938 = arith.constant 1.000000e+00 : f32
        %div3A_1939 = vector.broadcast %div3A_1938 : f32 to vector<16xf32>
        %div3A_1940 = arith.divf %div3A_1939, %add3A_1937 : vector<16xf32>
        %mul3A_1941 = arith.mulf %gather3A_1901, %gather3A_1901 : vector<16xf32>
        %add3A_1942 = arith.constant 9.99999993E-9 : f32
        %add3A_1943 = vector.broadcast %add3A_1942 : f32 to vector<16xf32>
        %add3A_1944 = arith.addf %mul3A_1941, %add3A_1943 : vector<16xf32>
        %div3A_1945 = arith.constant 1.000000e+00 : f32
        %div3A_1946 = vector.broadcast %div3A_1945 : f32 to vector<16xf32>
        %div3A_1947 = arith.divf %div3A_1946, %add3A_1944 : vector<16xf32>
        %mul3A_1948 = arith.mulf %gather3A_1902, %gather3A_1902 : vector<16xf32>
        %add3A_1949 = arith.constant 9.99999993E-9 : f32
        %add3A_1950 = vector.broadcast %add3A_1949 : f32 to vector<16xf32>
        %add3A_1951 = arith.addf %mul3A_1948, %add3A_1950 : vector<16xf32>
        %div3A_1952 = arith.constant 1.000000e+00 : f32
        %div3A_1953 = vector.broadcast %div3A_1952 : f32 to vector<16xf32>
        %div3A_1954 = arith.divf %div3A_1953, %add3A_1951 : vector<16xf32>
        %sub3A_1955 = arith.subf %gather3A_1916, %gather3A_1903 : vector<16xf32>
        %sub3A_1956 = arith.subf %gather3A_1920, %gather3A_1907 : vector<16xf32>
        %sub3A_1957 = arith.subf %gather3A_1924, %gather3A_1911 : vector<16xf32>
        %sub3A_1958 = arith.subf %gather3A_1928, %gather3A_1915 : vector<16xf32>
        %mul3A_1959 = arith.mulf %sub3A_1955, %div3A_1934 : vector<16xf32>
        %mul3A_1960 = arith.mulf %sub3A_1956, %div3A_1940 : vector<16xf32>
        %add3A_1961 = arith.addf %mul3A_1959, %mul3A_1960 : vector<16xf32>
        tpu.vector_store_idx %arg15[%add3A_1886, %broadcast_in_dim3A_3], %add3A_1961 : memref<2000x8xf32, #tpu.memory_space<vmem>>[vector<16xi32>, vector<16xi32>], vector<16xf32>,
        %mul3A_1962 = arith.mulf %sub3A_1957, %div3A_1934 : vector<16xf32>
        tpu.vector_store_idx %arg15[%add3A_1886, %broadcast_in_dim3A_5], %mul3A_1962 : memref<2000x8xf32, #tpu.memory_space<vmem>>[vector<16xi32>, vector<16xi32>], vector<16xf32>,
        %add3A_1963 = arith.constant 2 : i32
        %add3A_1964 = vector.broadcast %add3A_1963 : i32 to vector<16xi32>
        %add3A_1965 = arith.addi %broadcast_in_dim3A_3, %add3A_1964 : vector<16xi32>
        %mul3A_1966 = arith.mulf %sub3A_1957, %div3A_1940 : vector<16xf32>
        tpu.vector_store_idx %arg15[%add3A_1886, %add3A_1965], %mul3A_1966 : memref<2000x8xf32, #tpu.memory_space<vmem>>[vector<16xi32>, vector<16xi32>], vector<16xf32>,
        %add3A_1967 = arith.constant 3 : i32
        %add3A_1968 = vector.broadcast %add3A_1967 : i32 to vector<16xi32>
        %add3A_1969 = arith.addi %broadcast_in_dim3A_3, %add3A_1968 : vector<16xi32>
        %mul3A_1970 = arith.mulf %sub3A_1955, %div3A_1947 : vector<16xf32>
        tpu.vector_store_idx %arg15[%add3A_1886, %add3A_1969], %mul3A_1970 : memref<2000x8xf32, #tpu.memory_space<vmem>>[vector<16xi32>, vector<16xi32>], vector<16xf32>,
        %add3A_1971 = arith.constant 4 : i32
        %add3A_1972 = vector.broadcast %add3A_1971 : i32 to vector<16xi32>
        %add3A_1973 = arith.addi %broadcast_in_dim3A_3, %add3A_1972 : vector<16xi32>
        %mul3A_1974 = arith.mulf %sub3A_1956, %div3A_1954 : vector<16xf32>
        tpu.vector_store_idx %arg15[%add3A_1886, %add3A_1973], %mul3A_1974 : memref<2000x8xf32, #tpu.memory_space<vmem>>[vector<16xi32>, vector<16xi32>], vector<16xf32>,
        %add3A_1975 = arith.constant 5 : i32
        %add3A_1976 = vector.broadcast %add3A_1975 : i32 to vector<16xi32>
        %add3A_1977 = arith.addi %broadcast_in_dim3A_3, %add3A_1976 : vector<16xi32>
        %mul3A_1978 = arith.mulf %sub3A_1955, %div3A_1940 : vector<16xf32>
        %mul3A_1979 = arith.mulf %sub3A_1956, %div3A_1934 : vector<16xf32>
        %add3A_1980 = arith.addf %mul3A_1978, %mul3A_1979 : vector<16xf32>
        %mul3A_1981 = arith.constant 5.000000e-01 : f32
        %mul3A_1982 = vector.broadcast %mul3A_1981 : f32 to vector<16xf32>
        %mul3A_1983 = arith.mulf %mul3A_1982, %add3A_1980 : vector<16xf32>
        tpu.vector_store_idx %arg15[%add3A_1886, %add3A_1977], %mul3A_1983 : memref<2000x8xf32, #tpu.memory_space<vmem>>[vector<16xi32>, vector<16xi32>], vector<16xf32>,
        %mul3A_1984 = arith.mulf %sub3A_1955, %sub3A_1955 : vector<16xf32>
        %add3A_1985 = arith.addf %add3A_1879, %mul3A_1984 : vector<16xf32>
        %mul3A_1986 = arith.mulf %sub3A_1956, %sub3A_1956 : vector<16xf32>
        %add3A_1987 = arith.addf %add3A_1985, %mul3A_1986 : vector<16xf32>
        %mul3A_1988 = arith.mulf %sub3A_1957, %sub3A_1957 : vector<16xf32>
        %add3A_1989 = arith.addf %add3A_1987, %mul3A_1988 : vector<16xf32>
        %mul3A_1990 = arith.mulf %sub3A_1958, %sub3A_1958 : vector<16xf32>
        %add3A_1991 = arith.addf %add3A_1989, %mul3A_1990 : vector<16xf32>
        %add3A_1992 = arith.constant 64 : i32
        %add3A_1993 = vector.broadcast %add3A_1992 : i32 to vector<16xi32>
        %add3A_1994 = arith.addi %iota3A, %add3A_1993 : vector<16xi32>
        %mul3A_1995 = arith.constant 80 : i32
        %mul3A_1996 = vector.broadcast %mul3A_1995 : i32 to vector<16xi32>
        %mul3A_1997 = arith.muli %add3A_1548, %mul3A_1996 : vector<16xi32>
        %add3A_1998 = arith.addi %mul3A_1997, %add3A_1994 : vector<16xi32>
        %gather3A_1999 = tpu.vector_load_idx %arg9[%add3A_1548, %add3A_1994] : memref<25x80xi32, #tpu.memory_space<vmem>>[vector<16xi32>, vector<16xi32>], vector<16xi32>,
        %gather3A_2000 = tpu.vector_load_idx %arg10[%add3A_1548, %add3A_1994] : memref<25x80xi32, #tpu.memory_space<vmem>>[vector<16xi32>, vector<16xi32>], vector<16xi32>,
        %and3A_2001 = arith.constant 1 : i32
        %and3A_2002 = vector.broadcast %and3A_2001 : i32 to vector<16xi32>
        %and3A_2003 = arith.andi %gather3A_1999, %and3A_2002 : vector<16xi32>
        %shift_left3A_2004 = arith.constant 2 : i32
        %shift_left3A_2005 = vector.broadcast %shift_left3A_2004 : i32 to vector<16xi32>
        %shift_left3A_2006 = arith.shli %and3A_2003, %shift_left3A_2005 : vector<16xi32>
        %and3A_2007 = arith.constant 1 : i32
        %and3A_2008 = vector.broadcast %and3A_2007 : i32 to vector<16xi32>
        %and3A_2009 = arith.andi %gather3A_2000, %and3A_2008 : vector<16xi32>
        %shift_left3A_2010 = arith.constant 2 : i32
        %shift_left3A_2011 = vector.broadcast %shift_left3A_2010 : i32 to vector<16xi32>
        %shift_left3A_2012 = arith.shli %and3A_2009, %shift_left3A_2011 : vector<16xi32>
        %gather3A_2013 = tpu.vector_load_idx %arg12[%add3A_1548, %add3A_1994, %broadcast_in_dim3A_3] : memref<25x80x2xf32, #tpu.memory_space<vmem>>[vector<16xi32>, vector<16xi32>, vector<16xi32>], vector<16xf32>,
        %gather3A_2014 = tpu.vector_load_idx %arg12[%add3A_1548, %add3A_1994, %broadcast_in_dim3A_5] : memref<25x80x2xf32, #tpu.memory_space<vmem>>[vector<16xi32>, vector<16xi32>, vector<16xi32>], vector<16xf32>,
        %gather3A_2015 = tpu.vector_load_idx %arg13[%add3A_1998, %shift_left3A_2006] : memref<2000x8xf32, #tpu.memory_space<vmem>>[vector<16xi32>, vector<16xi32>], vector<16xf32>,
        %add3A_2016 = arith.constant 1 : i32
        %add3A_2017 = vector.broadcast %add3A_2016 : i32 to vector<16xi32>
        %add3A_2018 = arith.addi %shift_left3A_2006, %add3A_2017 : vector<16xi32>
        %gather3A_2019 = tpu.vector_load_idx %arg13[%add3A_1998, %add3A_2018] : memref<2000x8xf32, #tpu.memory_space<vmem>>[vector<16xi32>, vector<16xi32>], vector<16xf32>,
        %add3A_2020 = arith.constant 2 : i32
        %add3A_2021 = vector.broadcast %add3A_2020 : i32 to vector<16xi32>
        %add3A_2022 = arith.addi %shift_left3A_2006, %add3A_2021 : vector<16xi32>
        %gather3A_2023 = tpu.vector_load_idx %arg13[%add3A_1998, %add3A_2022] : memref<2000x8xf32, #tpu.memory_space<vmem>>[vector<16xi32>, vector<16xi32>], vector<16xf32>,
        %add3A_2024 = arith.constant 3 : i32
        %add3A_2025 = vector.broadcast %add3A_2024 : i32 to vector<16xi32>
        %add3A_2026 = arith.addi %shift_left3A_2006, %add3A_2025 : vector<16xi32>
        %gather3A_2027 = tpu.vector_load_idx %arg13[%add3A_1998, %add3A_2026] : memref<2000x8xf32, #tpu.memory_space<vmem>>[vector<16xi32>, vector<16xi32>], vector<16xf32>,
        %gather3A_2028 = tpu.vector_load_idx %arg14[%add3A_1998, %shift_left3A_2012] : memref<2000x8xf32, #tpu.memory_space<vmem>>[vector<16xi32>, vector<16xi32>], vector<16xf32>,
        %add3A_2029 = arith.constant 1 : i32
        %add3A_2030 = vector.broadcast %add3A_2029 : i32 to vector<16xi32>
        %add3A_2031 = arith.addi %shift_left3A_2012, %add3A_2030 : vector<16xi32>
        %gather3A_2032 = tpu.vector_load_idx %arg14[%add3A_1998, %add3A_2031] : memref<2000x8xf32, #tpu.memory_space<vmem>>[vector<16xi32>, vector<16xi32>], vector<16xf32>,
        %add3A_2033 = arith.constant 2 : i32
        %add3A_2034 = vector.broadcast %add3A_2033 : i32 to vector<16xi32>
        %add3A_2035 = arith.addi %shift_left3A_2012, %add3A_2034 : vector<16xi32>
        %gather3A_2036 = tpu.vector_load_idx %arg14[%add3A_1998, %add3A_2035] : memref<2000x8xf32, #tpu.memory_space<vmem>>[vector<16xi32>, vector<16xi32>], vector<16xf32>,
        %add3A_2037 = arith.constant 3 : i32
        %add3A_2038 = vector.broadcast %add3A_2037 : i32 to vector<16xi32>
        %add3A_2039 = arith.addi %shift_left3A_2012, %add3A_2038 : vector<16xi32>
        %gather3A_2040 = tpu.vector_load_idx %arg14[%add3A_1998, %add3A_2039] : memref<2000x8xf32, #tpu.memory_space<vmem>>[vector<16xi32>, vector<16xi32>], vector<16xf32>,
        %add3A_2041 = arith.constant 9.99999993E-9 : f32
        %add3A_2042 = vector.broadcast %add3A_2041 : f32 to vector<16xf32>
        %add3A_2043 = arith.addf %gather3A_2013, %add3A_2042 : vector<16xf32>
        %div3A_2044 = arith.constant 1.000000e+00 : f32
        %div3A_2045 = vector.broadcast %div3A_2044 : f32 to vector<16xf32>
        %div3A_2046 = arith.divf %div3A_2045, %add3A_2043 : vector<16xf32>
        %add3A_2047 = arith.constant 9.99999993E-9 : f32
        %add3A_2048 = vector.broadcast %add3A_2047 : f32 to vector<16xf32>
        %add3A_2049 = arith.addf %gather3A_2014, %add3A_2048 : vector<16xf32>
        %div3A_2050 = arith.constant 1.000000e+00 : f32
        %div3A_2051 = vector.broadcast %div3A_2050 : f32 to vector<16xf32>
        %div3A_2052 = arith.divf %div3A_2051, %add3A_2049 : vector<16xf32>
        %mul3A_2053 = arith.mulf %gather3A_2013, %gather3A_2013 : vector<16xf32>
        %add3A_2054 = arith.constant 9.99999993E-9 : f32
        %add3A_2055 = vector.broadcast %add3A_2054 : f32 to vector<16xf32>
        %add3A_2056 = arith.addf %mul3A_2053, %add3A_2055 : vector<16xf32>
        %div3A_2057 = arith.constant 1.000000e+00 : f32
        %div3A_2058 = vector.broadcast %div3A_2057 : f32 to vector<16xf32>
        %div3A_2059 = arith.divf %div3A_2058, %add3A_2056 : vector<16xf32>
        %mul3A_2060 = arith.mulf %gather3A_2014, %gather3A_2014 : vector<16xf32>
        %add3A_2061 = arith.constant 9.99999993E-9 : f32
        %add3A_2062 = vector.broadcast %add3A_2061 : f32 to vector<16xf32>
        %add3A_2063 = arith.addf %mul3A_2060, %add3A_2062 : vector<16xf32>
        %div3A_2064 = arith.constant 1.000000e+00 : f32
        %div3A_2065 = vector.broadcast %div3A_2064 : f32 to vector<16xf32>
        %div3A_2066 = arith.divf %div3A_2065, %add3A_2063 : vector<16xf32>
        %sub3A_2067 = arith.subf %gather3A_2028, %gather3A_2015 : vector<16xf32>
        %sub3A_2068 = arith.subf %gather3A_2032, %gather3A_2019 : vector<16xf32>
        %sub3A_2069 = arith.subf %gather3A_2036, %gather3A_2023 : vector<16xf32>
        %sub3A_2070 = arith.subf %gather3A_2040, %gather3A_2027 : vector<16xf32>
        %mul3A_2071 = arith.mulf %sub3A_2067, %div3A_2046 : vector<16xf32>
        %mul3A_2072 = arith.mulf %sub3A_2068, %div3A_2052 : vector<16xf32>
        %add3A_2073 = arith.addf %mul3A_2071, %mul3A_2072 : vector<16xf32>
        tpu.vector_store_idx %arg15[%add3A_1998, %broadcast_in_dim3A_3], %add3A_2073 : memref<2000x8xf32, #tpu.memory_space<vmem>>[vector<16xi32>, vector<16xi32>], vector<16xf32>,
        %mul3A_2074 = arith.mulf %sub3A_2069, %div3A_2046 : vector<16xf32>
        tpu.vector_store_idx %arg15[%add3A_1998, %broadcast_in_dim3A_5], %mul3A_2074 : memref<2000x8xf32, #tpu.memory_space<vmem>>[vector<16xi32>, vector<16xi32>], vector<16xf32>,
        %add3A_2075 = arith.constant 2 : i32
        %add3A_2076 = vector.broadcast %add3A_2075 : i32 to vector<16xi32>
        %add3A_2077 = arith.addi %broadcast_in_dim3A_3, %add3A_2076 : vector<16xi32>
        %mul3A_2078 = arith.mulf %sub3A_2069, %div3A_2052 : vector<16xf32>
        tpu.vector_store_idx %arg15[%add3A_1998, %add3A_2077], %mul3A_2078 : memref<2000x8xf32, #tpu.memory_space<vmem>>[vector<16xi32>, vector<16xi32>], vector<16xf32>,
        %add3A_2079 = arith.constant 3 : i32
        %add3A_2080 = vector.broadcast %add3A_2079 : i32 to vector<16xi32>
        %add3A_2081 = arith.addi %broadcast_in_dim3A_3, %add3A_2080 : vector<16xi32>
        %mul3A_2082 = arith.mulf %sub3A_2067, %div3A_2059 : vector<16xf32>
        tpu.vector_store_idx %arg15[%add3A_1998, %add3A_2081], %mul3A_2082 : memref<2000x8xf32, #tpu.memory_space<vmem>>[vector<16xi32>, vector<16xi32>], vector<16xf32>,
        %add3A_2083 = arith.constant 4 : i32
        %add3A_2084 = vector.broadcast %add3A_2083 : i32 to vector<16xi32>
        %add3A_2085 = arith.addi %broadcast_in_dim3A_3, %add3A_2084 : vector<16xi32>
        %mul3A_2086 = arith.mulf %sub3A_2068, %div3A_2066 : vector<16xf32>
        tpu.vector_store_idx %arg15[%add3A_1998, %add3A_2085], %mul3A_2086 : memref<2000x8xf32, #tpu.memory_space<vmem>>[vector<16xi32>, vector<16xi32>], vector<16xf32>,
        %add3A_2087 = arith.constant 5 : i32
        %add3A_2088 = vector.broadcast %add3A_2087 : i32 to vector<16xi32>
        %add3A_2089 = arith.addi %broadcast_in_dim3A_3, %add3A_2088 : vector<16xi32>
        %mul3A_2090 = arith.mulf %sub3A_2067, %div3A_2052 : vector<16xf32>
        %mul3A_2091 = arith.mulf %sub3A_2068, %div3A_2046 : vector<16xf32>
        %add3A_2092 = arith.addf %mul3A_2090, %mul3A_2091 : vector<16xf32>
        %mul3A_2093 = arith.constant 5.000000e-01 : f32
        %mul3A_2094 = vector.broadcast %mul3A_2093 : f32 to vector<16xf32>
        %mul3A_2095 = arith.mulf %mul3A_2094, %add3A_2092 : vector<16xf32>
        tpu.vector_store_idx %arg15[%add3A_1998, %add3A_2089], %mul3A_2095 : memref<2000x8xf32, #tpu.memory_space<vmem>>[vector<16xi32>, vector<16xi32>], vector<16xf32>,
        %mul3A_2096 = arith.mulf %sub3A_2067, %sub3A_2067 : vector<16xf32>
        %add3A_2097 = arith.addf %add3A_1991, %mul3A_2096 : vector<16xf32>
        %mul3A_2098 = arith.mulf %sub3A_2068, %sub3A_2068 : vector<16xf32>
        %add3A_2099 = arith.addf %add3A_2097, %mul3A_2098 : vector<16xf32>
        %mul3A_2100 = arith.mulf %sub3A_2069, %sub3A_2069 : vector<16xf32>
        %add3A_2101 = arith.addf %add3A_2099, %mul3A_2100 : vector<16xf32>
        %mul3A_2102 = arith.mulf %sub3A_2070, %sub3A_2070 : vector<16xf32>
        %add3A_2103 = arith.addf %add3A_2101, %mul3A_2102 : vector<16xf32>
        scf.yield %add3A_2103 : vector<16xf32>
      }
      %scan3A_1044 = arith.constant 25 : i32
      %dma_start3A_1045 = arith.constant 0 : i32
      %dma_start3A_1046 = arith.constant 0 : i32
      %dma_start3A_1047 = arith.constant 0 : i32
      %dma_start3A_1048 = tpu.memref_slice %arg15[%dma_start3A_1046, %dma_start3A_1047] : memref<2000x8xf32, #tpu.memory_space<vmem>> -> memref<80x8xf32, #tpu.memory_space<vmem>>
      %dma_start3A_1049 = arith.constant 0 : i32
      %dma_start3A_1050 = tpu.memref_slice %arg9[%dma_start3A_1045, %dma_start3A_1049] : memref<25x80xi32, #tpu.memory_space<vmem>> -> memref<1x80xi32, #tpu.memory_space<vmem>>
      %dma_start3A_1051 = tpu.memref_squeeze %dma_start3A_1050 : memref<1x80xi32, #tpu.memory_space<vmem>> -> memref<80xi32, #tpu.memory_space<vmem>>
      %dma_start3A_1052 = arith.constant 0 : i32
      %dma_start3A_1053 = arith.constant 0 : i32
      %dma_start3A_1054 = tpu.memref_slice %arg17[%dma_start3A_1052, %dma_start3A_1053] : memref<100000x8xf32, #tpu.memory_space<vmem_shared>> -> memref<100000x8xf32, #tpu.memory_space<vmem_shared>>
      tpu.enqueue_indirect_dma source(%dma_start3A_1048 : memref<80x8xf32, #tpu.memory_space<vmem>>) target(%dma_start3A_1054 : memref<100000x8xf32, #tpu.memory_space<vmem_shared>>) offsets(%dma_start3A_1051 : memref<80xi32, #tpu.memory_space<vmem>>) semaphore(%arg19 : memref<!tpu.dma_semaphore, #tpu.memory_space<semaphore_mem>>) {add = true}
      %dma_start3A_1055 = arith.constant 1 : i32
      %dma_start3A_1056 = arith.constant 80 : i32
      %dma_start3A_1057 = arith.constant 0 : i32
      %dma_start3A_1058 = tpu.memref_slice %arg15[%dma_start3A_1056, %dma_start3A_1057] : memref<2000x8xf32, #tpu.memory_space<vmem>> -> memref<80x8xf32, #tpu.memory_space<vmem>>
      %dma_start3A_1059 = arith.constant 0 : i32
      %dma_start3A_1060 = tpu.memref_slice %arg9[%dma_start3A_1055, %dma_start3A_1059] : memref<25x80xi32, #tpu.memory_space<vmem>> -> memref<1x80xi32, #tpu.memory_space<vmem>>
      %dma_start3A_1061 = tpu.memref_squeeze %dma_start3A_1060 : memref<1x80xi32, #tpu.memory_space<vmem>> -> memref<80xi32, #tpu.memory_space<vmem>>
      %dma_start3A_1062 = arith.constant 0 : i32
      %dma_start3A_1063 = arith.constant 0 : i32
      %dma_start3A_1064 = tpu.memref_slice %arg17[%dma_start3A_1062, %dma_start3A_1063] : memref<100000x8xf32, #tpu.memory_space<vmem_shared>> -> memref<100000x8xf32, #tpu.memory_space<vmem_shared>>
      tpu.enqueue_indirect_dma source(%dma_start3A_1058 : memref<80x8xf32, #tpu.memory_space<vmem>>) target(%dma_start3A_1064 : memref<100000x8xf32, #tpu.memory_space<vmem_shared>>) offsets(%dma_start3A_1061 : memref<80xi32, #tpu.memory_space<vmem>>) semaphore(%arg19 : memref<!tpu.dma_semaphore, #tpu.memory_space<semaphore_mem>>) {add = true}
      %dma_start3A_1065 = arith.constant 2 : i32
      %dma_start3A_1066 = arith.constant 160 : i32
      %dma_start3A_1067 = arith.constant 0 : i32
      %dma_start3A_1068 = tpu.memref_slice %arg15[%dma_start3A_1066, %dma_start3A_1067] : memref<2000x8xf32, #tpu.memory_space<vmem>> -> memref<80x8xf32, #tpu.memory_space<vmem>>
      %dma_start3A_1069 = arith.constant 0 : i32
      %dma_start3A_1070 = tpu.memref_slice %arg9[%dma_start3A_1065, %dma_start3A_1069] : memref<25x80xi32, #tpu.memory_space<vmem>> -> memref<1x80xi32, #tpu.memory_space<vmem>>
      %dma_start3A_1071 = tpu.memref_squeeze %dma_start3A_1070 : memref<1x80xi32, #tpu.memory_space<vmem>> -> memref<80xi32, #tpu.memory_space<vmem>>
      %dma_start3A_1072 = arith.constant 0 : i32
      %dma_start3A_1073 = arith.constant 0 : i32
      %dma_start3A_1074 = tpu.memref_slice %arg17[%dma_start3A_1072, %dma_start3A_1073] : memref<100000x8xf32, #tpu.memory_space<vmem_shared>> -> memref<100000x8xf32, #tpu.memory_space<vmem_shared>>
      tpu.enqueue_indirect_dma source(%dma_start3A_1068 : memref<80x8xf32, #tpu.memory_space<vmem>>) target(%dma_start3A_1074 : memref<100000x8xf32, #tpu.memory_space<vmem_shared>>) offsets(%dma_start3A_1071 : memref<80xi32, #tpu.memory_space<vmem>>) semaphore(%arg19 : memref<!tpu.dma_semaphore, #tpu.memory_space<semaphore_mem>>) {add = true}
      %dma_start3A_1075 = arith.constant 3 : i32
      %dma_start3A_1076 = arith.constant 240 : i32
      %dma_start3A_1077 = arith.constant 0 : i32
      %dma_start3A_1078 = tpu.memref_slice %arg15[%dma_start3A_1076, %dma_start3A_1077] : memref<2000x8xf32, #tpu.memory_space<vmem>> -> memref<80x8xf32, #tpu.memory_space<vmem>>
      %dma_start3A_1079 = arith.constant 0 : i32
      %dma_start3A_1080 = tpu.memref_slice %arg9[%dma_start3A_1075, %dma_start3A_1079] : memref<25x80xi32, #tpu.memory_space<vmem>> -> memref<1x80xi32, #tpu.memory_space<vmem>>
      %dma_start3A_1081 = tpu.memref_squeeze %dma_start3A_1080 : memref<1x80xi32, #tpu.memory_space<vmem>> -> memref<80xi32, #tpu.memory_space<vmem>>
      %dma_start3A_1082 = arith.constant 0 : i32
      %dma_start3A_1083 = arith.constant 0 : i32
      %dma_start3A_1084 = tpu.memref_slice %arg17[%dma_start3A_1082, %dma_start3A_1083] : memref<100000x8xf32, #tpu.memory_space<vmem_shared>> -> memref<100000x8xf32, #tpu.memory_space<vmem_shared>>
      tpu.enqueue_indirect_dma source(%dma_start3A_1078 : memref<80x8xf32, #tpu.memory_space<vmem>>) target(%dma_start3A_1084 : memref<100000x8xf32, #tpu.memory_space<vmem_shared>>) offsets(%dma_start3A_1081 : memref<80xi32, #tpu.memory_space<vmem>>) semaphore(%arg19 : memref<!tpu.dma_semaphore, #tpu.memory_space<semaphore_mem>>) {add = true}
      %dma_start3A_1085 = arith.constant 4 : i32
      %dma_start3A_1086 = arith.constant 320 : i32
      %dma_start3A_1087 = arith.constant 0 : i32
      %dma_start3A_1088 = tpu.memref_slice %arg15[%dma_start3A_1086, %dma_start3A_1087] : memref<2000x8xf32, #tpu.memory_space<vmem>> -> memref<80x8xf32, #tpu.memory_space<vmem>>
      %dma_start3A_1089 = arith.constant 0 : i32
      %dma_start3A_1090 = tpu.memref_slice %arg9[%dma_start3A_1085, %dma_start3A_1089] : memref<25x80xi32, #tpu.memory_space<vmem>> -> memref<1x80xi32, #tpu.memory_space<vmem>>
      %dma_start3A_1091 = tpu.memref_squeeze %dma_start3A_1090 : memref<1x80xi32, #tpu.memory_space<vmem>> -> memref<80xi32, #tpu.memory_space<vmem>>
      %dma_start3A_1092 = arith.constant 0 : i32
      %dma_start3A_1093 = arith.constant 0 : i32
      %dma_start3A_1094 = tpu.memref_slice %arg17[%dma_start3A_1092, %dma_start3A_1093] : memref<100000x8xf32, #tpu.memory_space<vmem_shared>> -> memref<100000x8xf32, #tpu.memory_space<vmem_shared>>
      tpu.enqueue_indirect_dma source(%dma_start3A_1088 : memref<80x8xf32, #tpu.memory_space<vmem>>) target(%dma_start3A_1094 : memref<100000x8xf32, #tpu.memory_space<vmem_shared>>) offsets(%dma_start3A_1091 : memref<80xi32, #tpu.memory_space<vmem>>) semaphore(%arg19 : memref<!tpu.dma_semaphore, #tpu.memory_space<semaphore_mem>>) {add = true}
      %dma_start3A_1095 = arith.constant 5 : i32
      %dma_start3A_1096 = arith.constant 400 : i32
      %dma_start3A_1097 = arith.constant 0 : i32
      %dma_start3A_1098 = tpu.memref_slice %arg15[%dma_start3A_1096, %dma_start3A_1097] : memref<2000x8xf32, #tpu.memory_space<vmem>> -> memref<80x8xf32, #tpu.memory_space<vmem>>
      %dma_start3A_1099 = arith.constant 0 : i32
      %dma_start3A_1100 = tpu.memref_slice %arg9[%dma_start3A_1095, %dma_start3A_1099] : memref<25x80xi32, #tpu.memory_space<vmem>> -> memref<1x80xi32, #tpu.memory_space<vmem>>
      %dma_start3A_1101 = tpu.memref_squeeze %dma_start3A_1100 : memref<1x80xi32, #tpu.memory_space<vmem>> -> memref<80xi32, #tpu.memory_space<vmem>>
      %dma_start3A_1102 = arith.constant 0 : i32
      %dma_start3A_1103 = arith.constant 0 : i32
      %dma_start3A_1104 = tpu.memref_slice %arg17[%dma_start3A_1102, %dma_start3A_1103] : memref<100000x8xf32, #tpu.memory_space<vmem_shared>> -> memref<100000x8xf32, #tpu.memory_space<vmem_shared>>
      tpu.enqueue_indirect_dma source(%dma_start3A_1098 : memref<80x8xf32, #tpu.memory_space<vmem>>) target(%dma_start3A_1104 : memref<100000x8xf32, #tpu.memory_space<vmem_shared>>) offsets(%dma_start3A_1101 : memref<80xi32, #tpu.memory_space<vmem>>) semaphore(%arg19 : memref<!tpu.dma_semaphore, #tpu.memory_space<semaphore_mem>>) {add = true}
      %dma_start3A_1105 = arith.constant 6 : i32
      %dma_start3A_1106 = arith.constant 480 : i32
      %dma_start3A_1107 = arith.constant 0 : i32
      %dma_start3A_1108 = tpu.memref_slice %arg15[%dma_start3A_1106, %dma_start3A_1107] : memref<2000x8xf32, #tpu.memory_space<vmem>> -> memref<80x8xf32, #tpu.memory_space<vmem>>
      %dma_start3A_1109 = arith.constant 0 : i32
      %dma_start3A_1110 = tpu.memref_slice %arg9[%dma_start3A_1105, %dma_start3A_1109] : memref<25x80xi32, #tpu.memory_space<vmem>> -> memref<1x80xi32, #tpu.memory_space<vmem>>
      %dma_start3A_1111 = tpu.memref_squeeze %dma_start3A_1110 : memref<1x80xi32, #tpu.memory_space<vmem>> -> memref<80xi32, #tpu.memory_space<vmem>>
      %dma_start3A_1112 = arith.constant 0 : i32
      %dma_start3A_1113 = arith.constant 0 : i32
      %dma_start3A_1114 = tpu.memref_slice %arg17[%dma_start3A_1112, %dma_start3A_1113] : memref<100000x8xf32, #tpu.memory_space<vmem_shared>> -> memref<100000x8xf32, #tpu.memory_space<vmem_shared>>
      tpu.enqueue_indirect_dma source(%dma_start3A_1108 : memref<80x8xf32, #tpu.memory_space<vmem>>) target(%dma_start3A_1114 : memref<100000x8xf32, #tpu.memory_space<vmem_shared>>) offsets(%dma_start3A_1111 : memref<80xi32, #tpu.memory_space<vmem>>) semaphore(%arg19 : memref<!tpu.dma_semaphore, #tpu.memory_space<semaphore_mem>>) {add = true}
      %dma_start3A_1115 = arith.constant 7 : i32
      %dma_start3A_1116 = arith.constant 560 : i32
      %dma_start3A_1117 = arith.constant 0 : i32
      %dma_start3A_1118 = tpu.memref_slice %arg15[%dma_start3A_1116, %dma_start3A_1117] : memref<2000x8xf32, #tpu.memory_space<vmem>> -> memref<80x8xf32, #tpu.memory_space<vmem>>
      %dma_start3A_1119 = arith.constant 0 : i32
      %dma_start3A_1120 = tpu.memref_slice %arg9[%dma_start3A_1115, %dma_start3A_1119] : memref<25x80xi32, #tpu.memory_space<vmem>> -> memref<1x80xi32, #tpu.memory_space<vmem>>
      %dma_start3A_1121 = tpu.memref_squeeze %dma_start3A_1120 : memref<1x80xi32, #tpu.memory_space<vmem>> -> memref<80xi32, #tpu.memory_space<vmem>>
      %dma_start3A_1122 = arith.constant 0 : i32
      %dma_start3A_1123 = arith.constant 0 : i32
      %dma_start3A_1124 = tpu.memref_slice %arg17[%dma_start3A_1122, %dma_start3A_1123] : memref<100000x8xf32, #tpu.memory_space<vmem_shared>> -> memref<100000x8xf32, #tpu.memory_space<vmem_shared>>
      tpu.enqueue_indirect_dma source(%dma_start3A_1118 : memref<80x8xf32, #tpu.memory_space<vmem>>) target(%dma_start3A_1124 : memref<100000x8xf32, #tpu.memory_space<vmem_shared>>) offsets(%dma_start3A_1121 : memref<80xi32, #tpu.memory_space<vmem>>) semaphore(%arg19 : memref<!tpu.dma_semaphore, #tpu.memory_space<semaphore_mem>>) {add = true}
      %dma_start3A_1125 = arith.constant 8 : i32
      %dma_start3A_1126 = arith.constant 640 : i32
      %dma_start3A_1127 = arith.constant 0 : i32
      %dma_start3A_1128 = tpu.memref_slice %arg15[%dma_start3A_1126, %dma_start3A_1127] : memref<2000x8xf32, #tpu.memory_space<vmem>> -> memref<80x8xf32, #tpu.memory_space<vmem>>
      %dma_start3A_1129 = arith.constant 0 : i32
      %dma_start3A_1130 = tpu.memref_slice %arg9[%dma_start3A_1125, %dma_start3A_1129] : memref<25x80xi32, #tpu.memory_space<vmem>> -> memref<1x80xi32, #tpu.memory_space<vmem>>
      %dma_start3A_1131 = tpu.memref_squeeze %dma_start3A_1130 : memref<1x80xi32, #tpu.memory_space<vmem>> -> memref<80xi32, #tpu.memory_space<vmem>>
      %dma_start3A_1132 = arith.constant 0 : i32
      %dma_start3A_1133 = arith.constant 0 : i32
      %dma_start3A_1134 = tpu.memref_slice %arg17[%dma_start3A_1132, %dma_start3A_1133] : memref<100000x8xf32, #tpu.memory_space<vmem_shared>> -> memref<100000x8xf32, #tpu.memory_space<vmem_shared>>
      tpu.enqueue_indirect_dma source(%dma_start3A_1128 : memref<80x8xf32, #tpu.memory_space<vmem>>) target(%dma_start3A_1134 : memref<100000x8xf32, #tpu.memory_space<vmem_shared>>) offsets(%dma_start3A_1131 : memref<80xi32, #tpu.memory_space<vmem>>) semaphore(%arg19 : memref<!tpu.dma_semaphore, #tpu.memory_space<semaphore_mem>>) {add = true}
      %dma_start3A_1135 = arith.constant 9 : i32
      %dma_start3A_1136 = arith.constant 720 : i32
      %dma_start3A_1137 = arith.constant 0 : i32
      %dma_start3A_1138 = tpu.memref_slice %arg15[%dma_start3A_1136, %dma_start3A_1137] : memref<2000x8xf32, #tpu.memory_space<vmem>> -> memref<80x8xf32, #tpu.memory_space<vmem>>
      %dma_start3A_1139 = arith.constant 0 : i32
      %dma_start3A_1140 = tpu.memref_slice %arg9[%dma_start3A_1135, %dma_start3A_1139] : memref<25x80xi32, #tpu.memory_space<vmem>> -> memref<1x80xi32, #tpu.memory_space<vmem>>
      %dma_start3A_1141 = tpu.memref_squeeze %dma_start3A_1140 : memref<1x80xi32, #tpu.memory_space<vmem>> -> memref<80xi32, #tpu.memory_space<vmem>>
      %dma_start3A_1142 = arith.constant 0 : i32
      %dma_start3A_1143 = arith.constant 0 : i32
      %dma_start3A_1144 = tpu.memref_slice %arg17[%dma_start3A_1142, %dma_start3A_1143] : memref<100000x8xf32, #tpu.memory_space<vmem_shared>> -> memref<100000x8xf32, #tpu.memory_space<vmem_shared>>
      tpu.enqueue_indirect_dma source(%dma_start3A_1138 : memref<80x8xf32, #tpu.memory_space<vmem>>) target(%dma_start3A_1144 : memref<100000x8xf32, #tpu.memory_space<vmem_shared>>) offsets(%dma_start3A_1141 : memref<80xi32, #tpu.memory_space<vmem>>) semaphore(%arg19 : memref<!tpu.dma_semaphore, #tpu.memory_space<semaphore_mem>>) {add = true}
      %dma_start3A_1145 = arith.constant 10 : i32
      %dma_start3A_1146 = arith.constant 800 : i32
      %dma_start3A_1147 = arith.constant 0 : i32
      %dma_start3A_1148 = tpu.memref_slice %arg15[%dma_start3A_1146, %dma_start3A_1147] : memref<2000x8xf32, #tpu.memory_space<vmem>> -> memref<80x8xf32, #tpu.memory_space<vmem>>
      %dma_start3A_1149 = arith.constant 0 : i32
      %dma_start3A_1150 = tpu.memref_slice %arg9[%dma_start3A_1145, %dma_start3A_1149] : memref<25x80xi32, #tpu.memory_space<vmem>> -> memref<1x80xi32, #tpu.memory_space<vmem>>
      %dma_start3A_1151 = tpu.memref_squeeze %dma_start3A_1150 : memref<1x80xi32, #tpu.memory_space<vmem>> -> memref<80xi32, #tpu.memory_space<vmem>>
      %dma_start3A_1152 = arith.constant 0 : i32
      %dma_start3A_1153 = arith.constant 0 : i32
      %dma_start3A_1154 = tpu.memref_slice %arg17[%dma_start3A_1152, %dma_start3A_1153] : memref<100000x8xf32, #tpu.memory_space<vmem_shared>> -> memref<100000x8xf32, #tpu.memory_space<vmem_shared>>
      tpu.enqueue_indirect_dma source(%dma_start3A_1148 : memref<80x8xf32, #tpu.memory_space<vmem>>) target(%dma_start3A_1154 : memref<100000x8xf32, #tpu.memory_space<vmem_shared>>) offsets(%dma_start3A_1151 : memref<80xi32, #tpu.memory_space<vmem>>) semaphore(%arg19 : memref<!tpu.dma_semaphore, #tpu.memory_space<semaphore_mem>>) {add = true}
      %dma_start3A_1155 = arith.constant 11 : i32
      %dma_start3A_1156 = arith.constant 880 : i32
      %dma_start3A_1157 = arith.constant 0 : i32
      %dma_start3A_1158 = tpu.memref_slice %arg15[%dma_start3A_1156, %dma_start3A_1157] : memref<2000x8xf32, #tpu.memory_space<vmem>> -> memref<80x8xf32, #tpu.memory_space<vmem>>
      %dma_start3A_1159 = arith.constant 0 : i32
      %dma_start3A_1160 = tpu.memref_slice %arg9[%dma_start3A_1155, %dma_start3A_1159] : memref<25x80xi32, #tpu.memory_space<vmem>> -> memref<1x80xi32, #tpu.memory_space<vmem>>
      %dma_start3A_1161 = tpu.memref_squeeze %dma_start3A_1160 : memref<1x80xi32, #tpu.memory_space<vmem>> -> memref<80xi32, #tpu.memory_space<vmem>>
      %dma_start3A_1162 = arith.constant 0 : i32
      %dma_start3A_1163 = arith.constant 0 : i32
      %dma_start3A_1164 = tpu.memref_slice %arg17[%dma_start3A_1162, %dma_start3A_1163] : memref<100000x8xf32, #tpu.memory_space<vmem_shared>> -> memref<100000x8xf32, #tpu.memory_space<vmem_shared>>
      tpu.enqueue_indirect_dma source(%dma_start3A_1158 : memref<80x8xf32, #tpu.memory_space<vmem>>) target(%dma_start3A_1164 : memref<100000x8xf32, #tpu.memory_space<vmem_shared>>) offsets(%dma_start3A_1161 : memref<80xi32, #tpu.memory_space<vmem>>) semaphore(%arg19 : memref<!tpu.dma_semaphore, #tpu.memory_space<semaphore_mem>>) {add = true}
      %dma_start3A_1165 = arith.constant 12 : i32
      %dma_start3A_1166 = arith.constant 960 : i32
      %dma_start3A_1167 = arith.constant 0 : i32
      %dma_start3A_1168 = tpu.memref_slice %arg15[%dma_start3A_1166, %dma_start3A_1167] : memref<2000x8xf32, #tpu.memory_space<vmem>> -> memref<80x8xf32, #tpu.memory_space<vmem>>
      %dma_start3A_1169 = arith.constant 0 : i32
      %dma_start3A_1170 = tpu.memref_slice %arg9[%dma_start3A_1165, %dma_start3A_1169] : memref<25x80xi32, #tpu.memory_space<vmem>> -> memref<1x80xi32, #tpu.memory_space<vmem>>
      %dma_start3A_1171 = tpu.memref_squeeze %dma_start3A_1170 : memref<1x80xi32, #tpu.memory_space<vmem>> -> memref<80xi32, #tpu.memory_space<vmem>>
      %dma_start3A_1172 = arith.constant 0 : i32
      %dma_start3A_1173 = arith.constant 0 : i32
      %dma_start3A_1174 = tpu.memref_slice %arg17[%dma_start3A_1172, %dma_start3A_1173] : memref<100000x8xf32, #tpu.memory_space<vmem_shared>> -> memref<100000x8xf32, #tpu.memory_space<vmem_shared>>
      tpu.enqueue_indirect_dma source(%dma_start3A_1168 : memref<80x8xf32, #tpu.memory_space<vmem>>) target(%dma_start3A_1174 : memref<100000x8xf32, #tpu.memory_space<vmem_shared>>) offsets(%dma_start3A_1171 : memref<80xi32, #tpu.memory_space<vmem>>) semaphore(%arg19 : memref<!tpu.dma_semaphore, #tpu.memory_space<semaphore_mem>>) {add = true}
      %dma_start3A_1175 = arith.constant 13 : i32
      %dma_start3A_1176 = arith.constant 1040 : i32
      %dma_start3A_1177 = arith.constant 0 : i32
      %dma_start3A_1178 = tpu.memref_slice %arg15[%dma_start3A_1176, %dma_start3A_1177] : memref<2000x8xf32, #tpu.memory_space<vmem>> -> memref<80x8xf32, #tpu.memory_space<vmem>>
      %dma_start3A_1179 = arith.constant 0 : i32
      %dma_start3A_1180 = tpu.memref_slice %arg9[%dma_start3A_1175, %dma_start3A_1179] : memref<25x80xi32, #tpu.memory_space<vmem>> -> memref<1x80xi32, #tpu.memory_space<vmem>>
      %dma_start3A_1181 = tpu.memref_squeeze %dma_start3A_1180 : memref<1x80xi32, #tpu.memory_space<vmem>> -> memref<80xi32, #tpu.memory_space<vmem>>
      %dma_start3A_1182 = arith.constant 0 : i32
      %dma_start3A_1183 = arith.constant 0 : i32
      %dma_start3A_1184 = tpu.memref_slice %arg17[%dma_start3A_1182, %dma_start3A_1183] : memref<100000x8xf32, #tpu.memory_space<vmem_shared>> -> memref<100000x8xf32, #tpu.memory_space<vmem_shared>>
      tpu.enqueue_indirect_dma source(%dma_start3A_1178 : memref<80x8xf32, #tpu.memory_space<vmem>>) target(%dma_start3A_1184 : memref<100000x8xf32, #tpu.memory_space<vmem_shared>>) offsets(%dma_start3A_1181 : memref<80xi32, #tpu.memory_space<vmem>>) semaphore(%arg19 : memref<!tpu.dma_semaphore, #tpu.memory_space<semaphore_mem>>) {add = true}
      %dma_start3A_1185 = arith.constant 14 : i32
      %dma_start3A_1186 = arith.constant 1120 : i32
      %dma_start3A_1187 = arith.constant 0 : i32
      %dma_start3A_1188 = tpu.memref_slice %arg15[%dma_start3A_1186, %dma_start3A_1187] : memref<2000x8xf32, #tpu.memory_space<vmem>> -> memref<80x8xf32, #tpu.memory_space<vmem>>
      %dma_start3A_1189 = arith.constant 0 : i32
      %dma_start3A_1190 = tpu.memref_slice %arg9[%dma_start3A_1185, %dma_start3A_1189] : memref<25x80xi32, #tpu.memory_space<vmem>> -> memref<1x80xi32, #tpu.memory_space<vmem>>
      %dma_start3A_1191 = tpu.memref_squeeze %dma_start3A_1190 : memref<1x80xi32, #tpu.memory_space<vmem>> -> memref<80xi32, #tpu.memory_space<vmem>>
      %dma_start3A_1192 = arith.constant 0 : i32
      %dma_start3A_1193 = arith.constant 0 : i32
      %dma_start3A_1194 = tpu.memref_slice %arg17[%dma_start3A_1192, %dma_start3A_1193] : memref<100000x8xf32, #tpu.memory_space<vmem_shared>> -> memref<100000x8xf32, #tpu.memory_space<vmem_shared>>
      tpu.enqueue_indirect_dma source(%dma_start3A_1188 : memref<80x8xf32, #tpu.memory_space<vmem>>) target(%dma_start3A_1194 : memref<100000x8xf32, #tpu.memory_space<vmem_shared>>) offsets(%dma_start3A_1191 : memref<80xi32, #tpu.memory_space<vmem>>) semaphore(%arg19 : memref<!tpu.dma_semaphore, #tpu.memory_space<semaphore_mem>>) {add = true}
      %dma_start3A_1195 = arith.constant 15 : i32
      %dma_start3A_1196 = arith.constant 1200 : i32
      %dma_start3A_1197 = arith.constant 0 : i32
      %dma_start3A_1198 = tpu.memref_slice %arg15[%dma_start3A_1196, %dma_start3A_1197] : memref<2000x8xf32, #tpu.memory_space<vmem>> -> memref<80x8xf32, #tpu.memory_space<vmem>>
      %dma_start3A_1199 = arith.constant 0 : i32
      %dma_start3A_1200 = tpu.memref_slice %arg9[%dma_start3A_1195, %dma_start3A_1199] : memref<25x80xi32, #tpu.memory_space<vmem>> -> memref<1x80xi32, #tpu.memory_space<vmem>>
      %dma_start3A_1201 = tpu.memref_squeeze %dma_start3A_1200 : memref<1x80xi32, #tpu.memory_space<vmem>> -> memref<80xi32, #tpu.memory_space<vmem>>
      %dma_start3A_1202 = arith.constant 0 : i32
      %dma_start3A_1203 = arith.constant 0 : i32
      %dma_start3A_1204 = tpu.memref_slice %arg17[%dma_start3A_1202, %dma_start3A_1203] : memref<100000x8xf32, #tpu.memory_space<vmem_shared>> -> memref<100000x8xf32, #tpu.memory_space<vmem_shared>>
      tpu.enqueue_indirect_dma source(%dma_start3A_1198 : memref<80x8xf32, #tpu.memory_space<vmem>>) target(%dma_start3A_1204 : memref<100000x8xf32, #tpu.memory_space<vmem_shared>>) offsets(%dma_start3A_1201 : memref<80xi32, #tpu.memory_space<vmem>>) semaphore(%arg19 : memref<!tpu.dma_semaphore, #tpu.memory_space<semaphore_mem>>) {add = true}
      %dma_start3A_1205 = arith.constant 16 : i32
      %dma_start3A_1206 = arith.constant 1280 : i32
      %dma_start3A_1207 = arith.constant 0 : i32
      %dma_start3A_1208 = tpu.memref_slice %arg15[%dma_start3A_1206, %dma_start3A_1207] : memref<2000x8xf32, #tpu.memory_space<vmem>> -> memref<80x8xf32, #tpu.memory_space<vmem>>
      %dma_start3A_1209 = arith.constant 0 : i32
      %dma_start3A_1210 = tpu.memref_slice %arg9[%dma_start3A_1205, %dma_start3A_1209] : memref<25x80xi32, #tpu.memory_space<vmem>> -> memref<1x80xi32, #tpu.memory_space<vmem>>
      %dma_start3A_1211 = tpu.memref_squeeze %dma_start3A_1210 : memref<1x80xi32, #tpu.memory_space<vmem>> -> memref<80xi32, #tpu.memory_space<vmem>>
      %dma_start3A_1212 = arith.constant 0 : i32
      %dma_start3A_1213 = arith.constant 0 : i32
      %dma_start3A_1214 = tpu.memref_slice %arg17[%dma_start3A_1212, %dma_start3A_1213] : memref<100000x8xf32, #tpu.memory_space<vmem_shared>> -> memref<100000x8xf32, #tpu.memory_space<vmem_shared>>
      tpu.enqueue_indirect_dma source(%dma_start3A_1208 : memref<80x8xf32, #tpu.memory_space<vmem>>) target(%dma_start3A_1214 : memref<100000x8xf32, #tpu.memory_space<vmem_shared>>) offsets(%dma_start3A_1211 : memref<80xi32, #tpu.memory_space<vmem>>) semaphore(%arg19 : memref<!tpu.dma_semaphore, #tpu.memory_space<semaphore_mem>>) {add = true}
      %dma_start3A_1215 = arith.constant 17 : i32
      %dma_start3A_1216 = arith.constant 1360 : i32
      %dma_start3A_1217 = arith.constant 0 : i32
      %dma_start3A_1218 = tpu.memref_slice %arg15[%dma_start3A_1216, %dma_start3A_1217] : memref<2000x8xf32, #tpu.memory_space<vmem>> -> memref<80x8xf32, #tpu.memory_space<vmem>>
      %dma_start3A_1219 = arith.constant 0 : i32
      %dma_start3A_1220 = tpu.memref_slice %arg9[%dma_start3A_1215, %dma_start3A_1219] : memref<25x80xi32, #tpu.memory_space<vmem>> -> memref<1x80xi32, #tpu.memory_space<vmem>>
      %dma_start3A_1221 = tpu.memref_squeeze %dma_start3A_1220 : memref<1x80xi32, #tpu.memory_space<vmem>> -> memref<80xi32, #tpu.memory_space<vmem>>
      %dma_start3A_1222 = arith.constant 0 : i32
      %dma_start3A_1223 = arith.constant 0 : i32
      %dma_start3A_1224 = tpu.memref_slice %arg17[%dma_start3A_1222, %dma_start3A_1223] : memref<100000x8xf32, #tpu.memory_space<vmem_shared>> -> memref<100000x8xf32, #tpu.memory_space<vmem_shared>>
      tpu.enqueue_indirect_dma source(%dma_start3A_1218 : memref<80x8xf32, #tpu.memory_space<vmem>>) target(%dma_start3A_1224 : memref<100000x8xf32, #tpu.memory_space<vmem_shared>>) offsets(%dma_start3A_1221 : memref<80xi32, #tpu.memory_space<vmem>>) semaphore(%arg19 : memref<!tpu.dma_semaphore, #tpu.memory_space<semaphore_mem>>) {add = true}
      %dma_start3A_1225 = arith.constant 18 : i32
      %dma_start3A_1226 = arith.constant 1440 : i32
      %dma_start3A_1227 = arith.constant 0 : i32
      %dma_start3A_1228 = tpu.memref_slice %arg15[%dma_start3A_1226, %dma_start3A_1227] : memref<2000x8xf32, #tpu.memory_space<vmem>> -> memref<80x8xf32, #tpu.memory_space<vmem>>
      %dma_start3A_1229 = arith.constant 0 : i32
      %dma_start3A_1230 = tpu.memref_slice %arg9[%dma_start3A_1225, %dma_start3A_1229] : memref<25x80xi32, #tpu.memory_space<vmem>> -> memref<1x80xi32, #tpu.memory_space<vmem>>
      %dma_start3A_1231 = tpu.memref_squeeze %dma_start3A_1230 : memref<1x80xi32, #tpu.memory_space<vmem>> -> memref<80xi32, #tpu.memory_space<vmem>>
      %dma_start3A_1232 = arith.constant 0 : i32
      %dma_start3A_1233 = arith.constant 0 : i32
      %dma_start3A_1234 = tpu.memref_slice %arg17[%dma_start3A_1232, %dma_start3A_1233] : memref<100000x8xf32, #tpu.memory_space<vmem_shared>> -> memref<100000x8xf32, #tpu.memory_space<vmem_shared>>
      tpu.enqueue_indirect_dma source(%dma_start3A_1228 : memref<80x8xf32, #tpu.memory_space<vmem>>) target(%dma_start3A_1234 : memref<100000x8xf32, #tpu.memory_space<vmem_shared>>) offsets(%dma_start3A_1231 : memref<80xi32, #tpu.memory_space<vmem>>) semaphore(%arg19 : memref<!tpu.dma_semaphore, #tpu.memory_space<semaphore_mem>>) {add = true}
      %dma_start3A_1235 = arith.constant 19 : i32
      %dma_start3A_1236 = arith.constant 1520 : i32
      %dma_start3A_1237 = arith.constant 0 : i32
      %dma_start3A_1238 = tpu.memref_slice %arg15[%dma_start3A_1236, %dma_start3A_1237] : memref<2000x8xf32, #tpu.memory_space<vmem>> -> memref<80x8xf32, #tpu.memory_space<vmem>>
      %dma_start3A_1239 = arith.constant 0 : i32
      %dma_start3A_1240 = tpu.memref_slice %arg9[%dma_start3A_1235, %dma_start3A_1239] : memref<25x80xi32, #tpu.memory_space<vmem>> -> memref<1x80xi32, #tpu.memory_space<vmem>>
      %dma_start3A_1241 = tpu.memref_squeeze %dma_start3A_1240 : memref<1x80xi32, #tpu.memory_space<vmem>> -> memref<80xi32, #tpu.memory_space<vmem>>
      %dma_start3A_1242 = arith.constant 0 : i32
      %dma_start3A_1243 = arith.constant 0 : i32
      %dma_start3A_1244 = tpu.memref_slice %arg17[%dma_start3A_1242, %dma_start3A_1243] : memref<100000x8xf32, #tpu.memory_space<vmem_shared>> -> memref<100000x8xf32, #tpu.memory_space<vmem_shared>>
      tpu.enqueue_indirect_dma source(%dma_start3A_1238 : memref<80x8xf32, #tpu.memory_space<vmem>>) target(%dma_start3A_1244 : memref<100000x8xf32, #tpu.memory_space<vmem_shared>>) offsets(%dma_start3A_1241 : memref<80xi32, #tpu.memory_space<vmem>>) semaphore(%arg19 : memref<!tpu.dma_semaphore, #tpu.memory_space<semaphore_mem>>) {add = true}
      %dma_start3A_1245 = arith.constant 20 : i32
      %dma_start3A_1246 = arith.constant 1600 : i32
      %dma_start3A_1247 = arith.constant 0 : i32
      %dma_start3A_1248 = tpu.memref_slice %arg15[%dma_start3A_1246, %dma_start3A_1247] : memref<2000x8xf32, #tpu.memory_space<vmem>> -> memref<80x8xf32, #tpu.memory_space<vmem>>
      %dma_start3A_1249 = arith.constant 0 : i32
      %dma_start3A_1250 = tpu.memref_slice %arg9[%dma_start3A_1245, %dma_start3A_1249] : memref<25x80xi32, #tpu.memory_space<vmem>> -> memref<1x80xi32, #tpu.memory_space<vmem>>
      %dma_start3A_1251 = tpu.memref_squeeze %dma_start3A_1250 : memref<1x80xi32, #tpu.memory_space<vmem>> -> memref<80xi32, #tpu.memory_space<vmem>>
      %dma_start3A_1252 = arith.constant 0 : i32
      %dma_start3A_1253 = arith.constant 0 : i32
      %dma_start3A_1254 = tpu.memref_slice %arg17[%dma_start3A_1252, %dma_start3A_1253] : memref<100000x8xf32, #tpu.memory_space<vmem_shared>> -> memref<100000x8xf32, #tpu.memory_space<vmem_shared>>
      tpu.enqueue_indirect_dma source(%dma_start3A_1248 : memref<80x8xf32, #tpu.memory_space<vmem>>) target(%dma_start3A_1254 : memref<100000x8xf32, #tpu.memory_space<vmem_shared>>) offsets(%dma_start3A_1251 : memref<80xi32, #tpu.memory_space<vmem>>) semaphore(%arg19 : memref<!tpu.dma_semaphore, #tpu.memory_space<semaphore_mem>>) {add = true}
      %dma_start3A_1255 = arith.constant 21 : i32
      %dma_start3A_1256 = arith.constant 1680 : i32
      %dma_start3A_1257 = arith.constant 0 : i32
      %dma_start3A_1258 = tpu.memref_slice %arg15[%dma_start3A_1256, %dma_start3A_1257] : memref<2000x8xf32, #tpu.memory_space<vmem>> -> memref<80x8xf32, #tpu.memory_space<vmem>>
      %dma_start3A_1259 = arith.constant 0 : i32
      %dma_start3A_1260 = tpu.memref_slice %arg9[%dma_start3A_1255, %dma_start3A_1259] : memref<25x80xi32, #tpu.memory_space<vmem>> -> memref<1x80xi32, #tpu.memory_space<vmem>>
      %dma_start3A_1261 = tpu.memref_squeeze %dma_start3A_1260 : memref<1x80xi32, #tpu.memory_space<vmem>> -> memref<80xi32, #tpu.memory_space<vmem>>
      %dma_start3A_1262 = arith.constant 0 : i32
      %dma_start3A_1263 = arith.constant 0 : i32
      %dma_start3A_1264 = tpu.memref_slice %arg17[%dma_start3A_1262, %dma_start3A_1263] : memref<100000x8xf32, #tpu.memory_space<vmem_shared>> -> memref<100000x8xf32, #tpu.memory_space<vmem_shared>>
      tpu.enqueue_indirect_dma source(%dma_start3A_1258 : memref<80x8xf32, #tpu.memory_space<vmem>>) target(%dma_start3A_1264 : memref<100000x8xf32, #tpu.memory_space<vmem_shared>>) offsets(%dma_start3A_1261 : memref<80xi32, #tpu.memory_space<vmem>>) semaphore(%arg19 : memref<!tpu.dma_semaphore, #tpu.memory_space<semaphore_mem>>) {add = true}
      %dma_start3A_1265 = arith.constant 22 : i32
      %dma_start3A_1266 = arith.constant 1760 : i32
      %dma_start3A_1267 = arith.constant 0 : i32
      %dma_start3A_1268 = tpu.memref_slice %arg15[%dma_start3A_1266, %dma_start3A_1267] : memref<2000x8xf32, #tpu.memory_space<vmem>> -> memref<80x8xf32, #tpu.memory_space<vmem>>
      %dma_start3A_1269 = arith.constant 0 : i32
      %dma_start3A_1270 = tpu.memref_slice %arg9[%dma_start3A_1265, %dma_start3A_1269] : memref<25x80xi32, #tpu.memory_space<vmem>> -> memref<1x80xi32, #tpu.memory_space<vmem>>
      %dma_start3A_1271 = tpu.memref_squeeze %dma_start3A_1270 : memref<1x80xi32, #tpu.memory_space<vmem>> -> memref<80xi32, #tpu.memory_space<vmem>>
      %dma_start3A_1272 = arith.constant 0 : i32
      %dma_start3A_1273 = arith.constant 0 : i32
      %dma_start3A_1274 = tpu.memref_slice %arg17[%dma_start3A_1272, %dma_start3A_1273] : memref<100000x8xf32, #tpu.memory_space<vmem_shared>> -> memref<100000x8xf32, #tpu.memory_space<vmem_shared>>
      tpu.enqueue_indirect_dma source(%dma_start3A_1268 : memref<80x8xf32, #tpu.memory_space<vmem>>) target(%dma_start3A_1274 : memref<100000x8xf32, #tpu.memory_space<vmem_shared>>) offsets(%dma_start3A_1271 : memref<80xi32, #tpu.memory_space<vmem>>) semaphore(%arg19 : memref<!tpu.dma_semaphore, #tpu.memory_space<semaphore_mem>>) {add = true}
      %dma_start3A_1275 = arith.constant 23 : i32
      %dma_start3A_1276 = arith.constant 1840 : i32
      %dma_start3A_1277 = arith.constant 0 : i32
      %dma_start3A_1278 = tpu.memref_slice %arg15[%dma_start3A_1276, %dma_start3A_1277] : memref<2000x8xf32, #tpu.memory_space<vmem>> -> memref<80x8xf32, #tpu.memory_space<vmem>>
      %dma_start3A_1279 = arith.constant 0 : i32
      %dma_start3A_1280 = tpu.memref_slice %arg9[%dma_start3A_1275, %dma_start3A_1279] : memref<25x80xi32, #tpu.memory_space<vmem>> -> memref<1x80xi32, #tpu.memory_space<vmem>>
      %dma_start3A_1281 = tpu.memref_squeeze %dma_start3A_1280 : memref<1x80xi32, #tpu.memory_space<vmem>> -> memref<80xi32, #tpu.memory_space<vmem>>
      %dma_start3A_1282 = arith.constant 0 : i32
      %dma_start3A_1283 = arith.constant 0 : i32
      %dma_start3A_1284 = tpu.memref_slice %arg17[%dma_start3A_1282, %dma_start3A_1283] : memref<100000x8xf32, #tpu.memory_space<vmem_shared>> -> memref<100000x8xf32, #tpu.memory_space<vmem_shared>>
      tpu.enqueue_indirect_dma source(%dma_start3A_1278 : memref<80x8xf32, #tpu.memory_space<vmem>>) target(%dma_start3A_1284 : memref<100000x8xf32, #tpu.memory_space<vmem_shared>>) offsets(%dma_start3A_1281 : memref<80xi32, #tpu.memory_space<vmem>>) semaphore(%arg19 : memref<!tpu.dma_semaphore, #tpu.memory_space<semaphore_mem>>) {add = true}
      %dma_start3A_1285 = arith.constant 24 : i32
      %dma_start3A_1286 = arith.constant 1920 : i32
      %dma_start3A_1287 = arith.constant 0 : i32
      %dma_start3A_1288 = tpu.memref_slice %arg15[%dma_start3A_1286, %dma_start3A_1287] : memref<2000x8xf32, #tpu.memory_space<vmem>> -> memref<80x8xf32, #tpu.memory_space<vmem>>
      %dma_start3A_1289 = arith.constant 0 : i32
      %dma_start3A_1290 = tpu.memref_slice %arg9[%dma_start3A_1285, %dma_start3A_1289] : memref<25x80xi32, #tpu.memory_space<vmem>> -> memref<1x80xi32, #tpu.memory_space<vmem>>
      %dma_start3A_1291 = tpu.memref_squeeze %dma_start3A_1290 : memref<1x80xi32, #tpu.memory_space<vmem>> -> memref<80xi32, #tpu.memory_space<vmem>>
      %dma_start3A_1292 = arith.constant 0 : i32
      %dma_start3A_1293 = arith.constant 0 : i32
      %dma_start3A_1294 = tpu.memref_slice %arg17[%dma_start3A_1292, %dma_start3A_1293] : memref<100000x8xf32, #tpu.memory_space<vmem_shared>> -> memref<100000x8xf32, #tpu.memory_space<vmem_shared>>
      tpu.enqueue_indirect_dma source(%dma_start3A_1288 : memref<80x8xf32, #tpu.memory_space<vmem>>) target(%dma_start3A_1294 : memref<100000x8xf32, #tpu.memory_space<vmem_shared>>) offsets(%dma_start3A_1291 : memref<80xi32, #tpu.memory_space<vmem>>) semaphore(%arg19 : memref<!tpu.dma_semaphore, #tpu.memory_space<semaphore_mem>>) {add = true}
      %dma_wait3A_1295 = arith.constant 0 : i32
      %dma_wait3A_1296 = arith.constant 0 : i32
      %dma_wait3A_1297 = arith.constant 0 : i32
      %dma_wait3A_1298 = tpu.memref_slice %arg15[%dma_wait3A_1296, %dma_wait3A_1297] : memref<2000x8xf32, #tpu.memory_space<vmem>> -> memref<80x8xf32, #tpu.memory_space<vmem>>
      %dma_wait3A_1299 = arith.constant 0 : i32
      %dma_wait3A_1300 = tpu.memref_slice %arg9[%dma_wait3A_1295, %dma_wait3A_1299] : memref<25x80xi32, #tpu.memory_space<vmem>> -> memref<1x80xi32, #tpu.memory_space<vmem>>
      %dma_wait3A_1301 = tpu.memref_squeeze %dma_wait3A_1300 : memref<1x80xi32, #tpu.memory_space<vmem>> -> memref<80xi32, #tpu.memory_space<vmem>>
      %dma_wait3A_1302 = arith.constant 0 : i32
      %dma_wait3A_1303 = arith.constant 0 : i32
      %dma_wait3A_1304 = tpu.memref_slice %arg17[%dma_wait3A_1302, %dma_wait3A_1303] : memref<100000x8xf32, #tpu.memory_space<vmem_shared>> -> memref<100000x8xf32, #tpu.memory_space<vmem_shared>>
      tpu.wait_indirect_dma semaphore(%arg19 : memref<!tpu.dma_semaphore, #tpu.memory_space<semaphore_mem>>) src(%dma_wait3A_1298 : memref<80x8xf32, #tpu.memory_space<vmem>>) dst(%dma_wait3A_1304 : memref<100000x8xf32, #tpu.memory_space<vmem_shared>>)
      %dma_wait3A_1305 = arith.constant 1 : i32
      %dma_wait3A_1306 = arith.constant 80 : i32
      %dma_wait3A_1307 = arith.constant 0 : i32
      %dma_wait3A_1308 = tpu.memref_slice %arg15[%dma_wait3A_1306, %dma_wait3A_1307] : memref<2000x8xf32, #tpu.memory_space<vmem>> -> memref<80x8xf32, #tpu.memory_space<vmem>>
      %dma_wait3A_1309 = arith.constant 0 : i32
      %dma_wait3A_1310 = tpu.memref_slice %arg9[%dma_wait3A_1305, %dma_wait3A_1309] : memref<25x80xi32, #tpu.memory_space<vmem>> -> memref<1x80xi32, #tpu.memory_space<vmem>>
      %dma_wait3A_1311 = tpu.memref_squeeze %dma_wait3A_1310 : memref<1x80xi32, #tpu.memory_space<vmem>> -> memref<80xi32, #tpu.memory_space<vmem>>
      %dma_wait3A_1312 = arith.constant 0 : i32
      %dma_wait3A_1313 = arith.constant 0 : i32
      %dma_wait3A_1314 = tpu.memref_slice %arg17[%dma_wait3A_1312, %dma_wait3A_1313] : memref<100000x8xf32, #tpu.memory_space<vmem_shared>> -> memref<100000x8xf32, #tpu.memory_space<vmem_shared>>
      tpu.wait_indirect_dma semaphore(%arg19 : memref<!tpu.dma_semaphore, #tpu.memory_space<semaphore_mem>>) src(%dma_wait3A_1308 : memref<80x8xf32, #tpu.memory_space<vmem>>) dst(%dma_wait3A_1314 : memref<100000x8xf32, #tpu.memory_space<vmem_shared>>)
      %dma_wait3A_1315 = arith.constant 2 : i32
      %dma_wait3A_1316 = arith.constant 160 : i32
      %dma_wait3A_1317 = arith.constant 0 : i32
      %dma_wait3A_1318 = tpu.memref_slice %arg15[%dma_wait3A_1316, %dma_wait3A_1317] : memref<2000x8xf32, #tpu.memory_space<vmem>> -> memref<80x8xf32, #tpu.memory_space<vmem>>
      %dma_wait3A_1319 = arith.constant 0 : i32
      %dma_wait3A_1320 = tpu.memref_slice %arg9[%dma_wait3A_1315, %dma_wait3A_1319] : memref<25x80xi32, #tpu.memory_space<vmem>> -> memref<1x80xi32, #tpu.memory_space<vmem>>
      %dma_wait3A_1321 = tpu.memref_squeeze %dma_wait3A_1320 : memref<1x80xi32, #tpu.memory_space<vmem>> -> memref<80xi32, #tpu.memory_space<vmem>>
      %dma_wait3A_1322 = arith.constant 0 : i32
      %dma_wait3A_1323 = arith.constant 0 : i32
      %dma_wait3A_1324 = tpu.memref_slice %arg17[%dma_wait3A_1322, %dma_wait3A_1323] : memref<100000x8xf32, #tpu.memory_space<vmem_shared>> -> memref<100000x8xf32, #tpu.memory_space<vmem_shared>>
      tpu.wait_indirect_dma semaphore(%arg19 : memref<!tpu.dma_semaphore, #tpu.memory_space<semaphore_mem>>) src(%dma_wait3A_1318 : memref<80x8xf32, #tpu.memory_space<vmem>>) dst(%dma_wait3A_1324 : memref<100000x8xf32, #tpu.memory_space<vmem_shared>>)
      %dma_wait3A_1325 = arith.constant 3 : i32
      %dma_wait3A_1326 = arith.constant 240 : i32
      %dma_wait3A_1327 = arith.constant 0 : i32
      %dma_wait3A_1328 = tpu.memref_slice %arg15[%dma_wait3A_1326, %dma_wait3A_1327] : memref<2000x8xf32, #tpu.memory_space<vmem>> -> memref<80x8xf32, #tpu.memory_space<vmem>>
      %dma_wait3A_1329 = arith.constant 0 : i32
      %dma_wait3A_1330 = tpu.memref_slice %arg9[%dma_wait3A_1325, %dma_wait3A_1329] : memref<25x80xi32, #tpu.memory_space<vmem>> -> memref<1x80xi32, #tpu.memory_space<vmem>>
      %dma_wait3A_1331 = tpu.memref_squeeze %dma_wait3A_1330 : memref<1x80xi32, #tpu.memory_space<vmem>> -> memref<80xi32, #tpu.memory_space<vmem>>
      %dma_wait3A_1332 = arith.constant 0 : i32
      %dma_wait3A_1333 = arith.constant 0 : i32
      %dma_wait3A_1334 = tpu.memref_slice %arg17[%dma_wait3A_1332, %dma_wait3A_1333] : memref<100000x8xf32, #tpu.memory_space<vmem_shared>> -> memref<100000x8xf32, #tpu.memory_space<vmem_shared>>
      tpu.wait_indirect_dma semaphore(%arg19 : memref<!tpu.dma_semaphore, #tpu.memory_space<semaphore_mem>>) src(%dma_wait3A_1328 : memref<80x8xf32, #tpu.memory_space<vmem>>) dst(%dma_wait3A_1334 : memref<100000x8xf32, #tpu.memory_space<vmem_shared>>)
      %dma_wait3A_1335 = arith.constant 4 : i32
      %dma_wait3A_1336 = arith.constant 320 : i32
      %dma_wait3A_1337 = arith.constant 0 : i32
      %dma_wait3A_1338 = tpu.memref_slice %arg15[%dma_wait3A_1336, %dma_wait3A_1337] : memref<2000x8xf32, #tpu.memory_space<vmem>> -> memref<80x8xf32, #tpu.memory_space<vmem>>
      %dma_wait3A_1339 = arith.constant 0 : i32
      %dma_wait3A_1340 = tpu.memref_slice %arg9[%dma_wait3A_1335, %dma_wait3A_1339] : memref<25x80xi32, #tpu.memory_space<vmem>> -> memref<1x80xi32, #tpu.memory_space<vmem>>
      %dma_wait3A_1341 = tpu.memref_squeeze %dma_wait3A_1340 : memref<1x80xi32, #tpu.memory_space<vmem>> -> memref<80xi32, #tpu.memory_space<vmem>>
      %dma_wait3A_1342 = arith.constant 0 : i32
      %dma_wait3A_1343 = arith.constant 0 : i32
      %dma_wait3A_1344 = tpu.memref_slice %arg17[%dma_wait3A_1342, %dma_wait3A_1343] : memref<100000x8xf32, #tpu.memory_space<vmem_shared>> -> memref<100000x8xf32, #tpu.memory_space<vmem_shared>>
      tpu.wait_indirect_dma semaphore(%arg19 : memref<!tpu.dma_semaphore, #tpu.memory_space<semaphore_mem>>) src(%dma_wait3A_1338 : memref<80x8xf32, #tpu.memory_space<vmem>>) dst(%dma_wait3A_1344 : memref<100000x8xf32, #tpu.memory_space<vmem_shared>>)
      %dma_wait3A_1345 = arith.constant 5 : i32
      %dma_wait3A_1346 = arith.constant 400 : i32
      %dma_wait3A_1347 = arith.constant 0 : i32
      %dma_wait3A_1348 = tpu.memref_slice %arg15[%dma_wait3A_1346, %dma_wait3A_1347] : memref<2000x8xf32, #tpu.memory_space<vmem>> -> memref<80x8xf32, #tpu.memory_space<vmem>>
      %dma_wait3A_1349 = arith.constant 0 : i32
      %dma_wait3A_1350 = tpu.memref_slice %arg9[%dma_wait3A_1345, %dma_wait3A_1349] : memref<25x80xi32, #tpu.memory_space<vmem>> -> memref<1x80xi32, #tpu.memory_space<vmem>>
      %dma_wait3A_1351 = tpu.memref_squeeze %dma_wait3A_1350 : memref<1x80xi32, #tpu.memory_space<vmem>> -> memref<80xi32, #tpu.memory_space<vmem>>
      %dma_wait3A_1352 = arith.constant 0 : i32
      %dma_wait3A_1353 = arith.constant 0 : i32
      %dma_wait3A_1354 = tpu.memref_slice %arg17[%dma_wait3A_1352, %dma_wait3A_1353] : memref<100000x8xf32, #tpu.memory_space<vmem_shared>> -> memref<100000x8xf32, #tpu.memory_space<vmem_shared>>
      tpu.wait_indirect_dma semaphore(%arg19 : memref<!tpu.dma_semaphore, #tpu.memory_space<semaphore_mem>>) src(%dma_wait3A_1348 : memref<80x8xf32, #tpu.memory_space<vmem>>) dst(%dma_wait3A_1354 : memref<100000x8xf32, #tpu.memory_space<vmem_shared>>)
      %dma_wait3A_1355 = arith.constant 6 : i32
      %dma_wait3A_1356 = arith.constant 480 : i32
      %dma_wait3A_1357 = arith.constant 0 : i32
      %dma_wait3A_1358 = tpu.memref_slice %arg15[%dma_wait3A_1356, %dma_wait3A_1357] : memref<2000x8xf32, #tpu.memory_space<vmem>> -> memref<80x8xf32, #tpu.memory_space<vmem>>
      %dma_wait3A_1359 = arith.constant 0 : i32
      %dma_wait3A_1360 = tpu.memref_slice %arg9[%dma_wait3A_1355, %dma_wait3A_1359] : memref<25x80xi32, #tpu.memory_space<vmem>> -> memref<1x80xi32, #tpu.memory_space<vmem>>
      %dma_wait3A_1361 = tpu.memref_squeeze %dma_wait3A_1360 : memref<1x80xi32, #tpu.memory_space<vmem>> -> memref<80xi32, #tpu.memory_space<vmem>>
      %dma_wait3A_1362 = arith.constant 0 : i32
      %dma_wait3A_1363 = arith.constant 0 : i32
      %dma_wait3A_1364 = tpu.memref_slice %arg17[%dma_wait3A_1362, %dma_wait3A_1363] : memref<100000x8xf32, #tpu.memory_space<vmem_shared>> -> memref<100000x8xf32, #tpu.memory_space<vmem_shared>>
      tpu.wait_indirect_dma semaphore(%arg19 : memref<!tpu.dma_semaphore, #tpu.memory_space<semaphore_mem>>) src(%dma_wait3A_1358 : memref<80x8xf32, #tpu.memory_space<vmem>>) dst(%dma_wait3A_1364 : memref<100000x8xf32, #tpu.memory_space<vmem_shared>>)
      %dma_wait3A_1365 = arith.constant 7 : i32
      %dma_wait3A_1366 = arith.constant 560 : i32
      %dma_wait3A_1367 = arith.constant 0 : i32
      %dma_wait3A_1368 = tpu.memref_slice %arg15[%dma_wait3A_1366, %dma_wait3A_1367] : memref<2000x8xf32, #tpu.memory_space<vmem>> -> memref<80x8xf32, #tpu.memory_space<vmem>>
      %dma_wait3A_1369 = arith.constant 0 : i32
      %dma_wait3A_1370 = tpu.memref_slice %arg9[%dma_wait3A_1365, %dma_wait3A_1369] : memref<25x80xi32, #tpu.memory_space<vmem>> -> memref<1x80xi32, #tpu.memory_space<vmem>>
      %dma_wait3A_1371 = tpu.memref_squeeze %dma_wait3A_1370 : memref<1x80xi32, #tpu.memory_space<vmem>> -> memref<80xi32, #tpu.memory_space<vmem>>
      %dma_wait3A_1372 = arith.constant 0 : i32
      %dma_wait3A_1373 = arith.constant 0 : i32
      %dma_wait3A_1374 = tpu.memref_slice %arg17[%dma_wait3A_1372, %dma_wait3A_1373] : memref<100000x8xf32, #tpu.memory_space<vmem_shared>> -> memref<100000x8xf32, #tpu.memory_space<vmem_shared>>
      tpu.wait_indirect_dma semaphore(%arg19 : memref<!tpu.dma_semaphore, #tpu.memory_space<semaphore_mem>>) src(%dma_wait3A_1368 : memref<80x8xf32, #tpu.memory_space<vmem>>) dst(%dma_wait3A_1374 : memref<100000x8xf32, #tpu.memory_space<vmem_shared>>)
      %dma_wait3A_1375 = arith.constant 8 : i32
      %dma_wait3A_1376 = arith.constant 640 : i32
      %dma_wait3A_1377 = arith.constant 0 : i32
      %dma_wait3A_1378 = tpu.memref_slice %arg15[%dma_wait3A_1376, %dma_wait3A_1377] : memref<2000x8xf32, #tpu.memory_space<vmem>> -> memref<80x8xf32, #tpu.memory_space<vmem>>
      %dma_wait3A_1379 = arith.constant 0 : i32
      %dma_wait3A_1380 = tpu.memref_slice %arg9[%dma_wait3A_1375, %dma_wait3A_1379] : memref<25x80xi32, #tpu.memory_space<vmem>> -> memref<1x80xi32, #tpu.memory_space<vmem>>
      %dma_wait3A_1381 = tpu.memref_squeeze %dma_wait3A_1380 : memref<1x80xi32, #tpu.memory_space<vmem>> -> memref<80xi32, #tpu.memory_space<vmem>>
      %dma_wait3A_1382 = arith.constant 0 : i32
      %dma_wait3A_1383 = arith.constant 0 : i32
      %dma_wait3A_1384 = tpu.memref_slice %arg17[%dma_wait3A_1382, %dma_wait3A_1383] : memref<100000x8xf32, #tpu.memory_space<vmem_shared>> -> memref<100000x8xf32, #tpu.memory_space<vmem_shared>>
      tpu.wait_indirect_dma semaphore(%arg19 : memref<!tpu.dma_semaphore, #tpu.memory_space<semaphore_mem>>) src(%dma_wait3A_1378 : memref<80x8xf32, #tpu.memory_space<vmem>>) dst(%dma_wait3A_1384 : memref<100000x8xf32, #tpu.memory_space<vmem_shared>>)
      %dma_wait3A_1385 = arith.constant 9 : i32
      %dma_wait3A_1386 = arith.constant 720 : i32
      %dma_wait3A_1387 = arith.constant 0 : i32
      %dma_wait3A_1388 = tpu.memref_slice %arg15[%dma_wait3A_1386, %dma_wait3A_1387] : memref<2000x8xf32, #tpu.memory_space<vmem>> -> memref<80x8xf32, #tpu.memory_space<vmem>>
      %dma_wait3A_1389 = arith.constant 0 : i32
      %dma_wait3A_1390 = tpu.memref_slice %arg9[%dma_wait3A_1385, %dma_wait3A_1389] : memref<25x80xi32, #tpu.memory_space<vmem>> -> memref<1x80xi32, #tpu.memory_space<vmem>>
      %dma_wait3A_1391 = tpu.memref_squeeze %dma_wait3A_1390 : memref<1x80xi32, #tpu.memory_space<vmem>> -> memref<80xi32, #tpu.memory_space<vmem>>
      %dma_wait3A_1392 = arith.constant 0 : i32
      %dma_wait3A_1393 = arith.constant 0 : i32
      %dma_wait3A_1394 = tpu.memref_slice %arg17[%dma_wait3A_1392, %dma_wait3A_1393] : memref<100000x8xf32, #tpu.memory_space<vmem_shared>> -> memref<100000x8xf32, #tpu.memory_space<vmem_shared>>
      tpu.wait_indirect_dma semaphore(%arg19 : memref<!tpu.dma_semaphore, #tpu.memory_space<semaphore_mem>>) src(%dma_wait3A_1388 : memref<80x8xf32, #tpu.memory_space<vmem>>) dst(%dma_wait3A_1394 : memref<100000x8xf32, #tpu.memory_space<vmem_shared>>)
      %dma_wait3A_1395 = arith.constant 10 : i32
      %dma_wait3A_1396 = arith.constant 800 : i32
      %dma_wait3A_1397 = arith.constant 0 : i32
      %dma_wait3A_1398 = tpu.memref_slice %arg15[%dma_wait3A_1396, %dma_wait3A_1397] : memref<2000x8xf32, #tpu.memory_space<vmem>> -> memref<80x8xf32, #tpu.memory_space<vmem>>
      %dma_wait3A_1399 = arith.constant 0 : i32
      %dma_wait3A_1400 = tpu.memref_slice %arg9[%dma_wait3A_1395, %dma_wait3A_1399] : memref<25x80xi32, #tpu.memory_space<vmem>> -> memref<1x80xi32, #tpu.memory_space<vmem>>
      %dma_wait3A_1401 = tpu.memref_squeeze %dma_wait3A_1400 : memref<1x80xi32, #tpu.memory_space<vmem>> -> memref<80xi32, #tpu.memory_space<vmem>>
      %dma_wait3A_1402 = arith.constant 0 : i32
      %dma_wait3A_1403 = arith.constant 0 : i32
      %dma_wait3A_1404 = tpu.memref_slice %arg17[%dma_wait3A_1402, %dma_wait3A_1403] : memref<100000x8xf32, #tpu.memory_space<vmem_shared>> -> memref<100000x8xf32, #tpu.memory_space<vmem_shared>>
      tpu.wait_indirect_dma semaphore(%arg19 : memref<!tpu.dma_semaphore, #tpu.memory_space<semaphore_mem>>) src(%dma_wait3A_1398 : memref<80x8xf32, #tpu.memory_space<vmem>>) dst(%dma_wait3A_1404 : memref<100000x8xf32, #tpu.memory_space<vmem_shared>>)
      %dma_wait3A_1405 = arith.constant 11 : i32
      %dma_wait3A_1406 = arith.constant 880 : i32
      %dma_wait3A_1407 = arith.constant 0 : i32
      %dma_wait3A_1408 = tpu.memref_slice %arg15[%dma_wait3A_1406, %dma_wait3A_1407] : memref<2000x8xf32, #tpu.memory_space<vmem>> -> memref<80x8xf32, #tpu.memory_space<vmem>>
      %dma_wait3A_1409 = arith.constant 0 : i32
      %dma_wait3A_1410 = tpu.memref_slice %arg9[%dma_wait3A_1405, %dma_wait3A_1409] : memref<25x80xi32, #tpu.memory_space<vmem>> -> memref<1x80xi32, #tpu.memory_space<vmem>>
      %dma_wait3A_1411 = tpu.memref_squeeze %dma_wait3A_1410 : memref<1x80xi32, #tpu.memory_space<vmem>> -> memref<80xi32, #tpu.memory_space<vmem>>
      %dma_wait3A_1412 = arith.constant 0 : i32
      %dma_wait3A_1413 = arith.constant 0 : i32
      %dma_wait3A_1414 = tpu.memref_slice %arg17[%dma_wait3A_1412, %dma_wait3A_1413] : memref<100000x8xf32, #tpu.memory_space<vmem_shared>> -> memref<100000x8xf32, #tpu.memory_space<vmem_shared>>
      tpu.wait_indirect_dma semaphore(%arg19 : memref<!tpu.dma_semaphore, #tpu.memory_space<semaphore_mem>>) src(%dma_wait3A_1408 : memref<80x8xf32, #tpu.memory_space<vmem>>) dst(%dma_wait3A_1414 : memref<100000x8xf32, #tpu.memory_space<vmem_shared>>)
      %dma_wait3A_1415 = arith.constant 12 : i32
      %dma_wait3A_1416 = arith.constant 960 : i32
      %dma_wait3A_1417 = arith.constant 0 : i32
      %dma_wait3A_1418 = tpu.memref_slice %arg15[%dma_wait3A_1416, %dma_wait3A_1417] : memref<2000x8xf32, #tpu.memory_space<vmem>> -> memref<80x8xf32, #tpu.memory_space<vmem>>
      %dma_wait3A_1419 = arith.constant 0 : i32
      %dma_wait3A_1420 = tpu.memref_slice %arg9[%dma_wait3A_1415, %dma_wait3A_1419] : memref<25x80xi32, #tpu.memory_space<vmem>> -> memref<1x80xi32, #tpu.memory_space<vmem>>
      %dma_wait3A_1421 = tpu.memref_squeeze %dma_wait3A_1420 : memref<1x80xi32, #tpu.memory_space<vmem>> -> memref<80xi32, #tpu.memory_space<vmem>>
      %dma_wait3A_1422 = arith.constant 0 : i32
      %dma_wait3A_1423 = arith.constant 0 : i32
      %dma_wait3A_1424 = tpu.memref_slice %arg17[%dma_wait3A_1422, %dma_wait3A_1423] : memref<100000x8xf32, #tpu.memory_space<vmem_shared>> -> memref<100000x8xf32, #tpu.memory_space<vmem_shared>>
      tpu.wait_indirect_dma semaphore(%arg19 : memref<!tpu.dma_semaphore, #tpu.memory_space<semaphore_mem>>) src(%dma_wait3A_1418 : memref<80x8xf32, #tpu.memory_space<vmem>>) dst(%dma_wait3A_1424 : memref<100000x8xf32, #tpu.memory_space<vmem_shared>>)
      %dma_wait3A_1425 = arith.constant 13 : i32
      %dma_wait3A_1426 = arith.constant 1040 : i32
      %dma_wait3A_1427 = arith.constant 0 : i32
      %dma_wait3A_1428 = tpu.memref_slice %arg15[%dma_wait3A_1426, %dma_wait3A_1427] : memref<2000x8xf32, #tpu.memory_space<vmem>> -> memref<80x8xf32, #tpu.memory_space<vmem>>
      %dma_wait3A_1429 = arith.constant 0 : i32
      %dma_wait3A_1430 = tpu.memref_slice %arg9[%dma_wait3A_1425, %dma_wait3A_1429] : memref<25x80xi32, #tpu.memory_space<vmem>> -> memref<1x80xi32, #tpu.memory_space<vmem>>
      %dma_wait3A_1431 = tpu.memref_squeeze %dma_wait3A_1430 : memref<1x80xi32, #tpu.memory_space<vmem>> -> memref<80xi32, #tpu.memory_space<vmem>>
      %dma_wait3A_1432 = arith.constant 0 : i32
      %dma_wait3A_1433 = arith.constant 0 : i32
      %dma_wait3A_1434 = tpu.memref_slice %arg17[%dma_wait3A_1432, %dma_wait3A_1433] : memref<100000x8xf32, #tpu.memory_space<vmem_shared>> -> memref<100000x8xf32, #tpu.memory_space<vmem_shared>>
      tpu.wait_indirect_dma semaphore(%arg19 : memref<!tpu.dma_semaphore, #tpu.memory_space<semaphore_mem>>) src(%dma_wait3A_1428 : memref<80x8xf32, #tpu.memory_space<vmem>>) dst(%dma_wait3A_1434 : memref<100000x8xf32, #tpu.memory_space<vmem_shared>>)
      %dma_wait3A_1435 = arith.constant 14 : i32
      %dma_wait3A_1436 = arith.constant 1120 : i32
      %dma_wait3A_1437 = arith.constant 0 : i32
      %dma_wait3A_1438 = tpu.memref_slice %arg15[%dma_wait3A_1436, %dma_wait3A_1437] : memref<2000x8xf32, #tpu.memory_space<vmem>> -> memref<80x8xf32, #tpu.memory_space<vmem>>
      %dma_wait3A_1439 = arith.constant 0 : i32
      %dma_wait3A_1440 = tpu.memref_slice %arg9[%dma_wait3A_1435, %dma_wait3A_1439] : memref<25x80xi32, #tpu.memory_space<vmem>> -> memref<1x80xi32, #tpu.memory_space<vmem>>
      %dma_wait3A_1441 = tpu.memref_squeeze %dma_wait3A_1440 : memref<1x80xi32, #tpu.memory_space<vmem>> -> memref<80xi32, #tpu.memory_space<vmem>>
      %dma_wait3A_1442 = arith.constant 0 : i32
      %dma_wait3A_1443 = arith.constant 0 : i32
      %dma_wait3A_1444 = tpu.memref_slice %arg17[%dma_wait3A_1442, %dma_wait3A_1443] : memref<100000x8xf32, #tpu.memory_space<vmem_shared>> -> memref<100000x8xf32, #tpu.memory_space<vmem_shared>>
      tpu.wait_indirect_dma semaphore(%arg19 : memref<!tpu.dma_semaphore, #tpu.memory_space<semaphore_mem>>) src(%dma_wait3A_1438 : memref<80x8xf32, #tpu.memory_space<vmem>>) dst(%dma_wait3A_1444 : memref<100000x8xf32, #tpu.memory_space<vmem_shared>>)
      %dma_wait3A_1445 = arith.constant 15 : i32
      %dma_wait3A_1446 = arith.constant 1200 : i32
      %dma_wait3A_1447 = arith.constant 0 : i32
      %dma_wait3A_1448 = tpu.memref_slice %arg15[%dma_wait3A_1446, %dma_wait3A_1447] : memref<2000x8xf32, #tpu.memory_space<vmem>> -> memref<80x8xf32, #tpu.memory_space<vmem>>
      %dma_wait3A_1449 = arith.constant 0 : i32
      %dma_wait3A_1450 = tpu.memref_slice %arg9[%dma_wait3A_1445, %dma_wait3A_1449] : memref<25x80xi32, #tpu.memory_space<vmem>> -> memref<1x80xi32, #tpu.memory_space<vmem>>
      %dma_wait3A_1451 = tpu.memref_squeeze %dma_wait3A_1450 : memref<1x80xi32, #tpu.memory_space<vmem>> -> memref<80xi32, #tpu.memory_space<vmem>>
      %dma_wait3A_1452 = arith.constant 0 : i32
      %dma_wait3A_1453 = arith.constant 0 : i32
      %dma_wait3A_1454 = tpu.memref_slice %arg17[%dma_wait3A_1452, %dma_wait3A_1453] : memref<100000x8xf32, #tpu.memory_space<vmem_shared>> -> memref<100000x8xf32, #tpu.memory_space<vmem_shared>>
      tpu.wait_indirect_dma semaphore(%arg19 : memref<!tpu.dma_semaphore, #tpu.memory_space<semaphore_mem>>) src(%dma_wait3A_1448 : memref<80x8xf32, #tpu.memory_space<vmem>>) dst(%dma_wait3A_1454 : memref<100000x8xf32, #tpu.memory_space<vmem_shared>>)
      %dma_wait3A_1455 = arith.constant 16 : i32
      %dma_wait3A_1456 = arith.constant 1280 : i32
      %dma_wait3A_1457 = arith.constant 0 : i32
      %dma_wait3A_1458 = tpu.memref_slice %arg15[%dma_wait3A_1456, %dma_wait3A_1457] : memref<2000x8xf32, #tpu.memory_space<vmem>> -> memref<80x8xf32, #tpu.memory_space<vmem>>
      %dma_wait3A_1459 = arith.constant 0 : i32
      %dma_wait3A_1460 = tpu.memref_slice %arg9[%dma_wait3A_1455, %dma_wait3A_1459] : memref<25x80xi32, #tpu.memory_space<vmem>> -> memref<1x80xi32, #tpu.memory_space<vmem>>
      %dma_wait3A_1461 = tpu.memref_squeeze %dma_wait3A_1460 : memref<1x80xi32, #tpu.memory_space<vmem>> -> memref<80xi32, #tpu.memory_space<vmem>>
      %dma_wait3A_1462 = arith.constant 0 : i32
      %dma_wait3A_1463 = arith.constant 0 : i32
      %dma_wait3A_1464 = tpu.memref_slice %arg17[%dma_wait3A_1462, %dma_wait3A_1463] : memref<100000x8xf32, #tpu.memory_space<vmem_shared>> -> memref<100000x8xf32, #tpu.memory_space<vmem_shared>>
      tpu.wait_indirect_dma semaphore(%arg19 : memref<!tpu.dma_semaphore, #tpu.memory_space<semaphore_mem>>) src(%dma_wait3A_1458 : memref<80x8xf32, #tpu.memory_space<vmem>>) dst(%dma_wait3A_1464 : memref<100000x8xf32, #tpu.memory_space<vmem_shared>>)
      %dma_wait3A_1465 = arith.constant 17 : i32
      %dma_wait3A_1466 = arith.constant 1360 : i32
      %dma_wait3A_1467 = arith.constant 0 : i32
      %dma_wait3A_1468 = tpu.memref_slice %arg15[%dma_wait3A_1466, %dma_wait3A_1467] : memref<2000x8xf32, #tpu.memory_space<vmem>> -> memref<80x8xf32, #tpu.memory_space<vmem>>
      %dma_wait3A_1469 = arith.constant 0 : i32
      %dma_wait3A_1470 = tpu.memref_slice %arg9[%dma_wait3A_1465, %dma_wait3A_1469] : memref<25x80xi32, #tpu.memory_space<vmem>> -> memref<1x80xi32, #tpu.memory_space<vmem>>
      %dma_wait3A_1471 = tpu.memref_squeeze %dma_wait3A_1470 : memref<1x80xi32, #tpu.memory_space<vmem>> -> memref<80xi32, #tpu.memory_space<vmem>>
      %dma_wait3A_1472 = arith.constant 0 : i32
      %dma_wait3A_1473 = arith.constant 0 : i32
      %dma_wait3A_1474 = tpu.memref_slice %arg17[%dma_wait3A_1472, %dma_wait3A_1473] : memref<100000x8xf32, #tpu.memory_space<vmem_shared>> -> memref<100000x8xf32, #tpu.memory_space<vmem_shared>>
      tpu.wait_indirect_dma semaphore(%arg19 : memref<!tpu.dma_semaphore, #tpu.memory_space<semaphore_mem>>) src(%dma_wait3A_1468 : memref<80x8xf32, #tpu.memory_space<vmem>>) dst(%dma_wait3A_1474 : memref<100000x8xf32, #tpu.memory_space<vmem_shared>>)
      %dma_wait3A_1475 = arith.constant 18 : i32
      %dma_wait3A_1476 = arith.constant 1440 : i32
      %dma_wait3A_1477 = arith.constant 0 : i32
      %dma_wait3A_1478 = tpu.memref_slice %arg15[%dma_wait3A_1476, %dma_wait3A_1477] : memref<2000x8xf32, #tpu.memory_space<vmem>> -> memref<80x8xf32, #tpu.memory_space<vmem>>
      %dma_wait3A_1479 = arith.constant 0 : i32
      %dma_wait3A_1480 = tpu.memref_slice %arg9[%dma_wait3A_1475, %dma_wait3A_1479] : memref<25x80xi32, #tpu.memory_space<vmem>> -> memref<1x80xi32, #tpu.memory_space<vmem>>
      %dma_wait3A_1481 = tpu.memref_squeeze %dma_wait3A_1480 : memref<1x80xi32, #tpu.memory_space<vmem>> -> memref<80xi32, #tpu.memory_space<vmem>>
      %dma_wait3A_1482 = arith.constant 0 : i32
      %dma_wait3A_1483 = arith.constant 0 : i32
      %dma_wait3A_1484 = tpu.memref_slice %arg17[%dma_wait3A_1482, %dma_wait3A_1483] : memref<100000x8xf32, #tpu.memory_space<vmem_shared>> -> memref<100000x8xf32, #tpu.memory_space<vmem_shared>>
      tpu.wait_indirect_dma semaphore(%arg19 : memref<!tpu.dma_semaphore, #tpu.memory_space<semaphore_mem>>) src(%dma_wait3A_1478 : memref<80x8xf32, #tpu.memory_space<vmem>>) dst(%dma_wait3A_1484 : memref<100000x8xf32, #tpu.memory_space<vmem_shared>>)
      %dma_wait3A_1485 = arith.constant 19 : i32
      %dma_wait3A_1486 = arith.constant 1520 : i32
      %dma_wait3A_1487 = arith.constant 0 : i32
      %dma_wait3A_1488 = tpu.memref_slice %arg15[%dma_wait3A_1486, %dma_wait3A_1487] : memref<2000x8xf32, #tpu.memory_space<vmem>> -> memref<80x8xf32, #tpu.memory_space<vmem>>
      %dma_wait3A_1489 = arith.constant 0 : i32
      %dma_wait3A_1490 = tpu.memref_slice %arg9[%dma_wait3A_1485, %dma_wait3A_1489] : memref<25x80xi32, #tpu.memory_space<vmem>> -> memref<1x80xi32, #tpu.memory_space<vmem>>
      %dma_wait3A_1491 = tpu.memref_squeeze %dma_wait3A_1490 : memref<1x80xi32, #tpu.memory_space<vmem>> -> memref<80xi32, #tpu.memory_space<vmem>>
      %dma_wait3A_1492 = arith.constant 0 : i32
      %dma_wait3A_1493 = arith.constant 0 : i32
      %dma_wait3A_1494 = tpu.memref_slice %arg17[%dma_wait3A_1492, %dma_wait3A_1493] : memref<100000x8xf32, #tpu.memory_space<vmem_shared>> -> memref<100000x8xf32, #tpu.memory_space<vmem_shared>>
      tpu.wait_indirect_dma semaphore(%arg19 : memref<!tpu.dma_semaphore, #tpu.memory_space<semaphore_mem>>) src(%dma_wait3A_1488 : memref<80x8xf32, #tpu.memory_space<vmem>>) dst(%dma_wait3A_1494 : memref<100000x8xf32, #tpu.memory_space<vmem_shared>>)
      %dma_wait3A_1495 = arith.constant 20 : i32
      %dma_wait3A_1496 = arith.constant 1600 : i32
      %dma_wait3A_1497 = arith.constant 0 : i32
      %dma_wait3A_1498 = tpu.memref_slice %arg15[%dma_wait3A_1496, %dma_wait3A_1497] : memref<2000x8xf32, #tpu.memory_space<vmem>> -> memref<80x8xf32, #tpu.memory_space<vmem>>
      %dma_wait3A_1499 = arith.constant 0 : i32
      %dma_wait3A_1500 = tpu.memref_slice %arg9[%dma_wait3A_1495, %dma_wait3A_1499] : memref<25x80xi32, #tpu.memory_space<vmem>> -> memref<1x80xi32, #tpu.memory_space<vmem>>
      %dma_wait3A_1501 = tpu.memref_squeeze %dma_wait3A_1500 : memref<1x80xi32, #tpu.memory_space<vmem>> -> memref<80xi32, #tpu.memory_space<vmem>>
      %dma_wait3A_1502 = arith.constant 0 : i32
      %dma_wait3A_1503 = arith.constant 0 : i32
      %dma_wait3A_1504 = tpu.memref_slice %arg17[%dma_wait3A_1502, %dma_wait3A_1503] : memref<100000x8xf32, #tpu.memory_space<vmem_shared>> -> memref<100000x8xf32, #tpu.memory_space<vmem_shared>>
      tpu.wait_indirect_dma semaphore(%arg19 : memref<!tpu.dma_semaphore, #tpu.memory_space<semaphore_mem>>) src(%dma_wait3A_1498 : memref<80x8xf32, #tpu.memory_space<vmem>>) dst(%dma_wait3A_1504 : memref<100000x8xf32, #tpu.memory_space<vmem_shared>>)
      %dma_wait3A_1505 = arith.constant 21 : i32
      %dma_wait3A_1506 = arith.constant 1680 : i32
      %dma_wait3A_1507 = arith.constant 0 : i32
      %dma_wait3A_1508 = tpu.memref_slice %arg15[%dma_wait3A_1506, %dma_wait3A_1507] : memref<2000x8xf32, #tpu.memory_space<vmem>> -> memref<80x8xf32, #tpu.memory_space<vmem>>
      %dma_wait3A_1509 = arith.constant 0 : i32
      %dma_wait3A_1510 = tpu.memref_slice %arg9[%dma_wait3A_1505, %dma_wait3A_1509] : memref<25x80xi32, #tpu.memory_space<vmem>> -> memref<1x80xi32, #tpu.memory_space<vmem>>
      %dma_wait3A_1511 = tpu.memref_squeeze %dma_wait3A_1510 : memref<1x80xi32, #tpu.memory_space<vmem>> -> memref<80xi32, #tpu.memory_space<vmem>>
      %dma_wait3A_1512 = arith.constant 0 : i32
      %dma_wait3A_1513 = arith.constant 0 : i32
      %dma_wait3A_1514 = tpu.memref_slice %arg17[%dma_wait3A_1512, %dma_wait3A_1513] : memref<100000x8xf32, #tpu.memory_space<vmem_shared>> -> memref<100000x8xf32, #tpu.memory_space<vmem_shared>>
      tpu.wait_indirect_dma semaphore(%arg19 : memref<!tpu.dma_semaphore, #tpu.memory_space<semaphore_mem>>) src(%dma_wait3A_1508 : memref<80x8xf32, #tpu.memory_space<vmem>>) dst(%dma_wait3A_1514 : memref<100000x8xf32, #tpu.memory_space<vmem_shared>>)
      %dma_wait3A_1515 = arith.constant 22 : i32
      %dma_wait3A_1516 = arith.constant 1760 : i32
      %dma_wait3A_1517 = arith.constant 0 : i32
      %dma_wait3A_1518 = tpu.memref_slice %arg15[%dma_wait3A_1516, %dma_wait3A_1517] : memref<2000x8xf32, #tpu.memory_space<vmem>> -> memref<80x8xf32, #tpu.memory_space<vmem>>
      %dma_wait3A_1519 = arith.constant 0 : i32
      %dma_wait3A_1520 = tpu.memref_slice %arg9[%dma_wait3A_1515, %dma_wait3A_1519] : memref<25x80xi32, #tpu.memory_space<vmem>> -> memref<1x80xi32, #tpu.memory_space<vmem>>
      %dma_wait3A_1521 = tpu.memref_squeeze %dma_wait3A_1520 : memref<1x80xi32, #tpu.memory_space<vmem>> -> memref<80xi32, #tpu.memory_space<vmem>>
      %dma_wait3A_1522 = arith.constant 0 : i32
      %dma_wait3A_1523 = arith.constant 0 : i32
      %dma_wait3A_1524 = tpu.memref_slice %arg17[%dma_wait3A_1522, %dma_wait3A_1523] : memref<100000x8xf32, #tpu.memory_space<vmem_shared>> -> memref<100000x8xf32, #tpu.memory_space<vmem_shared>>
      tpu.wait_indirect_dma semaphore(%arg19 : memref<!tpu.dma_semaphore, #tpu.memory_space<semaphore_mem>>) src(%dma_wait3A_1518 : memref<80x8xf32, #tpu.memory_space<vmem>>) dst(%dma_wait3A_1524 : memref<100000x8xf32, #tpu.memory_space<vmem_shared>>)
      %dma_wait3A_1525 = arith.constant 23 : i32
      %dma_wait3A_1526 = arith.constant 1840 : i32
      %dma_wait3A_1527 = arith.constant 0 : i32
      %dma_wait3A_1528 = tpu.memref_slice %arg15[%dma_wait3A_1526, %dma_wait3A_1527] : memref<2000x8xf32, #tpu.memory_space<vmem>> -> memref<80x8xf32, #tpu.memory_space<vmem>>
      %dma_wait3A_1529 = arith.constant 0 : i32
      %dma_wait3A_1530 = tpu.memref_slice %arg9[%dma_wait3A_1525, %dma_wait3A_1529] : memref<25x80xi32, #tpu.memory_space<vmem>> -> memref<1x80xi32, #tpu.memory_space<vmem>>
      %dma_wait3A_1531 = tpu.memref_squeeze %dma_wait3A_1530 : memref<1x80xi32, #tpu.memory_space<vmem>> -> memref<80xi32, #tpu.memory_space<vmem>>
      %dma_wait3A_1532 = arith.constant 0 : i32
      %dma_wait3A_1533 = arith.constant 0 : i32
      %dma_wait3A_1534 = tpu.memref_slice %arg17[%dma_wait3A_1532, %dma_wait3A_1533] : memref<100000x8xf32, #tpu.memory_space<vmem_shared>> -> memref<100000x8xf32, #tpu.memory_space<vmem_shared>>
      tpu.wait_indirect_dma semaphore(%arg19 : memref<!tpu.dma_semaphore, #tpu.memory_space<semaphore_mem>>) src(%dma_wait3A_1528 : memref<80x8xf32, #tpu.memory_space<vmem>>) dst(%dma_wait3A_1534 : memref<100000x8xf32, #tpu.memory_space<vmem_shared>>)
      %dma_wait3A_1535 = arith.constant 24 : i32
      %dma_wait3A_1536 = arith.constant 1920 : i32
      %dma_wait3A_1537 = arith.constant 0 : i32
      %dma_wait3A_1538 = tpu.memref_slice %arg15[%dma_wait3A_1536, %dma_wait3A_1537] : memref<2000x8xf32, #tpu.memory_space<vmem>> -> memref<80x8xf32, #tpu.memory_space<vmem>>
      %dma_wait3A_1539 = arith.constant 0 : i32
      %dma_wait3A_1540 = tpu.memref_slice %arg9[%dma_wait3A_1535, %dma_wait3A_1539] : memref<25x80xi32, #tpu.memory_space<vmem>> -> memref<1x80xi32, #tpu.memory_space<vmem>>
      %dma_wait3A_1541 = tpu.memref_squeeze %dma_wait3A_1540 : memref<1x80xi32, #tpu.memory_space<vmem>> -> memref<80xi32, #tpu.memory_space<vmem>>
      %dma_wait3A_1542 = arith.constant 0 : i32
      %dma_wait3A_1543 = arith.constant 0 : i32
      %dma_wait3A_1544 = tpu.memref_slice %arg17[%dma_wait3A_1542, %dma_wait3A_1543] : memref<100000x8xf32, #tpu.memory_space<vmem_shared>> -> memref<100000x8xf32, #tpu.memory_space<vmem_shared>>
      tpu.wait_indirect_dma semaphore(%arg19 : memref<!tpu.dma_semaphore, #tpu.memory_space<semaphore_mem>>) src(%dma_wait3A_1538 : memref<80x8xf32, #tpu.memory_space<vmem>>) dst(%dma_wait3A_1544 : memref<100000x8xf32, #tpu.memory_space<vmem_shared>>)
      scf.yield %scan3A_1043 : vector<16xf32>
    }
    %scan3A_14 = arith.constant 50 : i32
    %swap3A = arith.constant 0 : index
    %swap3A_15 = tpu.vector_load %arg16[%swap3A] {strides = array<i32>} : memref<16xf32, #tpu.memory_space<vmem>>, vector<16xf32>,
    tpu.vector_store %arg16[%swap3A], %scan3A_13 {strides = array<i32>} : memref<16xf32, #tpu.memory_space<vmem>>, vector<16xf32>,
    "tpu.region"() ({
      %run_scoped3A = tpu.sem_alloc : memref<!tpu.dma_semaphore, #tpu.memory_space<semaphore_mem>>
      %dma_start3A = arith.constant 0 : i32
      %dma_start3A_21 = tpu.memref_slice %arg8[%arg0, %arg1, %dma_start3A] : memref<2x16x16xf32, #tpu.memory_space<hbm>> -> memref<1x1x16xf32, #tpu.memory_space<hbm>>
      %dma_start3A_22 = tpu.memref_squeeze %dma_start3A_21 : memref<1x1x16xf32, #tpu.memory_space<hbm>> -> memref<16xf32, #tpu.memory_space<hbm>>
      %dma_start3A_23 = arith.constant 0 : i32
      %dma_start3A_24 = tpu.memref_slice %arg8[%arg0, %arg1, %dma_start3A_23] : memref<2x16x16xf32, #tpu.memory_space<hbm>> -> memref<1x1x16xf32, #tpu.memory_space<hbm>>
      %dma_start3A_25 = tpu.memref_squeeze %dma_start3A_24 : memref<1x1x16xf32, #tpu.memory_space<hbm>> -> memref<16xf32, #tpu.memory_space<hbm>>
      tpu.enqueue_dma source(%arg16 : memref<16xf32, #tpu.memory_space<vmem>>) target(%dma_start3A_25 : memref<16xf32, #tpu.memory_space<hbm>>) target_semaphore(%run_scoped3A : memref<!tpu.dma_semaphore, #tpu.memory_space<semaphore_mem>>)
      %dma_wait3A = arith.constant 0 : i32
      %dma_wait3A_26 = tpu.memref_slice %arg8[%arg0, %arg1, %dma_wait3A] : memref<2x16x16xf32, #tpu.memory_space<hbm>> -> memref<1x1x16xf32, #tpu.memory_space<hbm>>
      %dma_wait3A_27 = tpu.memref_squeeze %dma_wait3A_26 : memref<1x1x16xf32, #tpu.memory_space<hbm>> -> memref<16xf32, #tpu.memory_space<hbm>>
      %dma_wait3A_28 = arith.constant 0 : i32
      %dma_wait3A_29 = tpu.memref_slice %arg8[%arg0, %arg1, %dma_wait3A_28] : memref<2x16x16xf32, #tpu.memory_space<hbm>> -> memref<1x1x16xf32, #tpu.memory_space<hbm>>
      %dma_wait3A_30 = tpu.memref_squeeze %dma_wait3A_29 : memref<1x1x16xf32, #tpu.memory_space<hbm>> -> memref<16xf32, #tpu.memory_space<hbm>>
      tpu.wait_dma2 semaphore(%run_scoped3A : memref<!tpu.dma_semaphore, #tpu.memory_space<semaphore_mem>>) src(%arg16 : memref<16xf32, #tpu.memory_space<vmem>>) dst(%dma_wait3A_30 : memref<16xf32, #tpu.memory_space<hbm>>)
      tpu.yield
    }) : () -> ()
    %barrier3A_16 = arith.constant 0 : index
    tpu.barrier barrier_id(%barrier3A_16)
    %mul3A_17 = arith.constant 6250 : i32
    %mul3A_18 = arith.muli %arg1, %mul3A_17 : i32
    %mul3A_19 = arith.constant 6250 : i32
    %mul3A_20 = arith.muli %arg1, %mul3A_19 : i32
    "tpu.region"() ({
      %run_scoped3A = tpu.sem_alloc : memref<!tpu.dma_semaphore, #tpu.memory_space<semaphore_mem>>
      %dma_start3A = arith.constant 0 : i32
      %dma_start3A_21 = tpu.memref_slice %arg7[%arg0, %mul3A_20, %dma_start3A] : memref<2x100000x8xf32, #tpu.memory_space<hbm>> -> memref<1x6250x8xf32, #tpu.memory_space<hbm>>
      %dma_start3A_22 = tpu.memref_squeeze %dma_start3A_21 : memref<1x6250x8xf32, #tpu.memory_space<hbm>> -> memref<6250x8xf32, #tpu.memory_space<hbm>>
      %dma_start3A_23 = arith.constant 0 : i32
      %dma_start3A_24 = tpu.memref_slice %arg17[%mul3A_18, %dma_start3A_23] : memref<100000x8xf32, #tpu.memory_space<vmem_shared>> -> memref<6250x8xf32, #tpu.memory_space<vmem_shared>>
      tpu.enqueue_dma source(%dma_start3A_24 : memref<6250x8xf32, #tpu.memory_space<vmem_shared>>) target(%dma_start3A_22 : memref<6250x8xf32, #tpu.memory_space<hbm>>) target_semaphore(%run_scoped3A : memref<!tpu.dma_semaphore, #tpu.memory_space<semaphore_mem>>)
      %dma_wait3A = arith.constant 0 : i32
      %dma_wait3A_25 = tpu.memref_slice %arg7[%arg0, %mul3A_20, %dma_wait3A] : memref<2x100000x8xf32, #tpu.memory_space<hbm>> -> memref<1x6250x8xf32, #tpu.memory_space<hbm>>
      %dma_wait3A_26 = tpu.memref_squeeze %dma_wait3A_25 : memref<1x6250x8xf32, #tpu.memory_space<hbm>> -> memref<6250x8xf32, #tpu.memory_space<hbm>>
      %dma_wait3A_27 = arith.constant 0 : i32
      %dma_wait3A_28 = tpu.memref_slice %arg17[%mul3A_18, %dma_wait3A_27] : memref<100000x8xf32, #tpu.memory_space<vmem_shared>> -> memref<6250x8xf32, #tpu.memory_space<vmem_shared>>
      tpu.wait_dma2 semaphore(%run_scoped3A : memref<!tpu.dma_semaphore, #tpu.memory_space<semaphore_mem>>) src(%dma_wait3A_28 : memref<6250x8xf32, #tpu.memory_space<vmem_shared>>) dst(%dma_wait3A_26 : memref<6250x8xf32, #tpu.memory_space<hbm>>)
      tpu.yield
    }) : () -> ()
    return
  }
}

#map = affine_map<(d0, d1) -> (0, 0)>
#map1 = affine_map<(d0, d1) -> (0)>
#map2 = affine_map<(d0, d1) -> (0, 0, 0)>
#map3 = affine_map<(d0, d1) -> (0, 0, 0, 0)>
module attributes {stable_mosaic.version = 14 : i64} {
  func.func @_node_body(%arg0: i32, %arg1: i32, %arg2: memref<100000x4xf32, #tpu.memory_space<hbm>>, %arg3: memref<100000x4xf32, #tpu.memory_space<hbm>>, %arg4: memref<100000xf32, #tpu.memory_space<hbm>>, %arg5: memref<2x100000x8xf32, #tpu.memory_space<hbm>>, %arg6: memref<2x16x8x16xf32, #tpu.memory_space<hbm>>, %arg7: memref<2000x4xf32, #tpu.memory_space<vmem>>, %arg8: memref<2000x4xf32, #tpu.memory_space<vmem>>, %arg9: memref<2000xf32, #tpu.memory_space<vmem>>, %arg10: memref<2000x8xf32, #tpu.memory_space<vmem>>, %arg11: memref<2000x8xf32, #tpu.memory_space<vmem>>, %arg12: memref<8x16xf32, #tpu.memory_space<vmem>>) attributes {dimension_semantics = [#tpu.dimension_semantics<core_parallel>, #tpu.dimension_semantics<subcore_parallel>], iteration_bounds = array<i64: 2, 16>, scalar_prefetch = 0 : i64, scratch_operands = 6 : i64, tpu.core_type = #tpu.core_type<sc_vector_subcore>, window_params = [{transform_indices = #map}, {transform_indices = #map}, {transform_indices = #map1}, {transform_indices = #map2}, {transform_indices = #map3}]} {
    %mul3A = arith.constant 16 : i32
    %mul3A_0 = arith.muli %arg0, %mul3A : i32
    %add3A = arith.addi %mul3A_0, %arg1 : i32
    %iota3A = tpu.iota {dimensions = array<i32: 0>} : vector<16xi32>
    %broadcast_in_dim3A = arith.constant 0 : i32
    %broadcast_in_dim3A_1 = vector.broadcast %broadcast_in_dim3A : i32 to vector<16xi32>
    %broadcast_in_dim3A_2 = arith.constant 1 : i32
    %broadcast_in_dim3A_3 = vector.broadcast %broadcast_in_dim3A_2 : i32 to vector<16xi32>
    %broadcast_in_dim3A_4 = arith.constant 0.000000e+00 : f32
    %broadcast_in_dim3A_5 = vector.broadcast %broadcast_in_dim3A_4 : f32 to vector<16xf32>
    %swap3A = arith.constant 0 : i32
    %swap3A_6 = arith.index_cast %swap3A : i32 to index
    %swap3A_7 = arith.constant 0 : index
    %swap3A_8 = tpu.vector_load %arg12[%swap3A_6, %swap3A_7] {strides = array<i32>} : memref<8x16xf32, #tpu.memory_space<vmem>>, vector<16xf32>,
    tpu.vector_store %arg12[%swap3A_6, %swap3A_7], %broadcast_in_dim3A_5 {strides = array<i32>} : memref<8x16xf32, #tpu.memory_space<vmem>>, vector<16xf32>,
    %swap3A_9 = arith.constant 1 : i32
    %swap3A_10 = arith.index_cast %swap3A_9 : i32 to index
    %swap3A_11 = arith.constant 0 : index
    %swap3A_12 = tpu.vector_load %arg12[%swap3A_10, %swap3A_11] {strides = array<i32>} : memref<8x16xf32, #tpu.memory_space<vmem>>, vector<16xf32>,
    tpu.vector_store %arg12[%swap3A_10, %swap3A_11], %broadcast_in_dim3A_5 {strides = array<i32>} : memref<8x16xf32, #tpu.memory_space<vmem>>, vector<16xf32>,
    %swap3A_13 = arith.constant 2 : i32
    %swap3A_14 = arith.index_cast %swap3A_13 : i32 to index
    %swap3A_15 = arith.constant 0 : index
    %swap3A_16 = tpu.vector_load %arg12[%swap3A_14, %swap3A_15] {strides = array<i32>} : memref<8x16xf32, #tpu.memory_space<vmem>>, vector<16xf32>,
    tpu.vector_store %arg12[%swap3A_14, %swap3A_15], %broadcast_in_dim3A_5 {strides = array<i32>} : memref<8x16xf32, #tpu.memory_space<vmem>>, vector<16xf32>,
    %swap3A_17 = arith.constant 3 : i32
    %swap3A_18 = arith.index_cast %swap3A_17 : i32 to index
    %swap3A_19 = arith.constant 0 : index
    %swap3A_20 = tpu.vector_load %arg12[%swap3A_18, %swap3A_19] {strides = array<i32>} : memref<8x16xf32, #tpu.memory_space<vmem>>, vector<16xf32>,
    tpu.vector_store %arg12[%swap3A_18, %swap3A_19], %broadcast_in_dim3A_5 {strides = array<i32>} : memref<8x16xf32, #tpu.memory_space<vmem>>, vector<16xf32>,
    %swap3A_21 = arith.constant 4 : i32
    %swap3A_22 = arith.index_cast %swap3A_21 : i32 to index
    %swap3A_23 = arith.constant 0 : index
    %swap3A_24 = tpu.vector_load %arg12[%swap3A_22, %swap3A_23] {strides = array<i32>} : memref<8x16xf32, #tpu.memory_space<vmem>>, vector<16xf32>,
    tpu.vector_store %arg12[%swap3A_22, %swap3A_23], %broadcast_in_dim3A_5 {strides = array<i32>} : memref<8x16xf32, #tpu.memory_space<vmem>>, vector<16xf32>,
    %swap3A_25 = arith.constant 5 : i32
    %swap3A_26 = arith.index_cast %swap3A_25 : i32 to index
    %swap3A_27 = arith.constant 0 : index
    %swap3A_28 = tpu.vector_load %arg12[%swap3A_26, %swap3A_27] {strides = array<i32>} : memref<8x16xf32, #tpu.memory_space<vmem>>, vector<16xf32>,
    tpu.vector_store %arg12[%swap3A_26, %swap3A_27], %broadcast_in_dim3A_5 {strides = array<i32>} : memref<8x16xf32, #tpu.memory_space<vmem>>, vector<16xf32>,
    %swap3A_29 = arith.constant 6 : i32
    %swap3A_30 = arith.index_cast %swap3A_29 : i32 to index
    %swap3A_31 = arith.constant 0 : index
    %swap3A_32 = tpu.vector_load %arg12[%swap3A_30, %swap3A_31] {strides = array<i32>} : memref<8x16xf32, #tpu.memory_space<vmem>>, vector<16xf32>,
    tpu.vector_store %arg12[%swap3A_30, %swap3A_31], %broadcast_in_dim3A_5 {strides = array<i32>} : memref<8x16xf32, #tpu.memory_space<vmem>>, vector<16xf32>,
    %swap3A_33 = arith.constant 7 : i32
    %swap3A_34 = arith.index_cast %swap3A_33 : i32 to index
    %swap3A_35 = arith.constant 0 : index
    %swap3A_36 = tpu.vector_load %arg12[%swap3A_34, %swap3A_35] {strides = array<i32>} : memref<8x16xf32, #tpu.memory_space<vmem>>, vector<16xf32>,
    tpu.vector_store %arg12[%swap3A_34, %swap3A_35], %broadcast_in_dim3A_5 {strides = array<i32>} : memref<8x16xf32, #tpu.memory_space<vmem>>, vector<16xf32>,
    %lt3A = arith.constant 25 : i32
    %lt3A_37 = arith.cmpi slt, %add3A, %lt3A : i32
    %convert_element_type3A = arith.extui %lt3A_37 : i1 to i32
    %cond3A = arith.constant 0 : i32
    %cond3A_38 = arith.cmpi ne, %convert_element_type3A, %cond3A : i32
    scf.if %cond3A_38 {
      %scan3A = arith.constant 0 : i32
      %scan3A_39 = arith.constant 2 : i32
      %scan3A_40 = arith.addi %scan3A, %scan3A_39 : i32
      %scan3A_41 = arith.constant 1 : i32
      %scan3A_42:8 = scf.for %scan3A_76 = %scan3A to %scan3A_40 step %scan3A_41 iter_args(%scan3A_77 = %broadcast_in_dim3A_5, %scan3A_78 = %broadcast_in_dim3A_5, %scan3A_79 = %broadcast_in_dim3A_5, %scan3A_80 = %broadcast_in_dim3A_5, %scan3A_81 = %broadcast_in_dim3A_5, %scan3A_82 = %broadcast_in_dim3A_5, %scan3A_83 = %broadcast_in_dim3A_5, %scan3A_84 = %broadcast_in_dim3A_5) -> (vector<16xf32>, vector<16xf32>, vector<16xf32>, vector<16xf32>, vector<16xf32>, vector<16xf32>, vector<16xf32>, vector<16xf32>)  : i32 {
        %mul3A_85 = arith.constant 4000 : i32
        %mul3A_86 = arith.muli %add3A, %mul3A_85 : i32
        %mul3A_87 = arith.constant 2000 : i32
        %mul3A_88 = arith.muli %scan3A_76, %mul3A_87 : i32
        %add3A_89 = arith.addi %mul3A_86, %mul3A_88 : i32
        "tpu.region"() ({
          %run_scoped3A_97 = tpu.sem_alloc : memref<!tpu.dma_semaphore, #tpu.memory_space<semaphore_mem>>
          %dma_start3A = arith.constant 0 : i32
          %dma_start3A_98 = tpu.memref_slice %arg2[%add3A_89, %dma_start3A] : memref<100000x4xf32, #tpu.memory_space<hbm>> -> memref<2000x4xf32, #tpu.memory_space<hbm>>
          %dma_start3A_99 = arith.constant 0 : i32
          %dma_start3A_100 = tpu.memref_slice %arg2[%add3A_89, %dma_start3A_99] : memref<100000x4xf32, #tpu.memory_space<hbm>> -> memref<2000x4xf32, #tpu.memory_space<hbm>>
          tpu.enqueue_dma source(%dma_start3A_100 : memref<2000x4xf32, #tpu.memory_space<hbm>>) target(%arg7 : memref<2000x4xf32, #tpu.memory_space<vmem>>) target_semaphore(%run_scoped3A_97 : memref<!tpu.dma_semaphore, #tpu.memory_space<semaphore_mem>>)
          %dma_wait3A = arith.constant 0 : i32
          %dma_wait3A_101 = tpu.memref_slice %arg2[%add3A_89, %dma_wait3A] : memref<100000x4xf32, #tpu.memory_space<hbm>> -> memref<2000x4xf32, #tpu.memory_space<hbm>>
          %dma_wait3A_102 = arith.constant 0 : i32
          %dma_wait3A_103 = tpu.memref_slice %arg2[%add3A_89, %dma_wait3A_102] : memref<100000x4xf32, #tpu.memory_space<hbm>> -> memref<2000x4xf32, #tpu.memory_space<hbm>>
          tpu.wait_dma2 semaphore(%run_scoped3A_97 : memref<!tpu.dma_semaphore, #tpu.memory_space<semaphore_mem>>) src(%dma_wait3A_103 : memref<2000x4xf32, #tpu.memory_space<hbm>>) dst(%arg7 : memref<2000x4xf32, #tpu.memory_space<vmem>>)
          tpu.yield
        }) : () -> ()
        "tpu.region"() ({
          %run_scoped3A_97 = tpu.sem_alloc : memref<!tpu.dma_semaphore, #tpu.memory_space<semaphore_mem>>
          %dma_start3A = arith.constant 0 : i32
          %dma_start3A_98 = tpu.memref_slice %arg3[%add3A_89, %dma_start3A] : memref<100000x4xf32, #tpu.memory_space<hbm>> -> memref<2000x4xf32, #tpu.memory_space<hbm>>
          %dma_start3A_99 = arith.constant 0 : i32
          %dma_start3A_100 = tpu.memref_slice %arg3[%add3A_89, %dma_start3A_99] : memref<100000x4xf32, #tpu.memory_space<hbm>> -> memref<2000x4xf32, #tpu.memory_space<hbm>>
          tpu.enqueue_dma source(%dma_start3A_100 : memref<2000x4xf32, #tpu.memory_space<hbm>>) target(%arg8 : memref<2000x4xf32, #tpu.memory_space<vmem>>) target_semaphore(%run_scoped3A_97 : memref<!tpu.dma_semaphore, #tpu.memory_space<semaphore_mem>>)
          %dma_wait3A = arith.constant 0 : i32
          %dma_wait3A_101 = tpu.memref_slice %arg3[%add3A_89, %dma_wait3A] : memref<100000x4xf32, #tpu.memory_space<hbm>> -> memref<2000x4xf32, #tpu.memory_space<hbm>>
          %dma_wait3A_102 = arith.constant 0 : i32
          %dma_wait3A_103 = tpu.memref_slice %arg3[%add3A_89, %dma_wait3A_102] : memref<100000x4xf32, #tpu.memory_space<hbm>> -> memref<2000x4xf32, #tpu.memory_space<hbm>>
          tpu.wait_dma2 semaphore(%run_scoped3A_97 : memref<!tpu.dma_semaphore, #tpu.memory_space<semaphore_mem>>) src(%dma_wait3A_103 : memref<2000x4xf32, #tpu.memory_space<hbm>>) dst(%arg8 : memref<2000x4xf32, #tpu.memory_space<vmem>>)
          tpu.yield
        }) : () -> ()
        "tpu.region"() ({
          %run_scoped3A_97 = tpu.sem_alloc : memref<!tpu.dma_semaphore, #tpu.memory_space<semaphore_mem>>
          %dma_start3A = tpu.memref_slice %arg4[%add3A_89] : memref<100000xf32, #tpu.memory_space<hbm>> -> memref<2000xf32, #tpu.memory_space<hbm>>
          %dma_start3A_98 = tpu.memref_slice %arg4[%add3A_89] : memref<100000xf32, #tpu.memory_space<hbm>> -> memref<2000xf32, #tpu.memory_space<hbm>>
          tpu.enqueue_dma source(%dma_start3A_98 : memref<2000xf32, #tpu.memory_space<hbm>>) target(%arg9 : memref<2000xf32, #tpu.memory_space<vmem>>) target_semaphore(%run_scoped3A_97 : memref<!tpu.dma_semaphore, #tpu.memory_space<semaphore_mem>>)
          %dma_wait3A = tpu.memref_slice %arg4[%add3A_89] : memref<100000xf32, #tpu.memory_space<hbm>> -> memref<2000xf32, #tpu.memory_space<hbm>>
          %dma_wait3A_99 = tpu.memref_slice %arg4[%add3A_89] : memref<100000xf32, #tpu.memory_space<hbm>> -> memref<2000xf32, #tpu.memory_space<hbm>>
          tpu.wait_dma2 semaphore(%run_scoped3A_97 : memref<!tpu.dma_semaphore, #tpu.memory_space<semaphore_mem>>) src(%dma_wait3A_99 : memref<2000xf32, #tpu.memory_space<hbm>>) dst(%arg9 : memref<2000xf32, #tpu.memory_space<vmem>>)
          tpu.yield
        }) : () -> ()
        %run_scoped3A = arith.constant 0 : i32
        "tpu.region"() ({
          %run_scoped3A_97 = tpu.sem_alloc : memref<!tpu.dma_semaphore, #tpu.memory_space<semaphore_mem>>
          %dma_start3A = arith.constant 0 : i32
          %dma_start3A_98 = tpu.memref_slice %arg5[%run_scoped3A, %add3A_89, %dma_start3A] : memref<2x100000x8xf32, #tpu.memory_space<hbm>> -> memref<1x2000x8xf32, #tpu.memory_space<hbm>>
          %dma_start3A_99 = tpu.memref_squeeze %dma_start3A_98 : memref<1x2000x8xf32, #tpu.memory_space<hbm>> -> memref<2000x8xf32, #tpu.memory_space<hbm>>
          %dma_start3A_100 = arith.constant 0 : i32
          %dma_start3A_101 = tpu.memref_slice %arg5[%run_scoped3A, %add3A_89, %dma_start3A_100] : memref<2x100000x8xf32, #tpu.memory_space<hbm>> -> memref<1x2000x8xf32, #tpu.memory_space<hbm>>
          %dma_start3A_102 = tpu.memref_squeeze %dma_start3A_101 : memref<1x2000x8xf32, #tpu.memory_space<hbm>> -> memref<2000x8xf32, #tpu.memory_space<hbm>>
          tpu.enqueue_dma source(%dma_start3A_102 : memref<2000x8xf32, #tpu.memory_space<hbm>>) target(%arg10 : memref<2000x8xf32, #tpu.memory_space<vmem>>) target_semaphore(%run_scoped3A_97 : memref<!tpu.dma_semaphore, #tpu.memory_space<semaphore_mem>>)
          %dma_wait3A = arith.constant 0 : i32
          %dma_wait3A_103 = tpu.memref_slice %arg5[%run_scoped3A, %add3A_89, %dma_wait3A] : memref<2x100000x8xf32, #tpu.memory_space<hbm>> -> memref<1x2000x8xf32, #tpu.memory_space<hbm>>
          %dma_wait3A_104 = tpu.memref_squeeze %dma_wait3A_103 : memref<1x2000x8xf32, #tpu.memory_space<hbm>> -> memref<2000x8xf32, #tpu.memory_space<hbm>>
          %dma_wait3A_105 = arith.constant 0 : i32
          %dma_wait3A_106 = tpu.memref_slice %arg5[%run_scoped3A, %add3A_89, %dma_wait3A_105] : memref<2x100000x8xf32, #tpu.memory_space<hbm>> -> memref<1x2000x8xf32, #tpu.memory_space<hbm>>
          %dma_wait3A_107 = tpu.memref_squeeze %dma_wait3A_106 : memref<1x2000x8xf32, #tpu.memory_space<hbm>> -> memref<2000x8xf32, #tpu.memory_space<hbm>>
          tpu.wait_dma2 semaphore(%run_scoped3A_97 : memref<!tpu.dma_semaphore, #tpu.memory_space<semaphore_mem>>) src(%dma_wait3A_107 : memref<2000x8xf32, #tpu.memory_space<hbm>>) dst(%arg10 : memref<2000x8xf32, #tpu.memory_space<vmem>>)
          tpu.yield
        }) : () -> ()
        %run_scoped3A_90 = arith.constant 1 : i32
        "tpu.region"() ({
          %run_scoped3A_97 = tpu.sem_alloc : memref<!tpu.dma_semaphore, #tpu.memory_space<semaphore_mem>>
          %dma_start3A = arith.constant 0 : i32
          %dma_start3A_98 = tpu.memref_slice %arg5[%run_scoped3A_90, %add3A_89, %dma_start3A] : memref<2x100000x8xf32, #tpu.memory_space<hbm>> -> memref<1x2000x8xf32, #tpu.memory_space<hbm>>
          %dma_start3A_99 = tpu.memref_squeeze %dma_start3A_98 : memref<1x2000x8xf32, #tpu.memory_space<hbm>> -> memref<2000x8xf32, #tpu.memory_space<hbm>>
          %dma_start3A_100 = arith.constant 0 : i32
          %dma_start3A_101 = tpu.memref_slice %arg5[%run_scoped3A_90, %add3A_89, %dma_start3A_100] : memref<2x100000x8xf32, #tpu.memory_space<hbm>> -> memref<1x2000x8xf32, #tpu.memory_space<hbm>>
          %dma_start3A_102 = tpu.memref_squeeze %dma_start3A_101 : memref<1x2000x8xf32, #tpu.memory_space<hbm>> -> memref<2000x8xf32, #tpu.memory_space<hbm>>
          tpu.enqueue_dma source(%dma_start3A_102 : memref<2000x8xf32, #tpu.memory_space<hbm>>) target(%arg11 : memref<2000x8xf32, #tpu.memory_space<vmem>>) target_semaphore(%run_scoped3A_97 : memref<!tpu.dma_semaphore, #tpu.memory_space<semaphore_mem>>)
          %dma_wait3A = arith.constant 0 : i32
          %dma_wait3A_103 = tpu.memref_slice %arg5[%run_scoped3A_90, %add3A_89, %dma_wait3A] : memref<2x100000x8xf32, #tpu.memory_space<hbm>> -> memref<1x2000x8xf32, #tpu.memory_space<hbm>>
          %dma_wait3A_104 = tpu.memref_squeeze %dma_wait3A_103 : memref<1x2000x8xf32, #tpu.memory_space<hbm>> -> memref<2000x8xf32, #tpu.memory_space<hbm>>
          %dma_wait3A_105 = arith.constant 0 : i32
          %dma_wait3A_106 = tpu.memref_slice %arg5[%run_scoped3A_90, %add3A_89, %dma_wait3A_105] : memref<2x100000x8xf32, #tpu.memory_space<hbm>> -> memref<1x2000x8xf32, #tpu.memory_space<hbm>>
          %dma_wait3A_107 = tpu.memref_squeeze %dma_wait3A_106 : memref<1x2000x8xf32, #tpu.memory_space<hbm>> -> memref<2000x8xf32, #tpu.memory_space<hbm>>
          tpu.wait_dma2 semaphore(%run_scoped3A_97 : memref<!tpu.dma_semaphore, #tpu.memory_space<semaphore_mem>>) src(%dma_wait3A_107 : memref<2000x8xf32, #tpu.memory_space<hbm>>) dst(%arg11 : memref<2000x8xf32, #tpu.memory_space<vmem>>)
          tpu.yield
        }) : () -> ()
        %scan3A_91 = arith.constant 0 : i32
        %scan3A_92 = arith.constant 125 : i32
        %scan3A_93 = arith.addi %scan3A_91, %scan3A_92 : i32
        %scan3A_94 = arith.constant 1 : i32
        %scan3A_95:8 = scf.for %scan3A_97 = %scan3A_91 to %scan3A_93 step %scan3A_94 iter_args(%scan3A_98 = %scan3A_77, %scan3A_99 = %scan3A_78, %scan3A_100 = %scan3A_79, %scan3A_101 = %scan3A_80, %scan3A_102 = %scan3A_81, %scan3A_103 = %scan3A_82, %scan3A_104 = %scan3A_83, %scan3A_105 = %scan3A_84) -> (vector<16xf32>, vector<16xf32>, vector<16xf32>, vector<16xf32>, vector<16xf32>, vector<16xf32>, vector<16xf32>, vector<16xf32>)  : i32 {
          %mul3A_106 = arith.constant 16 : i32
          %mul3A_107 = arith.muli %scan3A_97, %mul3A_106 : i32
          %add3A_108 = vector.broadcast %mul3A_107 : i32 to vector<16xi32>
          %add3A_109 = arith.addi %broadcast_in_dim3A_1, %add3A_108 : vector<16xi32>
          %add3A_110 = arith.addi %add3A_109, %iota3A : vector<16xi32>
          %add3A_111 = arith.constant 0 : i32
          %add3A_112 = vector.broadcast %add3A_111 : i32 to vector<16xi32>
          %add3A_113 = arith.addi %broadcast_in_dim3A_1, %add3A_112 : vector<16xi32>
          %gather3A = tpu.vector_load_idx %arg7[%add3A_110, %add3A_113] : memref<2000x4xf32, #tpu.memory_space<vmem>>[vector<16xi32>, vector<16xi32>], vector<16xf32>,
          %add3A_114 = arith.constant 1 : i32
          %add3A_115 = vector.broadcast %add3A_114 : i32 to vector<16xi32>
          %add3A_116 = arith.addi %broadcast_in_dim3A_1, %add3A_115 : vector<16xi32>
          %gather3A_117 = tpu.vector_load_idx %arg7[%add3A_110, %add3A_116] : memref<2000x4xf32, #tpu.memory_space<vmem>>[vector<16xi32>, vector<16xi32>], vector<16xf32>,
          %add3A_118 = arith.constant 2 : i32
          %add3A_119 = vector.broadcast %add3A_118 : i32 to vector<16xi32>
          %add3A_120 = arith.addi %broadcast_in_dim3A_1, %add3A_119 : vector<16xi32>
          %gather3A_121 = tpu.vector_load_idx %arg7[%add3A_110, %add3A_120] : memref<2000x4xf32, #tpu.memory_space<vmem>>[vector<16xi32>, vector<16xi32>], vector<16xf32>,
          %add3A_122 = arith.constant 3 : i32
          %add3A_123 = vector.broadcast %add3A_122 : i32 to vector<16xi32>
          %add3A_124 = arith.addi %broadcast_in_dim3A_1, %add3A_123 : vector<16xi32>
          %gather3A_125 = tpu.vector_load_idx %arg7[%add3A_110, %add3A_124] : memref<2000x4xf32, #tpu.memory_space<vmem>>[vector<16xi32>, vector<16xi32>], vector<16xf32>,
          %add3A_126 = arith.constant 0 : i32
          %add3A_127 = vector.broadcast %add3A_126 : i32 to vector<16xi32>
          %add3A_128 = arith.addi %broadcast_in_dim3A_1, %add3A_127 : vector<16xi32>
          %gather3A_129 = tpu.vector_load_idx %arg8[%add3A_110, %add3A_128] : memref<2000x4xf32, #tpu.memory_space<vmem>>[vector<16xi32>, vector<16xi32>], vector<16xf32>,
          %add3A_130 = arith.constant 1 : i32
          %add3A_131 = vector.broadcast %add3A_130 : i32 to vector<16xi32>
          %add3A_132 = arith.addi %broadcast_in_dim3A_1, %add3A_131 : vector<16xi32>
          %gather3A_133 = tpu.vector_load_idx %arg8[%add3A_110, %add3A_132] : memref<2000x4xf32, #tpu.memory_space<vmem>>[vector<16xi32>, vector<16xi32>], vector<16xf32>,
          %add3A_134 = arith.constant 2 : i32
          %add3A_135 = vector.broadcast %add3A_134 : i32 to vector<16xi32>
          %add3A_136 = arith.addi %broadcast_in_dim3A_1, %add3A_135 : vector<16xi32>
          %gather3A_137 = tpu.vector_load_idx %arg8[%add3A_110, %add3A_136] : memref<2000x4xf32, #tpu.memory_space<vmem>>[vector<16xi32>, vector<16xi32>], vector<16xf32>,
          %add3A_138 = arith.constant 3 : i32
          %add3A_139 = vector.broadcast %add3A_138 : i32 to vector<16xi32>
          %add3A_140 = arith.addi %broadcast_in_dim3A_1, %add3A_139 : vector<16xi32>
          %gather3A_141 = tpu.vector_load_idx %arg8[%add3A_110, %add3A_140] : memref<2000x4xf32, #tpu.memory_space<vmem>>[vector<16xi32>, vector<16xi32>], vector<16xf32>,
          %get3A = arith.index_cast %mul3A_107 : i32 to index
          %get3A_142 = tpu.vector_load %arg9[%get3A] {strides = array<i32>} : memref<2000xf32, #tpu.memory_space<vmem>>, vector<16xf32>,
          %add3A_143 = arith.constant 6 : i32
          %add3A_144 = vector.broadcast %add3A_143 : i32 to vector<16xi32>
          %add3A_145 = arith.addi %broadcast_in_dim3A_1, %add3A_144 : vector<16xi32>
          %gather3A_146 = tpu.vector_load_idx %arg10[%add3A_110, %add3A_145] : memref<2000x8xf32, #tpu.memory_space<vmem>>[vector<16xi32>, vector<16xi32>], vector<16xf32>,
          %add3A_147 = arith.constant 6 : i32
          %add3A_148 = vector.broadcast %add3A_147 : i32 to vector<16xi32>
          %add3A_149 = arith.addi %broadcast_in_dim3A_1, %add3A_148 : vector<16xi32>
          %gather3A_150 = tpu.vector_load_idx %arg11[%add3A_110, %add3A_149] : memref<2000x8xf32, #tpu.memory_space<vmem>>[vector<16xi32>, vector<16xi32>], vector<16xf32>,
          %add3A_151 = arith.addf %gather3A_146, %gather3A_150 : vector<16xf32>
          %max3A = arith.constant 1.000000e+00 : f32
          %max3A_152 = vector.broadcast %max3A : f32 to vector<16xf32>
          %max3A_153 = arith.maximumf %add3A_151, %max3A_152 : vector<16xf32>
          %div3A = arith.constant 1.000000e+00 : f32
          %div3A_154 = vector.broadcast %div3A : f32 to vector<16xf32>
          %div3A_155 = arith.divf %div3A_154, %max3A_153 : vector<16xf32>
          %add3A_156 = arith.constant 0 : i32
          %add3A_157 = vector.broadcast %add3A_156 : i32 to vector<16xi32>
          %add3A_158 = arith.addi %broadcast_in_dim3A_1, %add3A_157 : vector<16xi32>
          %gather3A_159 = tpu.vector_load_idx %arg10[%add3A_110, %add3A_158] : memref<2000x8xf32, #tpu.memory_space<vmem>>[vector<16xi32>, vector<16xi32>], vector<16xf32>,
          %add3A_160 = arith.constant 0 : i32
          %add3A_161 = vector.broadcast %add3A_160 : i32 to vector<16xi32>
          %add3A_162 = arith.addi %broadcast_in_dim3A_1, %add3A_161 : vector<16xi32>
          %gather3A_163 = tpu.vector_load_idx %arg11[%add3A_110, %add3A_162] : memref<2000x8xf32, #tpu.memory_space<vmem>>[vector<16xi32>, vector<16xi32>], vector<16xf32>,
          %add3A_164 = arith.addf %gather3A_159, %gather3A_163 : vector<16xf32>
          %mul3A_165 = arith.mulf %add3A_164, %div3A_155 : vector<16xf32>
          %add3A_166 = arith.constant 1 : i32
          %add3A_167 = vector.broadcast %add3A_166 : i32 to vector<16xi32>
          %add3A_168 = arith.addi %broadcast_in_dim3A_1, %add3A_167 : vector<16xi32>
          %gather3A_169 = tpu.vector_load_idx %arg10[%add3A_110, %add3A_168] : memref<2000x8xf32, #tpu.memory_space<vmem>>[vector<16xi32>, vector<16xi32>], vector<16xf32>,
          %add3A_170 = arith.constant 1 : i32
          %add3A_171 = vector.broadcast %add3A_170 : i32 to vector<16xi32>
          %add3A_172 = arith.addi %broadcast_in_dim3A_1, %add3A_171 : vector<16xi32>
          %gather3A_173 = tpu.vector_load_idx %arg11[%add3A_110, %add3A_172] : memref<2000x8xf32, #tpu.memory_space<vmem>>[vector<16xi32>, vector<16xi32>], vector<16xf32>,
          %add3A_174 = arith.addf %gather3A_169, %gather3A_173 : vector<16xf32>
          %mul3A_175 = arith.mulf %add3A_174, %div3A_155 : vector<16xf32>
          %add3A_176 = arith.constant 2 : i32
          %add3A_177 = vector.broadcast %add3A_176 : i32 to vector<16xi32>
          %add3A_178 = arith.addi %broadcast_in_dim3A_1, %add3A_177 : vector<16xi32>
          %gather3A_179 = tpu.vector_load_idx %arg10[%add3A_110, %add3A_178] : memref<2000x8xf32, #tpu.memory_space<vmem>>[vector<16xi32>, vector<16xi32>], vector<16xf32>,
          %add3A_180 = arith.constant 2 : i32
          %add3A_181 = vector.broadcast %add3A_180 : i32 to vector<16xi32>
          %add3A_182 = arith.addi %broadcast_in_dim3A_1, %add3A_181 : vector<16xi32>
          %gather3A_183 = tpu.vector_load_idx %arg11[%add3A_110, %add3A_182] : memref<2000x8xf32, #tpu.memory_space<vmem>>[vector<16xi32>, vector<16xi32>], vector<16xf32>,
          %add3A_184 = arith.addf %gather3A_179, %gather3A_183 : vector<16xf32>
          %mul3A_185 = arith.mulf %add3A_184, %div3A_155 : vector<16xf32>
          %add3A_186 = arith.constant 3 : i32
          %add3A_187 = vector.broadcast %add3A_186 : i32 to vector<16xi32>
          %add3A_188 = arith.addi %broadcast_in_dim3A_1, %add3A_187 : vector<16xi32>
          %gather3A_189 = tpu.vector_load_idx %arg10[%add3A_110, %add3A_188] : memref<2000x8xf32, #tpu.memory_space<vmem>>[vector<16xi32>, vector<16xi32>], vector<16xf32>,
          %add3A_190 = arith.constant 3 : i32
          %add3A_191 = vector.broadcast %add3A_190 : i32 to vector<16xi32>
          %add3A_192 = arith.addi %broadcast_in_dim3A_1, %add3A_191 : vector<16xi32>
          %gather3A_193 = tpu.vector_load_idx %arg11[%add3A_110, %add3A_192] : memref<2000x8xf32, #tpu.memory_space<vmem>>[vector<16xi32>, vector<16xi32>], vector<16xf32>,
          %add3A_194 = arith.addf %gather3A_189, %gather3A_193 : vector<16xf32>
          %mul3A_195 = arith.mulf %add3A_194, %div3A_155 : vector<16xf32>
          %add3A_196 = arith.constant 4 : i32
          %add3A_197 = vector.broadcast %add3A_196 : i32 to vector<16xi32>
          %add3A_198 = arith.addi %broadcast_in_dim3A_1, %add3A_197 : vector<16xi32>
          %gather3A_199 = tpu.vector_load_idx %arg10[%add3A_110, %add3A_198] : memref<2000x8xf32, #tpu.memory_space<vmem>>[vector<16xi32>, vector<16xi32>], vector<16xf32>,
          %add3A_200 = arith.constant 4 : i32
          %add3A_201 = vector.broadcast %add3A_200 : i32 to vector<16xi32>
          %add3A_202 = arith.addi %broadcast_in_dim3A_1, %add3A_201 : vector<16xi32>
          %gather3A_203 = tpu.vector_load_idx %arg11[%add3A_110, %add3A_202] : memref<2000x8xf32, #tpu.memory_space<vmem>>[vector<16xi32>, vector<16xi32>], vector<16xf32>,
          %add3A_204 = arith.addf %gather3A_199, %gather3A_203 : vector<16xf32>
          %mul3A_205 = arith.mulf %add3A_204, %div3A_155 : vector<16xf32>
          %add3A_206 = arith.constant 5 : i32
          %add3A_207 = vector.broadcast %add3A_206 : i32 to vector<16xi32>
          %add3A_208 = arith.addi %broadcast_in_dim3A_1, %add3A_207 : vector<16xi32>
          %gather3A_209 = tpu.vector_load_idx %arg10[%add3A_110, %add3A_208] : memref<2000x8xf32, #tpu.memory_space<vmem>>[vector<16xi32>, vector<16xi32>], vector<16xf32>,
          %add3A_210 = arith.constant 5 : i32
          %add3A_211 = vector.broadcast %add3A_210 : i32 to vector<16xi32>
          %add3A_212 = arith.addi %broadcast_in_dim3A_1, %add3A_211 : vector<16xi32>
          %gather3A_213 = tpu.vector_load_idx %arg11[%add3A_110, %add3A_212] : memref<2000x8xf32, #tpu.memory_space<vmem>>[vector<16xi32>, vector<16xi32>], vector<16xf32>,
          %add3A_214 = arith.addf %gather3A_209, %gather3A_213 : vector<16xf32>
          %mul3A_215 = arith.mulf %add3A_214, %div3A_155 : vector<16xf32>
          %max3A_216 = arith.constant 0.000000e+00 : f32
          %max3A_217 = vector.broadcast %max3A_216 : f32 to vector<16xf32>
          %max3A_218 = arith.maximumf %gather3A_125, %max3A_217 : vector<16xf32>
          %add3A_219 = arith.constant 1.500000e-05 : f32
          %add3A_220 = vector.broadcast %add3A_219 : f32 to vector<16xf32>
          %add3A_221 = arith.addf %add3A_220, %max3A_218 : vector<16xf32>
          %mul3A_222 = arith.mulf %add3A_221, %mul3A_195 : vector<16xf32>
          %sub3A = arith.subf %mul3A_175, %mul3A_222 : vector<16xf32>
          %mul3A_223 = arith.mulf %add3A_221, %mul3A_205 : vector<16xf32>
          %sub3A_224 = arith.subf %mul3A_185, %mul3A_223 : vector<16xf32>
          %min3A = arith.constant 0.000000e+00 : f32
          %min3A_225 = vector.broadcast %min3A : f32 to vector<16xf32>
          %min3A_226 = arith.minimumf %gather3A_125, %min3A_225 : vector<16xf32>
          %mul3A_227 = arith.mulf %gather3A, %gather3A : vector<16xf32>
          %mul3A_228 = arith.mulf %gather3A_117, %gather3A_117 : vector<16xf32>
          %add3A_229 = arith.addf %mul3A_227, %mul3A_228 : vector<16xf32>
          %mul3A_230 = arith.mulf %get3A_142, %add3A_229 : vector<16xf32>
          %sub3A_231 = arith.subf %gather3A, %gather3A_129 : vector<16xf32>
          %sub3A_232 = arith.subf %gather3A_117, %gather3A_133 : vector<16xf32>
          %sub3A_233 = arith.subf %gather3A_121, %gather3A_137 : vector<16xf32>
          %sub3A_234 = arith.subf %gather3A_125, %gather3A_141 : vector<16xf32>
          %mul3A_235 = arith.mulf %max3A_218, %mul3A_215 : vector<16xf32>
          %mul3A_236 = arith.mulf %sub3A_231, %sub3A_231 : vector<16xf32>
          %add3A_237 = arith.addf %scan3A_98, %mul3A_236 : vector<16xf32>
          %mul3A_238 = arith.mulf %sub3A_232, %sub3A_232 : vector<16xf32>
          %add3A_239 = arith.addf %add3A_237, %mul3A_238 : vector<16xf32>
          %mul3A_240 = arith.mulf %sub3A_233, %sub3A_233 : vector<16xf32>
          %add3A_241 = arith.addf %add3A_239, %mul3A_240 : vector<16xf32>
          %mul3A_242 = arith.mulf %sub3A_234, %sub3A_234 : vector<16xf32>
          %add3A_243 = arith.addf %add3A_241, %mul3A_242 : vector<16xf32>
          %mul3A_244 = arith.mulf %mul3A_165, %mul3A_165 : vector<16xf32>
          %add3A_245 = arith.addf %scan3A_99, %mul3A_244 : vector<16xf32>
          %mul3A_246 = arith.mulf %sub3A, %sub3A : vector<16xf32>
          %add3A_247 = arith.addf %scan3A_100, %mul3A_246 : vector<16xf32>
          %mul3A_248 = arith.mulf %sub3A_224, %sub3A_224 : vector<16xf32>
          %add3A_249 = arith.addf %add3A_247, %mul3A_248 : vector<16xf32>
          %mul3A_250 = arith.mulf %min3A_226, %min3A_226 : vector<16xf32>
          %add3A_251 = arith.addf %scan3A_101, %mul3A_250 : vector<16xf32>
          %mul3A_252 = arith.mulf %mul3A_235, %mul3A_235 : vector<16xf32>
          %add3A_253 = arith.addf %scan3A_102, %mul3A_252 : vector<16xf32>
          %add3A_254 = arith.addf %scan3A_103, %mul3A_230 : vector<16xf32>
          %add3A_255 = arith.addf %scan3A_104, %mul3A_230 : vector<16xf32>
          %mul3A_256 = arith.mulf %get3A_142, %gather3A_125 : vector<16xf32>
          %mul3A_257 = arith.mulf %mul3A_256, %gather3A_125 : vector<16xf32>
          %add3A_258 = arith.addf %add3A_255, %mul3A_257 : vector<16xf32>
          %add3A_259 = arith.addf %scan3A_105, %get3A_142 : vector<16xf32>
          scf.yield %add3A_243, %add3A_245, %add3A_249, %add3A_251, %add3A_253, %add3A_254, %add3A_258, %add3A_259 : vector<16xf32>, vector<16xf32>, vector<16xf32>, vector<16xf32>, vector<16xf32>, vector<16xf32>, vector<16xf32>, vector<16xf32>
        }
        %scan3A_96 = arith.constant 125 : i32
        scf.yield %scan3A_95#0, %scan3A_95#1, %scan3A_95#2, %scan3A_95#3, %scan3A_95#4, %scan3A_95#5, %scan3A_95#6, %scan3A_95#7 : vector<16xf32>, vector<16xf32>, vector<16xf32>, vector<16xf32>, vector<16xf32>, vector<16xf32>, vector<16xf32>, vector<16xf32>
      }
      %scan3A_43 = arith.constant 2 : i32
      %swap3A_44 = arith.constant 0 : i32
      %swap3A_45 = arith.index_cast %swap3A_44 : i32 to index
      %swap3A_46 = arith.constant 0 : index
      %swap3A_47 = tpu.vector_load %arg12[%swap3A_45, %swap3A_46] {strides = array<i32>} : memref<8x16xf32, #tpu.memory_space<vmem>>, vector<16xf32>,
      tpu.vector_store %arg12[%swap3A_45, %swap3A_46], %scan3A_42#0 {strides = array<i32>} : memref<8x16xf32, #tpu.memory_space<vmem>>, vector<16xf32>,
      %swap3A_48 = arith.constant 1 : i32
      %swap3A_49 = arith.index_cast %swap3A_48 : i32 to index
      %swap3A_50 = arith.constant 0 : index
      %swap3A_51 = tpu.vector_load %arg12[%swap3A_49, %swap3A_50] {strides = array<i32>} : memref<8x16xf32, #tpu.memory_space<vmem>>, vector<16xf32>,
      tpu.vector_store %arg12[%swap3A_49, %swap3A_50], %scan3A_42#1 {strides = array<i32>} : memref<8x16xf32, #tpu.memory_space<vmem>>, vector<16xf32>,
      %swap3A_52 = arith.constant 2 : i32
      %swap3A_53 = arith.index_cast %swap3A_52 : i32 to index
      %swap3A_54 = arith.constant 0 : index
      %swap3A_55 = tpu.vector_load %arg12[%swap3A_53, %swap3A_54] {strides = array<i32>} : memref<8x16xf32, #tpu.memory_space<vmem>>, vector<16xf32>,
      tpu.vector_store %arg12[%swap3A_53, %swap3A_54], %scan3A_42#2 {strides = array<i32>} : memref<8x16xf32, #tpu.memory_space<vmem>>, vector<16xf32>,
      %swap3A_56 = arith.constant 3 : i32
      %swap3A_57 = arith.index_cast %swap3A_56 : i32 to index
      %swap3A_58 = arith.constant 0 : index
      %swap3A_59 = tpu.vector_load %arg12[%swap3A_57, %swap3A_58] {strides = array<i32>} : memref<8x16xf32, #tpu.memory_space<vmem>>, vector<16xf32>,
      tpu.vector_store %arg12[%swap3A_57, %swap3A_58], %scan3A_42#3 {strides = array<i32>} : memref<8x16xf32, #tpu.memory_space<vmem>>, vector<16xf32>,
      %swap3A_60 = arith.constant 4 : i32
      %swap3A_61 = arith.index_cast %swap3A_60 : i32 to index
      %swap3A_62 = arith.constant 0 : index
      %swap3A_63 = tpu.vector_load %arg12[%swap3A_61, %swap3A_62] {strides = array<i32>} : memref<8x16xf32, #tpu.memory_space<vmem>>, vector<16xf32>,
      tpu.vector_store %arg12[%swap3A_61, %swap3A_62], %scan3A_42#4 {strides = array<i32>} : memref<8x16xf32, #tpu.memory_space<vmem>>, vector<16xf32>,
      %swap3A_64 = arith.constant 5 : i32
      %swap3A_65 = arith.index_cast %swap3A_64 : i32 to index
      %swap3A_66 = arith.constant 0 : index
      %swap3A_67 = tpu.vector_load %arg12[%swap3A_65, %swap3A_66] {strides = array<i32>} : memref<8x16xf32, #tpu.memory_space<vmem>>, vector<16xf32>,
      tpu.vector_store %arg12[%swap3A_65, %swap3A_66], %scan3A_42#5 {strides = array<i32>} : memref<8x16xf32, #tpu.memory_space<vmem>>, vector<16xf32>,
      %swap3A_68 = arith.constant 6 : i32
      %swap3A_69 = arith.index_cast %swap3A_68 : i32 to index
      %swap3A_70 = arith.constant 0 : index
      %swap3A_71 = tpu.vector_load %arg12[%swap3A_69, %swap3A_70] {strides = array<i32>} : memref<8x16xf32, #tpu.memory_space<vmem>>, vector<16xf32>,
      tpu.vector_store %arg12[%swap3A_69, %swap3A_70], %scan3A_42#6 {strides = array<i32>} : memref<8x16xf32, #tpu.memory_space<vmem>>, vector<16xf32>,
      %swap3A_72 = arith.constant 7 : i32
      %swap3A_73 = arith.index_cast %swap3A_72 : i32 to index
      %swap3A_74 = arith.constant 0 : index
      %swap3A_75 = tpu.vector_load %arg12[%swap3A_73, %swap3A_74] {strides = array<i32>} : memref<8x16xf32, #tpu.memory_space<vmem>>, vector<16xf32>,
      tpu.vector_store %arg12[%swap3A_73, %swap3A_74], %scan3A_42#7 {strides = array<i32>} : memref<8x16xf32, #tpu.memory_space<vmem>>, vector<16xf32>,
    } else {
    }
    "tpu.region"() ({
      %run_scoped3A = tpu.sem_alloc : memref<!tpu.dma_semaphore, #tpu.memory_space<semaphore_mem>>
      %dma_start3A = arith.constant 0 : i32
      %dma_start3A_39 = arith.constant 0 : i32
      %dma_start3A_40 = tpu.memref_slice %arg6[%arg0, %arg1, %dma_start3A, %dma_start3A_39] : memref<2x16x8x16xf32, #tpu.memory_space<hbm>> -> memref<1x1x8x16xf32, #tpu.memory_space<hbm>>
      %dma_start3A_41 = tpu.memref_squeeze %dma_start3A_40 : memref<1x1x8x16xf32, #tpu.memory_space<hbm>> -> memref<8x16xf32, #tpu.memory_space<hbm>>
      %dma_start3A_42 = arith.constant 0 : i32
      %dma_start3A_43 = arith.constant 0 : i32
      %dma_start3A_44 = tpu.memref_slice %arg6[%arg0, %arg1, %dma_start3A_42, %dma_start3A_43] : memref<2x16x8x16xf32, #tpu.memory_space<hbm>> -> memref<1x1x8x16xf32, #tpu.memory_space<hbm>>
      %dma_start3A_45 = tpu.memref_squeeze %dma_start3A_44 : memref<1x1x8x16xf32, #tpu.memory_space<hbm>> -> memref<8x16xf32, #tpu.memory_space<hbm>>
      tpu.enqueue_dma source(%arg12 : memref<8x16xf32, #tpu.memory_space<vmem>>) target(%dma_start3A_45 : memref<8x16xf32, #tpu.memory_space<hbm>>) target_semaphore(%run_scoped3A : memref<!tpu.dma_semaphore, #tpu.memory_space<semaphore_mem>>)
      %dma_wait3A = arith.constant 0 : i32
      %dma_wait3A_46 = arith.constant 0 : i32
      %dma_wait3A_47 = tpu.memref_slice %arg6[%arg0, %arg1, %dma_wait3A, %dma_wait3A_46] : memref<2x16x8x16xf32, #tpu.memory_space<hbm>> -> memref<1x1x8x16xf32, #tpu.memory_space<hbm>>
      %dma_wait3A_48 = tpu.memref_squeeze %dma_wait3A_47 : memref<1x1x8x16xf32, #tpu.memory_space<hbm>> -> memref<8x16xf32, #tpu.memory_space<hbm>>
      %dma_wait3A_49 = arith.constant 0 : i32
      %dma_wait3A_50 = arith.constant 0 : i32
      %dma_wait3A_51 = tpu.memref_slice %arg6[%arg0, %arg1, %dma_wait3A_49, %dma_wait3A_50] : memref<2x16x8x16xf32, #tpu.memory_space<hbm>> -> memref<1x1x8x16xf32, #tpu.memory_space<hbm>>
      %dma_wait3A_52 = tpu.memref_squeeze %dma_wait3A_51 : memref<1x1x8x16xf32, #tpu.memory_space<hbm>> -> memref<8x16xf32, #tpu.memory_space<hbm>>
      tpu.wait_dma2 semaphore(%run_scoped3A : memref<!tpu.dma_semaphore, #tpu.memory_space<semaphore_mem>>) src(%arg12 : memref<8x16xf32, #tpu.memory_space<vmem>>) dst(%dma_wait3A_52 : memref<8x16xf32, #tpu.memory_space<hbm>>)
      tpu.yield
    }) : () -> ()
    return
  }
}

</mosaic_0001>

<sc_bundles>
// kernel: kernel.4.cloned.1.call-start
scs
__scs_entry_jumppad:
0x0: {  	(pc) =	sbr.rel $0x88, $3  }
0x1: {  	(tag) =	ssettag $0x0;
	lr =	simm.s32 $0x1  }
0x2: {  	[smem:$0x3F9B] =	sst lr;
	_ =	strace $0xD0000000  }
0x3: {  	_ = 	snop  }
0x4: {  	_ = 	snop  }
0x5: {  	_ = 	snop  }
0x6: {  	_ = 	snop  }
0x7: {  	_ = 	snop  }
__scs_overlays_trampoline_lowered:
0x8: {  	[smem:$0x3FAA] =	sst s0  }
0x9: {  	[smem:$0x3FAB] =	sst s1  }
0xa: {  	[smem:$0x3FAC] =	sst s2  }
0xb: {  	[smem:$0x3FAD] =	sst s3  }
0xc: {  	[smem:$0x3FAE] =	sst s4  }
0xd: {  	[smem:$0x3FAF] =	sst s5  }
0xe: {  	[smem:$0x3FB0] =	sst s6  }
0xf: {  	[smem:$0x3FB1] =	sst s7  }
0x10: {  	[smem:$0x3FB2] =	sst s8  }
0x11: {  	[smem:$0x3FB3] =	sst s9;
	s0 =	simm.s32 @!p0 $0x0  }
0x12: {  	s1 =	sld [smem:$0x3F99];
	s0 =	simm.s32 @p0 $0x1  }
0x13: {  	[smem:$0x3FB4] =	sst s0;
	s0 =	simm.s32 @!p1 $0x0  }
0x14: {  	s2 =	sld [smem:$0x3F98];
	s0 =	simm.s32 @p1 $0x1  }
0x15: {  	[smem:$0x3FB5] =	sst s0;
	s0 =	simm.s32 @!p2 $0x0  }
0x16: {  	s3 =	sld [smem:$0x3FDB];
	s0 =	simm.s32 @p2 $0x1  }
0x17: {  	s4 =	simm.s32 $0x1BF5;
	[smem:$0x3FB7] =	sst s0  }
0x18: {  	s0 =	sld [smem:$0x3F9A];
	_ =	swait.ge [sflag:s4], $0x0  }
0x19: {  	s7 =	sld [smem:$0x3F9B]  }
0x1a: {  	s8 =	sadd.s32 $0xFFFFE003, lr  }
0x1b: {  	s9 =	sadd.s32 $0xFFFFFEF7, lr;
	s5 =	simm.s32 $0xFFFFFFFF;
	p2 =	slt.u32 s8, $0xFFFFF086  }
0x1c: {  	p1 =	slt.u32 s9, $0xF7A;
	s5 =	simm.s32 @!p2 $0x0  }
0x1d: {  	s5 =	simm.s32 @p1 $0x1;
	p0 =	seq.s32 s7, s2  }
0x1e: {  	s7 =	smul.u32 @!p0 $0xF7A, s2;
	p2 =	seq.s32 @!p0 s5, $0x0  }
0x1f: {  	s9 =	smul.u32 $0xF7A, s1;
	s8 =	simm.s32 @!p0 $0x1BF5;
	p2 =	por !p2, p0  }
0x20: {  	[sflag:s8] =	ssyncset.s32 @!p0 $0xFFFFF086;
	s6 =	sadd.s32 @!p0 s3, s7;
	s7 =	simm.s32 @!p0 $0x108  }
0x21: {  	s3 =	sadd.s32 s3, s9;
	s6 =	sadd.s32 @!p0 $0x88, s6;
	s7 =	simm.s32 @p2 $0x1082  }
0x22: {  	[simem:s7], [sflag:s8] =	dma.local @!p0 [hbm:s6], $0xF7A  }
0x23: {  	s9 =	sor.u32 $0xD0000000, s2;
	s6 =	simm.s32 $0x108;
	_ =	swait.ge @!p0 [sflag:s8], $0x0  }
0x24: {  	s3 =	sadd.s32 $0x88, s3;
	s6 =	simm.s32 @!p1 $0x1082;
	[sflag:s4] =	ssyncset.s32 $0xFFFFF086  }
0x25: {  	[simem:s6], [sflag:s4] =	dma.local [hbm:s3], $0xF7A  }
0x26: {  	[smem:$0x3F9B] =	sst s1;
	(tag) =	ssettag s2;
	_ =	strace s9  }
0x27: {  	s1 =	sld [smem:$0x3FAB]  }
0x28: {  	s2 =	sld [smem:$0x3FAC]  }
0x29: {  	s4 =	sld [smem:$0x3FAE]  }
0x2a: {  	p0 =	seq.s32 s5, $0x0;
	s5 =	sld [smem:$0x3FAF]  }
0x2b: {  	s6 =	sld [smem:$0x3FB0]  }
0x2c: {  	s7 =	sld [smem:$0x3FB1]  }
0x2d: {  	s3 =	simm.s32 $0x108;
	s8 =	sld [smem:$0x3FB2]  }
0x2e: {  	s3 =	simm.s32 @!p0 $0x1082;
	s9 =	sld [smem:$0x3FB3]  }
0x2f: {  	lr =	sadd.s32 s0, s3;
	s0 =	sld [smem:$0x3FAA]  }
0x30: {  	s3 =	sld [smem:$0x3FAD]  }
0x31: {  	[smem:$0x3FB6] =	sst s10  }
0x32: {  	s10 =	sld [smem:$0x3FB4];
	_ =	sdelay $0x3  }
0x33: {  	p0 =	seq.s32 s10, $0x1;
	s10 =	sld [smem:$0x3FB6];
	_ =	sdelay $0x3  }
0x34: {  	[smem:$0x3FB6] =	sst s10  }
0x35: {  	s10 =	sld [smem:$0x3FB5];
	_ =	sdelay $0x3  }
0x36: {  	p1 =	seq.s32 s10, $0x1;
	s10 =	sld [smem:$0x3FB6];
	_ =	sdelay $0x3  }
0x37: {  	[smem:$0x3FB6] =	sst s10  }
0x38: {  	s10 =	sld [smem:$0x3FB7]  }
0x39: {  	_ = 	snop;
	(pc) =	sbr.ind lr, $3  }
0x3a: {  	_ = 	snop  }
0x3b: {  	_ = 	snop  }
0x3c: {  	p2 =	seq.s32 s10, $0x1;
	s10 =	sld [smem:$0x3FB6]  }
0x3d: {  	_ =	shalt  }
0x3e: {  	_ =	shalt  }
0x3f: {  	_ =	shalt  }
0x40: {  	_ =	shalt  }
0x41: {  	_ =	shalt  }
0x42: {  	_ =	shalt  }
0x43: {  	_ =	shalt  }
0x44: {  	_ =	shalt  }
0x45: {  	_ =	shalt  }
0x46: {  	_ =	shalt  }
0x47: {  	_ =	shalt  }
0x48: {  	_ =	shalt  }
0x49: {  	_ =	shalt  }
0x4a: {  	_ =	shalt  }
0x4b: {  	_ =	shalt  }
0x4c: {  	_ =	shalt  }
0x4d: {  	_ =	shalt  }
0x4e: {  	_ =	shalt  }
0x4f: {  	_ =	shalt  }
0x50: {  	_ =	shalt  }
0x51: {  	_ =	shalt  }
0x52: {  	_ =	shalt  }
0x53: {  	_ =	shalt  }
0x54: {  	_ =	shalt  }
0x55: {  	_ =	shalt  }
0x56: {  	_ =	shalt  }
0x57: {  	_ =	shalt  }
0x58: {  	_ =	shalt  }
0x59: {  	_ =	shalt  }
0x5a: {  	_ =	shalt  }
0x5b: {  	_ =	shalt  }
0x5c: {  	_ =	shalt  }
0x5d: {  	_ =	shalt  }
0x5e: {  	_ =	shalt  }
0x5f: {  	_ =	shalt  }
0x60: {  	_ =	shalt  }
0x61: {  	_ =	shalt  }
0x62: {  	_ =	shalt  }
0x63: {  	_ =	shalt  }
0x64: {  	_ =	shalt  }
0x65: {  	_ =	shalt  }
0x66: {  	_ =	shalt  }
0x67: {  	_ =	shalt  }
0x68: {  	_ =	shalt  }
0x69: {  	_ =	shalt  }
0x6a: {  	_ =	shalt  }
0x6b: {  	_ =	shalt  }
0x6c: {  	_ =	shalt  }
0x6d: {  	_ =	shalt  }
0x6e: {  	_ =	shalt  }
0x6f: {  	_ =	shalt  }
0x70: {  	_ =	shalt  }
0x71: {  	_ =	shalt  }
0x72: {  	_ =	shalt  }
0x73: {  	_ =	shalt  }
0x74: {  	_ =	shalt  }
0x75: {  	_ =	shalt  }
0x76: {  	_ =	shalt  }
0x77: {  	_ =	shalt  }
0x78: {  	_ =	shalt  }
0x79: {  	_ =	shalt  }
0x7a: {  	_ =	shalt  }
0x7b: {  	_ =	shalt  }
0x7c: {  	_ =	shalt  }
0x7d: {  	_ =	shalt  }
0x7e: {  	_ =	shalt  }
0x7f: {  	_ =	shalt  }
0x80: {  	_ =	shalt  }
0x81: {  	_ =	shalt  }
0x82: {  	_ =	shalt  }
0x83: {  	_ =	shalt  }
0x84: {  	_ =	shalt  }
0x85: {  	_ =	shalt  }
0x86: {  	_ =	shalt  }
0x87: {  	_ =	shalt  }
.Lfunc_end0:
.L_simem_size_0:
called_computation_lowered:
.L_overlay_start_0:
0x88: {  	s2 =	sld [smem:$0x3FD9]  }
0x89: {  	s3 =	sld [smem:$0x3FFE];
	_ =	sdelay $0x1  }
0x8a: {  	s1 =	srdreg.scid  }
0x8b: {  	s0 =	sand.u32 $0x1, s1  }
0x8c: {  	s16 =	sshll.u32 s0, $0xA;
	s2 =	sadd.s32 s3, s2  }
0x8d: {  	s2 =	sadd.s32 s2, s16  }
0x8e: {  	[smem:$0x3FC2] =	sst s2  }
0x8f: {  	_ = 	snop  }
0x90: {  	(tm) =	ssettm $0x1  }
0x91: {  	s17 =	sld [smem:$0x3FFB];
	_ =	sdelay $0x3  }
0x92: {  	_ =	strace s17  }
0x93: {  	s2 =	sld [smem:$0x3FFC];
	_ =	sdelay $0x3  }
0x94: {  	_ =	strace s2  }
0x95: {  	s2 =	sld [smem:$0x3FFD];
	_ =	sdelay $0x3  }
0x96: {  	_ =	strace s2  }
0x97: {  	_ =	strace $0x8FFFFFFF  }
0x98: {  	s18 =	sld [smem:$0x3FDB];
	_ =	sdelay $0x1  }
0x99: {  	s19 =	simm.s32 $_scs_section_size  }
0x9a: {  	s4 =	simm.s32 $_size__tile_overlayer_lowered;
	s5 =	simm.s32 $_tile_overlayer_lowered  }
0x9b: {  	s22 =	simm.s32 $0x1BFF;
	s21 =	sshll.u32 s5, $0x1;
	s2 =	sadd.s32 s19, s18  }
0x9c: {  	s6 =	simm.s32 $0x0;
	s20 =	sshll.u32 s4, $0x1;
	s4 =	sadd.s32 s21, s2  }
0x9d: {  	[timem:s6], [sflag:s22] =	dma.local [hbm:s4], s20  }
0x9e: {  	_ =	swait.ge [sflag:s22], s20  }
0x9f: {  	s3 =	ssub.s32 $0x0, s20;
	[sflag:s22] =	ssyncset.done $0x0  }
0xa0: {  	[sflag:s22] =	ssyncadd.s32 s3;
	_ =	sdelay $0x1  }
0xa1: {  	s23 =	simm.s32 $0x1B8B  }
0xa2: {  	_ =	swait.ge [sflag:s23], $0x1  }
0xa3: {  	[sflag:s23] =	ssyncset.done $0x0  }
0xa4: {  	s25 =	simm.s32 $0x1B8E;
	s24 =	sld [smem:$0x3FFE];
	[sflag:s23] =	ssyncadd.s32 $0xFFFFFFFF  }
0xa5: {  	s26 =	simm.s32 $execute0_lowered;
	[smem:$0x3FD2] =	sst s25  }
0xa6: {  	s4 =	sshll.u32 s26, $0x1;
	_ =	strace $0x80000046;
	[dreg:$0x1] =	wrdreg $0xFFFFFFFF  }
0xa7: {  	s28 =	simm.s32 $_size_execute0_lowered;
	s2 =	sadd.s32 s2, s4;
	[dreg:$0x0] =	wrdreg $0x0  }
0xa8: {  	s4 =	sshll.u32 s28, $0x1;
	[dreg:$0x2] =	wrdreg s2  }
0xa9: {  	[dreg:$0x3] =	wrdreg s4  }
0xaa: {  	[dreg:$0x4] =	wrdreg $0xC0  }
0xab: {  	_ =	task [dreg:s6], $0x5FFFF  }
0xac: {  	[dreg:$0x1] =	wrdreg $0xFFFFFFFF  }
0xad: {  	[dreg:$0x0] =	wrdreg $0x60  }
0xae: {  	[dreg:$0x2] =	wrdreg s24  }
0xaf: {  	[dreg:$0x3] =	wrdreg $0x111800  }
0xb0: {  	[dreg:$0x4] =	wrdreg $0x9  }
0xb1: {  	_ =	task.clear_ibuf [dreg:s6], $0x5FFFF;
	_ =	strace $0x90000046  }
0xb2: {  	s29 =	simm.s32 $0x9;
	_ =	strace $0x80000048  }
0xb3: {  	_ =	swait.ge [sflag:s29], $0x1  }
0xb4: {  	[sflag:s29] =	ssyncadd.s32 $0xFFFFFFFF  }
0xb5: {  	_ =	strace $0x90000048  }
0xb6: {  	_ =	sfence  }
0xb7: {  	s30 =	sld [smem:$0x0];
	_ =	sdelay $0x2  }
0xb8: {  	s31 =	sshll.u32 s1, $0xD;
	s1 =	sshrl.u32 s1, $0x2  }
0xb9: {  	s3 =	sand.u32 $0x4000, s31;
	s1 =	sadd.s32 s1, s30  }
0xba: {  	s0 =	sor.u32 s3, s0;
	s1 =	sshll.u32 s1, $0x11  }
0xbb: {  	s0 =	sor.u32 s1, s0  }
0xbc: {  	s0 =	sadd.s32 $0x8F2B, s0  }
0xbd: {  	[sflag:s0] =	ssyncadd.remote.s32 $0x1  }
0xbe: {  	_ =	sfence.sel $0xFFFF  }
0xbf: {  	[dreg:$0x0] =	wrdreg $0xFFFFFFFF;
	(pc) =	sbr.abs _section_cstart, $3  }
0xc0: {  	[dreg:$0x1] =	wrdreg $0xFFFFFFFF  }
0xc1: {  	_ =	task.clear_ibuf [dreg:s6], $0x2FFFF;
	_ =	strace $0x9FFFFFFF  }
0xc2: {  	(tm) =	ssettm $0x7FFFFFFF  }
0xc3: {  	_ =	shalt  }
tec
execute0_lowered:
.L_overlay_start_1:
0x0: {  	(tag) =	ssettag $0x1  }
0x1: {  	s0 =	rddreg [dreg:$0x0]  }
0x2: {  	s2 =	rddreg [dreg:$0x1]  }
0x3: {  	s1 =	srdreg.scid;
	s11 =	stileid.u32  }
0x4: {  	s3 =	simm.s32 $0x0;
	s15 =	simm.s32 $0x3;
	s16 =	simm.s32 $0xD2F0  }
0x5: {  	s17 =	simm.s32 $0x7D0;
	s18 =	simm.s32 $0x1770;
	s19 =	simm.s32 $0xFA0  }
0x6: {  	s28 =	simm.s32 $0x1310;
	s14 =	simm.s32 $0x1400;
	s30 =	simm.s32 $0x1450  }
0x7: {  	s13 =	simm.s32 $0x14A0;
	s29 =	simm.s32 $0x1;
	s31 =	simm.s32 $0x9470  }
0x8: {  	s4 =	smul.u32 $0xC350, s11;
	[smem:$0x7FF] =	sst s3;
	s6 =	sadd.s32 $0x3000, s0  }
0x9: {  	s1 =	sand.u32 $0x1, s1;
	s20 =	sadd.s32 $0x259400, s0;
	s7 =	sadd.s32 $0x566800, s0  }
0xa: {  	s21 =	sadd.s32 $0x2800, s0;
	_ =	strace $0x80000047;
	[dreg:$0x3] =	wrdreg s6  }
0xb: {  	s8 =	sshll.u32 s11, $0x1;
	s24 =	sshll.u32 s11, $0x6;
	[dreg:$0x4] =	wrdreg s20  }
0xc: {  	s5 =	smul.u32 $0xC3500, s1;
	s6 =	sadd.s32 $0x24D000, s0;
	[dreg:$0x5] =	wrdreg s7  }
0xd: {  	[dreg:$0x6] =	wrdreg s21;
	s22 =	ssub.s32 $0x2, s1;
	s10 =	sshll.u32 s1, $0x4  }
0xe: {  	s1 =	sshll.u32 s1, $0x5;
	s20 =	simm.s32 $0x50;
	s21 =	simm.s32 $0x55F0  }
0xf: {  	s9 =	sshrl.u32 s22, $0x1;
	s23 =	sor.u32 s11, s10;
	s11 =	simm.s32 $0x13B0  }
0x10: {  	s10 =	simm.s32 $0x1630;
	s5 =	sadd.s32 s4, s5;
	s7 =	ssub.s32 s22, s9  }
0x11: {  	s4 =	sadd.s32 s4, s2;
	s9 =	sor.u32 $0x1C03, s24;
	s22 =	simm.s32 $0x1680  }
0x12: {  	s24 =	simm.s32 $0x16D0;
	s5 =	sshrl.u32 s5, $0x3;
	s26 =	smax.u32 s7, $0x1  }
0x13: {  	s12 =	sshrl.u32 s4, $0x3;
	s7 =	simm.s32 $0x14F0;
	s4 =	simm.s32 $0x1590  }
0x14: {  	v0 =	vlaneseq.u32;
	[dreg:$0x7] =	wrdreg s9;
	s5 =	sadd.s32 s5, s0;
	s0 =	sadd.s32 s8, s0  }
0x15: {  	v1 =	vor.u32 $0x10, v0;
	v2 =	vmul.u32 $0x8, v0;
	s8 =	smul.u32 $0x4E2, s23;
	[dreg:$0xb] =	wrdreg s26;
	s26 =	simm.s32 $0x1720  }
0x16: {  	v3 =	vor.u32 $0x20, v0;
	v4 =	vor.u32 $0x30, v0;
	v5 =	vor.u32 $0x40, v0;
	s23 =	simm.s32 $0x0;
	[dreg:$0xc] =	wrdreg s12;
	s0 =	sadd.s32 s1, s0  }
0x17: {  	v6 =	vor.u32 $0x1, v2;
	v7 =	vor.u32 $0x80, v2;
	v8 =	vor.u32 $0x81, v2;
	s25 =	sadd.s32 $0x568400, s5;
	s5 =	simm.s32 $0x15E0;
	[dreg:$0x8] =	wrdreg s8  }
0x18: {  	v9 =	vor.u32 $0x100, v2;
	v10 =	vor.u32 $0x101, v2;
	v11 =	vor.u32 $0x180, v2;
	s1 =	simm.s32 $0x2;
	s0 =	sadd.s32 $0x568200, s0;
	[dreg:$0xa] =	wrdreg s25  }
0x19: {  	v12 =	vor.u32 $0x181, v2;
	v13 =	vor.u32 $0x200, v2;
	v14 =	vor.u32 $0x201, v2;
	s25 =	simm.s32 $0x1540;
	[dreg:$0x9] =	wrdreg s0;
	s0 =	simm.s32 $0x1360  }
.LBB2_1:
0x1a: {  	[dreg:$0xd] =	wrdreg s23  }
0x1b: {  	s8 =	rddreg [dreg:$0x5]  }
0x1c: {  	[spmem:s12], [sflag:s9] =	dma.local [hbm:s8], $0x186A  }
0x1d: {  	_ =	swait.ge [sflag:s15], $0x186A  }
0x1e: {  	[sflag:s15] =	ssyncset.done $0x0  }
0x1f: {  	s23 =	rddreg [dreg:$0x6];
	[sflag:s15] =	ssyncadd.s32 $0xFFFFE796  }
0x20: {  	[tilespmem:s16], [sflag:$0x3] =	stream.linear.gather [hbm4b:s23+s3], $0x3E80, $0x38;
	[tilespmem:$0x1D4D0] =	vst v63  }
0x21: {  	_ =	swait.ge [sflag:s15], $0x3E80  }
0x22: {  	[sflag:s15] =	ssyncset.done $0x0  }
0x23: {  	[sflag:s15] =	ssyncadd.s32 $0xFFFFC180  }
0x24: {  	v15 =	vimm.f32 $0.0e+00;
	s8 =	simm.s32 $0x0;
	[bflag:$0x0] =	sbarrier.arrive $0xFFFF  }
.LBB2_2:
0x25: {  	s12 =	smul.u32 $0x19, s8  }
0x26: {  	s9 =	rddreg [dreg:$0x8]  }
0x27: {  	s12 =	sadd.s32 s9, s12  }
0x28: {  	s12 =	smul.u32 $0x50, s12;
	_ =	sdelay $0x1  }
0x29: {  	s23 =	rddreg [dreg:$0x3];
	s9 =	sshrl.u32 s12, $0x3  }
0x2a: {  	s9 =	sadd.s32 s23, s9;
	s23 =	simm.s32 $0x0  }
0x2b: {  	[tilespmem:s23], [sflag:$0x3] =	stream.linear.gather [hbm4b:s9+s23], $0x7D0, $0x38;
	[tilespmem:$0x1D4D0] =	vst v63  }
0x2c: {  	_ =	swait.ge [sflag:s15], $0x7D0  }
0x2d: {  	v16 =	vmov s23;
	[sflag:s15] =	ssyncset.done $0x0  }
0x2e: {  	s9 =	sadd.s32 $0x61A80, s9;
	v16 =	vmul.u32 $0x50, v16;
	[sflag:s15] =	ssyncadd.s32 $0xFFFFF830  }
0x2f: {  	[tilespmem:s17], [sflag:$0x3] =	stream.linear.gather [hbm4b:s9+s23], $0x7D0, $0x38;
	[tilespmem:$0x1D4D0] =	vst v63  }
0x30: {  	v16 =	vbroadcast v16, $0x0;
	_ =	swait.ge [sflag:s15], $0x7D0  }
0x31: {  	[sflag:s15] =	ssyncset.done $0x0;
	s9 =	rddreg [dreg:$0x4]  }
0x32: {  	v17 =	vor.u32 v0, v16;
	[sflag:s15] =	ssyncadd.s32 $0xFFFFF830;
	s9 =	sadd.s32 s9, s12  }
0x33: {  	[tilespmem:s18], [sflag:$0x3] =	stream.linear.gather [hbm4b:s9+s23], $0x3E80, $0x38;
	[tilespmem:$0x1D4D0] =	vst v63  }
0x34: {  	_ =	swait.ge [sflag:s15], $0x3E80  }
0x35: {  	[sflag:s15] =	ssyncset.done $0x0  }
0x36: {  	[sflag:s15] =	ssyncadd.s32 $0xFFFFC180  }
0x37: {  	v18 =	vld.idx.msk [tilespmem:v17+s3+$0x0], $0xffff;
	_ =	sdelay $0x1  }
0x38: {  	v19 =	vadd.s32 v1, v16;
	_ =	sdelay $0x2  }
0x39: {  	v18 =	vshra.s32 v18, $0x1  }
0x3a: {  	[tilespmem:v17+s19+$0x0] =	vst.idx.msk $0xffff, v18  }
0x3b: {  	v17 =	vld.idx.msk [tilespmem:v19+s3+$0x0], $0xffff;
	_ =	sdelay $0x1  }
0x3c: {  	v18 =	vadd.s32 v3, v16;
	_ =	sdelay $0x2  }
0x3d: {  	v17 =	vshra.s32 v17, $0x1  }
0x3e: {  	[tilespmem:v19+s19+$0x0] =	vst.idx.msk $0xffff, v17  }
0x3f: {  	v17 =	vld.idx.msk [tilespmem:v18+s3+$0x0], $0xffff;
	_ =	sdelay $0x1  }
0x40: {  	v19 =	vadd.s32 v4, v16;
	_ =	sdelay $0x2  }
0x41: {  	v17 =	vshra.s32 v17, $0x1  }
0x42: {  	[tilespmem:v18+s19+$0x0] =	vst.idx.msk $0xffff, v17  }
0x43: {  	v18 =	vld.idx.msk [tilespmem:v19+s3+$0x0], $0xffff;
	_ =	sdelay $0x3  }
0x44: {  	v17 =	vadd.s32 v5, v16  }
0x45: {  	s23 =	simm.s32 $0x1;
	v16 =	vshra.s32 v18, $0x1  }
0x46: {  	[tilespmem:v19+s19+$0x0] =	vst.idx.msk $0xffff, v16;
	v16 =	vmov s23  }
0x47: {  	v16 =	vmul.u32 $0x50, v16;
	_ =	sdelay $0x1  }
0x48: {  	v19 =	vld.idx.msk [tilespmem:v17+s3+$0x0], $0xffff;
	v16 =	vbroadcast v16, $0x0;
	_ =	sdelay $0x1  }
0x49: {  	v18 =	vor.u32 v0, v16;
	_ =	sdelay $0x2  }
0x4a: {  	s12 =	simm.s32 $0x2;
	v19 =	vshra.s32 v19, $0x1  }
.LBB2_3:
0x4b: {  	p0 =	sne.s32 s12, $0x18;
	[tilespmem:v17+s19+$0x0] =	vst.idx.msk $0xffff, v19;
	s9 =	smov.u32 s12;
	s12 =	sadd.s32 $0x1, s12  }
0x4c: {  	v17 =	vld.idx.msk [tilespmem:v18+s3+$0x0], $0xffff;
	_ =	sdelay $0x2  }
0x4d: {  	v19 =	vadd.s32 v1, v16;
	_ =	sdelay $0x2  }
0x4e: {  	v17 =	vshra.s32 v17, $0x1  }
0x4f: {  	[tilespmem:v18+s19+$0x0] =	vst.idx.msk $0xffff, v17  }
0x50: {  	v17 =	vld.idx.msk [tilespmem:v19+s3+$0x0], $0xffff;
	_ =	sdelay $0x2  }
0x51: {  	v18 =	vadd.s32 v3, v16;
	_ =	sdelay $0x2  }
0x52: {  	v17 =	vshra.s32 v17, $0x1  }
0x53: {  	[tilespmem:v19+s19+$0x0] =	vst.idx.msk $0xffff, v17  }
0x54: {  	v17 =	vld.idx.msk [tilespmem:v18+s3+$0x0], $0xffff;
	_ =	sdelay $0x2  }
0x55: {  	v19 =	vadd.s32 v4, v16;
	_ =	sdelay $0x2  }
0x56: {  	v17 =	vshra.s32 v17, $0x1  }
0x57: {  	[tilespmem:v18+s19+$0x0] =	vst.idx.msk $0xffff, v17  }
0x58: {  	v18 =	vld.idx.msk [tilespmem:v19+s3+$0x0], $0xffff;
	_ =	sdelay $0x2  }
0x59: {  	v17 =	vadd.s32 v5, v16;
	_ =	sdelay $0x2  }
0x5a: {  	v16 =	vmov s9;
	v18 =	vshra.s32 v18, $0x1  }
0x5b: {  	v16 =	vmul.u32 $0x50, v16;
	[tilespmem:v19+s19+$0x0] =	vst.idx.msk $0xffff, v18  }
0x5c: {  	v19 =	vld.idx.msk [tilespmem:v17+s3+$0x0], $0xffff  }
0x5d: {  	v16 =	vbroadcast v16, $0x0  }
.Ltmp0:
0x5e: {  	(pc) =	sbr.rel @p0 .LBB2_3-.Ltmp0, $2  }
0x5f: {  	v18 =	vor.u32 v0, v16;
	_ =	sdelay $0x2  }
0x60: {  	v19 =	vshra.s32 v19, $0x1  }
0x61: {  	_ =	sdelay $0x3  }
0x62: {  	[tilespmem:v17+s19+$0x0] =	vst.idx.msk $0xffff, v19  }
0x63: {  	v17 =	vld.idx.msk [tilespmem:v18+s3+$0x0], $0xffff;
	_ =	sdelay $0x1  }
0x64: {  	v19 =	vadd.s32 v1, v16;
	_ =	sdelay $0x2  }
0x65: {  	v17 =	vshra.s32 v17, $0x1  }
0x66: {  	[tilespmem:v18+s19+$0x0] =	vst.idx.msk $0xffff, v17  }
0x67: {  	v17 =	vld.idx.msk [tilespmem:v19+s3+$0x0], $0xffff;
	_ =	sdelay $0x1  }
0x68: {  	v18 =	vadd.s32 v3, v16;
	_ =	sdelay $0x2  }
0x69: {  	v17 =	vshra.s32 v17, $0x1  }
0x6a: {  	[tilespmem:v19+s19+$0x0] =	vst.idx.msk $0xffff, v17  }
0x6b: {  	v17 =	vld.idx.msk [tilespmem:v18+s3+$0x0], $0xffff;
	_ =	sdelay $0x1  }
0x6c: {  	v19 =	vadd.s32 v4, v16;
	_ =	sdelay $0x2  }
0x6d: {  	v17 =	vshra.s32 v17, $0x1  }
0x6e: {  	[tilespmem:v18+s19+$0x0] =	vst.idx.msk $0xffff, v17  }
0x6f: {  	v17 =	vld.idx.msk [tilespmem:v19+s3+$0x0], $0xffff;
	_ =	sdelay $0x1  }
0x70: {  	v16 =	vadd.s32 v5, v16;
	_ =	sdelay $0x2  }
0x71: {  	v17 =	vshra.s32 v17, $0x1  }
0x72: {  	[tilespmem:v19+s19+$0x0] =	vst.idx.msk $0xffff, v17  }
0x73: {  	v17 =	vld.idx.msk [tilespmem:v16+s3+$0x0], $0xffff;
	_ =	sdelay $0x4  }
0x74: {  	v17 =	vshra.s32 v17, $0x1  }
0x75: {  	[tilespmem:v16+s19+$0x0] =	vst.idx.msk $0xffff, v17  }
0x76: {  	[tilespmem:s21], [sflag:$0x1] =	stream.indirect.gather [hbm4b:s6+s20], $0x8, s19, s20, $0xb8;
	[tilespmem:$0x1D4D0] =	vst v63  }
0x77: {  	s23 =	simm.s32 $0xFF0;
	s9 =	simm.s32 $0x5870  }
0x78: {  	[tilespmem:s9], [sflag:$0x1] =	stream.indirect.gather [hbm4b:s6+s20], $0x8, s23, s20, $0xb8;
	[tilespmem:$0x1D4D0] =	vst v63  }
0x79: {  	s12 =	simm.s32 $0x5AF0;
	s9 =	simm.s32 $0x1040  }
0x7a: {  	[tilespmem:s12], [sflag:$0x1] =	stream.indirect.gather [hbm4b:s6+s20], $0x8, s9, s20, $0xb8;
	[tilespmem:$0x1D4D0] =	vst v63  }
0x7b: {  	s9 =	simm.s32 $0x1090;
	s12 =	simm.s32 $0x5D70  }
0x7c: {  	[tilespmem:s12], [sflag:$0x1] =	stream.indirect.gather [hbm4b:s6+s20], $0x8, s9, s20, $0xb8;
	[tilespmem:$0x1D4D0] =	vst v63  }
0x7d: {  	s9 =	simm.s32 $0x10E0;
	s12 =	simm.s32 $0x5FF0  }
0x7e: {  	[tilespmem:s12], [sflag:$0x1] =	stream.indirect.gather [hbm4b:s6+s20], $0x8, s9, s20, $0xb8;
	[tilespmem:$0x1D4D0] =	vst v63  }
0x7f: {  	s9 =	simm.s32 $0x1130;
	s12 =	simm.s32 $0x6270  }
0x80: {  	[tilespmem:s12], [sflag:$0x1] =	stream.indirect.gather [hbm4b:s6+s20], $0x8, s9, s20, $0xb8;
	[tilespmem:$0x1D4D0] =	vst v63  }
0x81: {  	s9 =	simm.s32 $0x1180;
	s12 =	simm.s32 $0x64F0  }
0x82: {  	[tilespmem:s12], [sflag:$0x1] =	stream.indirect.gather [hbm4b:s6+s20], $0x8, s9, s20, $0xb8;
	[tilespmem:$0x1D4D0] =	vst v63  }
0x83: {  	s9 =	simm.s32 $0x11D0;
	s12 =	simm.s32 $0x6770  }
0x84: {  	[tilespmem:s12], [sflag:$0x1] =	stream.indirect.gather [hbm4b:s6+s20], $0x8, s9, s20, $0xb8;
	[tilespmem:$0x1D4D0] =	vst v63  }
0x85: {  	s9 =	simm.s32 $0x1220;
	s12 =	simm.s32 $0x69F0  }
0x86: {  	[tilespmem:s12], [sflag:$0x1] =	stream.indirect.gather [hbm4b:s6+s20], $0x8, s9, s20, $0xb8;
	[tilespmem:$0x1D4D0] =	vst v63  }
0x87: {  	s9 =	simm.s32 $0x1270;
	s12 =	simm.s32 $0x6C70  }
0x88: {  	[tilespmem:s12], [sflag:$0x1] =	stream.indirect.gather [hbm4b:s6+s20], $0x8, s9, s20, $0xb8;
	[tilespmem:$0x1D4D0] =	vst v63  }
0x89: {  	s9 =	simm.s32 $0x12C0;
	s12 =	simm.s32 $0x6EF0  }
0x8a: {  	[tilespmem:s12], [sflag:$0x1] =	stream.indirect.gather [hbm4b:s6+s20], $0x8, s9, s20, $0xb8;
	[tilespmem:$0x1D4D0] =	vst v63  }
0x8b: {  	s12 =	simm.s32 $0x7170  }
0x8c: {  	[tilespmem:s12], [sflag:$0x1] =	stream.indirect.gather [hbm4b:s6+s20], $0x8, s28, s20, $0xb8;
	[tilespmem:$0x1D4D0] =	vst v63  }
0x8d: {  	s12 =	simm.s32 $0x73F0  }
0x8e: {  	[tilespmem:s12], [sflag:$0x1] =	stream.indirect.gather [hbm4b:s6+s20], $0x8, s0, s20, $0xb8;
	[tilespmem:$0x1D4D0] =	vst v63  }
0x8f: {  	s12 =	simm.s32 $0x7670  }
0x90: {  	[tilespmem:s12], [sflag:$0x1] =	stream.indirect.gather [hbm4b:s6+s20], $0x8, s11, s20, $0xb8;
	[tilespmem:$0x1D4D0] =	vst v63  }
0x91: {  	s12 =	simm.s32 $0x78F0  }
0x92: {  	[tilespmem:s12], [sflag:$0x1] =	stream.indirect.gather [hbm4b:s6+s20], $0x8, s14, s20, $0xb8;
	[tilespmem:$0x1D4D0] =	vst v63  }
0x93: {  	s12 =	simm.s32 $0x7B70  }
0x94: {  	[tilespmem:s12], [sflag:$0x1] =	stream.indirect.gather [hbm4b:s6+s20], $0x8, s30, s20, $0xb8;
	[tilespmem:$0x1D4D0] =	vst v63  }
0x95: {  	s12 =	simm.s32 $0x7DF0  }
0x96: {  	[tilespmem:s12], [sflag:$0x1] =	stream.indirect.gather [hbm4b:s6+s20], $0x8, s13, s20, $0xb8;
	[tilespmem:$0x1D4D0] =	vst v63  }
0x97: {  	s12 =	simm.s32 $0x8070  }
0x98: {  	[tilespmem:s12], [sflag:$0x1] =	stream.indirect.gather [hbm4b:s6+s20], $0x8, s7, s20, $0xb8;
	[tilespmem:$0x1D4D0] =	vst v63  }
0x99: {  	s12 =	simm.s32 $0x82F0  }
0x9a: {  	[tilespmem:s12], [sflag:$0x1] =	stream.indirect.gather [hbm4b:s6+s20], $0x8, s25, s20, $0xb8;
	[tilespmem:$0x1D4D0] =	vst v63  }
0x9b: {  	s12 =	simm.s32 $0x8570  }
0x9c: {  	[tilespmem:s12], [sflag:$0x1] =	stream.indirect.gather [hbm4b:s6+s20], $0x8, s4, s20, $0xb8;
	[tilespmem:$0x1D4D0] =	vst v63  }
0x9d: {  	s12 =	simm.s32 $0x87F0  }
0x9e: {  	[tilespmem:s12], [sflag:$0x1] =	stream.indirect.gather [hbm4b:s6+s20], $0x8, s5, s20, $0xb8;
	[tilespmem:$0x1D4D0] =	vst v63  }
0x9f: {  	s12 =	simm.s32 $0x8A70  }
0xa0: {  	[tilespmem:s12], [sflag:$0x1] =	stream.indirect.gather [hbm4b:s6+s20], $0x8, s10, s20, $0xb8;
	[tilespmem:$0x1D4D0] =	vst v63  }
0xa1: {  	s12 =	simm.s32 $0x8CF0  }
0xa2: {  	[tilespmem:s12], [sflag:$0x1] =	stream.indirect.gather [hbm4b:s6+s20], $0x8, s22, s20, $0xb8;
	[tilespmem:$0x1D4D0] =	vst v63  }
0xa3: {  	s12 =	simm.s32 $0x8F70  }
0xa4: {  	[tilespmem:s12], [sflag:$0x1] =	stream.indirect.gather [hbm4b:s6+s20], $0x8, s24, s20, $0xb8;
	[tilespmem:$0x1D4D0] =	vst v63  }
0xa5: {  	s12 =	simm.s32 $0x91F0  }
0xa6: {  	[tilespmem:s12], [sflag:$0x1] =	stream.indirect.gather [hbm4b:s6+s20], $0x8, s26, s20, $0xb8;
	[tilespmem:$0x1D4D0] =	vst v63  }
0xa7: {  	_ =	swait.ge [sflag:s29], $0x280  }
0xa8: {  	[sflag:s29] =	ssyncset.done $0x0  }
0xa9: {  	[sflag:s29] =	ssyncadd.s32 $0xFFFFFD80  }
0xaa: {  	_ =	swait.ge [sflag:s29], $0x280  }
0xab: {  	[sflag:s29] =	ssyncset.done $0x0  }
0xac: {  	[sflag:s29] =	ssyncadd.s32 $0xFFFFFD80  }
0xad: {  	_ =	swait.ge [sflag:s29], $0x280  }
0xae: {  	[sflag:s29] =	ssyncset.done $0x0  }
0xaf: {  	[sflag:s29] =	ssyncadd.s32 $0xFFFFFD80  }
0xb0: {  	_ =	swait.ge [sflag:s29], $0x280  }
0xb1: {  	[sflag:s29] =	ssyncset.done $0x0  }
0xb2: {  	[sflag:s29] =	ssyncadd.s32 $0xFFFFFD80  }
0xb3: {  	_ =	swait.ge [sflag:s29], $0x280  }
0xb4: {  	[sflag:s29] =	ssyncset.done $0x0  }
0xb5: {  	[sflag:s29] =	ssyncadd.s32 $0xFFFFFD80  }
0xb6: {  	_ =	swait.ge [sflag:s29], $0x280  }
0xb7: {  	[sflag:s29] =	ssyncset.done $0x0  }
0xb8: {  	[sflag:s29] =	ssyncadd.s32 $0xFFFFFD80  }
0xb9: {  	_ =	swait.ge [sflag:s29], $0x280  }
0xba: {  	[sflag:s29] =	ssyncset.done $0x0  }
0xbb: {  	[sflag:s29] =	ssyncadd.s32 $0xFFFFFD80  }
0xbc: {  	_ =	swait.ge [sflag:s29], $0x280  }
0xbd: {  	[sflag:s29] =	ssyncset.done $0x0  }
0xbe: {  	[sflag:s29] =	ssyncadd.s32 $0xFFFFFD80  }
0xbf: {  	_ =	swait.ge [sflag:s29], $0x280  }
0xc0: {  	[sflag:s29] =	ssyncset.done $0x0  }
0xc1: {  	[sflag:s29] =	ssyncadd.s32 $0xFFFFFD80  }
0xc2: {  	_ =	swait.ge [sflag:s29], $0x280  }
0xc3: {  	[sflag:s29] =	ssyncset.done $0x0  }
0xc4: {  	[sflag:s29] =	ssyncadd.s32 $0xFFFFFD80  }
0xc5: {  	_ =	swait.ge [sflag:s29], $0x280  }
0xc6: {  	[sflag:s29] =	ssyncset.done $0x0  }
0xc7: {  	[sflag:s29] =	ssyncadd.s32 $0xFFFFFD80  }
0xc8: {  	_ =	swait.ge [sflag:s29], $0x280  }
0xc9: {  	[sflag:s29] =	ssyncset.done $0x0  }
0xca: {  	[sflag:s29] =	ssyncadd.s32 $0xFFFFFD80  }
0xcb: {  	_ =	swait.ge [sflag:s29], $0x280  }
0xcc: {  	[sflag:s29] =	ssyncset.done $0x0  }
0xcd: {  	[sflag:s29] =	ssyncadd.s32 $0xFFFFFD80  }
0xce: {  	_ =	swait.ge [sflag:s29], $0x280  }
0xcf: {  	[sflag:s29] =	ssyncset.done $0x0  }
0xd0: {  	[sflag:s29] =	ssyncadd.s32 $0xFFFFFD80  }
0xd1: {  	_ =	swait.ge [sflag:s29], $0x280  }
0xd2: {  	[sflag:s29] =	ssyncset.done $0x0  }
0xd3: {  	[sflag:s29] =	ssyncadd.s32 $0xFFFFFD80  }
0xd4: {  	_ =	swait.ge [sflag:s29], $0x280  }
0xd5: {  	[sflag:s29] =	ssyncset.done $0x0  }
0xd6: {  	[sflag:s29] =	ssyncadd.s32 $0xFFFFFD80  }
0xd7: {  	_ =	swait.ge [sflag:s29], $0x280  }
0xd8: {  	[sflag:s29] =	ssyncset.done $0x0  }
0xd9: {  	[sflag:s29] =	ssyncadd.s32 $0xFFFFFD80  }
0xda: {  	_ =	swait.ge [sflag:s29], $0x280  }
0xdb: {  	[sflag:s29] =	ssyncset.done $0x0  }
0xdc: {  	[sflag:s29] =	ssyncadd.s32 $0xFFFFFD80  }
0xdd: {  	_ =	swait.ge [sflag:s29], $0x280  }
0xde: {  	[sflag:s29] =	ssyncset.done $0x0  }
0xdf: {  	[sflag:s29] =	ssyncadd.s32 $0xFFFFFD80  }
0xe0: {  	_ =	swait.ge [sflag:s29], $0x280  }
0xe1: {  	[sflag:s29] =	ssyncset.done $0x0  }
0xe2: {  	[sflag:s29] =	ssyncadd.s32 $0xFFFFFD80  }
0xe3: {  	_ =	swait.ge [sflag:s29], $0x280  }
0xe4: {  	[sflag:s29] =	ssyncset.done $0x0  }
0xe5: {  	[sflag:s29] =	ssyncadd.s32 $0xFFFFFD80  }
0xe6: {  	_ =	swait.ge [sflag:s29], $0x280  }
0xe7: {  	s12 =	simm.s32 $0x0;
	[sflag:s29] =	ssyncset.done $0x0  }
0xe8: {  	v16 =	vmov s12;
	[sflag:s29] =	ssyncadd.s32 $0xFFFFFD80  }
0xe9: {  	v16 =	vmul.u32 $0x50, v16;
	_ =	swait.ge [sflag:s29], $0x280  }
0xea: {  	[sflag:s29] =	ssyncset.done $0x0  }
0xeb: {  	v16 =	vbroadcast v16, $0x0;
	[sflag:s29] =	ssyncadd.s32 $0xFFFFFD80  }
0xec: {  	_ =	swait.ge [sflag:s29], $0x280  }
0xed: {  	v17 =	vor.u32 v0, v16;
	[sflag:s29] =	ssyncset.done $0x0  }
0xee: {  	[sflag:s29] =	ssyncadd.s32 $0xFFFFFD80  }
0xef: {  	_ =	swait.ge [sflag:s29], $0x280  }
0xf0: {  	[sflag:s29] =	ssyncset.done $0x0  }
0xf1: {  	[sflag:s29] =	ssyncadd.s32 $0xFFFFFD80  }
0xf2: {  	v18 =	vld.idx.msk [tilespmem:v17+s17+$0x0], $0xffff;
	_ =	sdelay $0x1  }
0xf3: {  	v19 =	vadd.s32 v1, v16;
	_ =	sdelay $0x2  }
0xf4: {  	v18 =	vshra.s32 v18, $0x1  }
0xf5: {  	[tilespmem:v17+s19+$0x0] =	vst.idx.msk $0xffff, v18  }
0xf6: {  	v17 =	vld.idx.msk [tilespmem:v19+s17+$0x0], $0xffff;
	_ =	sdelay $0x1  }
0xf7: {  	v18 =	vadd.s32 v3, v16;
	_ =	sdelay $0x2  }
0xf8: {  	v17 =	vshra.s32 v17, $0x1  }
0xf9: {  	[tilespmem:v19+s19+$0x0] =	vst.idx.msk $0xffff, v17  }
0xfa: {  	v17 =	vld.idx.msk [tilespmem:v18+s17+$0x0], $0xffff;
	_ =	sdelay $0x1  }
0xfb: {  	v19 =	vadd.s32 v4, v16;
	_ =	sdelay $0x2  }
0xfc: {  	v17 =	vshra.s32 v17, $0x1  }
0xfd: {  	[tilespmem:v18+s19+$0x0] =	vst.idx.msk $0xffff, v17  }
0xfe: {  	v18 =	vld.idx.msk [tilespmem:v19+s17+$0x0], $0xffff;
	_ =	sdelay $0x3  }
0xff: {  	v17 =	vadd.s32 v5, v16  }
0x100: {  	s12 =	simm.s32 $0x1;
	v16 =	vshra.s32 v18, $0x1  }
0x101: {  	[tilespmem:v19+s19+$0x0] =	vst.idx.msk $0xffff, v16;
	v16 =	vmov s12  }
0x102: {  	v16 =	vmul.u32 $0x50, v16;
	_ =	sdelay $0x1  }
0x103: {  	v19 =	vld.idx.msk [tilespmem:v17+s17+$0x0], $0xffff;
	v16 =	vbroadcast v16, $0x0;
	_ =	sdelay $0x1  }
0x104: {  	v18 =	vor.u32 v0, v16;
	_ =	sdelay $0x2  }
0x105: {  	s12 =	simm.s32 $0x2;
	v19 =	vshra.s32 v19, $0x1  }
.LBB2_5:
0x106: {  	p0 =	sne.s32 s12, $0x18;
	[tilespmem:v17+s19+$0x0] =	vst.idx.msk $0xffff, v19;
	s9 =	smov.u32 s12;
	s12 =	sadd.s32 $0x1, s12  }
0x107: {  	v17 =	vld.idx.msk [tilespmem:v18+s17+$0x0], $0xffff;
	_ =	sdelay $0x2  }
0x108: {  	v19 =	vadd.s32 v1, v16;
	_ =	sdelay $0x2  }
0x109: {  	v17 =	vshra.s32 v17, $0x1  }
0x10a: {  	[tilespmem:v18+s19+$0x0] =	vst.idx.msk $0xffff, v17  }
0x10b: {  	v17 =	vld.idx.msk [tilespmem:v19+s17+$0x0], $0xffff;
	_ =	sdelay $0x2  }
0x10c: {  	v18 =	vadd.s32 v3, v16;
	_ =	sdelay $0x2  }
0x10d: {  	v17 =	vshra.s32 v17, $0x1  }
0x10e: {  	[tilespmem:v19+s19+$0x0] =	vst.idx.msk $0xffff, v17  }
0x10f: {  	v17 =	vld.idx.msk [tilespmem:v18+s17+$0x0], $0xffff;
	_ =	sdelay $0x2  }
0x110: {  	v19 =	vadd.s32 v4, v16;
	_ =	sdelay $0x2  }
0x111: {  	v17 =	vshra.s32 v17, $0x1  }
0x112: {  	[tilespmem:v18+s19+$0x0] =	vst.idx.msk $0xffff, v17  }
0x113: {  	v18 =	vld.idx.msk [tilespmem:v19+s17+$0x0], $0xffff;
	_ =	sdelay $0x2  }
0x114: {  	v17 =	vadd.s32 v5, v16;
	_ =	sdelay $0x2  }
0x115: {  	v16 =	vmov s9;
	v18 =	vshra.s32 v18, $0x1  }
0x116: {  	v16 =	vmul.u32 $0x50, v16;
	[tilespmem:v19+s19+$0x0] =	vst.idx.msk $0xffff, v18  }
0x117: {  	v19 =	vld.idx.msk [tilespmem:v17+s17+$0x0], $0xffff  }
0x118: {  	v16 =	vbroadcast v16, $0x0  }
.Ltmp1:
0x119: {  	(pc) =	sbr.rel @p0 .LBB2_5-.Ltmp1, $2  }
0x11a: {  	v18 =	vor.u32 v0, v16;
	_ =	sdelay $0x2  }
0x11b: {  	v19 =	vshra.s32 v19, $0x1  }
0x11c: {  	_ =	sdelay $0x3  }
0x11d: {  	[tilespmem:v17+s19+$0x0] =	vst.idx.msk $0xffff, v19  }
0x11e: {  	v17 =	vld.idx.msk [tilespmem:v18+s17+$0x0], $0xffff;
	_ =	sdelay $0x1  }
0x11f: {  	v61 =	vadd.s32 v1, v16;
	_ =	sdelay $0x2  }
0x120: {  	v17 =	vshra.s32 v17, $0x1  }
0x121: {  	[tilespmem:v18+s19+$0x0] =	vst.idx.msk $0xffff, v17  }
0x122: {  	v17 =	vld.idx.msk [tilespmem:v61+s17+$0x0], $0xffff;
	_ =	sdelay $0x1  }
0x123: {  	v62 =	vadd.s32 v3, v16;
	_ =	sdelay $0x2  }
0x124: {  	v17 =	vshra.s32 v17, $0x1  }
0x125: {  	[tilespmem:v61+s19+$0x0] =	vst.idx.msk $0xffff, v17  }
0x126: {  	v17 =	vld.idx.msk [tilespmem:v62+s17+$0x0], $0xffff;
	_ =	sdelay $0x1  }
0x127: {  	v63 =	vadd.s32 v4, v16;
	_ =	sdelay $0x2  }
0x128: {  	v17 =	vshra.s32 v17, $0x1  }
0x129: {  	[tilespmem:v62+s19+$0x0] =	vst.idx.msk $0xffff, v17  }
0x12a: {  	v17 =	vld.idx.msk [tilespmem:v63+s17+$0x0], $0xffff;
	_ =	sdelay $0x1  }
0x12b: {  	v16 =	vadd.s32 v5, v16;
	_ =	sdelay $0x2  }
0x12c: {  	v17 =	vshra.s32 v17, $0x1  }
0x12d: {  	[tilespmem:v63+s19+$0x0] =	vst.idx.msk $0xffff, v17  }
0x12e: {  	v17 =	vld.idx.msk [tilespmem:v16+s17+$0x0], $0xffff;
	_ =	sdelay $0x4  }
0x12f: {  	v17 =	vshra.s32 v17, $0x1  }
0x130: {  	[tilespmem:v16+s19+$0x0] =	vst.idx.msk $0xffff, v17  }
0x131: {  	[tilespmem:s31], [sflag:$0x1] =	stream.indirect.gather [hbm4b:s6+s20], $0x8, s19, s20, $0xb8;
	[tilespmem:$0x1D4D0] =	vst v63  }
0x132: {  	s9 =	simm.s32 $0x96F0  }
0x133: {  	[tilespmem:s9], [sflag:$0x1] =	stream.indirect.gather [hbm4b:s6+s20], $0x8, s23, s20, $0xb8;
	[tilespmem:$0x1D4D0] =	vst v63  }
0x134: {  	s12 =	simm.s32 $0x9970;
	s23 =	simm.s32 $0x1040  }
0x135: {  	[tilespmem:s12], [sflag:$0x1] =	stream.indirect.gather [hbm4b:s6+s20], $0x8, s23, s20, $0xb8;
	[tilespmem:$0x1D4D0] =	vst v63  }
0x136: {  	s12 =	simm.s32 $0x1090;
	s23 =	simm.s32 $0x9BF0  }
0x137: {  	[tilespmem:s23], [sflag:$0x1] =	stream.indirect.gather [hbm4b:s6+s20], $0x8, s12, s20, $0xb8;
	[tilespmem:$0x1D4D0] =	vst v63  }
0x138: {  	s12 =	simm.s32 $0x10E0;
	s23 =	simm.s32 $0x9E70  }
0x139: {  	[tilespmem:s23], [sflag:$0x1] =	stream.indirect.gather [hbm4b:s6+s20], $0x8, s12, s20, $0xb8;
	[tilespmem:$0x1D4D0] =	vst v63  }
0x13a: {  	s12 =	simm.s32 $0x1130;
	s23 =	simm.s32 $0xA0F0  }
0x13b: {  	[tilespmem:s23], [sflag:$0x1] =	stream.indirect.gather [hbm4b:s6+s20], $0x8, s12, s20, $0xb8;
	[tilespmem:$0x1D4D0] =	vst v63  }
0x13c: {  	s12 =	simm.s32 $0x1180;
	s23 =	simm.s32 $0xA370  }
0x13d: {  	[tilespmem:s23], [sflag:$0x1] =	stream.indirect.gather [hbm4b:s6+s20], $0x8, s12, s20, $0xb8;
	[tilespmem:$0x1D4D0] =	vst v63  }
0x13e: {  	s12 =	simm.s32 $0x11D0;
	s23 =	simm.s32 $0xA5F0  }
0x13f: {  	[tilespmem:s23], [sflag:$0x1] =	stream.indirect.gather [hbm4b:s6+s20], $0x8, s12, s20, $0xb8;
	[tilespmem:$0x1D4D0] =	vst v63  }
0x140: {  	s12 =	simm.s32 $0x1220;
	s23 =	simm.s32 $0xA870  }
0x141: {  	[tilespmem:s23], [sflag:$0x1] =	stream.indirect.gather [hbm4b:s6+s20], $0x8, s12, s20, $0xb8;
	[tilespmem:$0x1D4D0] =	vst v63  }
0x142: {  	s12 =	simm.s32 $0x1270;
	s23 =	simm.s32 $0xAAF0  }
0x143: {  	[tilespmem:s23], [sflag:$0x1] =	stream.indirect.gather [hbm4b:s6+s20], $0x8, s12, s20, $0xb8;
	[tilespmem:$0x1D4D0] =	vst v63  }
0x144: {  	s12 =	simm.s32 $0x12C0;
	s23 =	simm.s32 $0xAD70  }
0x145: {  	[tilespmem:s23], [sflag:$0x1] =	stream.indirect.gather [hbm4b:s6+s20], $0x8, s12, s20, $0xb8;
	[tilespmem:$0x1D4D0] =	vst v63  }
0x146: {  	s12 =	simm.s32 $0xAFF0  }
0x147: {  	[tilespmem:s12], [sflag:$0x1] =	stream.indirect.gather [hbm4b:s6+s20], $0x8, s28, s20, $0xb8;
	[tilespmem:$0x1D4D0] =	vst v63  }
0x148: {  	s23 =	simm.s32 $0xB270  }
0x149: {  	[tilespmem:s23], [sflag:$0x1] =	stream.indirect.gather [hbm4b:s6+s20], $0x8, s0, s20, $0xb8;
	[tilespmem:$0x1D4D0] =	vst v63  }
0x14a: {  	s12 =	simm.s32 $0xB4F0  }
0x14b: {  	[tilespmem:s12], [sflag:$0x1] =	stream.indirect.gather [hbm4b:s6+s20], $0x8, s11, s20, $0xb8;
	[tilespmem:$0x1D4D0] =	vst v63  }
0x14c: {  	s23 =	simm.s32 $0xB770  }
0x14d: {  	[tilespmem:s23], [sflag:$0x1] =	stream.indirect.gather [hbm4b:s6+s20], $0x8, s14, s20, $0xb8;
	[tilespmem:$0x1D4D0] =	vst v63  }
0x14e: {  	s12 =	simm.s32 $0xB9F0  }
0x14f: {  	[tilespmem:s12], [sflag:$0x1] =	stream.indirect.gather [hbm4b:s6+s20], $0x8, s30, s20, $0xb8;
	[tilespmem:$0x1D4D0] =	vst v63  }
0x150: {  	s23 =	simm.s32 $0xBC70  }
0x151: {  	[tilespmem:s23], [sflag:$0x1] =	stream.indirect.gather [hbm4b:s6+s20], $0x8, s13, s20, $0xb8;
	[tilespmem:$0x1D4D0] =	vst v63  }
0x152: {  	s12 =	simm.s32 $0xBEF0  }
0x153: {  	[tilespmem:s12], [sflag:$0x1] =	stream.indirect.gather [hbm4b:s6+s20], $0x8, s7, s20, $0xb8;
	[tilespmem:$0x1D4D0] =	vst v63  }
0x154: {  	s23 =	simm.s32 $0xC170  }
0x155: {  	[tilespmem:s23], [sflag:$0x1] =	stream.indirect.gather [hbm4b:s6+s20], $0x8, s25, s20, $0xb8;
	[tilespmem:$0x1D4D0] =	vst v63  }
0x156: {  	s12 =	simm.s32 $0xC3F0  }
0x157: {  	[tilespmem:s12], [sflag:$0x1] =	stream.indirect.gather [hbm4b:s6+s20], $0x8, s4, s20, $0xb8;
	[tilespmem:$0x1D4D0] =	vst v63  }
0x158: {  	s23 =	simm.s32 $0xC670  }
0x159: {  	[tilespmem:s23], [sflag:$0x1] =	stream.indirect.gather [hbm4b:s6+s20], $0x8, s5, s20, $0xb8;
	[tilespmem:$0x1D4D0] =	vst v63  }
0x15a: {  	s12 =	simm.s32 $0xC8F0  }
0x15b: {  	[tilespmem:s12], [sflag:$0x1] =	stream.indirect.gather [hbm4b:s6+s20], $0x8, s10, s20, $0xb8;
	[tilespmem:$0x1D4D0] =	vst v63  }
0x15c: {  	s23 =	simm.s32 $0xCB70  }
0x15d: {  	[tilespmem:s23], [sflag:$0x1] =	stream.indirect.gather [hbm4b:s6+s20], $0x8, s22, s20, $0xb8;
	[tilespmem:$0x1D4D0] =	vst v63  }
0x15e: {  	s12 =	simm.s32 $0xCDF0  }
0x15f: {  	[tilespmem:s12], [sflag:$0x1] =	stream.indirect.gather [hbm4b:s6+s20], $0x8, s24, s20, $0xb8;
	[tilespmem:$0x1D4D0] =	vst v63  }
0x160: {  	s23 =	simm.s32 $0xD070  }
0x161: {  	[tilespmem:s23], [sflag:$0x1] =	stream.indirect.gather [hbm4b:s6+s20], $0x8, s26, s20, $0xb8;
	[tilespmem:$0x1D4D0] =	vst v63  }
0x162: {  	_ =	swait.ge [sflag:s29], $0x280  }
0x163: {  	[sflag:s29] =	ssyncset.done $0x0  }
0x164: {  	[sflag:s29] =	ssyncadd.s32 $0xFFFFFD80  }
0x165: {  	_ =	swait.ge [sflag:s29], $0x280  }
0x166: {  	[sflag:s29] =	ssyncset.done $0x0  }
0x167: {  	[sflag:s29] =	ssyncadd.s32 $0xFFFFFD80  }
0x168: {  	_ =	swait.ge [sflag:s29], $0x280  }
0x169: {  	[sflag:s29] =	ssyncset.done $0x0  }
0x16a: {  	[sflag:s29] =	ssyncadd.s32 $0xFFFFFD80  }
0x16b: {  	_ =	swait.ge [sflag:s29], $0x280  }
0x16c: {  	[sflag:s29] =	ssyncset.done $0x0  }
0x16d: {  	[sflag:s29] =	ssyncadd.s32 $0xFFFFFD80  }
0x16e: {  	_ =	swait.ge [sflag:s29], $0x280  }
0x16f: {  	[sflag:s29] =	ssyncset.done $0x0  }
0x170: {  	[sflag:s29] =	ssyncadd.s32 $0xFFFFFD80  }
0x171: {  	_ =	swait.ge [sflag:s29], $0x280  }
0x172: {  	[sflag:s29] =	ssyncset.done $0x0  }
0x173: {  	[sflag:s29] =	ssyncadd.s32 $0xFFFFFD80  }
0x174: {  	_ =	swait.ge [sflag:s29], $0x280  }
0x175: {  	[sflag:s29] =	ssyncset.done $0x0  }
0x176: {  	[sflag:s29] =	ssyncadd.s32 $0xFFFFFD80  }
0x177: {  	_ =	swait.ge [sflag:s29], $0x280  }
0x178: {  	[sflag:s29] =	ssyncset.done $0x0  }
0x179: {  	[sflag:s29] =	ssyncadd.s32 $0xFFFFFD80  }
0x17a: {  	_ =	swait.ge [sflag:s29], $0x280  }
0x17b: {  	[sflag:s29] =	ssyncset.done $0x0  }
0x17c: {  	[sflag:s29] =	ssyncadd.s32 $0xFFFFFD80  }
0x17d: {  	_ =	swait.ge [sflag:s29], $0x280  }
0x17e: {  	[sflag:s29] =	ssyncset.done $0x0  }
0x17f: {  	[sflag:s29] =	ssyncadd.s32 $0xFFFFFD80  }
0x180: {  	_ =	swait.ge [sflag:s29], $0x280  }
0x181: {  	[sflag:s29] =	ssyncset.done $0x0  }
0x182: {  	[sflag:s29] =	ssyncadd.s32 $0xFFFFFD80  }
0x183: {  	_ =	swait.ge [sflag:s29], $0x280  }
0x184: {  	[sflag:s29] =	ssyncset.done $0x0  }
0x185: {  	[sflag:s29] =	ssyncadd.s32 $0xFFFFFD80  }
0x186: {  	_ =	swait.ge [sflag:s29], $0x280  }
0x187: {  	[sflag:s29] =	ssyncset.done $0x0  }
0x188: {  	[sflag:s29] =	ssyncadd.s32 $0xFFFFFD80  }
0x189: {  	_ =	swait.ge [sflag:s29], $0x280  }
0x18a: {  	[sflag:s29] =	ssyncset.done $0x0  }
0x18b: {  	[sflag:s29] =	ssyncadd.s32 $0xFFFFFD80  }
0x18c: {  	_ =	swait.ge [sflag:s29], $0x280  }
0x18d: {  	[sflag:s29] =	ssyncset.done $0x0  }
0x18e: {  	[sflag:s29] =	ssyncadd.s32 $0xFFFFFD80  }
0x18f: {  	_ =	swait.ge [sflag:s29], $0x280  }
0x190: {  	[sflag:s29] =	ssyncset.done $0x0  }
0x191: {  	[sflag:s29] =	ssyncadd.s32 $0xFFFFFD80  }
0x192: {  	_ =	swait.ge [sflag:s29], $0x280  }
0x193: {  	[sflag:s29] =	ssyncset.done $0x0  }
0x194: {  	[sflag:s29] =	ssyncadd.s32 $0xFFFFFD80  }
0x195: {  	_ =	swait.ge [sflag:s29], $0x280  }
0x196: {  	[sflag:s29] =	ssyncset.done $0x0  }
0x197: {  	[sflag:s29] =	ssyncadd.s32 $0xFFFFFD80  }
0x198: {  	_ =	swait.ge [sflag:s29], $0x280  }
0x199: {  	[sflag:s29] =	ssyncset.done $0x0  }
0x19a: {  	[sflag:s29] =	ssyncadd.s32 $0xFFFFFD80  }
0x19b: {  	_ =	swait.ge [sflag:s29], $0x280  }
0x19c: {  	[sflag:s29] =	ssyncset.done $0x0  }
0x19d: {  	[sflag:s29] =	ssyncadd.s32 $0xFFFFFD80  }
0x19e: {  	_ =	swait.ge [sflag:s29], $0x280  }
0x19f: {  	[sflag:s29] =	ssyncset.done $0x0  }
0x1a0: {  	[sflag:s29] =	ssyncadd.s32 $0xFFFFFD80  }
0x1a1: {  	_ =	swait.ge [sflag:s29], $0x280  }
0x1a2: {  	[sflag:s29] =	ssyncset.done $0x0  }
0x1a3: {  	[sflag:s29] =	ssyncadd.s32 $0xFFFFFD80  }
0x1a4: {  	_ =	swait.ge [sflag:s29], $0x280  }
0x1a5: {  	[sflag:s29] =	ssyncset.done $0x0  }
0x1a6: {  	[sflag:s29] =	ssyncadd.s32 $0xFFFFFD80  }
0x1a7: {  	_ =	swait.ge [sflag:s29], $0x280  }
0x1a8: {  	[sflag:s29] =	ssyncset.done $0x0  }
0x1a9: {  	[sflag:s29] =	ssyncadd.s32 $0xFFFFFD80  }
0x1aa: {  	_ =	swait.ge [sflag:s29], $0x280  }
0x1ab: {  	[sflag:s29] =	ssyncset.done $0x0  }
0x1ac: {  	s12 =	simm.s32 $0x0;
	[sflag:s29] =	ssyncadd.s32 $0xFFFFFD80  }
.LBB2_7:
0x1ad: {  	v16 =	vmov s12  }
0x1ae: {  	v17 =	vmul.u32 $0x50, v16;
	_ =	sdelay $0x1  }
0x1af: {  	v18 =	vor.u32 v0, v17;
	_ =	sdelay $0x1  }
0x1b0: {  	v16 =	vmul.u32 $0x280, v16;
	_ =	sdelay $0x1  }
0x1b1: {  	v19 =	vor.u32 v2, v16  }
0x1b2: {  	v21 =	vor.u32 v6, v16;
	v20 =	vld.idx.msk [tilespmem:v18+s3+$0x0], $0xffff  }
0x1b3: {  	v22 =	vld.idx.msk [tilespmem:v18+s17+$0x0], $0xffff;
	_ =	sdelay $0x2  }
0x1b4: {  	v19 =	vld.idx.msk [tilespmem:v19+s18+$0x0], $0xffff  }
0x1b5: {  	v21 =	vld.idx.msk [tilespmem:v21+s18+$0x0], $0xffff;
	v20 =	vshll.u32 v20, $0x2  }
0x1b6: {  	v23 =	vshll.u32 v18, $0x3;
	v31 =	vshll.u32 v22, $0x2;
	v20 =	vand.u32 $0x4, v20  }
0x1b7: {  	v18 =	vand.u32 $0x4, v31;
	v20 =	vor.u32 v23, v20  }
0x1b8: {  	v18 =	vor.u32 v23, v18  }
0x1b9: {  	v24 =	vadd.f32 $9.999999930e-09, v19;
	v32 =	vor.u32 $0x1, v20  }
0x1ba: {  	v26 =	vadd.f32 $9.999999930e-09, v21;
	v25 =	vor.u32 $0x1, v18  }
0x1bb: {  	(erf) = vrcp.f32 v24  }
0x1bc: {  	v27 =	vor.u32 $0x2, v20;
	(erf) = vrcp.f32 v26;
	v33 =	vld.idx.msk [tilespmem:v20+s21+$0x0], $0xffff  }
0x1bd: {  	v19 =	vmul.f32 v19, v19;
	v35 =	vor.u32 $0x2, v18;
	v28 =	vld.idx.msk [tilespmem:v18+s31+$0x0], $0xffff  }
0x1be: {  	v21 =	vmul.f32 v21, v21;
	v34 =	vld.idx.msk [tilespmem:v32+s21+$0x0], $0xffff  }
0x1bf: {  	v19 =	vadd.f32 $9.999999930e-09, v19;
	v25 =	vld.idx.msk [tilespmem:v25+s31+$0x0], $0xffff  }
0x1c0: {  	v21 =	vadd.f32 $9.999999930e-09, v21  }
0x1c1: {  	(erf) = vrcp.f32 v19;
	v27 =	vld.idx.msk [tilespmem:v27+s21+$0x0], $0xffff  }
0x1c2: {  	(erf) = vrcp.f32 v21;
	v29 =	vld.idx.msk [tilespmem:v35+s31+$0x0], $0xffff;
	_ =	sdelay $0x1  }
0x1c3: {  	v36 =	vor.u32 $0x3, v18;
	v30 =	vpop (erf);
	v22 =	vsub.f32 v28, v33;
	v19 =	vsub.f32 v25, v34  }
0x1c4: {  	v20 =	vor.u32 $0x3, v20;
	v37 =	vpop (erf)  }
0x1c5: {  	v39 =	vor.u32 $0x1, v23;
	v38 =	vmul.f32 v22, v30;
	v26 =	vmul.f32 v19, v37  }
0x1c6: {  	v45 =	vadd.s32 v1, v17;
	v40 =	vor.u32 $0x2, v23;
	v18 =	vsub.f32 v29, v27  }
0x1c7: {  	v41 =	vor.u32 $0x3, v23;
	v31 =	vmul.f32 v22, v37;
	v25 =	vadd.f32 v26, v38  }
0x1c8: {  	v42 =	vor.u32 $0x4, v23;
	v21 =	vld.idx.msk [tilespmem:v36+s31+$0x0], $0xffff;
	v27 =	vmul.f32 v18, v30;
	v30 =	vmul.f32 v19, v30  }
0x1c9: {  	v20 =	vld.idx.msk [tilespmem:v20+s21+$0x0], $0xffff;
	v32 =	vpop (erf);
	v24 =	vmul.f32 v18, v37;
	[tilespmem:v23+s16+$0x0] =	vst.idx.msk $0xffff, v25;
	v23 =	vor.u32 $0x5, v23  }
0x1ca: {  	v43 =	vpop (erf);
	v44 =	vmul.f32 v22, v32;
	v30 =	vadd.f32 v30, v31;
	[tilespmem:v39+s16+$0x0] =	vst.idx.msk $0xffff, v27  }
0x1cb: {  	v46 =	vmul.f32 v19, v43;
	[tilespmem:v40+s16+$0x0] =	vst.idx.msk $0xffff, v24  }
0x1cc: {  	v47 =	vmul.f32 $5.000000000e-01, v30;
	[tilespmem:v41+s16+$0x0] =	vst.idx.msk $0xffff, v44  }
0x1cd: {  	[tilespmem:v42+s16+$0x0] =	vst.idx.msk $0xffff, v46  }
0x1ce: {  	v48 =	vadd.s32 v7, v16;
	[tilespmem:v23+s16+$0x0] =	vst.idx.msk $0xffff, v47  }
0x1cf: {  	v49 =	vadd.s32 v8, v16;
	v24 =	vld.idx.msk [tilespmem:v45+s3+$0x0], $0xffff  }
0x1d0: {  	v26 =	vld.idx.msk [tilespmem:v45+s17+$0x0], $0xffff;
	_ =	sdelay $0x2  }
0x1d1: {  	v23 =	vld.idx.msk [tilespmem:v48+s18+$0x0], $0xffff  }
0x1d2: {  	v25 =	vld.idx.msk [tilespmem:v49+s18+$0x0], $0xffff;
	v24 =	vshll.u32 v24, $0x2  }
0x1d3: {  	v50 =	vshll.u32 v45, $0x3;
	v26 =	vshll.u32 v26, $0x2;
	v24 =	vand.u32 $0x4, v24  }
0x1d4: {  	v26 =	vand.u32 $0x4, v26;
	v24 =	vor.u32 v50, v24  }
0x1d5: {  	v26 =	vor.u32 v50, v26  }
0x1d6: {  	v52 =	vadd.f32 $9.999999930e-09, v23;
	v51 =	vor.u32 $0x1, v24  }
0x1d7: {  	v54 =	vadd.f32 $9.999999930e-09, v25;
	v53 =	vor.u32 $0x1, v26  }
0x1d8: {  	(erf) = vrcp.f32 v52  }
0x1d9: {  	v56 =	vor.u32 $0x2, v24;
	(erf) = vrcp.f32 v54;
	v55 =	vld.idx.msk [tilespmem:v24+s21+$0x0], $0xffff  }
0x1da: {  	v23 =	vmul.f32 v23, v23;
	v58 =	vor.u32 $0x2, v26;
	v33 =	vld.idx.msk [tilespmem:v26+s31+$0x0], $0xffff  }
0x1db: {  	v25 =	vmul.f32 v25, v25;
	v57 =	vld.idx.msk [tilespmem:v51+s21+$0x0], $0xffff  }
0x1dc: {  	v23 =	vadd.f32 $9.999999930e-09, v23;
	v30 =	vld.idx.msk [tilespmem:v53+s31+$0x0], $0xffff  }
0x1dd: {  	v25 =	vadd.f32 $9.999999930e-09, v25  }
0x1de: {  	(erf) = vrcp.f32 v23;
	v32 =	vld.idx.msk [tilespmem:v56+s21+$0x0], $0xffff  }
0x1df: {  	(erf) = vrcp.f32 v25;
	v34 =	vld.idx.msk [tilespmem:v58+s31+$0x0], $0xffff;
	_ =	sdelay $0x1  }
0x1e0: {  	v35 =	vor.u32 $0x3, v24;
	v36 =	vpop (erf);
	v27 =	vsub.f32 v33, v55;
	v24 =	vsub.f32 v30, v57  }
0x1e1: {  	v26 =	vor.u32 $0x3, v26;
	v59 =	vpop (erf)  }
0x1e2: {  	v61 =	vor.u32 $0x1, v50;
	v60 =	vmul.f32 v27, v36;
	v31 =	vmul.f32 v24, v59  }
0x1e3: {  	v62 =	vor.u32 $0x2, v50;
	v63 =	vor.u32 $0x3, v50;
	v23 =	vsub.f32 v34, v32  }
0x1e4: {  	v28 =	vor.u32 $0x5, v50;
	v41 =	vmul.f32 v27, v59;
	v30 =	vadd.f32 v31, v60  }
0x1e5: {  	v40 =	vor.u32 $0x4, v50;
	v25 =	vld.idx.msk [tilespmem:v35+s21+$0x0], $0xffff;
	v32 =	vmul.f32 v23, v36;
	v36 =	vmul.f32 v24, v36  }
0x1e6: {  	v44 =	vadd.s32 v3, v17;
	v26 =	vld.idx.msk [tilespmem:v26+s31+$0x0], $0xffff;
	v37 =	vpop (erf);
	v29 =	vmul.f32 v23, v59;
	[tilespmem:v50+s16+$0x0] =	vst.idx.msk $0xffff, v30  }
0x1e7: {  	v42 =	vpop (erf);
	v43 =	vmul.f32 v27, v37;
	v35 =	vadd.f32 v36, v41;
	[tilespmem:v61+s16+$0x0] =	vst.idx.msk $0xffff, v32  }
0x1e8: {  	v45 =	vmul.f32 v24, v42;
	[tilespmem:v62+s16+$0x0] =	vst.idx.msk $0xffff, v29  }
0x1e9: {  	v46 =	vmul.f32 $5.000000000e-01, v35;
	[tilespmem:v63+s16+$0x0] =	vst.idx.msk $0xffff, v43  }
0x1ea: {  	[tilespmem:v40+s16+$0x0] =	vst.idx.msk $0xffff, v45  }
0x1eb: {  	v47 =	vadd.s32 v9, v16;
	[tilespmem:v28+s16+$0x0] =	vst.idx.msk $0xffff, v46  }
0x1ec: {  	v48 =	vadd.s32 v10, v16;
	v29 =	vld.idx.msk [tilespmem:v44+s3+$0x0], $0xffff  }
0x1ed: {  	v31 =	vld.idx.msk [tilespmem:v44+s17+$0x0], $0xffff;
	_ =	sdelay $0x2  }
0x1ee: {  	v28 =	vld.idx.msk [tilespmem:v47+s18+$0x0], $0xffff  }
0x1ef: {  	v30 =	vld.idx.msk [tilespmem:v48+s18+$0x0], $0xffff;
	v29 =	vshll.u32 v29, $0x2  }
0x1f0: {  	v49 =	vshll.u32 v44, $0x3;
	v31 =	vshll.u32 v31, $0x2;
	v29 =	vand.u32 $0x4, v29  }
0x1f1: {  	v31 =	vand.u32 $0x4, v31;
	v29 =	vor.u32 v49, v29  }
0x1f2: {  	v31 =	vor.u32 v49, v31  }
0x1f3: {  	v51 =	vadd.f32 $9.999999930e-09, v28;
	v50 =	vor.u32 $0x1, v29  }
0x1f4: {  	v53 =	vadd.f32 $9.999999930e-09, v30;
	v52 =	vor.u32 $0x1, v31  }
0x1f5: {  	(erf) = vrcp.f32 v51  }
0x1f6: {  	v55 =	vor.u32 $0x2, v29;
	(erf) = vrcp.f32 v53;
	v54 =	vld.idx.msk [tilespmem:v29+s21+$0x0], $0xffff  }
0x1f7: {  	v28 =	vmul.f32 v28, v28;
	v56 =	vor.u32 $0x2, v31;
	v38 =	vld.idx.msk [tilespmem:v31+s31+$0x0], $0xffff  }
0x1f8: {  	v30 =	vmul.f32 v30, v30;
	v33 =	vld.idx.msk [tilespmem:v50+s21+$0x0], $0xffff  }
0x1f9: {  	v28 =	vadd.f32 $9.999999930e-09, v28;
	v35 =	vld.idx.msk [tilespmem:v52+s31+$0x0], $0xffff  }
0x1fa: {  	v30 =	vadd.f32 $9.999999930e-09, v30  }
0x1fb: {  	(erf) = vrcp.f32 v28;
	v37 =	vld.idx.msk [tilespmem:v55+s21+$0x0], $0xffff  }
0x1fc: {  	(erf) = vrcp.f32 v30;
	v36 =	vld.idx.msk [tilespmem:v56+s31+$0x0], $0xffff;
	_ =	sdelay $0x1  }
0x1fd: {  	v29 =	vor.u32 $0x3, v29;
	v57 =	vpop (erf);
	v34 =	vsub.f32 v38, v54;
	v33 =	vsub.f32 v35, v33  }
0x1fe: {  	v31 =	vor.u32 $0x3, v31;
	v58 =	vpop (erf)  }
0x1ff: {  	v40 =	vor.u32 $0x1, v49;
	v38 =	vmul.f32 v34, v57;
	v39 =	vmul.f32 v33, v58  }
0x200: {  	v60 =	vor.u32 $0x2, v49;
	v32 =	vor.u32 $0x5, v49;
	v28 =	vsub.f32 v36, v37  }
0x201: {  	v62 =	vor.u32 $0x3, v49;
	v41 =	vmul.f32 v34, v58;
	v59 =	vadd.f32 v39, v38  }
0x202: {  	v63 =	vor.u32 $0x4, v49;
	v29 =	vld.idx.msk [tilespmem:v29+s21+$0x0], $0xffff;
	v61 =	vmul.f32 v28, v57;
	v30 =	vmul.f32 v33, v57  }
0x203: {  	v47 =	vadd.s32 v4, v17;
	v31 =	vld.idx.msk [tilespmem:v31+s31+$0x0], $0xffff;
	v42 =	vpop (erf);
	v35 =	vmul.f32 v28, v58;
	[tilespmem:v49+s16+$0x0] =	vst.idx.msk $0xffff, v59  }
0x204: {  	v45 =	vpop (erf);
	v46 =	vmul.f32 v34, v42;
	v30 =	vadd.f32 v30, v41;
	[tilespmem:v40+s16+$0x0] =	vst.idx.msk $0xffff, v61  }
0x205: {  	v48 =	vmul.f32 v33, v45;
	[tilespmem:v60+s16+$0x0] =	vst.idx.msk $0xffff, v35  }
0x206: {  	v30 =	vmul.f32 $5.000000000e-01, v30;
	v49 =	vadd.s32 v11, v16;
	[tilespmem:v62+s16+$0x0] =	vst.idx.msk $0xffff, v46  }
0x207: {  	[tilespmem:v63+s16+$0x0] =	vst.idx.msk $0xffff, v48  }
0x208: {  	[tilespmem:v32+s16+$0x0] =	vst.idx.msk $0xffff, v30  }
0x209: {  	v50 =	vadd.s32 v12, v16;
	v32 =	vld.idx.msk [tilespmem:v47+s3+$0x0], $0xffff  }
0x20a: {  	v36 =	vld.idx.msk [tilespmem:v47+s17+$0x0], $0xffff  }
0x20b: {  	v30 =	vld.idx.msk [tilespmem:v49+s18+$0x0], $0xffff;
	_ =	sdelay $0x2  }
0x20c: {  	v35 =	vld.idx.msk [tilespmem:v50+s18+$0x0], $0xffff;
	v32 =	vshll.u32 v32, $0x2  }
0x20d: {  	v51 =	vshll.u32 v47, $0x3;
	v36 =	vshll.u32 v36, $0x2;
	v32 =	vand.u32 $0x4, v32  }
0x20e: {  	v53 =	vadd.f32 $9.999999930e-09, v30;
	v36 =	vand.u32 $0x4, v36;
	v32 =	vor.u32 v51, v32  }
0x20f: {  	v36 =	vor.u32 v51, v36  }
0x210: {  	(erf) = vrcp.f32 v53;
	v52 =	vor.u32 $0x1, v32  }
0x211: {  	v55 =	vadd.f32 $9.999999930e-09, v35;
	v54 =	vor.u32 $0x1, v36;
	_ =	sdelay $0x1  }
0x212: {  	v57 =	vor.u32 $0x2, v32;
	(erf) = vrcp.f32 v55;
	v56 =	vld.idx.msk [tilespmem:v32+s21+$0x0], $0xffff  }
0x213: {  	v30 =	vmul.f32 v30, v30;
	v58 =	vor.u32 $0x2, v36;
	v43 =	vld.idx.msk [tilespmem:v36+s31+$0x0], $0xffff  }
0x214: {  	v35 =	vmul.f32 v35, v35;
	v38 =	vld.idx.msk [tilespmem:v52+s21+$0x0], $0xffff  }
0x215: {  	v30 =	vadd.f32 $9.999999930e-09, v30;
	v40 =	vld.idx.msk [tilespmem:v54+s31+$0x0], $0xffff  }
0x216: {  	v35 =	vadd.f32 $9.999999930e-09, v35  }
0x217: {  	v22 =	vmul.f32 v22, v22;
	(erf) = vrcp.f32 v30;
	v42 =	vld.idx.msk [tilespmem:v57+s21+$0x0], $0xffff  }
0x218: {  	v19 =	vmul.f32 v19, v19;
	v41 =	vld.idx.msk [tilespmem:v58+s31+$0x0], $0xffff;
	v59 =	vpop (erf);
	(erf) = vrcp.f32 v35  }
0x219: {  	v18 =	vmul.f32 v18, v18;
	v15 =	vadd.f32 v22, v15;
	v20 =	vsub.f32 v21, v20  }
0x21a: {  	v32 =	vor.u32 $0x3, v32;
	v35 =	vsub.f32 v43, v56;
	v38 =	vsub.f32 v40, v38  }
0x21b: {  	v15 =	vadd.f32 v19, v15;
	v17 =	vadd.s32 v5, v17;
	v36 =	vor.u32 $0x3, v36;
	v60 =	vpop (erf)  }
0x21c: {  	v61 =	vor.u32 $0x1, v51;
	v39 =	vmul.f32 v35, v59;
	v40 =	vmul.f32 v38, v60  }
0x21d: {  	v45 =	vor.u32 $0x3, v51;
	v62 =	vor.u32 $0x2, v51;
	v41 =	vsub.f32 v41, v42  }
0x21e: {  	v47 =	vmul.f32 v20, v20;
	v22 =	vmul.f32 v35, v60;
	v39 =	vadd.f32 v40, v39  }
0x21f: {  	v46 =	vor.u32 $0x4, v51;
	v32 =	vld.idx.msk [tilespmem:v32+s21+$0x0], $0xffff;
	v63 =	vmul.f32 v41, v59;
	v30 =	vmul.f32 v38, v59  }
0x220: {  	v49 =	vor.u32 $0x5, v51;
	v19 =	vld.idx.msk [tilespmem:v36+s31+$0x0], $0xffff;
	v48 =	vpop (erf);
	v44 =	vmul.f32 v41, v60;
	[tilespmem:v51+s16+$0x0] =	vst.idx.msk $0xffff, v39  }
0x221: {  	v20 =	vmul.f32 v35, v48;
	v22 =	vadd.f32 v30, v22;
	[tilespmem:v61+s16+$0x0] =	vst.idx.msk $0xffff, v63;
	v50 =	vpop (erf)  }
0x222: {  	v15 =	vadd.f32 v18, v15;
	[tilespmem:v62+s16+$0x0] =	vst.idx.msk $0xffff, v44;
	v52 =	vmul.f32 v38, v50  }
0x223: {  	v55 =	vadd.s32 v13, v16;
	v53 =	vmul.f32 $5.000000000e-01, v22;
	[tilespmem:v45+s16+$0x0] =	vst.idx.msk $0xffff, v20  }
0x224: {  	v15 =	vadd.f32 v47, v15;
	v51 =	vmul.f32 v27, v27;
	[tilespmem:v46+s16+$0x0] =	vst.idx.msk $0xffff, v52  }
0x225: {  	[tilespmem:v49+s16+$0x0] =	vst.idx.msk $0xffff, v53  }
0x226: {  	v16 =	vadd.s32 v14, v16;
	v54 =	vmul.f32 v24, v24;
	v15 =	vadd.f32 v51, v15;
	v21 =	vld.idx.msk [tilespmem:v17+s3+$0x0], $0xffff  }
0x227: {  	v58 =	vld.idx.msk [tilespmem:v17+s17+$0x0], $0xffff  }
0x228: {  	v57 =	vmul.f32 v23, v23;
	v56 =	vsub.f32 v26, v25;
	v15 =	vadd.f32 v54, v15;
	v20 =	vld.idx.msk [tilespmem:v55+s18+$0x0], $0xffff;
	_ =	sdelay $0x1  }
0x229: {  	v59 =	vmul.f32 v56, v56;
	v60 =	vmul.f32 v34, v34;
	v15 =	vadd.f32 v57, v15  }
0x22a: {  	v39 =	vmul.f32 v28, v28;
	v16 =	vld.idx.msk [tilespmem:v16+s18+$0x0], $0xffff;
	v17 =	vshll.u32 v17, $0x3;
	v21 =	vshll.u32 v21, $0x2  }
0x22b: {  	v15 =	vadd.f32 v59, v15;
	v61 =	vshll.u32 v58, $0x2;
	v21 =	vand.u32 $0x4, v21  }
0x22c: {  	v34 =	vadd.f32 $9.999999930e-09, v20;
	v18 =	vand.u32 $0x4, v61;
	v21 =	vor.u32 v17, v21  }
0x22d: {  	v62 =	vmul.f32 v33, v33;
	v15 =	vadd.f32 v60, v15;
	v18 =	vor.u32 v17, v18  }
0x22e: {  	v20 =	vmul.f32 v20, v20;
	(erf) = vrcp.f32 v34;
	v63 =	vor.u32 $0x1, v21  }
0x22f: {  	v33 =	vsub.f32 v31, v29;
	v37 =	vadd.f32 $9.999999930e-09, v16;
	v36 =	vor.u32 $0x1, v18  }
0x230: {  	v15 =	vadd.f32 v62, v15;
	v20 =	vadd.f32 $9.999999930e-09, v20;
	v40 =	vor.u32 $0x2, v21  }
0x231: {  	(erf) = vrcp.f32 v37;
	v43 =	vor.u32 $0x2, v18;
	v42 =	vld.idx.msk [tilespmem:v21+s21+$0x0], $0xffff  }
0x232: {  	v24 =	vmul.f32 v33, v33;
	v15 =	vadd.f32 v39, v15;
	(erf) = vrcp.f32 v20;
	v44 =	vld.idx.msk [tilespmem:v18+s31+$0x0], $0xffff  }
0x233: {  	v16 =	vmul.f32 v16, v16;
	v23 =	vld.idx.msk [tilespmem:v63+s21+$0x0], $0xffff  }
0x234: {  	v45 =	vmul.f32 v35, v35;
	v15 =	vadd.f32 v24, v15;
	v21 =	vor.u32 $0x3, v21;
	v22 =	vld.idx.msk [tilespmem:v36+s31+$0x0], $0xffff  }
0x235: {  	v19 =	vsub.f32 v19, v32;
	v16 =	vadd.f32 $9.999999930e-09, v16;
	v18 =	vor.u32 $0x3, v18;
	v28 =	vld.idx.msk [tilespmem:v40+s21+$0x0], $0xffff  }
0x236: {  	v47 =	vmul.f32 v41, v41;
	v46 =	vmul.f32 v38, v38;
	v15 =	vadd.f32 v45, v15;
	v26 =	vld.idx.msk [tilespmem:v43+s31+$0x0], $0xffff  }
0x237: {  	v19 =	vmul.f32 v19, v19;
	v48 =	vpop (erf);
	(erf) = vrcp.f32 v16  }
0x238: {  	v53 =	vor.u32 $0x1, v17;
	v15 =	vadd.f32 v46, v15;
	v16 =	vsub.f32 v44, v42  }
0x239: {  	v55 =	vor.u32 $0x2, v17;
	v56 =	vor.u32 $0x3, v17;
	v21 =	vld.idx.msk [tilespmem:v21+s21+$0x0], $0xffff;
	v22 =	vsub.f32 v22, v23  }
0x23a: {  	v57 =	vor.u32 $0x4, v17;
	v15 =	vadd.f32 v47, v15;
	v18 =	vld.idx.msk [tilespmem:v18+s31+$0x0], $0xffff;
	v49 =	vpop (erf);
	v50 =	vmul.f32 v16, v48  }
0x23b: {  	v52 =	vsub.f32 v26, v28;
	v59 =	vpop (erf);
	v27 =	vmul.f32 v16, v16;
	v51 =	vmul.f32 v22, v49  }
0x23c: {  	v15 =	vadd.f32 v19, v15;
	v58 =	vmul.f32 v16, v49;
	v16 =	vmul.f32 v16, v59  }
0x23d: {  	v54 =	vmul.f32 v52, v48;
	v24 =	vmul.f32 v22, v48;
	v20 =	vadd.f32 v51, v50  }
0x23e: {  	v60 =	vmul.f32 v22, v22;
	v61 =	vmul.f32 v52, v49;
	v15 =	vadd.f32 v27, v15  }
0x23f: {  	p0 =	sne.s32 s12, $0x18;
	v19 =	vmul.f32 v52, v52;
	v18 =	vsub.f32 v18, v21;
	[tilespmem:v17+s16+$0x0] =	vst.idx.msk $0xffff, v20;
	v17 =	vor.u32 $0x5, v17  }
.Ltmp2:
0x240: {  	v24 =	vadd.f32 v24, v58;
	v15 =	vadd.f32 v60, v15;
	[tilespmem:v53+s16+$0x0] =	vst.idx.msk $0xffff, v54;
	v62 =	vpop (erf);
	(pc) =	sbr.rel @p0 .LBB2_7-.Ltmp2, $4  }
0x241: {  	[tilespmem:v55+s16+$0x0] =	vst.idx.msk $0xffff, v61;
	v63 =	vmul.f32 v22, v62  }
0x242: {  	v18 =	vmul.f32 v18, v18;
	v15 =	vadd.f32 v19, v15;
	[tilespmem:v56+s16+$0x0] =	vst.idx.msk $0xffff, v16;
	v16 =	vmul.f32 $5.000000000e-01, v24  }
0x243: {  	[tilespmem:v57+s16+$0x0] =	vst.idx.msk $0xffff, v63  }
0x244: {  	s12 =	sadd.s32 $0x1, s12;
	v15 =	vadd.f32 v18, v15;
	[tilespmem:v17+s16+$0x0] =	vst.idx.msk $0xffff, v16  }
0x245: {  	[spmem:s2] =	stream.indirect.scatter.add.f32 [tilespmem:s16], [sflag:$0x2], $0x8, s3, s20, $0xb8;
	[tilespmem:$0x1D4D0] =	vst v63  }
0x246: {  	s9 =	simm.s32 $0xD570  }
0x247: {  	[spmem:s2] =	stream.indirect.scatter.add.f32 [tilespmem:s9], [sflag:$0x2], $0x8, s20, s20, $0xb8;
	[tilespmem:$0x1D4D0] =	vst v63  }
0x248: {  	s23 =	simm.s32 $0xA0;
	s12 =	simm.s32 $0xD7F0  }
0x249: {  	[spmem:s2] =	stream.indirect.scatter.add.f32 [tilespmem:s12], [sflag:$0x2], $0x8, s23, s20, $0xb8;
	[tilespmem:$0x1D4D0] =	vst v63  }
0x24a: {  	s12 =	simm.s32 $0xF0;
	s23 =	simm.s32 $0xDA70  }
0x24b: {  	[spmem:s2] =	stream.indirect.scatter.add.f32 [tilespmem:s23], [sflag:$0x2], $0x8, s12, s20, $0xb8;
	[tilespmem:$0x1D4D0] =	vst v63  }
0x24c: {  	s12 =	simm.s32 $0x140;
	s23 =	simm.s32 $0xDCF0  }
0x24d: {  	[spmem:s2] =	stream.indirect.scatter.add.f32 [tilespmem:s23], [sflag:$0x2], $0x8, s12, s20, $0xb8;
	[tilespmem:$0x1D4D0] =	vst v63  }
0x24e: {  	s12 =	simm.s32 $0x190;
	s23 =	simm.s32 $0xDF70  }
0x24f: {  	[spmem:s2] =	stream.indirect.scatter.add.f32 [tilespmem:s23], [sflag:$0x2], $0x8, s12, s20, $0xb8;
	[tilespmem:$0x1D4D0] =	vst v63  }
0x250: {  	s12 =	simm.s32 $0x1E0;
	s23 =	simm.s32 $0xE1F0  }
0x251: {  	[spmem:s2] =	stream.indirect.scatter.add.f32 [tilespmem:s23], [sflag:$0x2], $0x8, s12, s20, $0xb8;
	[tilespmem:$0x1D4D0] =	vst v63  }
0x252: {  	s12 =	simm.s32 $0x230;
	s23 =	simm.s32 $0xE470  }
0x253: {  	[spmem:s2] =	stream.indirect.scatter.add.f32 [tilespmem:s23], [sflag:$0x2], $0x8, s12, s20, $0xb8;
	[tilespmem:$0x1D4D0] =	vst v63  }
0x254: {  	s12 =	simm.s32 $0x280;
	s23 =	simm.s32 $0xE6F0  }
0x255: {  	[spmem:s2] =	stream.indirect.scatter.add.f32 [tilespmem:s23], [sflag:$0x2], $0x8, s12, s20, $0xb8;
	[tilespmem:$0x1D4D0] =	vst v63  }
0x256: {  	s12 =	simm.s32 $0x2D0;
	s23 =	simm.s32 $0xE970  }
0x257: {  	[spmem:s2] =	stream.indirect.scatter.add.f32 [tilespmem:s23], [sflag:$0x2], $0x8, s12, s20, $0xb8;
	[tilespmem:$0x1D4D0] =	vst v63  }
0x258: {  	s12 =	simm.s32 $0x320;
	s23 =	simm.s32 $0xEBF0  }
0x259: {  	[spmem:s2] =	stream.indirect.scatter.add.f32 [tilespmem:s23], [sflag:$0x2], $0x8, s12, s20, $0xb8;
	[tilespmem:$0x1D4D0] =	vst v63  }
0x25a: {  	s12 =	simm.s32 $0x370;
	s23 =	simm.s32 $0xEE70  }
0x25b: {  	[spmem:s2] =	stream.indirect.scatter.add.f32 [tilespmem:s23], [sflag:$0x2], $0x8, s12, s20, $0xb8;
	[tilespmem:$0x1D4D0] =	vst v63  }
0x25c: {  	s12 =	simm.s32 $0x3C0;
	s23 =	simm.s32 $0xF0F0  }
0x25d: {  	[spmem:s2] =	stream.indirect.scatter.add.f32 [tilespmem:s23], [sflag:$0x2], $0x8, s12, s20, $0xb8;
	[tilespmem:$0x1D4D0] =	vst v63  }
0x25e: {  	s12 =	simm.s32 $0x410;
	s23 =	simm.s32 $0xF370  }
0x25f: {  	[spmem:s2] =	stream.indirect.scatter.add.f32 [tilespmem:s23], [sflag:$0x2], $0x8, s12, s20, $0xb8;
	[tilespmem:$0x1D4D0] =	vst v63  }
0x260: {  	s12 =	simm.s32 $0x460;
	s23 =	simm.s32 $0xF5F0  }
0x261: {  	[spmem:s2] =	stream.indirect.scatter.add.f32 [tilespmem:s23], [sflag:$0x2], $0x8, s12, s20, $0xb8;
	[tilespmem:$0x1D4D0] =	vst v63  }
0x262: {  	s12 =	simm.s32 $0x4B0;
	s23 =	simm.s32 $0xF870  }
0x263: {  	[spmem:s2] =	stream.indirect.scatter.add.f32 [tilespmem:s23], [sflag:$0x2], $0x8, s12, s20, $0xb8;
	[tilespmem:$0x1D4D0] =	vst v63  }
0x264: {  	s12 =	simm.s32 $0x500;
	s23 =	simm.s32 $0xFAF0  }
0x265: {  	[spmem:s2] =	stream.indirect.scatter.add.f32 [tilespmem:s23], [sflag:$0x2], $0x8, s12, s20, $0xb8;
	[tilespmem:$0x1D4D0] =	vst v63  }
0x266: {  	s12 =	simm.s32 $0x550;
	s23 =	simm.s32 $0xFD70  }
0x267: {  	[spmem:s2] =	stream.indirect.scatter.add.f32 [tilespmem:s23], [sflag:$0x2], $0x8, s12, s20, $0xb8;
	[tilespmem:$0x1D4D0] =	vst v63  }
0x268: {  	s12 =	simm.s32 $0x5A0;
	s23 =	simm.s32 $0xFFF0  }
0x269: {  	[spmem:s2] =	stream.indirect.scatter.add.f32 [tilespmem:s23], [sflag:$0x2], $0x8, s12, s20, $0xb8;
	[tilespmem:$0x1D4D0] =	vst v63  }
0x26a: {  	s12 =	simm.s32 $0x5F0;
	s23 =	simm.s32 $0x10270  }
0x26b: {  	[spmem:s2] =	stream.indirect.scatter.add.f32 [tilespmem:s23], [sflag:$0x2], $0x8, s12, s20, $0xb8;
	[tilespmem:$0x1D4D0] =	vst v63  }
0x26c: {  	s12 =	simm.s32 $0x640;
	s23 =	simm.s32 $0x104F0  }
0x26d: {  	[spmem:s2] =	stream.indirect.scatter.add.f32 [tilespmem:s23], [sflag:$0x2], $0x8, s12, s20, $0xb8;
	[tilespmem:$0x1D4D0] =	vst v63  }
0x26e: {  	s12 =	simm.s32 $0x690;
	s23 =	simm.s32 $0x10770  }
0x26f: {  	[spmem:s2] =	stream.indirect.scatter.add.f32 [tilespmem:s23], [sflag:$0x2], $0x8, s12, s20, $0xb8;
	[tilespmem:$0x1D4D0] =	vst v63  }
0x270: {  	s12 =	simm.s32 $0x6E0;
	s23 =	simm.s32 $0x109F0  }
0x271: {  	[spmem:s2] =	stream.indirect.scatter.add.f32 [tilespmem:s23], [sflag:$0x2], $0x8, s12, s20, $0xb8;
	[tilespmem:$0x1D4D0] =	vst v63  }
0x272: {  	s12 =	simm.s32 $0x730;
	s23 =	simm.s32 $0x10C70  }
0x273: {  	[spmem:s2] =	stream.indirect.scatter.add.f32 [tilespmem:s23], [sflag:$0x2], $0x8, s12, s20, $0xb8;
	[tilespmem:$0x1D4D0] =	vst v63  }
0x274: {  	s12 =	simm.s32 $0x780;
	s23 =	simm.s32 $0x10EF0  }
0x275: {  	[spmem:s2] =	stream.indirect.scatter.add.f32 [tilespmem:s23], [sflag:$0x2], $0x8, s12, s20, $0xb8;
	[tilespmem:$0x1D4D0] =	vst v63  }
0x276: {  	_ =	swait.ge [sflag:s1], $0x280  }
0x277: {  	[sflag:s1] =	ssyncset.done $0x0  }
0x278: {  	[sflag:s1] =	ssyncadd.s32 $0xFFFFFD80  }
0x279: {  	_ =	swait.ge [sflag:s1], $0x280  }
0x27a: {  	[sflag:s1] =	ssyncset.done $0x0  }
0x27b: {  	[sflag:s1] =	ssyncadd.s32 $0xFFFFFD80  }
0x27c: {  	_ =	swait.ge [sflag:s1], $0x280  }
0x27d: {  	[sflag:s1] =	ssyncset.done $0x0  }
0x27e: {  	[sflag:s1] =	ssyncadd.s32 $0xFFFFFD80  }
0x27f: {  	_ =	swait.ge [sflag:s1], $0x280  }
0x280: {  	[sflag:s1] =	ssyncset.done $0x0  }
0x281: {  	[sflag:s1] =	ssyncadd.s32 $0xFFFFFD80  }
0x282: {  	_ =	swait.ge [sflag:s1], $0x280  }
0x283: {  	[sflag:s1] =	ssyncset.done $0x0  }
0x284: {  	[sflag:s1] =	ssyncadd.s32 $0xFFFFFD80  }
0x285: {  	_ =	swait.ge [sflag:s1], $0x280  }
0x286: {  	[sflag:s1] =	ssyncset.done $0x0  }
0x287: {  	[sflag:s1] =	ssyncadd.s32 $0xFFFFFD80  }
0x288: {  	_ =	swait.ge [sflag:s1], $0x280  }
0x289: {  	[sflag:s1] =	ssyncset.done $0x0  }
0x28a: {  	[sflag:s1] =	ssyncadd.s32 $0xFFFFFD80  }
0x28b: {  	_ =	swait.ge [sflag:s1], $0x280  }
0x28c: {  	[sflag:s1] =	ssyncset.done $0x0  }
0x28d: {  	[sflag:s1] =	ssyncadd.s32 $0xFFFFFD80  }
0x28e: {  	_ =	swait.ge [sflag:s1], $0x280  }
0x28f: {  	[sflag:s1] =	ssyncset.done $0x0  }
0x290: {  	[sflag:s1] =	ssyncadd.s32 $0xFFFFFD80  }
0x291: {  	_ =	swait.ge [sflag:s1], $0x280  }
0x292: {  	[sflag:s1] =	ssyncset.done $0x0  }
0x293: {  	[sflag:s1] =	ssyncadd.s32 $0xFFFFFD80  }
0x294: {  	_ =	swait.ge [sflag:s1], $0x280  }
0x295: {  	[sflag:s1] =	ssyncset.done $0x0  }
0x296: {  	[sflag:s1] =	ssyncadd.s32 $0xFFFFFD80  }
0x297: {  	_ =	swait.ge [sflag:s1], $0x280  }
0x298: {  	[sflag:s1] =	ssyncset.done $0x0  }
0x299: {  	[sflag:s1] =	ssyncadd.s32 $0xFFFFFD80  }
0x29a: {  	_ =	swait.ge [sflag:s1], $0x280  }
0x29b: {  	[sflag:s1] =	ssyncset.done $0x0  }
0x29c: {  	[sflag:s1] =	ssyncadd.s32 $0xFFFFFD80  }
0x29d: {  	_ =	swait.ge [sflag:s1], $0x280  }
0x29e: {  	[sflag:s1] =	ssyncset.done $0x0  }
0x29f: {  	[sflag:s1] =	ssyncadd.s32 $0xFFFFFD80  }
0x2a0: {  	_ =	swait.ge [sflag:s1], $0x280  }
0x2a1: {  	[sflag:s1] =	ssyncset.done $0x0  }
0x2a2: {  	[sflag:s1] =	ssyncadd.s32 $0xFFFFFD80  }
0x2a3: {  	_ =	swait.ge [sflag:s1], $0x280  }
0x2a4: {  	[sflag:s1] =	ssyncset.done $0x0  }
0x2a5: {  	[sflag:s1] =	ssyncadd.s32 $0xFFFFFD80  }
0x2a6: {  	_ =	swait.ge [sflag:s1], $0x280  }
0x2a7: {  	[sflag:s1] =	ssyncset.done $0x0  }
0x2a8: {  	[sflag:s1] =	ssyncadd.s32 $0xFFFFFD80  }
0x2a9: {  	_ =	swait.ge [sflag:s1], $0x280  }
0x2aa: {  	[sflag:s1] =	ssyncset.done $0x0  }
0x2ab: {  	[sflag:s1] =	ssyncadd.s32 $0xFFFFFD80  }
0x2ac: {  	_ =	swait.ge [sflag:s1], $0x280  }
0x2ad: {  	[sflag:s1] =	ssyncset.done $0x0  }
0x2ae: {  	[sflag:s1] =	ssyncadd.s32 $0xFFFFFD80  }
0x2af: {  	_ =	swait.ge [sflag:s1], $0x280  }
0x2b0: {  	[sflag:s1] =	ssyncset.done $0x0  }
0x2b1: {  	[sflag:s1] =	ssyncadd.s32 $0xFFFFFD80  }
0x2b2: {  	_ =	swait.ge [sflag:s1], $0x280  }
0x2b3: {  	[sflag:s1] =	ssyncset.done $0x0  }
0x2b4: {  	[sflag:s1] =	ssyncadd.s32 $0xFFFFFD80  }
0x2b5: {  	_ =	swait.ge [sflag:s1], $0x280  }
0x2b6: {  	[sflag:s1] =	ssyncset.done $0x0  }
0x2b7: {  	[sflag:s1] =	ssyncadd.s32 $0xFFFFFD80  }
0x2b8: {  	_ =	swait.ge [sflag:s1], $0x280  }
0x2b9: {  	[sflag:s1] =	ssyncset.done $0x0  }
0x2ba: {  	s8 =	sadd.s32 $0x1, s8;
	[sflag:s1] =	ssyncadd.s32 $0xFFFFFD80  }
0x2bb: {  	p0 =	sne.s32 s8, $0x32;
	_ =	swait.ge [sflag:s1], $0x280  }
.Ltmp3:
0x2bc: {  	[sflag:s1] =	ssyncset.done $0x0;
	(pc) =	sbr.rel @p0 .LBB2_2-.Ltmp3, $4  }
0x2bd: {  	[sflag:s1] =	ssyncadd.s32 $0xFFFFFD80  }
0x2be: {  	_ =	swait.ge [sflag:s1], $0x280  }
0x2bf: {  	[sflag:s1] =	ssyncset.done $0x0  }
0x2c0: {  	[sflag:s1] =	ssyncadd.s32 $0xFFFFFD80  }
0x2c1: {  	[tilespmem:$0x11170] =	vst v15;
	s8 =	rddreg [dreg:$0x9];
	s9 =	simm.s32 $0x11170  }
0x2c2: {  	[hbm4b:s8+s3] =	stream.linear.scatter [tilespmem:s9], [sflag:$0x3], $0x10, $0x38;
	[tilespmem:$0x1D4D0] =	vst v63  }
0x2c3: {  	_ =	swait.ge [sflag:s15], $0x10  }
0x2c4: {  	[sflag:s15] =	ssyncset.done $0x0  }
0x2c5: {  	[sflag:s15] =	ssyncadd.s32 $0xFFFFFFF0  }
0x2c6: {  	[bflag:$0x0] =	sbarrier.arrive $0xFFFF  }
0x2c7: {  	s9 =	rddreg [dreg:$0x7]  }
0x2c8: {  	s23 =	rddreg [dreg:$0xa]  }
0x2c9: {  	s12 =	rddreg [dreg:$0xc]  }
0x2ca: {  	[hbm:s23], [sflag:s9] =	dma.local [spmem:s12], $0x186A  }
0x2cb: {  	_ =	swait.ge [sflag:s15], $0x186A  }
0x2cc: {  	s23 =	rddreg [dreg:$0xd]  }
0x2cd: {  	s8 =	rddreg [dreg:$0xb];
	s23 =	sadd.s32 $0x1, s23  }
0x2ce: {  	p0 =	sne.s32 s23, s8  }
.Ltmp4:
0x2cf: {  	_ = 	snop;
	(pc) =	sbr.rel @p0 .LBB2_1-.Ltmp4, $3  }
0x2d0: {  	_ =	sdelay $0x1  }
0x2d1: {  	[sflag:s15] =	ssyncset.done $0x0  }
0x2d2: {  	[sflag:s15] =	ssyncadd.s32 $0xFFFFE796  }
0x2d3: {  	_ =	sfence.sel $0x180000  }
0x2d4: {  	[bflag:$0x0] =	sbarrier.arrive $0xFFFF  }
0x2d5: {  	_ =	strace $0x90000047  }
0x2d6: {  	s0 =	stileid.u32;
	[bflag:$0x2] =	sbarrier.arrive $0xFFFF  }
0x2d7: {  	p0 =	sne.s32 s0, $0x0;
	s0 =	rddreg [dreg:$0x2]  }
0x2d8: {  	s0 =	sadd.s32 @!p0 $0x100000, s0  }
0x2d9: {  	[sflag:s0] =	ssyncadd.tile.s32 @!p0 $0x1;
	_ =	shalt  }
.Lfunc_end2:
_tile_overlayer_lowered:
.L_overlay_start_2:
0x2da: {  	(tag) =	ssettag $0x2  }
0x2db: {  	s0 =	rddreg [dreg:$0x0];
	s2 =	stileid.u32  }
0x2dc: {  	s1 =	rddreg [dreg:$0x1];
	p0 =	sne.s32 s2, $0x0  }
0x2dd: {  	s3 =	rddreg [dreg:$0x2];
	[bflag:$0x3] =	sbarrier.arrive $0xFFFF;
	s2 =	simm.s32 @!p0 $0x1C03  }
0x2de: {  	[timem:s3], [sflag:s2] =	dma.local @!p0 [hbm:s0], s1  }
0x2df: {  	s0 =	simm.s32 @!p0 $0x3  }
0x2e0: {  	_ =	swait.ge @!p0 [sflag:s0], s1  }
0x2e1: {  	s1 =	ssub.s32 @!p0 $0x0, s1;
	[sflag:s0] =	ssyncset.done @!p0 $0x0  }
0x2e2: {  	[sflag:s0] =	ssyncadd.s32 @!p0 s1  }
0x2e3: {  	[bflag:$0x3] =	sbarrier.arrive $0xFFFF  }
0x2e4: {  	_ =	shalt  }

// kernel: kernel.7.cloned.1.call-start
scs
__scs_entry_jumppad:
0x0: {  	(pc) =	sbr.rel $0x88, $3  }
0x1: {  	(tag) =	ssettag $0x0;
	lr =	simm.s32 $0x1  }
0x2: {  	[smem:$0x3F9B] =	sst lr;
	_ =	strace $0xD0000000  }
0x3: {  	_ = 	snop  }
0x4: {  	_ = 	snop  }
0x5: {  	_ = 	snop  }
0x6: {  	_ = 	snop  }
0x7: {  	_ = 	snop  }
__scs_overlays_trampoline_lowered:
0x8: {  	[smem:$0x3FAA] =	sst s0  }
0x9: {  	[smem:$0x3FAB] =	sst s1  }
0xa: {  	[smem:$0x3FAC] =	sst s2  }
0xb: {  	[smem:$0x3FAD] =	sst s3  }
0xc: {  	[smem:$0x3FAE] =	sst s4  }
0xd: {  	[smem:$0x3FAF] =	sst s5  }
0xe: {  	[smem:$0x3FB0] =	sst s6  }
0xf: {  	[smem:$0x3FB1] =	sst s7  }
0x10: {  	[smem:$0x3FB2] =	sst s8  }
0x11: {  	[smem:$0x3FB3] =	sst s9;
	s0 =	simm.s32 @!p0 $0x0  }
0x12: {  	s1 =	sld [smem:$0x3F99];
	s0 =	simm.s32 @p0 $0x1  }
0x13: {  	[smem:$0x3FB4] =	sst s0;
	s0 =	simm.s32 @!p1 $0x0  }
0x14: {  	s2 =	sld [smem:$0x3F98];
	s0 =	simm.s32 @p1 $0x1  }
0x15: {  	[smem:$0x3FB5] =	sst s0;
	s0 =	simm.s32 @!p2 $0x0  }
0x16: {  	s3 =	sld [smem:$0x3FDB];
	s0 =	simm.s32 @p2 $0x1  }
0x17: {  	s4 =	simm.s32 $0x1BF5;
	[smem:$0x3FB7] =	sst s0  }
0x18: {  	s0 =	sld [smem:$0x3F9A];
	_ =	swait.ge [sflag:s4], $0x0  }
0x19: {  	s7 =	sld [smem:$0x3F9B]  }
0x1a: {  	s8 =	sadd.s32 $0xFFFFE003, lr  }
0x1b: {  	s9 =	sadd.s32 $0xFFFFFEF7, lr;
	s5 =	simm.s32 $0xFFFFFFFF;
	p2 =	slt.u32 s8, $0xFFFFF086  }
0x1c: {  	p1 =	slt.u32 s9, $0xF7A;
	s5 =	simm.s32 @!p2 $0x0  }
0x1d: {  	s5 =	simm.s32 @p1 $0x1;
	p0 =	seq.s32 s7, s2  }
0x1e: {  	s7 =	smul.u32 @!p0 $0xF7A, s2;
	p2 =	seq.s32 @!p0 s5, $0x0  }
0x1f: {  	s9 =	smul.u32 $0xF7A, s1;
	s8 =	simm.s32 @!p0 $0x1BF5;
	p2 =	por !p2, p0  }
0x20: {  	[sflag:s8] =	ssyncset.s32 @!p0 $0xFFFFF086;
	s6 =	sadd.s32 @!p0 s3, s7;
	s7 =	simm.s32 @!p0 $0x108  }
0x21: {  	s3 =	sadd.s32 s3, s9;
	s6 =	sadd.s32 @!p0 $0x88, s6;
	s7 =	simm.s32 @p2 $0x1082  }
0x22: {  	[simem:s7], [sflag:s8] =	dma.local @!p0 [hbm:s6], $0xF7A  }
0x23: {  	s9 =	sor.u32 $0xD0000000, s2;
	s6 =	simm.s32 $0x108;
	_ =	swait.ge @!p0 [sflag:s8], $0x0  }
0x24: {  	s3 =	sadd.s32 $0x88, s3;
	s6 =	simm.s32 @!p1 $0x1082;
	[sflag:s4] =	ssyncset.s32 $0xFFFFF086  }
0x25: {  	[simem:s6], [sflag:s4] =	dma.local [hbm:s3], $0xF7A  }
0x26: {  	[smem:$0x3F9B] =	sst s1;
	(tag) =	ssettag s2;
	_ =	strace s9  }
0x27: {  	s1 =	sld [smem:$0x3FAB]  }
0x28: {  	s2 =	sld [smem:$0x3FAC]  }
0x29: {  	s4 =	sld [smem:$0x3FAE]  }
0x2a: {  	p0 =	seq.s32 s5, $0x0;
	s5 =	sld [smem:$0x3FAF]  }
0x2b: {  	s6 =	sld [smem:$0x3FB0]  }
0x2c: {  	s7 =	sld [smem:$0x3FB1]  }
0x2d: {  	s3 =	simm.s32 $0x108;
	s8 =	sld [smem:$0x3FB2]  }
0x2e: {  	s3 =	simm.s32 @!p0 $0x1082;
	s9 =	sld [smem:$0x3FB3]  }
0x2f: {  	lr =	sadd.s32 s0, s3;
	s0 =	sld [smem:$0x3FAA]  }
0x30: {  	s3 =	sld [smem:$0x3FAD]  }
0x31: {  	[smem:$0x3FB6] =	sst s10  }
0x32: {  	s10 =	sld [smem:$0x3FB4];
	_ =	sdelay $0x3  }
0x33: {  	p0 =	seq.s32 s10, $0x1;
	s10 =	sld [smem:$0x3FB6];
	_ =	sdelay $0x3  }
0x34: {  	[smem:$0x3FB6] =	sst s10  }
0x35: {  	s10 =	sld [smem:$0x3FB5];
	_ =	sdelay $0x3  }
0x36: {  	p1 =	seq.s32 s10, $0x1;
	s10 =	sld [smem:$0x3FB6];
	_ =	sdelay $0x3  }
0x37: {  	[smem:$0x3FB6] =	sst s10  }
0x38: {  	s10 =	sld [smem:$0x3FB7]  }
0x39: {  	_ = 	snop;
	(pc) =	sbr.ind lr, $3  }
0x3a: {  	_ = 	snop  }
0x3b: {  	_ = 	snop  }
0x3c: {  	p2 =	seq.s32 s10, $0x1;
	s10 =	sld [smem:$0x3FB6]  }
0x3d: {  	_ =	shalt  }
0x3e: {  	_ =	shalt  }
0x3f: {  	_ =	shalt  }
0x40: {  	_ =	shalt  }
0x41: {  	_ =	shalt  }
0x42: {  	_ =	shalt  }
0x43: {  	_ =	shalt  }
0x44: {  	_ =	shalt  }
0x45: {  	_ =	shalt  }
0x46: {  	_ =	shalt  }
0x47: {  	_ =	shalt  }
0x48: {  	_ =	shalt  }
0x49: {  	_ =	shalt  }
0x4a: {  	_ =	shalt  }
0x4b: {  	_ =	shalt  }
0x4c: {  	_ =	shalt  }
0x4d: {  	_ =	shalt  }
0x4e: {  	_ =	shalt  }
0x4f: {  	_ =	shalt  }
0x50: {  	_ =	shalt  }
0x51: {  	_ =	shalt  }
0x52: {  	_ =	shalt  }
0x53: {  	_ =	shalt  }
0x54: {  	_ =	shalt  }
0x55: {  	_ =	shalt  }
0x56: {  	_ =	shalt  }
0x57: {  	_ =	shalt  }
0x58: {  	_ =	shalt  }
0x59: {  	_ =	shalt  }
0x5a: {  	_ =	shalt  }
0x5b: {  	_ =	shalt  }
0x5c: {  	_ =	shalt  }
0x5d: {  	_ =	shalt  }
0x5e: {  	_ =	shalt  }
0x5f: {  	_ =	shalt  }
0x60: {  	_ =	shalt  }
0x61: {  	_ =	shalt  }
0x62: {  	_ =	shalt  }
0x63: {  	_ =	shalt  }
0x64: {  	_ =	shalt  }
0x65: {  	_ =	shalt  }
0x66: {  	_ =	shalt  }
0x67: {  	_ =	shalt  }
0x68: {  	_ =	shalt  }
0x69: {  	_ =	shalt  }
0x6a: {  	_ =	shalt  }
0x6b: {  	_ =	shalt  }
0x6c: {  	_ =	shalt  }
0x6d: {  	_ =	shalt  }
0x6e: {  	_ =	shalt  }
0x6f: {  	_ =	shalt  }
0x70: {  	_ =	shalt  }
0x71: {  	_ =	shalt  }
0x72: {  	_ =	shalt  }
0x73: {  	_ =	shalt  }
0x74: {  	_ =	shalt  }
0x75: {  	_ =	shalt  }
0x76: {  	_ =	shalt  }
0x77: {  	_ =	shalt  }
0x78: {  	_ =	shalt  }
0x79: {  	_ =	shalt  }
0x7a: {  	_ =	shalt  }
0x7b: {  	_ =	shalt  }
0x7c: {  	_ =	shalt  }
0x7d: {  	_ =	shalt  }
0x7e: {  	_ =	shalt  }
0x7f: {  	_ =	shalt  }
0x80: {  	_ =	shalt  }
0x81: {  	_ =	shalt  }
0x82: {  	_ =	shalt  }
0x83: {  	_ =	shalt  }
0x84: {  	_ =	shalt  }
0x85: {  	_ =	shalt  }
0x86: {  	_ =	shalt  }
0x87: {  	_ =	shalt  }
.Lfunc_end0:
.L_simem_size_0:
called_computation.1_lowered:
.L_overlay_start_0:
0x88: {  	s2 =	sld [smem:$0x3FD9]  }
0x89: {  	s3 =	sld [smem:$0x3FFE];
	_ =	sdelay $0x1  }
0x8a: {  	s1 =	srdreg.scid  }
0x8b: {  	s0 =	sand.u32 $0x1, s1  }
0x8c: {  	s16 =	sshll.u32 s0, $0xA;
	s2 =	sadd.s32 s3, s2  }
0x8d: {  	s2 =	sadd.s32 s2, s16  }
0x8e: {  	[smem:$0x3FC2] =	sst s2  }
0x8f: {  	_ = 	snop  }
0x90: {  	(tm) =	ssettm $0x1  }
0x91: {  	s17 =	sld [smem:$0x3FFB];
	_ =	sdelay $0x3  }
0x92: {  	_ =	strace s17  }
0x93: {  	s2 =	sld [smem:$0x3FFC];
	_ =	sdelay $0x3  }
0x94: {  	_ =	strace s2  }
0x95: {  	s2 =	sld [smem:$0x3FFD];
	_ =	sdelay $0x3  }
0x96: {  	_ =	strace s2  }
0x97: {  	_ =	strace $0x8FFFFFFF  }
0x98: {  	s18 =	sld [smem:$0x3FDB];
	_ =	sdelay $0x1  }
0x99: {  	s19 =	simm.s32 $_scs_section_size  }
0x9a: {  	s4 =	simm.s32 $_size__tile_overlayer_lowered;
	s5 =	simm.s32 $_tile_overlayer_lowered  }
0x9b: {  	s22 =	simm.s32 $0x1BFF;
	s21 =	sshll.u32 s5, $0x1;
	s2 =	sadd.s32 s19, s18  }
0x9c: {  	s6 =	simm.s32 $0x0;
	s20 =	sshll.u32 s4, $0x1;
	s4 =	sadd.s32 s21, s2  }
0x9d: {  	[timem:s6], [sflag:s22] =	dma.local [hbm:s4], s20  }
0x9e: {  	_ =	swait.ge [sflag:s22], s20  }
0x9f: {  	s3 =	ssub.s32 $0x0, s20;
	[sflag:s22] =	ssyncset.done $0x0  }
0xa0: {  	[sflag:s22] =	ssyncadd.s32 s3;
	_ =	sdelay $0x1  }
0xa1: {  	s23 =	simm.s32 $0x1B8B  }
0xa2: {  	_ =	swait.ge [sflag:s23], $0x1  }
0xa3: {  	[sflag:s23] =	ssyncset.done $0x0  }
0xa4: {  	s25 =	simm.s32 $0x1B8E;
	s24 =	sld [smem:$0x3FFE];
	[sflag:s23] =	ssyncadd.s32 $0xFFFFFFFF  }
0xa5: {  	s26 =	simm.s32 $execute0_lowered;
	[smem:$0x3FD2] =	sst s25  }
0xa6: {  	s4 =	sshll.u32 s26, $0x1;
	_ =	strace $0x80000049;
	[dreg:$0x1] =	wrdreg $0xFFFFFFFF  }
0xa7: {  	s28 =	simm.s32 $_size_execute0_lowered;
	s2 =	sadd.s32 s2, s4;
	[dreg:$0x0] =	wrdreg $0x0  }
0xa8: {  	s4 =	sshll.u32 s28, $0x1;
	[dreg:$0x2] =	wrdreg s2  }
0xa9: {  	[dreg:$0x3] =	wrdreg s4  }
0xaa: {  	[dreg:$0x4] =	wrdreg $0xC0  }
0xab: {  	_ =	task [dreg:s6], $0x5FFFF  }
0xac: {  	[dreg:$0x1] =	wrdreg $0xFFFFFFFF  }
0xad: {  	[dreg:$0x0] =	wrdreg $0x60  }
0xae: {  	[dreg:$0x2] =	wrdreg s24  }
0xaf: {  	[dreg:$0x3] =	wrdreg $0x9  }
0xb0: {  	_ =	task.clear_ibuf [dreg:s6], $0x4FFFF;
	_ =	strace $0x90000049  }
0xb1: {  	s29 =	simm.s32 $0x9;
	_ =	strace $0x8000004B  }
0xb2: {  	_ =	swait.ge [sflag:s29], $0x1  }
0xb3: {  	[sflag:s29] =	ssyncadd.s32 $0xFFFFFFFF  }
0xb4: {  	_ =	strace $0x9000004B  }
0xb5: {  	_ =	sfence  }
0xb6: {  	s30 =	sld [smem:$0x0];
	_ =	sdelay $0x2  }
0xb7: {  	s31 =	sshll.u32 s1, $0xD;
	s1 =	sshrl.u32 s1, $0x2  }
0xb8: {  	s3 =	sand.u32 $0x4000, s31;
	s1 =	sadd.s32 s1, s30  }
0xb9: {  	s0 =	sor.u32 s3, s0;
	s1 =	sshll.u32 s1, $0x11  }
0xba: {  	s0 =	sor.u32 s1, s0  }
0xbb: {  	s0 =	sadd.s32 $0x8F2B, s0  }
0xbc: {  	[sflag:s0] =	ssyncadd.remote.s32 $0x1  }
0xbd: {  	_ =	sfence.sel $0xFFFF  }
0xbe: {  	[dreg:$0x0] =	wrdreg $0xFFFFFFFF;
	(pc) =	sbr.abs _section_cstart, $3  }
0xbf: {  	[dreg:$0x1] =	wrdreg $0xFFFFFFFF  }
0xc0: {  	_ =	task.clear_ibuf [dreg:s6], $0x2FFFF;
	_ =	strace $0x9FFFFFFF  }
0xc1: {  	(tm) =	ssettm $0x7FFFFFFF  }
tec
execute0_lowered:
.L_overlay_start_1:
0x0: {  	(tag) =	ssettag $0x1  }
0x1: {  	s8 =	rddreg [dreg:$0x0]  }
0x2: {  	s0 =	rddreg [dreg:$0x1];
	s1 =	simm.s32 $0x0;
	s6 =	srdreg.scid  }
0x3: {  	s2 =	stileid.u32;
	s13 =	simm.s32 $0x84D0;
	s14 =	simm.s32 $0xC350  }
0x4: {  	s15 =	simm.s32 $0x101D0;
	s16 =	simm.s32 $0x0;
	s17 =	simm.s32 $0x0  }
0x5: {  	[smem:$0x7FF] =	sst s1;
	s3 =	sadd.s32 $0xC9800, s8;
	s4 =	sadd.s32 $0xE2000, s8  }
0x6: {  	s5 =	sadd.s32 $0xC6600, s8;
	s7 =	sand.u32 $0x1, s6;
	s6 =	sadd.s32 $0x568400, s8  }
0x7: {  	s9 =	sshll.u32 s2, $0x4;
	_ =	strace $0x8000004A;
	s10 =	ssub.s32 $0x2, s7  }
.Ltmp0:
0x8: {  	s9 =	sadd.s32 s9, s8;
	s12 =	sshll.u32 s7, $0x4;
	(pc) =	sbr.rel .LBB2_1-.Ltmp0, $4  }
0x9: {  	s31 =	sshll.u32 s7, $0x8;
	s8 =	sadd.s32 $0x580AA0, s8;
	s11 =	sshrl.u32 s10, $0x1  }
0xa: {  	s30 =	sor.u32 s2, s12;
	s9 =	sadd.s32 s31, s9;
	s12 =	simm.s32 $0x3E80  }
0xb: {  	v1 =	vlaneseq.u32;
	s10 =	ssub.s32 s10, s11;
	s7 =	smul.u32 $0xFA0, s30;
	s9 =	sadd.s32 $0x2800, s9  }
0xc: {  	v0 =	vimm.f32 $0.0e+00;
	v1 =	vmul.u32 $0x8, v1;
	p0 =	sgt.u32 s30, $0x18;
	s11 =	simm.s32 $0x1;
	s10 =	smax.u32 s10, $0x1  }
.LBB2_7:
0xd: {  	s16 =	sadd.s32 $0x1, s16  }
0xe: {  	p1 =	sne.s32 s16, s10  }
.Ltmp1:
0xf: {  	_ = 	snop;
	(pc) =	sbr.rel @!p1 .LBB2_8-.Ltmp1, $4  }
0x10: {  	[hbm4b:s9+s1] =	stream.linear.scatter [tilespmem:s15], [sflag:$0x1], $0x80, $0x38;
	[tilespmem:$0x10250] =	vst v63  }
0x11: {  	_ =	swait.ge [sflag:s11], $0x80  }
0x12: {  	[sflag:s11] =	ssyncset.done $0x0  }
0x13: {  	[sflag:s11] =	ssyncadd.s32 $0xFFFFFF80  }
.LBB2_1:
0x14: {  	[tilespmem:$0x101D0] =	vst v0  }
0x15: {  	[tilespmem:$0x101E0] =	vst v0  }
0x16: {  	[tilespmem:$0x101F0] =	vst v0  }
.Ltmp2:
0x17: {  	[tilespmem:$0x10200] =	vst v0;
	(pc) =	sbr.rel @p0 .LBB2_7-.Ltmp2, $4  }
0x18: {  	[tilespmem:$0x10210] =	vst v0  }
0x19: {  	[tilespmem:$0x10220] =	vst v0  }
0x1a: {  	[tilespmem:$0x10230] =	vst v0  }
0x1b: {  	[tilespmem:$0x10240] =	vst v0  }
0x1c: {  	v9 =	vimm.f32 $0.0e+00;
	v8 =	vimm.f32 $0.0e+00  }
0x1d: {  	v7 =	vimm.f32 $0.0e+00;
	v2 =	vimm.f32 $0.0e+00;
	v10 =	vimm.f32 $0.0e+00  }
0x1e: {  	p2 =	por $0x1, $0x1;
	v12 =	vimm.f32 $0.0e+00;
	v11 =	vimm.f32 $0.0e+00;
	v13 =	vimm.f32 $0.0e+00;
	s18 =	simm.s32 $0x0  }
.LBB2_3:
0x1f: {  	s19 =	sadd.s32 s7, s18  }
0x20: {  	s18 =	sadd.s32 s3, s19  }
0x21: {  	[tilespmem:s17], [sflag:$0x1] =	stream.linear.gather [hbm4b:s18+s17], $0x3E80, $0x38;
	[tilespmem:$0x10250] =	vst v63  }
0x22: {  	_ =	swait.ge [sflag:s11], $0x3E80  }
0x23: {  	[sflag:s11] =	ssyncset.done $0x0  }
0x24: {  	s26 =	sadd.s32 s4, s19;
	[sflag:s11] =	ssyncadd.s32 $0xFFFFC180  }
0x25: {  	[tilespmem:s12], [sflag:$0x1] =	stream.linear.gather [hbm4b:s26+s17], $0x3E80, $0x38;
	[tilespmem:$0x10250] =	vst v63  }
0x26: {  	_ =	swait.ge [sflag:s11], $0x3E80  }
0x27: {  	s28 =	sshrl.u32 s19, $0x3;
	[sflag:s11] =	ssyncset.done $0x0  }
0x28: {  	s20 =	sadd.s32 s5, s28;
	s18 =	simm.s32 $0x7D00;
	[sflag:s11] =	ssyncadd.s32 $0xFFFFC180  }
0x29: {  	[tilespmem:s18], [sflag:$0x1] =	stream.linear.gather [hbm4b:s20+s17], $0x7D0, $0x38;
	[tilespmem:$0x10250] =	vst v63  }
0x2a: {  	_ =	swait.ge [sflag:s11], $0x7D0  }
0x2b: {  	[sflag:s11] =	ssyncset.done $0x0  }
0x2c: {  	s29 =	sadd.s32 s6, s19;
	[sflag:s11] =	ssyncadd.s32 $0xFFFFF830  }
0x2d: {  	v3 =	vmov s17;
	[tilespmem:s13], [sflag:$0x1] =	stream.linear.gather [hbm4b:s29+s17], $0x3E80, $0x38;
	[tilespmem:$0x10250] =	vst v63  }
0x2e: {  	v3 =	vshll.u32 v3, $0x3;
	_ =	swait.ge [sflag:s11], $0x3E80  }
0x2f: {  	v3 =	vor.u32 v1, v3;
	[sflag:s11] =	ssyncset.done $0x0  }
0x30: {  	s19 =	sadd.s32 s19, s8;
	v4 =	vor.u32 $0x5, v3;
	[sflag:s11] =	ssyncadd.s32 $0xFFFFC180  }
0x31: {  	v5 =	vor.u32 $0x6, v3;
	[tilespmem:s14], [sflag:$0x1] =	stream.linear.gather [hbm4b:s19+s17], $0x3E80, $0x38;
	[tilespmem:$0x10250] =	vst v63  }
0x32: {  	_ =	swait.ge [sflag:s11], $0x3E80  }
0x33: {  	[sflag:s11] =	ssyncset.done $0x0  }
0x34: {  	[sflag:s11] =	ssyncadd.s32 $0xFFFFC180  }
0x35: {  	v6 =	vor.u32 $0x3, v3;
	v15 =	vld.idx.msk [tilespmem:v4+s13+$0x0], $0xffff  }
0x36: {  	v16 =	vor.u32 $0x2, v3;
	v17 =	vld.idx.msk [tilespmem:v5+s13+$0x0], $0xffff  }
0x37: {  	v5 =	vld.idx.msk [tilespmem:v5+s14+$0x0], $0xffff  }
0x38: {  	v18 =	vor.u32 $0x1, v3;
	v19 =	vld.idx.msk [tilespmem:v3+s1+$0x0], $0xffff  }
0x39: {  	v20 =	vld.idx.msk [tilespmem:v3+s12+$0x0], $0xffff  }
0x3a: {  	v22 =	vor.u32 $0x4, v3;
	v21 =	vld.idx.msk [tilespmem:v6+s12+$0x0], $0xffff  }
0x3b: {  	v23 =	vld.idx.msk [tilespmem:v16+s1+$0x0], $0xffff  }
0x3c: {  	v24 =	vld.idx.msk [tilespmem:v16+s12+$0x0], $0xffff  }
0x3d: {  	v25 =	vld.idx.msk [tilespmem:v18+s1+$0x0], $0xffff  }
0x3e: {  	v26 =	vld.idx.msk [tilespmem:v18+s14+$0x0], $0xffff  }
0x3f: {  	v27 =	vld.idx.msk [tilespmem:v22+s13+$0x0], $0xffff  }
0x40: {  	v28 =	vld.idx.msk [tilespmem:v6+s13+$0x0], $0xffff;
	v5 =	vadd.f32 v5, v17  }
0x41: {  	v29 =	vld.idx.msk [tilespmem:v6+s14+$0x0], $0xffff  }
0x42: {  	v31 =	vld.idx.msk [tilespmem:v6+s1+$0x0], $0xffff;
	v5 =	vmax.f32 v5, $1.000000000e+00  }
0x43: {  	v22 =	vld.idx.msk [tilespmem:v22+s14+$0x0], $0xffff;
	(erf) = vrcp.f32 v5  }
0x44: {  	v30 =	vld.idx.msk [tilespmem:v16+s13+$0x0], $0xffff  }
0x45: {  	s30 =	simm.s32 $0x10;
	v16 =	vld.idx.msk [tilespmem:v16+s14+$0x0], $0xffff  }
0x46: {  	v17 =	vld.idx.msk [tilespmem:v18+s13+$0x0], $0xffff;
	v5 =	vmov s30  }
0x47: {  	v18 =	vld.idx.msk [tilespmem:v18+s12+$0x0], $0xffff;
	v5 =	vshll.u32 v5, $0x3  }
0x48: {  	v33 =	vld.idx.msk [tilespmem:v4+s14+$0x0], $0xffff;
	v4 =	vadd.f32 v29, v28;
	v6 =	vor.u32 v1, v5  }
0x49: {  	v28 =	vmul.f32 v19, v19;
	v19 =	vsub.f32 v19, v20;
	v32 =	vor.u32 $0x6, v6  }
0x4a: {  	v14 =	vld.idx.msk [tilespmem:v3+s13+$0x0], $0xffff;
	v38 =	vmax.f32 v31, $0.0e+00;
	v22 =	vadd.f32 v22, v27;
	v16 =	vadd.f32 v16, v30  }
0x4b: {  	v39 =	vld [tilespmem:s18+$0x0];
	v23 =	vsub.f32 v23, v24;
	v19 =	vmul.f32 v19, v19;
	v35 =	vor.u32 $0x3, v6  }
0x4c: {  	v29 =	vld.idx.msk [tilespmem:v3+s14+$0x0], $0xffff;
	v17 =	vadd.f32 v26, v17;
	v18 =	vsub.f32 v25, v18;
	v37 =	vor.u32 $0x1, v6;
	v36 =	vpop (erf)  }
0x4d: {  	v27 =	vadd.f32 $1.499999960e-05, v38;
	v5 =	vor.u32 $0x5, v6;
	v3 =	vld.idx.msk [tilespmem:v6+s13+$0x0], $0xffff;
	v26 =	vmul.f32 v4, v36  }
0x4e: {  	v13 =	vadd.f32 v19, v13;
	v19 =	vmul.f32 v18, v18;
	v30 =	vld.idx.msk [tilespmem:v32+s13+$0x0], $0xffff;
	v17 =	vmul.f32 v17, v36  }
0x4f: {  	v34 =	vor.u32 $0x2, v6;
	v32 =	vld.idx.msk [tilespmem:v32+s14+$0x0], $0xffff;
	v20 =	vmul.f32 v22, v36;
	v22 =	vmul.f32 v26, v27  }
0x50: {  	v13 =	vadd.f32 v19, v13;
	v19 =	vmul.f32 v23, v23;
	v18 =	vld.idx.msk [tilespmem:v35+s12+$0x0], $0xffff;
	v16 =	vmul.f32 v16, v36  }
0x51: {  	v23 =	vld.idx.msk [tilespmem:v37+s1+$0x0], $0xffff;
	v26 =	vmul.f32 v25, v25;
	v24 =	vmul.f32 v20, v27;
	v17 =	vsub.f32 v17, v22  }
0x52: {  	v21 =	vsub.f32 v31, v21;
	v4 =	vld.idx.msk [tilespmem:v5+s13+$0x0], $0xffff  }
0x53: {  	v20 =	vld.idx.msk [tilespmem:v6+s1+$0x0], $0xffff;
	v26 =	vadd.f32 v26, v28;
	v16 =	vsub.f32 v16, v24;
	v17 =	vmul.f32 v17, v17  }
0x54: {  	v25 =	vld.idx.msk [tilespmem:v6+s12+$0x0], $0xffff;
	v27 =	vor.u32 $0x4, v6;
	v32 =	vadd.f32 v32, v30;
	v24 =	vmul.f32 v39, v31  }
0x55: {  	v30 =	vld.idx.msk [tilespmem:v37+s14+$0x0], $0xffff;
	v40 =	vmul.f32 v39, v26;
	v16 =	vmul.f32 v16, v16;
	v12 =	vadd.f32 v17, v12  }
0x56: {  	v22 =	vld.idx.msk [tilespmem:v34+s1+$0x0], $0xffff;
	v17 =	vadd.f32 v19, v13;
	v19 =	vmul.f32 v21, v21  }
0x57: {  	v28 =	vld.idx.msk [tilespmem:v37+s13+$0x0], $0xffff;
	v24 =	vmul.f32 v24, v31;
	v8 =	vadd.f32 v40, v8;
	v13 =	vadd.f32 v16, v12  }
0x58: {  	v26 =	vld.idx.msk [tilespmem:v34+s12+$0x0], $0xffff;
	v12 =	vadd.f32 v29, v14;
	v21 =	vadd.f32 v19, v17;
	v17 =	vmax.f32 v32, $1.000000000e+00  }
0x59: {  	v14 =	vmin.f32 v31, $0.0e+00;
	v16 =	vadd.f32 v33, v15;
	v29 =	vld.idx.msk [tilespmem:v27+s13+$0x0], $0xffff;
	(erf) = vrcp.f32 v17  }
0x5a: {  	s31 =	simm.s32 $0x20;
	v32 =	vld.idx.msk [tilespmem:v35+s13+$0x0], $0xffff;
	v15 =	vadd.f32 v24, v8;
	v14 =	vmul.f32 v14, v14  }
0x5b: {  	v19 =	vld.idx.msk [tilespmem:v35+s1+$0x0], $0xffff;
	v17 =	vmov s31;
	v12 =	vmul.f32 v36, v12;
	v16 =	vmul.f32 v16, v36  }
0x5c: {  	v8 =	vadd.f32 v40, v7;
	v36 =	vld.idx.msk [tilespmem:v35+s14+$0x0], $0xffff;
	v7 =	vadd.f32 v14, v10;
	v10 =	vshll.u32 v17, $0x3  }
0x5d: {  	v31 =	vld.idx.msk [tilespmem:v34+s13+$0x0], $0xffff;
	v12 =	vmul.f32 v12, v12;
	v14 =	vmul.f32 v16, v38;
	v24 =	vor.u32 v1, v10  }
0x5e: {  	v9 =	vadd.f32 v39, v9;
	v35 =	vld.idx.msk [tilespmem:v27+s14+$0x0], $0xffff;
	v27 =	vor.u32 $0x5, v24  }
0x5f: {  	v33 =	vld.idx.msk [tilespmem:v34+s14+$0x0], $0xffff;
	v16 =	vor.u32 $0x4, v24;
	v10 =	vadd.f32 v12, v11;
	v17 =	vmul.f32 v14, v14  }
0x60: {  	p1 =	por p2, p2;
	s19 =	simm.s32 $0x30;
	v34 =	vld.idx.msk [tilespmem:v37+s12+$0x0], $0xffff;
	v11 =	vor.u32 $0x2, v24;
	v12 =	vor.u32 $0x1, v24;
	v14 =	vor.u32 $0x3, v24  }
.LBB2_4:
0x61: {  	p2 =	sne.s32 s19, $0x7C0;
	v37 =	vor.u32 $0x6, v24;
	v32 =	vadd.f32 v36, v32;
	v36 =	vld.idx.msk [tilespmem:v5+s14+$0x0], $0xffff;
	v38 =	vmul.f32 v20, v20;
	v5 =	vmovc v27  }
0x62: {  	v28 =	vadd.f32 v30, v28;
	v40 =	vmax.f32 v19, $0.0e+00;
	v20 =	vsub.f32 v20, v25;
	v39 =	vld.idx.msk [tilespmem:v6+s14+$0x0], $0xffff;
	v41 =	vpop (erf)  }
0x63: {  	s18 =	sadd.s32 $0x10, s18;
	v29 =	vadd.f32 v35, v29;
	v30 =	vadd.f32 $1.499999960e-05, v40;
	v6 =	vmovc v24;
	v42 =	vld.idx.msk [tilespmem:v24+s13+$0x0], $0xffff;
	v25 =	vmul.f32 v32, v41  }
0x64: {  	v22 =	vsub.f32 v22, v26;
	v26 =	vsub.f32 v19, v18;
	v28 =	vmul.f32 v28, v41;
	v24 =	vld [tilespmem:s18+$0x0]  }
0x65: {  	v18 =	vadd.f32 v33, v31;
	v29 =	vmul.f32 v29, v41;
	v27 =	vld.idx.msk [tilespmem:v27+s13+$0x0], $0xffff;
	v25 =	vmul.f32 v25, v30  }
0x66: {  	v32 =	vmul.f32 v23, v23;
	v33 =	vmul.f32 v20, v20;
	v23 =	vsub.f32 v23, v34;
	v31 =	vld.idx.msk [tilespmem:v37+s13+$0x0], $0xffff  }
0x67: {  	v18 =	vmul.f32 v18, v41;
	v29 =	vmul.f32 v29, v30;
	v34 =	vld.idx.msk [tilespmem:v37+s14+$0x0], $0xffff;
	v28 =	vsub.f32 v28, v25  }
0x68: {  	v30 =	vadd.f32 v32, v38;
	v21 =	vadd.f32 v33, v21;
	v23 =	vmul.f32 v23, v23;
	v20 =	vld.idx.msk [tilespmem:v6+s1+$0x0], $0xffff  }
0x69: {  	v29 =	vsub.f32 v18, v29;
	v25 =	vld.idx.msk [tilespmem:v6+s12+$0x0], $0xffff;
	v28 =	vmul.f32 v28, v28;
	v32 =	vmul.f32 v24, v19  }
0x6a: {  	v33 =	vmul.f32 v24, v30;
	v21 =	vadd.f32 v23, v21;
	v23 =	vmul.f32 v22, v22;
	v18 =	vld.idx.msk [tilespmem:v14+s12+$0x0], $0xffff  }
0x6b: {  	v30 =	vmul.f32 v26, v26;
	v22 =	vld.idx.msk [tilespmem:v11+s1+$0x0], $0xffff;
	v13 =	vadd.f32 v28, v13;
	v28 =	vmul.f32 v29, v29  }
0x6c: {  	v21 =	vadd.f32 v23, v21;
	v15 =	vadd.f32 v33, v15;
	v29 =	vmul.f32 v32, v19;
	v26 =	vld.idx.msk [tilespmem:v11+s12+$0x0], $0xffff  }
0x6d: {  	v19 =	vmin.f32 v19, $0.0e+00;
	v31 =	vadd.f32 v34, v31;
	v23 =	vld.idx.msk [tilespmem:v12+s1+$0x0], $0xffff;
	v13 =	vadd.f32 v28, v13  }
0x6e: {  	v19 =	vmul.f32 v19, v19;
	v21 =	vadd.f32 v30, v21;
	v15 =	vadd.f32 v29, v15;
	v28 =	vld.idx.msk [tilespmem:v12+s13+$0x0], $0xffff  }
0x6f: {  	v35 =	vadd.f32 v36, v4;
	v34 =	vadd.f32 v39, v3;
	v3 =	vmovc v42;
	v31 =	vmax.f32 v31, $1.000000000e+00;
	v30 =	vld.idx.msk [tilespmem:v12+s14+$0x0], $0xffff  }
0x70: {  	v2 =	vadd.f32 v17, v2;
	v4 =	vmovc v27;
	v8 =	vadd.f32 v33, v8;
	v29 =	vld.idx.msk [tilespmem:v16+s13+$0x0], $0xffff;
	(erf) = vrcp.f32 v31  }
0x71: {  	v27 =	vmul.f32 v35, v41;
	v17 =	vmul.f32 v41, v34;
	v7 =	vadd.f32 v19, v7;
	v32 =	vld.idx.msk [tilespmem:v14+s13+$0x0], $0xffff  }
0x72: {  	v9 =	vadd.f32 v24, v9;
	v36 =	vld.idx.msk [tilespmem:v14+s14+$0x0], $0xffff  }
.Ltmp3:
0x73: {  	v24 =	vmov s19;
	v17 =	vmul.f32 v17, v17;
	v19 =	vld.idx.msk [tilespmem:v14+s1+$0x0], $0xffff;
	v14 =	vmul.f32 v27, v40;
	(pc) =	sbr.rel @p2 .LBB2_4-.Ltmp3, $4  }
0x74: {  	v24 =	vshll.u32 v24, $0x3;
	v35 =	vld.idx.msk [tilespmem:v16+s14+$0x0], $0xffff  }
0x75: {  	v24 =	vor.u32 v1, v24;
	v10 =	vadd.f32 v17, v10;
	v31 =	vld.idx.msk [tilespmem:v11+s13+$0x0], $0xffff;
	v17 =	vmul.f32 v14, v14  }
0x76: {  	v27 =	vor.u32 $0x5, v24;
	v33 =	vld.idx.msk [tilespmem:v11+s14+$0x0], $0xffff;
	v11 =	vor.u32 $0x2, v24  }
0x77: {  	s19 =	sadd.s32 $0x10, s19;
	v16 =	vor.u32 $0x4, v24;
	v14 =	vor.u32 $0x3, v24;
	v34 =	vld.idx.msk [tilespmem:v12+s12+$0x0], $0xffff;
	v12 =	vor.u32 $0x1, v24  }
0x78: {  	_ =	sdelay $0x2  }
0x79: {  	v37 =	vor.u32 $0x6, v24  }
0x7a: {  	v5 =	vld.idx.msk [tilespmem:v5+s14+$0x0], $0xffff  }
0x7b: {  	v6 =	vld.idx.msk [tilespmem:v6+s14+$0x0], $0xffff  }
0x7c: {  	v32 =	vadd.f32 v36, v32;
	v51 =	vmul.f32 v20, v20;
	v59 =	vld.idx.msk [tilespmem:v24+s1+$0x0], $0xffff  }
0x7d: {  	v28 =	vadd.f32 v30, v28;
	v52 =	vmax.f32 v19, $0.0e+00;
	v53 =	vsub.f32 v20, v25;
	v63 =	vld.idx.msk [tilespmem:v11+s1+$0x0], $0xffff  }
0x7e: {  	v22 =	vsub.f32 v22, v26;
	v18 =	vsub.f32 v19, v18;
	v58 =	vmul.f32 v23, v23;
	v55 =	vld.idx.msk [tilespmem:v37+s13+$0x0], $0xffff  }
0x7f: {  	v48 =	vmin.f32 v19, $0.0e+00;
	v2 =	vadd.f32 v17, v2;
	v54 =	vpop (erf);
	v29 =	vadd.f32 v35, v29;
	v37 =	vld.idx.msk [tilespmem:v37+s14+$0x0], $0xffff  }
0x80: {  	v50 =	vld.idx.msk [tilespmem:v14+s1+$0x0], $0xffff;
	v38 =	vadd.f32 $1.499999960e-05, v52;
	v32 =	vmul.f32 v32, v54;
	v28 =	vmul.f32 v28, v54  }
0x81: {  	s18 =	sadd.s32 $0x10, s18;
	v40 =	vld.idx.msk [tilespmem:v11+s12+$0x0], $0xffff;
	v20 =	vmul.f32 v53, v53;
	v62 =	vadd.f32 v58, v51;
	v43 =	vmul.f32 v22, v22  }
0x82: {  	v39 =	vld [tilespmem:s18+$0x0];
	v18 =	vmul.f32 v18, v18;
	v56 =	vadd.f32 v33, v31;
	v29 =	vmul.f32 v29, v54  }
0x83: {  	v42 =	vld.idx.msk [tilespmem:v12+s1+$0x0], $0xffff;
	v57 =	vmul.f32 v32, v38;
	v60 =	vsub.f32 v23, v34;
	v20 =	vadd.f32 v20, v21  }
0x84: {  	v61 =	vld.idx.msk [tilespmem:v24+s12+$0x0], $0xffff;
	v26 =	vmul.f32 v56, v54;
	v29 =	vmul.f32 v29, v38;
	v35 =	vadd.f32 v37, v55  }
0x85: {  	v3 =	vadd.f32 v6, v3;
	v4 =	vadd.f32 v5, v4;
	v53 =	vmax.f32 v50, $0.0e+00  }
0x86: {  	v44 =	vld.idx.msk [tilespmem:v12+s13+$0x0], $0xffff;
	v23 =	vsub.f32 v63, v40;
	v38 =	vmul.f32 v60, v60;
	v35 =	vmax.f32 v35, $1.000000000e+00  }
0x87: {  	v46 =	vld.idx.msk [tilespmem:v12+s14+$0x0], $0xffff;
	v28 =	vsub.f32 v28, v57;
	v41 =	vmul.f32 v39, v62;
	(erf) = vrcp.f32 v35  }
0x88: {  	v47 =	vld.idx.msk [tilespmem:v16+s13+$0x0], $0xffff;
	v45 =	vmul.f32 v39, v19;
	v9 =	vadd.f32 v39, v9;
	v60 =	vmul.f32 v42, v42  }
0x89: {  	v49 =	vld.idx.msk [tilespmem:v14+s14+$0x0], $0xffff;
	v57 =	vsub.f32 v59, v61;
	v3 =	vmul.f32 v54, v3;
	v4 =	vmul.f32 v4, v54  }
0x8a: {  	v5 =	vld.idx.msk [tilespmem:v14+s13+$0x0], $0xffff;
	v26 =	vsub.f32 v26, v29;
	v62 =	vmul.f32 v23, v23;
	v28 =	vmul.f32 v28, v28  }
0x8b: {  	v14 =	vld.idx.msk [tilespmem:v14+s12+$0x0], $0xffff;
	v20 =	vadd.f32 v38, v20;
	v15 =	vadd.f32 v41, v15;
	v6 =	vmul.f32 v45, v19  }
0x8c: {  	v51 =	vld.idx.msk [tilespmem:v11+s13+$0x0], $0xffff;
	v19 =	vmul.f32 v48, v48;
	v3 =	vmul.f32 v3, v3;
	v13 =	vadd.f32 v28, v13  }
0x8d: {  	v26 =	vmul.f32 v26, v26;
	v6 =	vadd.f32 v6, v15;
	v15 =	vadd.f32 v41, v8;
	v8 =	vld.idx.msk [tilespmem:v16+s14+$0x0], $0xffff  }
0x8e: {  	v4 =	vmul.f32 v4, v52;
	v20 =	vadd.f32 v43, v20;
	v3 =	vadd.f32 v3, v10;
	v10 =	vld.idx.msk [tilespmem:v12+s12+$0x0], $0xffff  }
0x8f: {  	v52 =	vadd.f32 v19, v7;
	v7 =	vld.idx.msk [tilespmem:v11+s14+$0x0], $0xffff;
	v5 =	vadd.f32 v49, v5;
	v11 =	vmul.f32 v59, v59  }
0x90: {  	v55 =	vadd.f32 $1.499999960e-05, v53;
	v14 =	vsub.f32 v50, v14;
	v4 =	vmul.f32 v4, v4;
	v54 =	vpop (erf)  }
0x91: {  	v56 =	vld.idx.msk [tilespmem:v27+s13+$0x0], $0xffff;
	v12 =	vadd.f32 v46, v44;
	v13 =	vadd.f32 v26, v13;
	v5 =	vmul.f32 v5, v54  }
0x92: {  	s18 =	sadd.s32 $0x10, s18;
	v59 =	vld.idx.msk [tilespmem:v27+s14+$0x0], $0xffff;
	v18 =	vadd.f32 v18, v20;
	v26 =	vmul.f32 v57, v57;
	v8 =	vadd.f32 v8, v47  }
0x93: {  	v58 =	vld [tilespmem:s18+$0x0];
	v10 =	vsub.f32 v42, v10;
	v12 =	vmul.f32 v12, v54;
	v5 =	vmul.f32 v5, v55  }
0x94: {  	v61 =	vld.idx.msk [tilespmem:v24+s13+$0x0], $0xffff;
	v14 =	vmul.f32 v14, v14;
	v7 =	vadd.f32 v7, v51;
	v8 =	vmul.f32 v8, v54  }
0x95: {  	v18 =	vadd.f32 v26, v18;
	v10 =	vmul.f32 v10, v10;
	v5 =	vsub.f32 v12, v5;
	v12 =	vld.idx.msk [tilespmem:v24+s14+$0x0], $0xffff  }
0x96: {  	v11 =	vadd.f32 v60, v11;
	v7 =	vmul.f32 v7, v54;
	v8 =	vmul.f32 v8, v55  }
0x97: {  	v20 =	vmin.f32 v50, $0.0e+00;
	v16 =	vadd.f32 v59, v56;
	v10 =	vadd.f32 v10, v18  }
0x98: {  	v11 =	vmul.f32 v58, v11;
	v7 =	vsub.f32 v7, v8;
	v5 =	vmul.f32 v5, v5  }
0x99: {  	v10 =	vadd.f32 v62, v10;
	v16 =	vmul.f32 v16, v54;
	v8 =	vmul.f32 v58, v50  }
0x9a: {  	v7 =	vmul.f32 v7, v7;
	v5 =	vadd.f32 v5, v13;
	v63 =	vadd.f32 v12, v61  }
0x9b: {  	v6 =	vadd.f32 v11, v6;
	v8 =	vmul.f32 v8, v50;
	v13 =	vadd.f32 v14, v10  }
.Ltmp4:
0x9c: {  	v10 =	vmul.f32 v16, v53;
	v12 =	vadd.f32 v7, v5;
	v5 =	vmul.f32 v54, v63;
	(pc) =	sbr.rel @p1 .LBB2_3-.Ltmp4, $4  }
0x9d: {  	v9 =	vadd.f32 v58, v9;
	v2 =	vadd.f32 v4, v2;
	v14 =	vmul.f32 v20, v20  }
0x9e: {  	v8 =	vadd.f32 v8, v6;
	v4 =	vmul.f32 v5, v5;
	v5 =	vmul.f32 v10, v10  }
0x9f: {  	v7 =	vadd.f32 v11, v15;
	v10 =	vadd.f32 v14, v52  }
0xa0: {  	p2 =	por $0x0, $0x0;
	s18 =	simm.s32 $0x7D0;
	v11 =	vadd.f32 v4, v3;
	v2 =	vadd.f32 v5, v2  }
0xa1: {  	[tilespmem:$0x101D0] =	vst v13  }
0xa2: {  	[tilespmem:$0x101F0] =	vst v12  }
0xa3: {  	[tilespmem:$0x10200] =	vst v10  }
.Ltmp5:
0xa4: {  	[tilespmem:$0x10220] =	vst v7;
	(pc) =	sbr.rel .LBB2_7-.Ltmp5, $4  }
0xa5: {  	[tilespmem:$0x10230] =	vst v8  }
0xa6: {  	[tilespmem:$0x10240] =	vst v9  }
0xa7: {  	[tilespmem:$0x101E0] =	vst v11  }
0xa8: {  	[tilespmem:$0x10210] =	vst v2  }
.LBB2_8:
0xa9: {  	_ =	sfence.sel $0x180000  }
0xaa: {  	[bflag:$0x0] =	sbarrier.arrive $0xFFFF  }
0xab: {  	p0 =	sne.s32 s2, $0x0;
	_ =	strace $0x9000004A  }
0xac: {  	s0 =	sadd.s32 @!p0 $0x100000, s0;
	[bflag:$0x2] =	sbarrier.arrive $0xFFFF  }
0xad: {  	[sflag:s0] =	ssyncadd.tile.s32 @!p0 $0x1;
	_ =	shalt  }
.Lfunc_end2:
_tile_overlayer_lowered:
.L_overlay_start_2:
0xae: {  	(tag) =	ssettag $0x2  }
0xaf: {  	s0 =	rddreg [dreg:$0x0];
	s2 =	stileid.u32  }
0xb0: {  	s1 =	rddreg [dreg:$0x1];
	p0 =	sne.s32 s2, $0x0  }
0xb1: {  	s3 =	rddreg [dreg:$0x2];
	[bflag:$0x3] =	sbarrier.arrive $0xFFFF;
	s2 =	simm.s32 @!p0 $0x1C01  }
0xb2: {  	[timem:s3], [sflag:s2] =	dma.local @!p0 [hbm:s0], s1  }
0xb3: {  	s0 =	simm.s32 @!p0 $0x1  }
0xb4: {  	_ =	swait.ge @!p0 [sflag:s0], s1  }
0xb5: {  	s1 =	ssub.s32 @!p0 $0x0, s1;
	[sflag:s0] =	ssyncset.done @!p0 $0x0  }
0xb6: {  	[sflag:s0] =	ssyncadd.s32 @!p0 s1  }
0xb7: {  	[bflag:$0x3] =	sbarrier.arrive $0xFFFF  }
0xb8: {  	_ =	shalt  }

</sc_bundles>
